<compile_context>
chip_gen: v7x
topology: tpu7x:2x2x1
jax: 0.10.2.dev20260603
libtpu: 0.0.44.dev20260713+nightly
codegen_flags: <defaults>
</compile_context>

<pallas_src>
import functools

import jax
import jax.numpy as jnp
from jax import lax
from jax.experimental import pallas as pl
from jax.experimental.pallas import tpu as pltpu
from jax.experimental.pallas import tpu_sc as plsc

_L = 16
_NC = 2
_NS = 16
_TILE = 2000
_REC = 6 * _L

_NEG = float("-inf")
_POS = float("inf")


def _zeros():
    return jnp.zeros((_L,), jnp.float32)


def _full(v):
    return jnp.full((_L,), v, jnp.float32)


def _seg_reduce_kernel(num_graphs, edges_per_worker, ef, seg, acc, bnd,
                       ebuf, sbuf, rec, mbuf, idbuf, tmpa, tmpb, state, scur,
                       scnt):
    c = lax.axis_index("c")
    s = lax.axis_index("s")
    e0 = (c * _NS + s) * edges_per_worker
    rows_per_worker = num_graphs // _NS
    n_tiles = edges_per_worker // _TILE
    n_groups = _TILE // _L

    def init_row(i, _):
        idbuf[i, pl.ds(0 * _L, _L)] = _zeros()
        idbuf[i, pl.ds(1 * _L, _L)] = _zeros()
        idbuf[i, pl.ds(2 * _L, _L)] = _full(_NEG)
        idbuf[i, pl.ds(3 * _L, _L)] = _full(_POS)
        idbuf[i, pl.ds(4 * _L, _L)] = _zeros()
        idbuf[i, pl.ds(5 * _L, _L)] = _full(-1.0)
        return 0

    lax.fori_loop(0, rows_per_worker, init_row, 0)
    pltpu.sync_copy(idbuf, acc.at[c, pl.ds(s * rows_per_worker, rows_per_worker), :])

    for j in range(5):
        rec[pl.ds(j * _L, _L)] = _zeros()
    rec[pl.ds(5 * _L, _L)] = _full(-1.0)
    pltpu.sync_copy(rec, bnd.at[c, 2 * s])
    pltpu.sync_copy(rec, bnd.at[c, 2 * s + 1])

    pltpu.sync_copy(seg.at[pl.ds(e0, _L)], tmpa)
    pltpu.sync_copy(seg.at[pl.ds(e0 + edges_per_worker - _L, _L)], tmpb)
    first_seg = tmpa[pl.ds(0, _L)][0]
    last_seg = tmpb[pl.ds(0, _L)][_L - 1]

    plsc.subcore_barrier()

    def flush(cur, cnt, sm, sq, mx, mn):
        rec[pl.ds(0 * _L, _L)] = sm
        rec[pl.ds(1 * _L, _L)] = sq
        rec[pl.ds(2 * _L, _L)] = mx
        rec[pl.ds(3 * _L, _L)] = mn
        rec[pl.ds(4 * _L, _L)] = _full(cnt)
        rec[pl.ds(5 * _L, _L)] = _full(cur.astype(jnp.float32))
        is_bnd = (cur == first_seg) | (cur == last_seg)

        @pl.when(is_bnd)
        def _():
            slot = jnp.where(cur == first_seg, 2 * s, 2 * s + 1)
            pltpu.sync_copy(rec, bnd.at[c, slot])

        @pl.when(jnp.logical_not(is_bnd))
        def _():
            pltpu.sync_copy(rec, acc.at[c, cur])

    def load_state():
        return (scur[0], scnt[0],
                state[pl.ds(0 * _L, _L)], state[pl.ds(1 * _L, _L)],
                state[pl.ds(2 * _L, _L)], state[pl.ds(3 * _L, _L)])

    def store_state(cur, cnt, sm, sq, mx, mn):
        scur[0] = cur
        scnt[0] = cnt
        state[pl.ds(0 * _L, _L)] = sm
        state[pl.ds(1 * _L, _L)] = sq
        state[pl.ds(2 * _L, _L)] = mx
        state[pl.ds(3 * _L, _L)] = mn

    def group_body(g, carry):
        gb = g * _L
        segv = sbuf[pl.ds(gb, _L)]
        s0 = segv[0]
        s15 = segv[_L - 1]
        v = [ebuf[pl.ds(g * 128 + j * _L, _L)] for j in range(8)]

        @pl.when(s0 == s15)
        def fast():
            cur, cnt, sm, sq, mx, mn = load_state()
            nf = s0 != cur

            @pl.when(nf)
            def _():
                flush(cur, cnt, sm, sq, mx, mn)

            cnt = jnp.where(nf, 0.0, cnt) + jnp.float32(_L)
            sm = jnp.where(nf, _zeros(), sm)
            sq = jnp.where(nf, _zeros(), sq)
            mx = jnp.where(nf, _full(_NEG), mx)
            mn = jnp.where(nf, _full(_POS), mn)
            t01 = v[0] + v[1]
            t23 = v[2] + v[3]
            t45 = v[4] + v[5]
            t67 = v[6] + v[7]
            sm = sm + ((t01 + t23) + (t45 + t67))
            q01 = v[0] * v[0] + v[1] * v[1]
            q23 = v[2] * v[2] + v[3] * v[3]
            q45 = v[4] * v[4] + v[5] * v[5]
            q67 = v[6] * v[6] + v[7] * v[7]
            sq = sq + ((q01 + q23) + (q45 + q67))
            m01 = jnp.maximum(v[0], v[1])
            m23 = jnp.maximum(v[2], v[3])
            m45 = jnp.maximum(v[4], v[5])
            m67 = jnp.maximum(v[6], v[7])
            mx = jnp.maximum(mx, jnp.maximum(jnp.maximum(m01, m23),
                                             jnp.maximum(m45, m67)))
            n01 = jnp.minimum(v[0], v[1])
            n23 = jnp.minimum(v[2], v[3])
            n45 = jnp.minimum(v[4], v[5])
            n67 = jnp.minimum(v[6], v[7])
            mn = jnp.minimum(mn, jnp.minimum(jnp.minimum(n01, n23),
                                             jnp.minimum(n45, n67)))
            store_state(s0, cnt, sm, sq, mx, mn)

        @pl.when(s0 != s15)
        def slow():
            cur, cnt, sm, sq, mx, mn = load_state()
            lanes = lax.iota(jnp.int32, _L)
            masks = (lanes < 8, lanes >= 8)
            for e in range(_L):
                ve = v[e // 2]
                mk = masks[e % 2]
                se = segv[e]
                nf = se != cur

                @pl.when(nf)
                def _(cur=cur, cnt=cnt, sm=sm, sq=sq, mx=mx, mn=mn):
                    flush(cur, cnt, sm, sq, mx, mn)

                cnt = jnp.where(nf, 0.0, cnt) + 1.0
                sm = jnp.where(nf, _zeros(), sm)
                sq = jnp.where(nf, _zeros(), sq)
                mx = jnp.where(nf, _full(_NEG), mx)
                mn = jnp.where(nf, _full(_POS), mn)
                cur = se
                sm = jnp.where(mk, sm + ve, sm)
                sq = jnp.where(mk, sq + ve * ve, sq)
                mx = jnp.where(mk, jnp.maximum(mx, ve), mx)
                mn = jnp.where(mk, jnp.minimum(mn, ve), mn)
            store_state(cur, cnt, sm, sq, mx, mn)

        return 0

    def tile_body(t, carry):
        base = e0 + t * _TILE
        pltpu.sync_copy(ef.at[pl.ds(base * 8, _TILE * 8)], ebuf)
        pltpu.sync_copy(seg.at[pl.ds(base, _TILE)], sbuf)
        return lax.fori_loop(0, n_groups, group_body, carry)

    store_state(first_seg, jnp.float32(0.0), _zeros(), _zeros(),
                _full(_NEG), _full(_POS))
    lax.fori_loop(0, n_tiles, tile_body, 0)
    cur, cnt, sm, sq, mx, mn = load_state()
    flush(cur, cnt, sm, sq, mx, mn)

    plsc.subcore_barrier()

    @pl.when(s == 0)
    def _():
        pltpu.sync_copy(bnd.at[c], mbuf)

        def write_out(idf, sm, sq, mx, mn, cnt):
            rec[pl.ds(0 * _L, _L)] = sm
            rec[pl.ds(1 * _L, _L)] = sq
            rec[pl.ds(2 * _L, _L)] = mx
            rec[pl.ds(3 * _L, _L)] = mn
            rec[pl.ds(4 * _L, _L)] = cnt
            rec[pl.ds(5 * _L, _L)] = _full(idf)
            pltpu.sync_copy(rec, acc.at[c, idf.astype(jnp.int32)])

        def load_mstate():
            return (scnt[0],
                    state[pl.ds(0 * _L, _L)], state[pl.ds(1 * _L, _L)],
                    state[pl.ds(2 * _L, _L)], state[pl.ds(3 * _L, _L)],
                    state[pl.ds(4 * _L, _L)])

        def store_mstate(cid, sm, sq, mx, mn, cnt):
            scnt[0] = cid
            state[pl.ds(0 * _L, _L)] = sm
            state[pl.ds(1 * _L, _L)] = sq
            state[pl.ds(2 * _L, _L)] = mx
            state[pl.ds(3 * _L, _L)] = mn
            state[pl.ds(4 * _L, _L)] = cnt

        def merge_body(r, carry):
            cid, sm, sq, mx, mn, cnt = load_mstate()
            idf = mbuf[r, pl.ds(5 * _L, _L)][0]
            valid = idf >= 0.0
            neq = valid & (idf != cid)
            wr = neq & (cid >= 0.0)

            @pl.when(wr)
            def _():
                write_out(cid, sm, sq, mx, mn, cnt)

            sm = jnp.where(neq, _zeros(), sm)
            sq = jnp.where(neq, _zeros(), sq)
            mx = jnp.where(neq, _full(_NEG), mx)
            mn = jnp.where(neq, _full(_POS), mn)
            cnt = jnp.where(neq, _zeros(), cnt)
            cid = jnp.where(neq, idf, cid)
            rsm = mbuf[r, pl.ds(0 * _L, _L)]
            rsq = mbuf[r, pl.ds(1 * _L, _L)]
            rmx = mbuf[r, pl.ds(2 * _L, _L)]
            rmn = mbuf[r, pl.ds(3 * _L, _L)]
            rcn = mbuf[r, pl.ds(4 * _L, _L)]
            sm = jnp.where(valid, sm + rsm, sm)
            sq = jnp.where(valid, sq + rsq, sq)
            mx = jnp.where(valid, jnp.maximum(mx, rmx), mx)
            mn = jnp.where(valid, jnp.minimum(mn, rmn), mn)
            cnt = jnp.where(valid, cnt + rcn, cnt)
            store_mstate(cid, sm, sq, mx, mn, cnt)
            return 0

        store_mstate(jnp.float32(-1.0), _zeros(), _zeros(), _full(_NEG),
                     _full(_POS), _zeros())
        lax.fori_loop(0, 2 * _NS, merge_body, 0)
        cid, sm, sq, mx, mn, cnt = load_mstate()

        @pl.when(cid >= 0.0)
        def _():
            write_out(cid, sm, sq, mx, mn, cnt)


def _finalize_kernel(acc, meta, att, curn, out):
    a0 = acc[0]
    a1 = acc[1]
    s16 = a0[:, 0:16] + a1[:, 0:16]
    sum8 = s16[:, 0:8] + s16[:, 8:16]
    q16 = a0[:, 16:32] + a1[:, 16:32]
    sq8 = q16[:, 0:8] + q16[:, 8:16]
    m16 = jnp.maximum(a0[:, 32:48], a1[:, 32:48])
    mx8 = jnp.maximum(m16[:, 0:8], m16[:, 8:16])
    n16 = jnp.minimum(a0[:, 48:64], a1[:, 48:64])
    mn8 = jnp.minimum(n16[:, 0:8], n16[:, 8:16])
    cnt = a0[:, 64:65] + a1[:, 64:65]
    denom = jnp.maximum(cnt, 1.0)
    mean = sum8 / denom
    var = sq8 / denom - mean * mean
    nonempty = cnt > 0.0
    mx8 = jnp.where(nonempty, mx8, 0.0)
    mn8 = jnp.where(nonempty, mn8, 0.0)
    out[...] = jnp.concatenate([meta[...], mean, var, mx8, mn8, att[...],
                                curn[...]], axis=1)


def kernel(h_edges, edge_batch, h_metadata, h_attended, h_current_node,
           num_graphs):
    del num_graphs
    n_edges, d = h_edges.shape
    ng = h_metadata.shape[0]
    assert d == 8 and n_edges % (_NC * _NS * _TILE) == 0 and ng % _NS == 0
    edges_per_worker = n_edges // (_NC * _NS)

    mesh = plsc.VectorSubcoreMesh(core_axis_name="c", subcore_axis_name="s")
    acc, _ = pl.kernel(
        functools.partial(_seg_reduce_kernel, ng, edges_per_worker),
        mesh=mesh,
        out_type=[jax.ShapeDtypeStruct((_NC, ng, _REC), jnp.float32),
                  jax.ShapeDtypeStruct((_NC, 2 * _NS, _REC), jnp.float32)],
        scratch_types=[
            pltpu.VMEM((_TILE * 8,), jnp.float32),
            pltpu.VMEM((_TILE,), jnp.int32),
            pltpu.VMEM((_REC,), jnp.float32),
            pltpu.VMEM((2 * _NS, _REC), jnp.float32),
            pltpu.VMEM((ng // _NS, _REC), jnp.float32),
            pltpu.VMEM((_L,), jnp.int32),
            pltpu.VMEM((_L,), jnp.int32),
            pltpu.VMEM((5 * _L,), jnp.float32),
            pltpu.SMEM((1,), jnp.int32),
            pltpu.SMEM((1,), jnp.float32),
        ],
    )(h_edges.reshape(-1), edge_batch)

    return pl.pallas_call(
        _finalize_kernel,
        out_shape=jax.ShapeDtypeStruct((ng, 64), jnp.float32),
    )(acc, h_metadata, h_attended, h_current_node)

# --- scband reference (transcript-rebuilt; emitter-appended) ---
"""Pipeline reference for scband-graph-embedding-73581379715153 (READ-ONLY COPY).

The authoritative reference and input builder live on the scoring server;
editing this copy changes nothing except your own understanding.
"""

import jax, jax.numpy as jnp
import numpy as np

N_EDGES = 3200000
NUM_GRAPHS = 1024
D = 8
D_META = 16


def setup_inputs(seed: int = 0) -> dict:
    key = jax.random.key(seed)
    k1, k2, k3, k4, k5 = jax.random.split(key, 5)
    h_edges = jax.random.normal(k1, (N_EDGES, D), dtype=jnp.float32)
    edge_batch = jnp.sort(jax.random.randint(k2, (N_EDGES,), 0, NUM_GRAPHS, dtype=jnp.int32))
    h_metadata = jax.random.normal(k3, (NUM_GRAPHS, D_META), dtype=jnp.float32)
    h_attended = jax.random.normal(k4, (NUM_GRAPHS, D), dtype=jnp.float32)
    h_current_node = jax.random.normal(k5, (NUM_GRAPHS, D), dtype=jnp.float32)
    return {
        'h_edges': h_edges,
        'edge_batch': edge_batch,
        'h_metadata': h_metadata,
        'h_attended': h_attended,
        'h_current_node': h_current_node,
        'num_graphs': NUM_GRAPHS,
    }


def reference(h_edges, edge_batch, h_metadata, h_attended, h_current_node, num_graphs):
    n = h_metadata.shape[0]
    zero_dep = (jnp.asarray(num_graphs) - n).astype(h_edges.dtype)
    ones = jnp.ones((h_edges.shape[0],), dtype=h_edges.dtype) + zero_dep
    counts = jax.ops.segment_sum(ones, edge_batch, num_segments=n)
    denom = jnp.maximum(counts, 1.0)[:, None]
    sums = jax.ops.segment_sum(h_edges, edge_batch, num_segments=n)
    h_edges_mean = sums / denom
    h_edges_max = jax.ops.segment_max(h_edges, edge_batch, num_segments=n)
    h_edges_min = -jax.ops.segment_max(-h_edges, edge_batch, num_segments=n)
    # empty segments -> 0 (matches torch_scatter default fill of 0 for empty segments)
    h_edges_max = jnp.where(jnp.isfinite(h_edges_max), h_edges_max, 0.0)
    h_edges_min = jnp.where(jnp.isfinite(h_edges_min), h_edges_min, 0.0)
    h_edges_mean_for_var = jnp.take(h_edges_mean, edge_batch, axis=0)
    sq = (h_edges - h_edges_mean_for_var) ** 2
    var_num = jax.ops.segment_sum(sq, edge_batch, num_segments=n) / denom
    h = jnp.concatenate(
        [h_metadata, h_edges_mean, var_num, h_edges_max, h_edges_min, h_attended, h_current_node],
        axis=1,
    )
    return h

if __name__ == "__main__":
    import jax
    _d = setup_inputs()
    print(jax.jit(kernel)(*tuple(_d.values())))

</pallas_src>

<mosaic_0001>
#map = affine_map<(d0, d1) -> (0)>
#map1 = affine_map<(d0, d1) -> (0, 0, 0)>
module attributes {stable_mosaic.version = 14 : i64} {
  func.func @_seg_reduce_kernel(%arg0: i32, %arg1: i32, %arg2: memref<25600000xf32, #tpu.memory_space<hbm>>, %arg3: memref<3200000xi32, #tpu.memory_space<hbm>>, %arg4: memref<2x1024x96xf32, #tpu.memory_space<hbm>>, %arg5: memref<2x32x96xf32, #tpu.memory_space<hbm>>, %arg6: memref<16000xf32, #tpu.memory_space<vmem>>, %arg7: memref<2000xi32, #tpu.memory_space<vmem>>, %arg8: memref<96xf32, #tpu.memory_space<vmem>>, %arg9: memref<32x96xf32, #tpu.memory_space<vmem>>, %arg10: memref<64x96xf32, #tpu.memory_space<vmem>>, %arg11: memref<16xi32, #tpu.memory_space<vmem>>, %arg12: memref<16xi32, #tpu.memory_space<vmem>>, %arg13: memref<80xf32, #tpu.memory_space<vmem>>, %arg14: memref<1xi32, #tpu.memory_space<smem>>, %arg15: memref<1xf32, #tpu.memory_space<smem>>) attributes {dimension_semantics = [#tpu.dimension_semantics<core_parallel>, #tpu.dimension_semantics<subcore_parallel>], iteration_bounds = array<i64: 2, 16>, scalar_prefetch = 0 : i64, scratch_operands = 10 : i64, tpu.core_type = #tpu.core_type<sc_vector_subcore>, window_params = [{transform_indices = #map}, {transform_indices = #map}, {transform_indices = #map1}, {transform_indices = #map1}]} {
    %mul3A = arith.constant 16 : i32
    %mul3A_0 = arith.muli %arg0, %mul3A : i32
    %add3A = arith.addi %mul3A_0, %arg1 : i32
    %mul3A_1 = arith.constant 100000 : i32
    %mul3A_2 = arith.muli %add3A, %mul3A_1 : i32
    %scan3A = arith.constant 0 : i32
    %scan3A_3 = arith.constant 0 : i32
    %scan3A_4 = arith.constant 64 : i32
    %scan3A_5 = arith.addi %scan3A_3, %scan3A_4 : i32
    %scan3A_6 = arith.constant 1 : i32
    %scan3A_7 = scf.for %scan3A_156 = %scan3A_3 to %scan3A_5 step %scan3A_6 iter_args(%scan3A_157 = %scan3A) -> (i32)  : i32 {
      %broadcast_in_dim3A_158 = arith.constant 0.000000e+00 : f32
      %broadcast_in_dim3A_159 = vector.broadcast %broadcast_in_dim3A_158 : f32 to vector<16xf32>
      %swap3A_160 = arith.index_cast %scan3A_156 : i32 to index
      %swap3A_161 = arith.constant 0 : index
      %swap3A_162 = tpu.vector_load %arg10[%swap3A_160, %swap3A_161] {strides = array<i32>} : memref<64x96xf32, #tpu.memory_space<vmem>>, vector<1x16xf32>,
      %swap3A_163 = vector.shape_cast %swap3A_162 : vector<1x16xf32> to vector<16xf32>
      %swap3A_164 = vector.shape_cast %broadcast_in_dim3A_159 : vector<16xf32> to vector<1x16xf32>
      tpu.vector_store %arg10[%swap3A_160, %swap3A_161], %swap3A_164 {strides = array<i32>} : memref<64x96xf32, #tpu.memory_space<vmem>>, vector<1x16xf32>,
      %broadcast_in_dim3A_165 = arith.constant 0.000000e+00 : f32
      %broadcast_in_dim3A_166 = vector.broadcast %broadcast_in_dim3A_165 : f32 to vector<16xf32>
      %swap3A_167 = arith.index_cast %scan3A_156 : i32 to index
      %swap3A_168 = arith.constant 16 : index
      %swap3A_169 = tpu.vector_load %arg10[%swap3A_167, %swap3A_168] {strides = array<i32>} : memref<64x96xf32, #tpu.memory_space<vmem>>, vector<1x16xf32>,
      %swap3A_170 = vector.shape_cast %swap3A_169 : vector<1x16xf32> to vector<16xf32>
      %swap3A_171 = vector.shape_cast %broadcast_in_dim3A_166 : vector<16xf32> to vector<1x16xf32>
      tpu.vector_store %arg10[%swap3A_167, %swap3A_168], %swap3A_171 {strides = array<i32>} : memref<64x96xf32, #tpu.memory_space<vmem>>, vector<1x16xf32>,
      %broadcast_in_dim3A_172 = arith.constant 0xFF800000 : f32
      %broadcast_in_dim3A_173 = vector.broadcast %broadcast_in_dim3A_172 : f32 to vector<16xf32>
      %swap3A_174 = arith.index_cast %scan3A_156 : i32 to index
      %swap3A_175 = arith.constant 32 : index
      %swap3A_176 = tpu.vector_load %arg10[%swap3A_174, %swap3A_175] {strides = array<i32>} : memref<64x96xf32, #tpu.memory_space<vmem>>, vector<1x16xf32>,
      %swap3A_177 = vector.shape_cast %swap3A_176 : vector<1x16xf32> to vector<16xf32>
      %swap3A_178 = vector.shape_cast %broadcast_in_dim3A_173 : vector<16xf32> to vector<1x16xf32>
      tpu.vector_store %arg10[%swap3A_174, %swap3A_175], %swap3A_178 {strides = array<i32>} : memref<64x96xf32, #tpu.memory_space<vmem>>, vector<1x16xf32>,
      %broadcast_in_dim3A_179 = arith.constant 0x7F800000 : f32
      %broadcast_in_dim3A_180 = vector.broadcast %broadcast_in_dim3A_179 : f32 to vector<16xf32>
      %swap3A_181 = arith.index_cast %scan3A_156 : i32 to index
      %swap3A_182 = arith.constant 48 : index
      %swap3A_183 = tpu.vector_load %arg10[%swap3A_181, %swap3A_182] {strides = array<i32>} : memref<64x96xf32, #tpu.memory_space<vmem>>, vector<1x16xf32>,
      %swap3A_184 = vector.shape_cast %swap3A_183 : vector<1x16xf32> to vector<16xf32>
      %swap3A_185 = vector.shape_cast %broadcast_in_dim3A_180 : vector<16xf32> to vector<1x16xf32>
      tpu.vector_store %arg10[%swap3A_181, %swap3A_182], %swap3A_185 {strides = array<i32>} : memref<64x96xf32, #tpu.memory_space<vmem>>, vector<1x16xf32>,
      %broadcast_in_dim3A_186 = arith.constant 0.000000e+00 : f32
      %broadcast_in_dim3A_187 = vector.broadcast %broadcast_in_dim3A_186 : f32 to vector<16xf32>
      %swap3A_188 = arith.index_cast %scan3A_156 : i32 to index
      %swap3A_189 = arith.constant 64 : index
      %swap3A_190 = tpu.vector_load %arg10[%swap3A_188, %swap3A_189] {strides = array<i32>} : memref<64x96xf32, #tpu.memory_space<vmem>>, vector<1x16xf32>,
      %swap3A_191 = vector.shape_cast %swap3A_190 : vector<1x16xf32> to vector<16xf32>
      %swap3A_192 = vector.shape_cast %broadcast_in_dim3A_187 : vector<16xf32> to vector<1x16xf32>
      tpu.vector_store %arg10[%swap3A_188, %swap3A_189], %swap3A_192 {strides = array<i32>} : memref<64x96xf32, #tpu.memory_space<vmem>>, vector<1x16xf32>,
      %broadcast_in_dim3A_193 = arith.constant -1.000000e+00 : f32
      %broadcast_in_dim3A_194 = vector.broadcast %broadcast_in_dim3A_193 : f32 to vector<16xf32>
      %swap3A_195 = arith.index_cast %scan3A_156 : i32 to index
      %swap3A_196 = arith.constant 80 : index
      %swap3A_197 = tpu.vector_load %arg10[%swap3A_195, %swap3A_196] {strides = array<i32>} : memref<64x96xf32, #tpu.memory_space<vmem>>, vector<1x16xf32>,
      %swap3A_198 = vector.shape_cast %swap3A_197 : vector<1x16xf32> to vector<16xf32>
      %swap3A_199 = vector.shape_cast %broadcast_in_dim3A_194 : vector<16xf32> to vector<1x16xf32>
      tpu.vector_store %arg10[%swap3A_195, %swap3A_196], %swap3A_199 {strides = array<i32>} : memref<64x96xf32, #tpu.memory_space<vmem>>, vector<1x16xf32>,
      %scan3A_200 = arith.constant 0 : i32
      scf.yield %scan3A_200 : i32
    }
    %scan3A_8 = arith.constant 64 : i32
    %mul3A_9 = arith.constant 64 : i32
    %mul3A_10 = arith.muli %arg1, %mul3A_9 : i32
    "tpu.region"() ({
      %run_scoped3A = tpu.sem_alloc : memref<!tpu.dma_semaphore, #tpu.memory_space<semaphore_mem>>
      %dma_start3A = arith.constant 0 : i32
      %dma_start3A_156 = tpu.memref_slice %arg4[%arg0, %mul3A_10, %dma_start3A] : memref<2x1024x96xf32, #tpu.memory_space<hbm>> -> memref<1x64x96xf32, #tpu.memory_space<hbm>>
      %dma_start3A_157 = tpu.memref_squeeze %dma_start3A_156 : memref<1x64x96xf32, #tpu.memory_space<hbm>> -> memref<64x96xf32, #tpu.memory_space<hbm>>
      %dma_start3A_158 = arith.constant 0 : i32
      %dma_start3A_159 = tpu.memref_slice %arg4[%arg0, %mul3A_10, %dma_start3A_158] : memref<2x1024x96xf32, #tpu.memory_space<hbm>> -> memref<1x64x96xf32, #tpu.memory_space<hbm>>
      %dma_start3A_160 = tpu.memref_squeeze %dma_start3A_159 : memref<1x64x96xf32, #tpu.memory_space<hbm>> -> memref<64x96xf32, #tpu.memory_space<hbm>>
      tpu.enqueue_dma source(%arg10 : memref<64x96xf32, #tpu.memory_space<vmem>>) target(%dma_start3A_160 : memref<64x96xf32, #tpu.memory_space<hbm>>) target_semaphore(%run_scoped3A : memref<!tpu.dma_semaphore, #tpu.memory_space<semaphore_mem>>)
      %dma_wait3A = arith.constant 0 : i32
      %dma_wait3A_161 = tpu.memref_slice %arg4[%arg0, %mul3A_10, %dma_wait3A] : memref<2x1024x96xf32, #tpu.memory_space<hbm>> -> memref<1x64x96xf32, #tpu.memory_space<hbm>>
      %dma_wait3A_162 = tpu.memref_squeeze %dma_wait3A_161 : memref<1x64x96xf32, #tpu.memory_space<hbm>> -> memref<64x96xf32, #tpu.memory_space<hbm>>
      %dma_wait3A_163 = arith.constant 0 : i32
      %dma_wait3A_164 = tpu.memref_slice %arg4[%arg0, %mul3A_10, %dma_wait3A_163] : memref<2x1024x96xf32, #tpu.memory_space<hbm>> -> memref<1x64x96xf32, #tpu.memory_space<hbm>>
      %dma_wait3A_165 = tpu.memref_squeeze %dma_wait3A_164 : memref<1x64x96xf32, #tpu.memory_space<hbm>> -> memref<64x96xf32, #tpu.memory_space<hbm>>
      tpu.wait_dma2 semaphore(%run_scoped3A : memref<!tpu.dma_semaphore, #tpu.memory_space<semaphore_mem>>) src(%arg10 : memref<64x96xf32, #tpu.memory_space<vmem>>) dst(%dma_wait3A_165 : memref<64x96xf32, #tpu.memory_space<hbm>>)
      tpu.yield
    }) : () -> ()
    %broadcast_in_dim3A = arith.constant 0.000000e+00 : f32
    %broadcast_in_dim3A_11 = vector.broadcast %broadcast_in_dim3A : f32 to vector<16xf32>
    %swap3A = arith.constant 0 : index
    %swap3A_12 = tpu.vector_load %arg8[%swap3A] {strides = array<i32>} : memref<96xf32, #tpu.memory_space<vmem>>, vector<16xf32>,
    %swap3A_13 = vector.shape_cast %swap3A_12 : vector<16xf32> to vector<16xf32>
    %swap3A_14 = vector.shape_cast %broadcast_in_dim3A_11 : vector<16xf32> to vector<16xf32>
    tpu.vector_store %arg8[%swap3A], %swap3A_14 {strides = array<i32>} : memref<96xf32, #tpu.memory_space<vmem>>, vector<16xf32>,
    %broadcast_in_dim3A_15 = arith.constant 0.000000e+00 : f32
    %broadcast_in_dim3A_16 = vector.broadcast %broadcast_in_dim3A_15 : f32 to vector<16xf32>
    %swap3A_17 = arith.constant 16 : index
    %swap3A_18 = tpu.vector_load %arg8[%swap3A_17] {strides = array<i32>} : memref<96xf32, #tpu.memory_space<vmem>>, vector<16xf32>,
    %swap3A_19 = vector.shape_cast %swap3A_18 : vector<16xf32> to vector<16xf32>
    %swap3A_20 = vector.shape_cast %broadcast_in_dim3A_16 : vector<16xf32> to vector<16xf32>
    tpu.vector_store %arg8[%swap3A_17], %swap3A_20 {strides = array<i32>} : memref<96xf32, #tpu.memory_space<vmem>>, vector<16xf32>,
    %broadcast_in_dim3A_21 = arith.constant 0.000000e+00 : f32
    %broadcast_in_dim3A_22 = vector.broadcast %broadcast_in_dim3A_21 : f32 to vector<16xf32>
    %swap3A_23 = arith.constant 32 : index
    %swap3A_24 = tpu.vector_load %arg8[%swap3A_23] {strides = array<i32>} : memref<96xf32, #tpu.memory_space<vmem>>, vector<16xf32>,
    %swap3A_25 = vector.shape_cast %swap3A_24 : vector<16xf32> to vector<16xf32>
    %swap3A_26 = vector.shape_cast %broadcast_in_dim3A_22 : vector<16xf32> to vector<16xf32>
    tpu.vector_store %arg8[%swap3A_23], %swap3A_26 {strides = array<i32>} : memref<96xf32, #tpu.memory_space<vmem>>, vector<16xf32>,
    %broadcast_in_dim3A_27 = arith.constant 0.000000e+00 : f32
    %broadcast_in_dim3A_28 = vector.broadcast %broadcast_in_dim3A_27 : f32 to vector<16xf32>
    %swap3A_29 = arith.constant 48 : index
    %swap3A_30 = tpu.vector_load %arg8[%swap3A_29] {strides = array<i32>} : memref<96xf32, #tpu.memory_space<vmem>>, vector<16xf32>,
    %swap3A_31 = vector.shape_cast %swap3A_30 : vector<16xf32> to vector<16xf32>
    %swap3A_32 = vector.shape_cast %broadcast_in_dim3A_28 : vector<16xf32> to vector<16xf32>
    tpu.vector_store %arg8[%swap3A_29], %swap3A_32 {strides = array<i32>} : memref<96xf32, #tpu.memory_space<vmem>>, vector<16xf32>,
    %broadcast_in_dim3A_33 = arith.constant 0.000000e+00 : f32
    %broadcast_in_dim3A_34 = vector.broadcast %broadcast_in_dim3A_33 : f32 to vector<16xf32>
    %swap3A_35 = arith.constant 64 : index
    %swap3A_36 = tpu.vector_load %arg8[%swap3A_35] {strides = array<i32>} : memref<96xf32, #tpu.memory_space<vmem>>, vector<16xf32>,
    %swap3A_37 = vector.shape_cast %swap3A_36 : vector<16xf32> to vector<16xf32>
    %swap3A_38 = vector.shape_cast %broadcast_in_dim3A_34 : vector<16xf32> to vector<16xf32>
    tpu.vector_store %arg8[%swap3A_35], %swap3A_38 {strides = array<i32>} : memref<96xf32, #tpu.memory_space<vmem>>, vector<16xf32>,
    %broadcast_in_dim3A_39 = arith.constant -1.000000e+00 : f32
    %broadcast_in_dim3A_40 = vector.broadcast %broadcast_in_dim3A_39 : f32 to vector<16xf32>
    %swap3A_41 = arith.constant 80 : index
    %swap3A_42 = tpu.vector_load %arg8[%swap3A_41] {strides = array<i32>} : memref<96xf32, #tpu.memory_space<vmem>>, vector<16xf32>,
    %swap3A_43 = vector.shape_cast %swap3A_42 : vector<16xf32> to vector<16xf32>
    %swap3A_44 = vector.shape_cast %broadcast_in_dim3A_40 : vector<16xf32> to vector<16xf32>
    tpu.vector_store %arg8[%swap3A_41], %swap3A_44 {strides = array<i32>} : memref<96xf32, #tpu.memory_space<vmem>>, vector<16xf32>,
    %mul3A_45 = arith.constant 2 : i32
    %mul3A_46 = arith.muli %mul3A_45, %arg1 : i32
    "tpu.region"() ({
      %run_scoped3A = tpu.sem_alloc : memref<!tpu.dma_semaphore, #tpu.memory_space<semaphore_mem>>
      %dma_start3A = arith.constant 0 : i32
      %dma_start3A_156 = tpu.memref_slice %arg5[%arg0, %mul3A_46, %dma_start3A] : memref<2x32x96xf32, #tpu.memory_space<hbm>> -> memref<1x1x96xf32, #tpu.memory_space<hbm>>
      %dma_start3A_157 = tpu.memref_squeeze %dma_start3A_156 : memref<1x1x96xf32, #tpu.memory_space<hbm>> -> memref<96xf32, #tpu.memory_space<hbm>>
      %dma_start3A_158 = arith.constant 0 : i32
      %dma_start3A_159 = tpu.memref_slice %arg5[%arg0, %mul3A_46, %dma_start3A_158] : memref<2x32x96xf32, #tpu.memory_space<hbm>> -> memref<1x1x96xf32, #tpu.memory_space<hbm>>
      %dma_start3A_160 = tpu.memref_squeeze %dma_start3A_159 : memref<1x1x96xf32, #tpu.memory_space<hbm>> -> memref<96xf32, #tpu.memory_space<hbm>>
      tpu.enqueue_dma source(%arg8 : memref<96xf32, #tpu.memory_space<vmem>>) target(%dma_start3A_160 : memref<96xf32, #tpu.memory_space<hbm>>) target_semaphore(%run_scoped3A : memref<!tpu.dma_semaphore, #tpu.memory_space<semaphore_mem>>)
      %dma_wait3A = arith.constant 0 : i32
      %dma_wait3A_161 = tpu.memref_slice %arg5[%arg0, %mul3A_46, %dma_wait3A] : memref<2x32x96xf32, #tpu.memory_space<hbm>> -> memref<1x1x96xf32, #tpu.memory_space<hbm>>
      %dma_wait3A_162 = tpu.memref_squeeze %dma_wait3A_161 : memref<1x1x96xf32, #tpu.memory_space<hbm>> -> memref<96xf32, #tpu.memory_space<hbm>>
      %dma_wait3A_163 = arith.constant 0 : i32
      %dma_wait3A_164 = tpu.memref_slice %arg5[%arg0, %mul3A_46, %dma_wait3A_163] : memref<2x32x96xf32, #tpu.memory_space<hbm>> -> memref<1x1x96xf32, #tpu.memory_space<hbm>>
      %dma_wait3A_165 = tpu.memref_squeeze %dma_wait3A_164 : memref<1x1x96xf32, #tpu.memory_space<hbm>> -> memref<96xf32, #tpu.memory_space<hbm>>
      tpu.wait_dma2 semaphore(%run_scoped3A : memref<!tpu.dma_semaphore, #tpu.memory_space<semaphore_mem>>) src(%arg8 : memref<96xf32, #tpu.memory_space<vmem>>) dst(%dma_wait3A_165 : memref<96xf32, #tpu.memory_space<hbm>>)
      tpu.yield
    }) : () -> ()
    %mul3A_47 = arith.constant 2 : i32
    %mul3A_48 = arith.muli %mul3A_47, %arg1 : i32
    %add3A_49 = arith.constant 1 : i32
    %add3A_50 = arith.addi %mul3A_48, %add3A_49 : i32
    "tpu.region"() ({
      %run_scoped3A = tpu.sem_alloc : memref<!tpu.dma_semaphore, #tpu.memory_space<semaphore_mem>>
      %dma_start3A = arith.constant 0 : i32
      %dma_start3A_156 = tpu.memref_slice %arg5[%arg0, %add3A_50, %dma_start3A] : memref<2x32x96xf32, #tpu.memory_space<hbm>> -> memref<1x1x96xf32, #tpu.memory_space<hbm>>
      %dma_start3A_157 = tpu.memref_squeeze %dma_start3A_156 : memref<1x1x96xf32, #tpu.memory_space<hbm>> -> memref<96xf32, #tpu.memory_space<hbm>>
      %dma_start3A_158 = arith.constant 0 : i32
      %dma_start3A_159 = tpu.memref_slice %arg5[%arg0, %add3A_50, %dma_start3A_158] : memref<2x32x96xf32, #tpu.memory_space<hbm>> -> memref<1x1x96xf32, #tpu.memory_space<hbm>>
      %dma_start3A_160 = tpu.memref_squeeze %dma_start3A_159 : memref<1x1x96xf32, #tpu.memory_space<hbm>> -> memref<96xf32, #tpu.memory_space<hbm>>
      tpu.enqueue_dma source(%arg8 : memref<96xf32, #tpu.memory_space<vmem>>) target(%dma_start3A_160 : memref<96xf32, #tpu.memory_space<hbm>>) target_semaphore(%run_scoped3A : memref<!tpu.dma_semaphore, #tpu.memory_space<semaphore_mem>>)
      %dma_wait3A = arith.constant 0 : i32
      %dma_wait3A_161 = tpu.memref_slice %arg5[%arg0, %add3A_50, %dma_wait3A] : memref<2x32x96xf32, #tpu.memory_space<hbm>> -> memref<1x1x96xf32, #tpu.memory_space<hbm>>
      %dma_wait3A_162 = tpu.memref_squeeze %dma_wait3A_161 : memref<1x1x96xf32, #tpu.memory_space<hbm>> -> memref<96xf32, #tpu.memory_space<hbm>>
      %dma_wait3A_163 = arith.constant 0 : i32
      %dma_wait3A_164 = tpu.memref_slice %arg5[%arg0, %add3A_50, %dma_wait3A_163] : memref<2x32x96xf32, #tpu.memory_space<hbm>> -> memref<1x1x96xf32, #tpu.memory_space<hbm>>
      %dma_wait3A_165 = tpu.memref_squeeze %dma_wait3A_164 : memref<1x1x96xf32, #tpu.memory_space<hbm>> -> memref<96xf32, #tpu.memory_space<hbm>>
      tpu.wait_dma2 semaphore(%run_scoped3A : memref<!tpu.dma_semaphore, #tpu.memory_space<semaphore_mem>>) src(%arg8 : memref<96xf32, #tpu.memory_space<vmem>>) dst(%dma_wait3A_165 : memref<96xf32, #tpu.memory_space<hbm>>)
      tpu.yield
    }) : () -> ()
    "tpu.region"() ({
      %run_scoped3A = tpu.sem_alloc : memref<!tpu.dma_semaphore, #tpu.memory_space<semaphore_mem>>
      %dma_start3A = tpu.memref_slice %arg3[%mul3A_2] : memref<3200000xi32, #tpu.memory_space<hbm>> -> memref<16xi32, #tpu.memory_space<hbm>>
      %dma_start3A_156 = tpu.memref_slice %arg3[%mul3A_2] : memref<3200000xi32, #tpu.memory_space<hbm>> -> memref<16xi32, #tpu.memory_space<hbm>>
      tpu.enqueue_dma source(%dma_start3A_156 : memref<16xi32, #tpu.memory_space<hbm>>) target(%arg11 : memref<16xi32, #tpu.memory_space<vmem>>) target_semaphore(%run_scoped3A : memref<!tpu.dma_semaphore, #tpu.memory_space<semaphore_mem>>)
      %dma_wait3A = tpu.memref_slice %arg3[%mul3A_2] : memref<3200000xi32, #tpu.memory_space<hbm>> -> memref<16xi32, #tpu.memory_space<hbm>>
      %dma_wait3A_157 = tpu.memref_slice %arg3[%mul3A_2] : memref<3200000xi32, #tpu.memory_space<hbm>> -> memref<16xi32, #tpu.memory_space<hbm>>
      tpu.wait_dma2 semaphore(%run_scoped3A : memref<!tpu.dma_semaphore, #tpu.memory_space<semaphore_mem>>) src(%dma_wait3A_157 : memref<16xi32, #tpu.memory_space<hbm>>) dst(%arg11 : memref<16xi32, #tpu.memory_space<vmem>>)
      tpu.yield
    }) : () -> ()
    %add3A_51 = arith.constant 100000 : i32
    %add3A_52 = arith.addi %mul3A_2, %add3A_51 : i32
    %sub3A = arith.constant 16 : i32
    %sub3A_53 = arith.subi %add3A_52, %sub3A : i32
    "tpu.region"() ({
      %run_scoped3A = tpu.sem_alloc : memref<!tpu.dma_semaphore, #tpu.memory_space<semaphore_mem>>
      %dma_start3A = tpu.memref_slice %arg3[%sub3A_53] : memref<3200000xi32, #tpu.memory_space<hbm>> -> memref<16xi32, #tpu.memory_space<hbm>>
      %dma_start3A_156 = tpu.memref_slice %arg3[%sub3A_53] : memref<3200000xi32, #tpu.memory_space<hbm>> -> memref<16xi32, #tpu.memory_space<hbm>>
      tpu.enqueue_dma source(%dma_start3A_156 : memref<16xi32, #tpu.memory_space<hbm>>) target(%arg12 : memref<16xi32, #tpu.memory_space<vmem>>) target_semaphore(%run_scoped3A : memref<!tpu.dma_semaphore, #tpu.memory_space<semaphore_mem>>)
      %dma_wait3A = tpu.memref_slice %arg3[%sub3A_53] : memref<3200000xi32, #tpu.memory_space<hbm>> -> memref<16xi32, #tpu.memory_space<hbm>>
      %dma_wait3A_157 = tpu.memref_slice %arg3[%sub3A_53] : memref<3200000xi32, #tpu.memory_space<hbm>> -> memref<16xi32, #tpu.memory_space<hbm>>
      tpu.wait_dma2 semaphore(%run_scoped3A : memref<!tpu.dma_semaphore, #tpu.memory_space<semaphore_mem>>) src(%dma_wait3A_157 : memref<16xi32, #tpu.memory_space<hbm>>) dst(%arg12 : memref<16xi32, #tpu.memory_space<vmem>>)
      tpu.yield
    }) : () -> ()
    %get3A = arith.constant 0 : index
    %get3A_54 = tpu.vector_load %arg11[%get3A] {strides = array<i32>} : memref<16xi32, #tpu.memory_space<vmem>>, vector<16xi32>,
    %get3A_55 = vector.shape_cast %get3A_54 : vector<16xi32> to vector<16xi32>
    %slice3A = vector.extract_strided_slice %get3A_55 {offsets = [0], sizes = [1], strides = [1]} : vector<16xi32> to vector<1xi32>
    %squeeze3A = vector.extract %slice3A[0] : i32 from vector<1xi32>
    %get3A_56 = arith.constant 0 : index
    %get3A_57 = tpu.vector_load %arg12[%get3A_56] {strides = array<i32>} : memref<16xi32, #tpu.memory_space<vmem>>, vector<16xi32>,
    %get3A_58 = vector.shape_cast %get3A_57 : vector<16xi32> to vector<16xi32>
    %slice3A_59 = vector.extract_strided_slice %get3A_58 {offsets = [15], sizes = [1], strides = [1]} : vector<16xi32> to vector<1xi32>
    %squeeze3A_60 = vector.extract %slice3A_59[0] : i32 from vector<1xi32>
    %barrier3A = arith.constant 0 : index
    tpu.barrier barrier_id(%barrier3A)
    %broadcast_in_dim3A_61 = arith.constant 0.000000e+00 : f32
    %broadcast_in_dim3A_62 = vector.broadcast %broadcast_in_dim3A_61 : f32 to vector<16xf32>
    %broadcast_in_dim3A_63 = arith.constant 0.000000e+00 : f32
    %broadcast_in_dim3A_64 = vector.broadcast %broadcast_in_dim3A_63 : f32 to vector<16xf32>
    %broadcast_in_dim3A_65 = arith.constant 0xFF800000 : f32
    %broadcast_in_dim3A_66 = vector.broadcast %broadcast_in_dim3A_65 : f32 to vector<16xf32>
    %broadcast_in_dim3A_67 = arith.constant 0x7F800000 : f32
    %broadcast_in_dim3A_68 = vector.broadcast %broadcast_in_dim3A_67 : f32 to vector<16xf32>
    %swap3A_69 = arith.constant 0 : i32
    %swap3A_70 = arith.index_cast %swap3A_69 : i32 to index
    %swap3A_71 = memref.load %arg14[%swap3A_70] : memref<1xi32, #tpu.memory_space<smem>>
    memref.store %squeeze3A, %arg14[%swap3A_70] : memref<1xi32, #tpu.memory_space<smem>>
    %swap3A_72 = arith.constant 0.000000e+00 : f32
    %swap3A_73 = arith.constant 0 : i32
    %swap3A_74 = arith.index_cast %swap3A_73 : i32 to index
    %swap3A_75 = memref.load %arg15[%swap3A_74] : memref<1xf32, #tpu.memory_space<smem>>
    memref.store %swap3A_72, %arg15[%swap3A_74] : memref<1xf32, #tpu.memory_space<smem>>
    %swap3A_76 = arith.constant 0 : index
    %swap3A_77 = tpu.vector_load %arg13[%swap3A_76] {strides = array<i32>} : memref<80xf32, #tpu.memory_space<vmem>>, vector<16xf32>,
    %swap3A_78 = vector.shape_cast %swap3A_77 : vector<16xf32> to vector<16xf32>
    %swap3A_79 = vector.shape_cast %broadcast_in_dim3A_62 : vector<16xf32> to vector<16xf32>
    tpu.vector_store %arg13[%swap3A_76], %swap3A_79 {strides = array<i32>} : memref<80xf32, #tpu.memory_space<vmem>>, vector<16xf32>,
    %swap3A_80 = arith.constant 16 : index
    %swap3A_81 = tpu.vector_load %arg13[%swap3A_80] {strides = array<i32>} : memref<80xf32, #tpu.memory_space<vmem>>, vector<16xf32>,
    %swap3A_82 = vector.shape_cast %swap3A_81 : vector<16xf32> to vector<16xf32>
    %swap3A_83 = vector.shape_cast %broadcast_in_dim3A_64 : vector<16xf32> to vector<16xf32>
    tpu.vector_store %arg13[%swap3A_80], %swap3A_83 {strides = array<i32>} : memref<80xf32, #tpu.memory_space<vmem>>, vector<16xf32>,
    %swap3A_84 = arith.constant 32 : index
    %swap3A_85 = tpu.vector_load %arg13[%swap3A_84] {strides = array<i32>} : memref<80xf32, #tpu.memory_space<vmem>>, vector<16xf32>,
    %swap3A_86 = vector.shape_cast %swap3A_85 : vector<16xf32> to vector<16xf32>
    %swap3A_87 = vector.shape_cast %broadcast_in_dim3A_66 : vector<16xf32> to vector<16xf32>
    tpu.vector_store %arg13[%swap3A_84], %swap3A_87 {strides = array<i32>} : memref<80xf32, #tpu.memory_space<vmem>>, vector<16xf32>,
    %swap3A_88 = arith.constant 48 : index
    %swap3A_89 = tpu.vector_load %arg13[%swap3A_88] {strides = array<i32>} : memref<80xf32, #tpu.memory_space<vmem>>, vector<16xf32>,
    %swap3A_90 = vector.shape_cast %swap3A_89 : vector<16xf32> to vector<16xf32>
    %swap3A_91 = vector.shape_cast %broadcast_in_dim3A_68 : vector<16xf32> to vector<16xf32>
    tpu.vector_store %arg13[%swap3A_88], %swap3A_91 {strides = array<i32>} : memref<80xf32, #tpu.memory_space<vmem>>, vector<16xf32>,
    %scan3A_92 = arith.constant 0 : i32
    %scan3A_93 = arith.constant 0 : i32
    %scan3A_94 = arith.constant 50 : i32
    %scan3A_95 = arith.addi %scan3A_93, %scan3A_94 : i32
    %scan3A_96 = arith.constant 1 : i32
    %scan3A_97 = scf.for %scan3A_156 = %scan3A_93 to %scan3A_95 step %scan3A_96 iter_args(%scan3A_157 = %scan3A_92) -> (i32)  : i32 {
      %mul3A_158 = arith.constant 2000 : i32
      %mul3A_159 = arith.muli %scan3A_156, %mul3A_158 : i32
      %add3A_160 = arith.addi %mul3A_2, %mul3A_159 : i32
      %mul3A_161 = arith.constant 8 : i32
      %mul3A_162 = arith.muli %add3A_160, %mul3A_161 : i32
      "tpu.region"() ({
        %run_scoped3A = tpu.sem_alloc : memref<!tpu.dma_semaphore, #tpu.memory_space<semaphore_mem>>
        %dma_start3A = tpu.memref_slice %arg2[%mul3A_162] : memref<25600000xf32, #tpu.memory_space<hbm>> -> memref<16000xf32, #tpu.memory_space<hbm>>
        %dma_start3A_169 = tpu.memref_slice %arg2[%mul3A_162] : memref<25600000xf32, #tpu.memory_space<hbm>> -> memref<16000xf32, #tpu.memory_space<hbm>>
        tpu.enqueue_dma source(%dma_start3A_169 : memref<16000xf32, #tpu.memory_space<hbm>>) target(%arg6 : memref<16000xf32, #tpu.memory_space<vmem>>) target_semaphore(%run_scoped3A : memref<!tpu.dma_semaphore, #tpu.memory_space<semaphore_mem>>)
        %dma_wait3A = tpu.memref_slice %arg2[%mul3A_162] : memref<25600000xf32, #tpu.memory_space<hbm>> -> memref<16000xf32, #tpu.memory_space<hbm>>
        %dma_wait3A_170 = tpu.memref_slice %arg2[%mul3A_162] : memref<25600000xf32, #tpu.memory_space<hbm>> -> memref<16000xf32, #tpu.memory_space<hbm>>
        tpu.wait_dma2 semaphore(%run_scoped3A : memref<!tpu.dma_semaphore, #tpu.memory_space<semaphore_mem>>) src(%dma_wait3A_170 : memref<16000xf32, #tpu.memory_space<hbm>>) dst(%arg6 : memref<16000xf32, #tpu.memory_space<vmem>>)
        tpu.yield
      }) : () -> ()
      "tpu.region"() ({
        %run_scoped3A = tpu.sem_alloc : memref<!tpu.dma_semaphore, #tpu.memory_space<semaphore_mem>>
        %dma_start3A = tpu.memref_slice %arg3[%add3A_160] : memref<3200000xi32, #tpu.memory_space<hbm>> -> memref<2000xi32, #tpu.memory_space<hbm>>
        %dma_start3A_169 = tpu.memref_slice %arg3[%add3A_160] : memref<3200000xi32, #tpu.memory_space<hbm>> -> memref<2000xi32, #tpu.memory_space<hbm>>
        tpu.enqueue_dma source(%dma_start3A_169 : memref<2000xi32, #tpu.memory_space<hbm>>) target(%arg7 : memref<2000xi32, #tpu.memory_space<vmem>>) target_semaphore(%run_scoped3A : memref<!tpu.dma_semaphore, #tpu.memory_space<semaphore_mem>>)
        %dma_wait3A = tpu.memref_slice %arg3[%add3A_160] : memref<3200000xi32, #tpu.memory_space<hbm>> -> memref<2000xi32, #tpu.memory_space<hbm>>
        %dma_wait3A_170 = tpu.memref_slice %arg3[%add3A_160] : memref<3200000xi32, #tpu.memory_space<hbm>> -> memref<2000xi32, #tpu.memory_space<hbm>>
        tpu.wait_dma2 semaphore(%run_scoped3A : memref<!tpu.dma_semaphore, #tpu.memory_space<semaphore_mem>>) src(%dma_wait3A_170 : memref<2000xi32, #tpu.memory_space<hbm>>) dst(%arg7 : memref<2000xi32, #tpu.memory_space<vmem>>)
        tpu.yield
      }) : () -> ()
      %scan3A_163 = arith.constant 0 : i32
      %scan3A_164 = arith.constant 125 : i32
      %scan3A_165 = arith.addi %scan3A_163, %scan3A_164 : i32
      %scan3A_166 = arith.constant 1 : i32
      %scan3A_167 = scf.for %scan3A_169 = %scan3A_163 to %scan3A_165 step %scan3A_166 iter_args(%scan3A_170 = %scan3A_157) -> (i32)  : i32 {
        %mul3A_171 = arith.constant 16 : i32
        %mul3A_172 = arith.muli %scan3A_169, %mul3A_171 : i32
        %get3A_173 = arith.index_cast %mul3A_172 : i32 to index
        %get3A_174 = tpu.vector_load %arg7[%get3A_173] {strides = array<i32>} : memref<2000xi32, #tpu.memory_space<vmem>>, vector<16xi32>,
        %get3A_175 = vector.shape_cast %get3A_174 : vector<16xi32> to vector<16xi32>
        %slice3A_176 = vector.extract_strided_slice %get3A_175 {offsets = [0], sizes = [1], strides = [1]} : vector<16xi32> to vector<1xi32>
        %squeeze3A_177 = vector.extract %slice3A_176[0] : i32 from vector<1xi32>
        %slice3A_178 = vector.extract_strided_slice %get3A_175 {offsets = [15], sizes = [1], strides = [1]} : vector<16xi32> to vector<1xi32>
        %squeeze3A_179 = vector.extract %slice3A_178[0] : i32 from vector<1xi32>
        %mul3A_180 = arith.constant 128 : i32
        %mul3A_181 = arith.muli %scan3A_169, %mul3A_180 : i32
        %add3A_182 = arith.constant 0 : i32
        %add3A_183 = arith.addi %mul3A_181, %add3A_182 : i32
        %get3A_184 = arith.index_cast %add3A_183 : i32 to index
        %get3A_185 = tpu.vector_load %arg6[%get3A_184] {strides = array<i32>} : memref<16000xf32, #tpu.memory_space<vmem>>, vector<16xf32>,
        %get3A_186 = vector.shape_cast %get3A_185 : vector<16xf32> to vector<16xf32>
        %mul3A_187 = arith.constant 128 : i32
        %mul3A_188 = arith.muli %scan3A_169, %mul3A_187 : i32
        %add3A_189 = arith.constant 16 : i32
        %add3A_190 = arith.addi %mul3A_188, %add3A_189 : i32
        %get3A_191 = arith.index_cast %add3A_190 : i32 to index
        %get3A_192 = tpu.vector_load %arg6[%get3A_191] {strides = array<i32>} : memref<16000xf32, #tpu.memory_space<vmem>>, vector<16xf32>,
        %get3A_193 = vector.shape_cast %get3A_192 : vector<16xf32> to vector<16xf32>
        %mul3A_194 = arith.constant 128 : i32
        %mul3A_195 = arith.muli %scan3A_169, %mul3A_194 : i32
        %add3A_196 = arith.constant 32 : i32
        %add3A_197 = arith.addi %mul3A_195, %add3A_196 : i32
        %get3A_198 = arith.index_cast %add3A_197 : i32 to index
        %get3A_199 = tpu.vector_load %arg6[%get3A_198] {strides = array<i32>} : memref<16000xf32, #tpu.memory_space<vmem>>, vector<16xf32>,
        %get3A_200 = vector.shape_cast %get3A_199 : vector<16xf32> to vector<16xf32>
        %mul3A_201 = arith.constant 128 : i32
        %mul3A_202 = arith.muli %scan3A_169, %mul3A_201 : i32
        %add3A_203 = arith.constant 48 : i32
        %add3A_204 = arith.addi %mul3A_202, %add3A_203 : i32
        %get3A_205 = arith.index_cast %add3A_204 : i32 to index
        %get3A_206 = tpu.vector_load %arg6[%get3A_205] {strides = array<i32>} : memref<16000xf32, #tpu.memory_space<vmem>>, vector<16xf32>,
        %get3A_207 = vector.shape_cast %get3A_206 : vector<16xf32> to vector<16xf32>
        %mul3A_208 = arith.constant 128 : i32
        %mul3A_209 = arith.muli %scan3A_169, %mul3A_208 : i32
        %add3A_210 = arith.constant 64 : i32
        %add3A_211 = arith.addi %mul3A_209, %add3A_210 : i32
        %get3A_212 = arith.index_cast %add3A_211 : i32 to index
        %get3A_213 = tpu.vector_load %arg6[%get3A_212] {strides = array<i32>} : memref<16000xf32, #tpu.memory_space<vmem>>, vector<16xf32>,
        %get3A_214 = vector.shape_cast %get3A_213 : vector<16xf32> to vector<16xf32>
        %mul3A_215 = arith.constant 128 : i32
        %mul3A_216 = arith.muli %scan3A_169, %mul3A_215 : i32
        %add3A_217 = arith.constant 80 : i32
        %add3A_218 = arith.addi %mul3A_216, %add3A_217 : i32
        %get3A_219 = arith.index_cast %add3A_218 : i32 to index
        %get3A_220 = tpu.vector_load %arg6[%get3A_219] {strides = array<i32>} : memref<16000xf32, #tpu.memory_space<vmem>>, vector<16xf32>,
        %get3A_221 = vector.shape_cast %get3A_220 : vector<16xf32> to vector<16xf32>
        %mul3A_222 = arith.constant 128 : i32
        %mul3A_223 = arith.muli %scan3A_169, %mul3A_222 : i32
        %add3A_224 = arith.constant 96 : i32
        %add3A_225 = arith.addi %mul3A_223, %add3A_224 : i32
        %get3A_226 = arith.index_cast %add3A_225 : i32 to index
        %get3A_227 = tpu.vector_load %arg6[%get3A_226] {strides = array<i32>} : memref<16000xf32, #tpu.memory_space<vmem>>, vector<16xf32>,
        %get3A_228 = vector.shape_cast %get3A_227 : vector<16xf32> to vector<16xf32>
        %mul3A_229 = arith.constant 128 : i32
        %mul3A_230 = arith.muli %scan3A_169, %mul3A_229 : i32
        %add3A_231 = arith.constant 112 : i32
        %add3A_232 = arith.addi %mul3A_230, %add3A_231 : i32
        %get3A_233 = arith.index_cast %add3A_232 : i32 to index
        %get3A_234 = tpu.vector_load %arg6[%get3A_233] {strides = array<i32>} : memref<16000xf32, #tpu.memory_space<vmem>>, vector<16xf32>,
        %get3A_235 = vector.shape_cast %get3A_234 : vector<16xf32> to vector<16xf32>
        %eq3A_236 = arith.cmpi eq, %squeeze3A_177, %squeeze3A_179 : i32
        %convert_element_type3A_237 = arith.extui %eq3A_236 : i1 to i32
        %cond3A_238 = arith.constant 0 : i32
        %cond3A_239 = arith.cmpi ne, %convert_element_type3A_237, %cond3A_238 : i32
        scf.if %cond3A_239 {
          %get3A_244 = arith.constant 0 : i32
          %get3A_245 = arith.index_cast %get3A_244 : i32 to index
          %get3A_246 = memref.load %arg14[%get3A_245] : memref<1xi32, #tpu.memory_space<smem>>
          %get3A_247 = arith.constant 0 : i32
          %get3A_248 = arith.index_cast %get3A_247 : i32 to index
          %get3A_249 = memref.load %arg15[%get3A_248] : memref<1xf32, #tpu.memory_space<smem>>
          %get3A_250 = arith.constant 0 : index
          %get3A_251 = tpu.vector_load %arg13[%get3A_250] {strides = array<i32>} : memref<80xf32, #tpu.memory_space<vmem>>, vector<16xf32>,
          %get3A_252 = vector.shape_cast %get3A_251 : vector<16xf32> to vector<16xf32>
          %get3A_253 = arith.constant 16 : index
          %get3A_254 = tpu.vector_load %arg13[%get3A_253] {strides = array<i32>} : memref<80xf32, #tpu.memory_space<vmem>>, vector<16xf32>,
          %get3A_255 = vector.shape_cast %get3A_254 : vector<16xf32> to vector<16xf32>
          %get3A_256 = arith.constant 32 : index
          %get3A_257 = tpu.vector_load %arg13[%get3A_256] {strides = array<i32>} : memref<80xf32, #tpu.memory_space<vmem>>, vector<16xf32>,
          %get3A_258 = vector.shape_cast %get3A_257 : vector<16xf32> to vector<16xf32>
          %get3A_259 = arith.constant 48 : index
          %get3A_260 = tpu.vector_load %arg13[%get3A_259] {strides = array<i32>} : memref<80xf32, #tpu.memory_space<vmem>>, vector<16xf32>,
          %get3A_261 = vector.shape_cast %get3A_260 : vector<16xf32> to vector<16xf32>
          %ne3A_262 = arith.cmpi ne, %squeeze3A_177, %get3A_246 : i32
          %convert_element_type3A_263 = arith.extui %ne3A_262 : i1 to i32
          %cond3A_264 = arith.constant 0 : i32
          %cond3A_265 = arith.cmpi ne, %convert_element_type3A_263, %cond3A_264 : i32
          scf.if %cond3A_265 {
            %swap3A_340 = arith.constant 0 : index
            %swap3A_341 = tpu.vector_load %arg8[%swap3A_340] {strides = array<i32>} : memref<96xf32, #tpu.memory_space<vmem>>, vector<16xf32>,
            %swap3A_342 = vector.shape_cast %swap3A_341 : vector<16xf32> to vector<16xf32>
            %swap3A_343 = vector.shape_cast %get3A_252 : vector<16xf32> to vector<16xf32>
            tpu.vector_store %arg8[%swap3A_340], %swap3A_343 {strides = array<i32>} : memref<96xf32, #tpu.memory_space<vmem>>, vector<16xf32>,
            %swap3A_344 = arith.constant 16 : index
            %swap3A_345 = tpu.vector_load %arg8[%swap3A_344] {strides = array<i32>} : memref<96xf32, #tpu.memory_space<vmem>>, vector<16xf32>,
            %swap3A_346 = vector.shape_cast %swap3A_345 : vector<16xf32> to vector<16xf32>
            %swap3A_347 = vector.shape_cast %get3A_255 : vector<16xf32> to vector<16xf32>
            tpu.vector_store %arg8[%swap3A_344], %swap3A_347 {strides = array<i32>} : memref<96xf32, #tpu.memory_space<vmem>>, vector<16xf32>,
            %swap3A_348 = arith.constant 32 : index
            %swap3A_349 = tpu.vector_load %arg8[%swap3A_348] {strides = array<i32>} : memref<96xf32, #tpu.memory_space<vmem>>, vector<16xf32>,
            %swap3A_350 = vector.shape_cast %swap3A_349 : vector<16xf32> to vector<16xf32>
            %swap3A_351 = vector.shape_cast %get3A_258 : vector<16xf32> to vector<16xf32>
            tpu.vector_store %arg8[%swap3A_348], %swap3A_351 {strides = array<i32>} : memref<96xf32, #tpu.memory_space<vmem>>, vector<16xf32>,
            %swap3A_352 = arith.constant 48 : index
            %swap3A_353 = tpu.vector_load %arg8[%swap3A_352] {strides = array<i32>} : memref<96xf32, #tpu.memory_space<vmem>>, vector<16xf32>,
            %swap3A_354 = vector.shape_cast %swap3A_353 : vector<16xf32> to vector<16xf32>
            %swap3A_355 = vector.shape_cast %get3A_261 : vector<16xf32> to vector<16xf32>
            tpu.vector_store %arg8[%swap3A_352], %swap3A_355 {strides = array<i32>} : memref<96xf32, #tpu.memory_space<vmem>>, vector<16xf32>,
            %broadcast_in_dim3A_356 = vector.broadcast %get3A_249 : f32 to vector<16xf32>
            %swap3A_357 = arith.constant 64 : index
            %swap3A_358 = tpu.vector_load %arg8[%swap3A_357] {strides = array<i32>} : memref<96xf32, #tpu.memory_space<vmem>>, vector<16xf32>,
            %swap3A_359 = vector.shape_cast %swap3A_358 : vector<16xf32> to vector<16xf32>
            %swap3A_360 = vector.shape_cast %broadcast_in_dim3A_356 : vector<16xf32> to vector<16xf32>
            tpu.vector_store %arg8[%swap3A_357], %swap3A_360 {strides = array<i32>} : memref<96xf32, #tpu.memory_space<vmem>>, vector<16xf32>,
            %convert_element_type3A_361 = arith.sitofp %get3A_246 : i32 to f32
            %broadcast_in_dim3A_362 = vector.broadcast %convert_element_type3A_361 : f32 to vector<16xf32>
            %swap3A_363 = arith.constant 80 : index
            %swap3A_364 = tpu.vector_load %arg8[%swap3A_363] {strides = array<i32>} : memref<96xf32, #tpu.memory_space<vmem>>, vector<16xf32>,
            %swap3A_365 = vector.shape_cast %swap3A_364 : vector<16xf32> to vector<16xf32>
            %swap3A_366 = vector.shape_cast %broadcast_in_dim3A_362 : vector<16xf32> to vector<16xf32>
            tpu.vector_store %arg8[%swap3A_363], %swap3A_366 {strides = array<i32>} : memref<96xf32, #tpu.memory_space<vmem>>, vector<16xf32>,
            %eq3A_367 = arith.cmpi eq, %get3A_246, %squeeze3A : i32
            %eq3A_368 = arith.cmpi eq, %get3A_246, %squeeze3A_60 : i32
            %or3A_369 = arith.ori %eq3A_367, %eq3A_368 : i1
            %convert_element_type3A_370 = arith.extui %or3A_369 : i1 to i32
            %cond3A_371 = arith.constant 0 : i32
            %cond3A_372 = arith.cmpi ne, %convert_element_type3A_370, %cond3A_371 : i32
            scf.if %cond3A_372 {
              %eq3A_378 = arith.cmpi eq, %get3A_246, %squeeze3A : i32
              %mul3A_379 = arith.constant 2 : i32
              %mul3A_380 = arith.muli %mul3A_379, %arg1 : i32
              %mul3A_381 = arith.constant 2 : i32
              %mul3A_382 = arith.muli %mul3A_381, %arg1 : i32
              %add3A_383 = arith.constant 1 : i32
              %add3A_384 = arith.addi %mul3A_382, %add3A_383 : i32
              %select_n3A_385 = arith.select %eq3A_378, %mul3A_380, %add3A_384 : i32
              "tpu.region"() ({
                %run_scoped3A = tpu.sem_alloc : memref<!tpu.dma_semaphore, #tpu.memory_space<semaphore_mem>>
                %dma_start3A = arith.constant 0 : i32
                %dma_start3A_386 = tpu.memref_slice %arg5[%arg0, %select_n3A_385, %dma_start3A] : memref<2x32x96xf32, #tpu.memory_space<hbm>> -> memref<1x1x96xf32, #tpu.memory_space<hbm>>
                %dma_start3A_387 = tpu.memref_squeeze %dma_start3A_386 : memref<1x1x96xf32, #tpu.memory_space<hbm>> -> memref<96xf32, #tpu.memory_space<hbm>>
                %dma_start3A_388 = arith.constant 0 : i32
                %dma_start3A_389 = tpu.memref_slice %arg5[%arg0, %select_n3A_385, %dma_start3A_388] : memref<2x32x96xf32, #tpu.memory_space<hbm>> -> memref<1x1x96xf32, #tpu.memory_space<hbm>>
                %dma_start3A_390 = tpu.memref_squeeze %dma_start3A_389 : memref<1x1x96xf32, #tpu.memory_space<hbm>> -> memref<96xf32, #tpu.memory_space<hbm>>
                tpu.enqueue_dma source(%arg8 : memref<96xf32, #tpu.memory_space<vmem>>) target(%dma_start3A_390 : memref<96xf32, #tpu.memory_space<hbm>>) target_semaphore(%run_scoped3A : memref<!tpu.dma_semaphore, #tpu.memory_space<semaphore_mem>>)
                %dma_wait3A = arith.constant 0 : i32
                %dma_wait3A_391 = tpu.memref_slice %arg5[%arg0, %select_n3A_385, %dma_wait3A] : memref<2x32x96xf32, #tpu.memory_space<hbm>> -> memref<1x1x96xf32, #tpu.memory_space<hbm>>
                %dma_wait3A_392 = tpu.memref_squeeze %dma_wait3A_391 : memref<1x1x96xf32, #tpu.memory_space<hbm>> -> memref<96xf32, #tpu.memory_space<hbm>>
                %dma_wait3A_393 = arith.constant 0 : i32
                %dma_wait3A_394 = tpu.memref_slice %arg5[%arg0, %select_n3A_385, %dma_wait3A_393] : memref<2x32x96xf32, #tpu.memory_space<hbm>> -> memref<1x1x96xf32, #tpu.memory_space<hbm>>
                %dma_wait3A_395 = tpu.memref_squeeze %dma_wait3A_394 : memref<1x1x96xf32, #tpu.memory_space<hbm>> -> memref<96xf32, #tpu.memory_space<hbm>>
                tpu.wait_dma2 semaphore(%run_scoped3A : memref<!tpu.dma_semaphore, #tpu.memory_space<semaphore_mem>>) src(%arg8 : memref<96xf32, #tpu.memory_space<vmem>>) dst(%dma_wait3A_395 : memref<96xf32, #tpu.memory_space<hbm>>)
                tpu.yield
              }) : () -> ()
            } else {
            }
            %not3A_373 = arith.constant true
            %not3A_374 = arith.xori %or3A_369, %not3A_373 : i1
            %convert_element_type3A_375 = arith.extui %not3A_374 : i1 to i32
            %cond3A_376 = arith.constant 0 : i32
            %cond3A_377 = arith.cmpi ne, %convert_element_type3A_375, %cond3A_376 : i32
            scf.if %cond3A_377 {
              "tpu.region"() ({
                %run_scoped3A = tpu.sem_alloc : memref<!tpu.dma_semaphore, #tpu.memory_space<semaphore_mem>>
                %dma_start3A = arith.constant 0 : i32
                %dma_start3A_378 = tpu.memref_slice %arg4[%arg0, %get3A_246, %dma_start3A] : memref<2x1024x96xf32, #tpu.memory_space<hbm>> -> memref<1x1x96xf32, #tpu.memory_space<hbm>>
                %dma_start3A_379 = tpu.memref_squeeze %dma_start3A_378 : memref<1x1x96xf32, #tpu.memory_space<hbm>> -> memref<96xf32, #tpu.memory_space<hbm>>
                %dma_start3A_380 = arith.constant 0 : i32
                %dma_start3A_381 = tpu.memref_slice %arg4[%arg0, %get3A_246, %dma_start3A_380] : memref<2x1024x96xf32, #tpu.memory_space<hbm>> -> memref<1x1x96xf32, #tpu.memory_space<hbm>>
                %dma_start3A_382 = tpu.memref_squeeze %dma_start3A_381 : memref<1x1x96xf32, #tpu.memory_space<hbm>> -> memref<96xf32, #tpu.memory_space<hbm>>
                tpu.enqueue_dma source(%arg8 : memref<96xf32, #tpu.memory_space<vmem>>) target(%dma_start3A_382 : memref<96xf32, #tpu.memory_space<hbm>>) target_semaphore(%run_scoped3A : memref<!tpu.dma_semaphore, #tpu.memory_space<semaphore_mem>>)
                %dma_wait3A = arith.constant 0 : i32
                %dma_wait3A_383 = tpu.memref_slice %arg4[%arg0, %get3A_246, %dma_wait3A] : memref<2x1024x96xf32, #tpu.memory_space<hbm>> -> memref<1x1x96xf32, #tpu.memory_space<hbm>>
                %dma_wait3A_384 = tpu.memref_squeeze %dma_wait3A_383 : memref<1x1x96xf32, #tpu.memory_space<hbm>> -> memref<96xf32, #tpu.memory_space<hbm>>
                %dma_wait3A_385 = arith.constant 0 : i32
                %dma_wait3A_386 = tpu.memref_slice %arg4[%arg0, %get3A_246, %dma_wait3A_385] : memref<2x1024x96xf32, #tpu.memory_space<hbm>> -> memref<1x1x96xf32, #tpu.memory_space<hbm>>
                %dma_wait3A_387 = tpu.memref_squeeze %dma_wait3A_386 : memref<1x1x96xf32, #tpu.memory_space<hbm>> -> memref<96xf32, #tpu.memory_space<hbm>>
                tpu.wait_dma2 semaphore(%run_scoped3A : memref<!tpu.dma_semaphore, #tpu.memory_space<semaphore_mem>>) src(%arg8 : memref<96xf32, #tpu.memory_space<vmem>>) dst(%dma_wait3A_387 : memref<96xf32, #tpu.memory_space<hbm>>)
                tpu.yield
              }) : () -> ()
            } else {
            }
          } else {
          }
          %jit3A = arith.constant 0.000000e+00 : f32
          %select_n3A = arith.select %ne3A_262, %jit3A, %get3A_249 : f32
          %add3A_266 = arith.constant 1.600000e+01 : f32
          %add3A_267 = arith.addf %select_n3A, %add3A_266 : f32
          %broadcast_in_dim3A_268 = arith.constant 0.000000e+00 : f32
          %broadcast_in_dim3A_269 = vector.broadcast %broadcast_in_dim3A_268 : f32 to vector<16xf32>
          %select_n3A_270 = arith.select %ne3A_262, %broadcast_in_dim3A_269, %get3A_252 : vector<16xf32>
          %broadcast_in_dim3A_271 = arith.constant 0.000000e+00 : f32
          %broadcast_in_dim3A_272 = vector.broadcast %broadcast_in_dim3A_271 : f32 to vector<16xf32>
          %select_n3A_273 = arith.select %ne3A_262, %broadcast_in_dim3A_272, %get3A_255 : vector<16xf32>
          %broadcast_in_dim3A_274 = arith.constant 0xFF800000 : f32
          %broadcast_in_dim3A_275 = vector.broadcast %broadcast_in_dim3A_274 : f32 to vector<16xf32>
          %select_n3A_276 = arith.select %ne3A_262, %broadcast_in_dim3A_275, %get3A_258 : vector<16xf32>
          %broadcast_in_dim3A_277 = arith.constant 0x7F800000 : f32
          %broadcast_in_dim3A_278 = vector.broadcast %broadcast_in_dim3A_277 : f32 to vector<16xf32>
          %select_n3A_279 = arith.select %ne3A_262, %broadcast_in_dim3A_278, %get3A_261 : vector<16xf32>
          %add3A_280 = arith.addf %get3A_186, %get3A_193 : vector<16xf32>
          %add3A_281 = arith.addf %get3A_200, %get3A_207 : vector<16xf32>
          %add3A_282 = arith.addf %get3A_214, %get3A_221 : vector<16xf32>
          %add3A_283 = arith.addf %get3A_228, %get3A_235 : vector<16xf32>
          %add3A_284 = arith.addf %add3A_280, %add3A_281 : vector<16xf32>
          %add3A_285 = arith.addf %add3A_282, %add3A_283 : vector<16xf32>
          %add3A_286 = arith.addf %add3A_284, %add3A_285 : vector<16xf32>
          %add3A_287 = arith.addf %select_n3A_270, %add3A_286 : vector<16xf32>
          %mul3A_288 = arith.mulf %get3A_186, %get3A_186 : vector<16xf32>
          %mul3A_289 = arith.mulf %get3A_193, %get3A_193 : vector<16xf32>
          %add3A_290 = arith.addf %mul3A_288, %mul3A_289 : vector<16xf32>
          %mul3A_291 = arith.mulf %get3A_200, %get3A_200 : vector<16xf32>
          %mul3A_292 = arith.mulf %get3A_207, %get3A_207 : vector<16xf32>
          %add3A_293 = arith.addf %mul3A_291, %mul3A_292 : vector<16xf32>
          %mul3A_294 = arith.mulf %get3A_214, %get3A_214 : vector<16xf32>
          %mul3A_295 = arith.mulf %get3A_221, %get3A_221 : vector<16xf32>
          %add3A_296 = arith.addf %mul3A_294, %mul3A_295 : vector<16xf32>
          %mul3A_297 = arith.mulf %get3A_228, %get3A_228 : vector<16xf32>
          %mul3A_298 = arith.mulf %get3A_235, %get3A_235 : vector<16xf32>
          %add3A_299 = arith.addf %mul3A_297, %mul3A_298 : vector<16xf32>
          %add3A_300 = arith.addf %add3A_290, %add3A_293 : vector<16xf32>
          %add3A_301 = arith.addf %add3A_296, %add3A_299 : vector<16xf32>
          %add3A_302 = arith.addf %add3A_300, %add3A_301 : vector<16xf32>
          %add3A_303 = arith.addf %select_n3A_273, %add3A_302 : vector<16xf32>
          %max3A = arith.maximumf %get3A_186, %get3A_193 : vector<16xf32>
          %max3A_304 = arith.maximumf %get3A_200, %get3A_207 : vector<16xf32>
          %max3A_305 = arith.maximumf %get3A_214, %get3A_221 : vector<16xf32>
          %max3A_306 = arith.maximumf %get3A_228, %get3A_235 : vector<16xf32>
          %max3A_307 = arith.maximumf %max3A, %max3A_304 : vector<16xf32>
          %max3A_308 = arith.maximumf %max3A_305, %max3A_306 : vector<16xf32>
          %max3A_309 = arith.maximumf %max3A_307, %max3A_308 : vector<16xf32>
          %max3A_310 = arith.maximumf %select_n3A_276, %max3A_309 : vector<16xf32>
          %min3A = arith.minimumf %get3A_186, %get3A_193 : vector<16xf32>
          %min3A_311 = arith.minimumf %get3A_200, %get3A_207 : vector<16xf32>
          %min3A_312 = arith.minimumf %get3A_214, %get3A_221 : vector<16xf32>
          %min3A_313 = arith.minimumf %get3A_228, %get3A_235 : vector<16xf32>
          %min3A_314 = arith.minimumf %min3A, %min3A_311 : vector<16xf32>
          %min3A_315 = arith.minimumf %min3A_312, %min3A_313 : vector<16xf32>
          %min3A_316 = arith.minimumf %min3A_314, %min3A_315 : vector<16xf32>
          %min3A_317 = arith.minimumf %select_n3A_279, %min3A_316 : vector<16xf32>
          %swap3A_318 = arith.constant 0 : i32
          %swap3A_319 = arith.index_cast %swap3A_318 : i32 to index
          %swap3A_320 = memref.load %arg14[%swap3A_319] : memref<1xi32, #tpu.memory_space<smem>>
          memref.store %squeeze3A_177, %arg14[%swap3A_319] : memref<1xi32, #tpu.memory_space<smem>>
          %swap3A_321 = arith.constant 0 : i32
          %swap3A_322 = arith.index_cast %swap3A_321 : i32 to index
          %swap3A_323 = memref.load %arg15[%swap3A_322] : memref<1xf32, #tpu.memory_space<smem>>
          memref.store %add3A_267, %arg15[%swap3A_322] : memref<1xf32, #tpu.memory_space<smem>>
          %swap3A_324 = arith.constant 0 : index
          %swap3A_325 = tpu.vector_load %arg13[%swap3A_324] {strides = array<i32>} : memref<80xf32, #tpu.memory_space<vmem>>, vector<16xf32>,
          %swap3A_326 = vector.shape_cast %swap3A_325 : vector<16xf32> to vector<16xf32>
          %swap3A_327 = vector.shape_cast %add3A_287 : vector<16xf32> to vector<16xf32>
          tpu.vector_store %arg13[%swap3A_324], %swap3A_327 {strides = array<i32>} : memref<80xf32, #tpu.memory_space<vmem>>, vector<16xf32>,
          %swap3A_328 = arith.constant 16 : index
          %swap3A_329 = tpu.vector_load %arg13[%swap3A_328] {strides = array<i32>} : memref<80xf32, #tpu.memory_space<vmem>>, vector<16xf32>,
          %swap3A_330 = vector.shape_cast %swap3A_329 : vector<16xf32> to vector<16xf32>
          %swap3A_331 = vector.shape_cast %add3A_303 : vector<16xf32> to vector<16xf32>
          tpu.vector_store %arg13[%swap3A_328], %swap3A_331 {strides = array<i32>} : memref<80xf32, #tpu.memory_space<vmem>>, vector<16xf32>,
          %swap3A_332 = arith.constant 32 : index
          %swap3A_333 = tpu.vector_load %arg13[%swap3A_332] {strides = array<i32>} : memref<80xf32, #tpu.memory_space<vmem>>, vector<16xf32>,
          %swap3A_334 = vector.shape_cast %swap3A_333 : vector<16xf32> to vector<16xf32>
          %swap3A_335 = vector.shape_cast %max3A_310 : vector<16xf32> to vector<16xf32>
          tpu.vector_store %arg13[%swap3A_332], %swap3A_335 {strides = array<i32>} : memref<80xf32, #tpu.memory_space<vmem>>, vector<16xf32>,
          %swap3A_336 = arith.constant 48 : index
          %swap3A_337 = tpu.vector_load %arg13[%swap3A_336] {strides = array<i32>} : memref<80xf32, #tpu.memory_space<vmem>>, vector<16xf32>,
          %swap3A_338 = vector.shape_cast %swap3A_337 : vector<16xf32> to vector<16xf32>
          %swap3A_339 = vector.shape_cast %min3A_317 : vector<16xf32> to vector<16xf32>
          tpu.vector_store %arg13[%swap3A_336], %swap3A_339 {strides = array<i32>} : memref<80xf32, #tpu.memory_space<vmem>>, vector<16xf32>,
        } else {
        }
        %ne3A = arith.cmpi ne, %squeeze3A_177, %squeeze3A_179 : i32
        %convert_element_type3A_240 = arith.extui %ne3A : i1 to i32
        %cond3A_241 = arith.constant 0 : i32
        %cond3A_242 = arith.cmpi ne, %convert_element_type3A_240, %cond3A_241 : i32
        scf.if %cond3A_242 {
          %get3A_244 = arith.constant 0 : i32
          %get3A_245 = arith.index_cast %get3A_244 : i32 to index
          %get3A_246 = memref.load %arg14[%get3A_245] : memref<1xi32, #tpu.memory_space<smem>>
          %get3A_247 = arith.constant 0 : i32
          %get3A_248 = arith.index_cast %get3A_247 : i32 to index
          %get3A_249 = memref.load %arg15[%get3A_248] : memref<1xf32, #tpu.memory_space<smem>>
          %get3A_250 = arith.constant 0 : index
          %get3A_251 = tpu.vector_load %arg13[%get3A_250] {strides = array<i32>} : memref<80xf32, #tpu.memory_space<vmem>>, vector<16xf32>,
          %get3A_252 = vector.shape_cast %get3A_251 : vector<16xf32> to vector<16xf32>
          %get3A_253 = arith.constant 16 : index
          %get3A_254 = tpu.vector_load %arg13[%get3A_253] {strides = array<i32>} : memref<80xf32, #tpu.memory_space<vmem>>, vector<16xf32>,
          %get3A_255 = vector.shape_cast %get3A_254 : vector<16xf32> to vector<16xf32>
          %get3A_256 = arith.constant 32 : index
          %get3A_257 = tpu.vector_load %arg13[%get3A_256] {strides = array<i32>} : memref<80xf32, #tpu.memory_space<vmem>>, vector<16xf32>,
          %get3A_258 = vector.shape_cast %get3A_257 : vector<16xf32> to vector<16xf32>
          %get3A_259 = arith.constant 48 : index
          %get3A_260 = tpu.vector_load %arg13[%get3A_259] {strides = array<i32>} : memref<80xf32, #tpu.memory_space<vmem>>, vector<16xf32>,
          %get3A_261 = vector.shape_cast %get3A_260 : vector<16xf32> to vector<16xf32>
          %iota3A = tpu.iota {dimensions = array<i32: 0>} : vector<16xi32>
          %lt3A = arith.constant 8 : i32
          %lt3A_262 = vector.broadcast %lt3A : i32 to vector<16xi32>
          %lt3A_263 = arith.cmpi slt, %iota3A, %lt3A_262 : vector<16xi32>
          %ge3A = arith.constant 8 : i32
          %ge3A_264 = vector.broadcast %ge3A : i32 to vector<16xi32>
          %ge3A_265 = arith.cmpi sge, %iota3A, %ge3A_264 : vector<16xi32>
          %slice3A_266 = vector.extract_strided_slice %get3A_175 {offsets = [0], sizes = [1], strides = [1]} : vector<16xi32> to vector<1xi32>
          %squeeze3A_267 = vector.extract %slice3A_266[0] : i32 from vector<1xi32>
          %ne3A_268 = arith.cmpi ne, %squeeze3A_267, %get3A_246 : i32
          %convert_element_type3A_269 = arith.extui %ne3A_268 : i1 to i32
          %cond3A_270 = arith.constant 0 : i32
          %cond3A_271 = arith.cmpi ne, %convert_element_type3A_269, %cond3A_270 : i32
          scf.if %cond3A_271 {
            %swap3A_780 = arith.constant 0 : index
            %swap3A_781 = tpu.vector_load %arg8[%swap3A_780] {strides = array<i32>} : memref<96xf32, #tpu.memory_space<vmem>>, vector<16xf32>,
            %swap3A_782 = vector.shape_cast %swap3A_781 : vector<16xf32> to vector<16xf32>
            %swap3A_783 = vector.shape_cast %get3A_252 : vector<16xf32> to vector<16xf32>
            tpu.vector_store %arg8[%swap3A_780], %swap3A_783 {strides = array<i32>} : memref<96xf32, #tpu.memory_space<vmem>>, vector<16xf32>,
            %swap3A_784 = arith.constant 16 : index
            %swap3A_785 = tpu.vector_load %arg8[%swap3A_784] {strides = array<i32>} : memref<96xf32, #tpu.memory_space<vmem>>, vector<16xf32>,
            %swap3A_786 = vector.shape_cast %swap3A_785 : vector<16xf32> to vector<16xf32>
            %swap3A_787 = vector.shape_cast %get3A_255 : vector<16xf32> to vector<16xf32>
            tpu.vector_store %arg8[%swap3A_784], %swap3A_787 {strides = array<i32>} : memref<96xf32, #tpu.memory_space<vmem>>, vector<16xf32>,
            %swap3A_788 = arith.constant 32 : index
            %swap3A_789 = tpu.vector_load %arg8[%swap3A_788] {strides = array<i32>} : memref<96xf32, #tpu.memory_space<vmem>>, vector<16xf32>,
            %swap3A_790 = vector.shape_cast %swap3A_789 : vector<16xf32> to vector<16xf32>
            %swap3A_791 = vector.shape_cast %get3A_258 : vector<16xf32> to vector<16xf32>
            tpu.vector_store %arg8[%swap3A_788], %swap3A_791 {strides = array<i32>} : memref<96xf32, #tpu.memory_space<vmem>>, vector<16xf32>,
            %swap3A_792 = arith.constant 48 : index
            %swap3A_793 = tpu.vector_load %arg8[%swap3A_792] {strides = array<i32>} : memref<96xf32, #tpu.memory_space<vmem>>, vector<16xf32>,
            %swap3A_794 = vector.shape_cast %swap3A_793 : vector<16xf32> to vector<16xf32>
            %swap3A_795 = vector.shape_cast %get3A_261 : vector<16xf32> to vector<16xf32>
            tpu.vector_store %arg8[%swap3A_792], %swap3A_795 {strides = array<i32>} : memref<96xf32, #tpu.memory_space<vmem>>, vector<16xf32>,
            %broadcast_in_dim3A_796 = vector.broadcast %get3A_249 : f32 to vector<16xf32>
            %swap3A_797 = arith.constant 64 : index
            %swap3A_798 = tpu.vector_load %arg8[%swap3A_797] {strides = array<i32>} : memref<96xf32, #tpu.memory_space<vmem>>, vector<16xf32>,
            %swap3A_799 = vector.shape_cast %swap3A_798 : vector<16xf32> to vector<16xf32>
            %swap3A_800 = vector.shape_cast %broadcast_in_dim3A_796 : vector<16xf32> to vector<16xf32>
            tpu.vector_store %arg8[%swap3A_797], %swap3A_800 {strides = array<i32>} : memref<96xf32, #tpu.memory_space<vmem>>, vector<16xf32>,
            %convert_element_type3A_801 = arith.sitofp %get3A_246 : i32 to f32
            %broadcast_in_dim3A_802 = vector.broadcast %convert_element_type3A_801 : f32 to vector<16xf32>
            %swap3A_803 = arith.constant 80 : index
            %swap3A_804 = tpu.vector_load %arg8[%swap3A_803] {strides = array<i32>} : memref<96xf32, #tpu.memory_space<vmem>>, vector<16xf32>,
            %swap3A_805 = vector.shape_cast %swap3A_804 : vector<16xf32> to vector<16xf32>
            %swap3A_806 = vector.shape_cast %broadcast_in_dim3A_802 : vector<16xf32> to vector<16xf32>
            tpu.vector_store %arg8[%swap3A_803], %swap3A_806 {strides = array<i32>} : memref<96xf32, #tpu.memory_space<vmem>>, vector<16xf32>,
            %eq3A_807 = arith.cmpi eq, %get3A_246, %squeeze3A : i32
            %eq3A_808 = arith.cmpi eq, %get3A_246, %squeeze3A_60 : i32
            %or3A_809 = arith.ori %eq3A_807, %eq3A_808 : i1
            %convert_element_type3A_810 = arith.extui %or3A_809 : i1 to i32
            %cond3A_811 = arith.constant 0 : i32
            %cond3A_812 = arith.cmpi ne, %convert_element_type3A_810, %cond3A_811 : i32
            scf.if %cond3A_812 {
              %eq3A_818 = arith.cmpi eq, %get3A_246, %squeeze3A : i32
              %mul3A_819 = arith.constant 2 : i32
              %mul3A_820 = arith.muli %mul3A_819, %arg1 : i32
              %mul3A_821 = arith.constant 2 : i32
              %mul3A_822 = arith.muli %mul3A_821, %arg1 : i32
              %add3A_823 = arith.constant 1 : i32
              %add3A_824 = arith.addi %mul3A_822, %add3A_823 : i32
              %select_n3A_825 = arith.select %eq3A_818, %mul3A_820, %add3A_824 : i32
              "tpu.region"() ({
                %run_scoped3A = tpu.sem_alloc : memref<!tpu.dma_semaphore, #tpu.memory_space<semaphore_mem>>
                %dma_start3A = arith.constant 0 : i32
                %dma_start3A_826 = tpu.memref_slice %arg5[%arg0, %select_n3A_825, %dma_start3A] : memref<2x32x96xf32, #tpu.memory_space<hbm>> -> memref<1x1x96xf32, #tpu.memory_space<hbm>>
                %dma_start3A_827 = tpu.memref_squeeze %dma_start3A_826 : memref<1x1x96xf32, #tpu.memory_space<hbm>> -> memref<96xf32, #tpu.memory_space<hbm>>
                %dma_start3A_828 = arith.constant 0 : i32
                %dma_start3A_829 = tpu.memref_slice %arg5[%arg0, %select_n3A_825, %dma_start3A_828] : memref<2x32x96xf32, #tpu.memory_space<hbm>> -> memref<1x1x96xf32, #tpu.memory_space<hbm>>
                %dma_start3A_830 = tpu.memref_squeeze %dma_start3A_829 : memref<1x1x96xf32, #tpu.memory_space<hbm>> -> memref<96xf32, #tpu.memory_space<hbm>>
                tpu.enqueue_dma source(%arg8 : memref<96xf32, #tpu.memory_space<vmem>>) target(%dma_start3A_830 : memref<96xf32, #tpu.memory_space<hbm>>) target_semaphore(%run_scoped3A : memref<!tpu.dma_semaphore, #tpu.memory_space<semaphore_mem>>)
                %dma_wait3A = arith.constant 0 : i32
                %dma_wait3A_831 = tpu.memref_slice %arg5[%arg0, %select_n3A_825, %dma_wait3A] : memref<2x32x96xf32, #tpu.memory_space<hbm>> -> memref<1x1x96xf32, #tpu.memory_space<hbm>>
                %dma_wait3A_832 = tpu.memref_squeeze %dma_wait3A_831 : memref<1x1x96xf32, #tpu.memory_space<hbm>> -> memref<96xf32, #tpu.memory_space<hbm>>
                %dma_wait3A_833 = arith.constant 0 : i32
                %dma_wait3A_834 = tpu.memref_slice %arg5[%arg0, %select_n3A_825, %dma_wait3A_833] : memref<2x32x96xf32, #tpu.memory_space<hbm>> -> memref<1x1x96xf32, #tpu.memory_space<hbm>>
                %dma_wait3A_835 = tpu.memref_squeeze %dma_wait3A_834 : memref<1x1x96xf32, #tpu.memory_space<hbm>> -> memref<96xf32, #tpu.memory_space<hbm>>
                tpu.wait_dma2 semaphore(%run_scoped3A : memref<!tpu.dma_semaphore, #tpu.memory_space<semaphore_mem>>) src(%arg8 : memref<96xf32, #tpu.memory_space<vmem>>) dst(%dma_wait3A_835 : memref<96xf32, #tpu.memory_space<hbm>>)
                tpu.yield
              }) : () -> ()
            } else {
            }
            %not3A_813 = arith.constant true
            %not3A_814 = arith.xori %or3A_809, %not3A_813 : i1
            %convert_element_type3A_815 = arith.extui %not3A_814 : i1 to i32
            %cond3A_816 = arith.constant 0 : i32
            %cond3A_817 = arith.cmpi ne, %convert_element_type3A_815, %cond3A_816 : i32
            scf.if %cond3A_817 {
              "tpu.region"() ({
                %run_scoped3A = tpu.sem_alloc : memref<!tpu.dma_semaphore, #tpu.memory_space<semaphore_mem>>
                %dma_start3A = arith.constant 0 : i32
                %dma_start3A_818 = tpu.memref_slice %arg4[%arg0, %get3A_246, %dma_start3A] : memref<2x1024x96xf32, #tpu.memory_space<hbm>> -> memref<1x1x96xf32, #tpu.memory_space<hbm>>
                %dma_start3A_819 = tpu.memref_squeeze %dma_start3A_818 : memref<1x1x96xf32, #tpu.memory_space<hbm>> -> memref<96xf32, #tpu.memory_space<hbm>>
                %dma_start3A_820 = arith.constant 0 : i32
                %dma_start3A_821 = tpu.memref_slice %arg4[%arg0, %get3A_246, %dma_start3A_820] : memref<2x1024x96xf32, #tpu.memory_space<hbm>> -> memref<1x1x96xf32, #tpu.memory_space<hbm>>
                %dma_start3A_822 = tpu.memref_squeeze %dma_start3A_821 : memref<1x1x96xf32, #tpu.memory_space<hbm>> -> memref<96xf32, #tpu.memory_space<hbm>>
                tpu.enqueue_dma source(%arg8 : memref<96xf32, #tpu.memory_space<vmem>>) target(%dma_start3A_822 : memref<96xf32, #tpu.memory_space<hbm>>) target_semaphore(%run_scoped3A : memref<!tpu.dma_semaphore, #tpu.memory_space<semaphore_mem>>)
                %dma_wait3A = arith.constant 0 : i32
                %dma_wait3A_823 = tpu.memref_slice %arg4[%arg0, %get3A_246, %dma_wait3A] : memref<2x1024x96xf32, #tpu.memory_space<hbm>> -> memref<1x1x96xf32, #tpu.memory_space<hbm>>
                %dma_wait3A_824 = tpu.memref_squeeze %dma_wait3A_823 : memref<1x1x96xf32, #tpu.memory_space<hbm>> -> memref<96xf32, #tpu.memory_space<hbm>>
                %dma_wait3A_825 = arith.constant 0 : i32
                %dma_wait3A_826 = tpu.memref_slice %arg4[%arg0, %get3A_246, %dma_wait3A_825] : memref<2x1024x96xf32, #tpu.memory_space<hbm>> -> memref<1x1x96xf32, #tpu.memory_space<hbm>>
                %dma_wait3A_827 = tpu.memref_squeeze %dma_wait3A_826 : memref<1x1x96xf32, #tpu.memory_space<hbm>> -> memref<96xf32, #tpu.memory_space<hbm>>
                tpu.wait_dma2 semaphore(%run_scoped3A : memref<!tpu.dma_semaphore, #tpu.memory_space<semaphore_mem>>) src(%arg8 : memref<96xf32, #tpu.memory_space<vmem>>) dst(%dma_wait3A_827 : memref<96xf32, #tpu.memory_space<hbm>>)
                tpu.yield
              }) : () -> ()
            } else {
            }
          } else {
          }
          %jit3A = arith.constant 0.000000e+00 : f32
          %select_n3A = arith.select %ne3A_268, %jit3A, %get3A_249 : f32
          %add3A_272 = arith.constant 1.000000e+00 : f32
          %add3A_273 = arith.addf %select_n3A, %add3A_272 : f32
          %broadcast_in_dim3A_274 = arith.constant 0.000000e+00 : f32
          %broadcast_in_dim3A_275 = vector.broadcast %broadcast_in_dim3A_274 : f32 to vector<16xf32>
          %select_n3A_276 = arith.select %ne3A_268, %broadcast_in_dim3A_275, %get3A_252 : vector<16xf32>
          %broadcast_in_dim3A_277 = arith.constant 0.000000e+00 : f32
          %broadcast_in_dim3A_278 = vector.broadcast %broadcast_in_dim3A_277 : f32 to vector<16xf32>
          %select_n3A_279 = arith.select %ne3A_268, %broadcast_in_dim3A_278, %get3A_255 : vector<16xf32>
          %broadcast_in_dim3A_280 = arith.constant 0xFF800000 : f32
          %broadcast_in_dim3A_281 = vector.broadcast %broadcast_in_dim3A_280 : f32 to vector<16xf32>
          %select_n3A_282 = arith.select %ne3A_268, %broadcast_in_dim3A_281, %get3A_258 : vector<16xf32>
          %broadcast_in_dim3A_283 = arith.constant 0x7F800000 : f32
          %broadcast_in_dim3A_284 = vector.broadcast %broadcast_in_dim3A_283 : f32 to vector<16xf32>
          %select_n3A_285 = arith.select %ne3A_268, %broadcast_in_dim3A_284, %get3A_261 : vector<16xf32>
          %add3A_286 = arith.addf %select_n3A_276, %get3A_186 : vector<16xf32>
          %select_n3A_287 = arith.select %lt3A_263, %add3A_286, %select_n3A_276 : vector<16xi1>, vector<16xf32>
          %mul3A_288 = arith.mulf %get3A_186, %get3A_186 : vector<16xf32>
          %add3A_289 = arith.addf %select_n3A_279, %mul3A_288 : vector<16xf32>
          %select_n3A_290 = arith.select %lt3A_263, %add3A_289, %select_n3A_279 : vector<16xi1>, vector<16xf32>
          %max3A = arith.maximumf %select_n3A_282, %get3A_186 : vector<16xf32>
          %select_n3A_291 = arith.select %lt3A_263, %max3A, %select_n3A_282 : vector<16xi1>, vector<16xf32>
          %min3A = arith.minimumf %select_n3A_285, %get3A_186 : vector<16xf32>
          %select_n3A_292 = arith.select %lt3A_263, %min3A, %select_n3A_285 : vector<16xi1>, vector<16xf32>
          %slice3A_293 = vector.extract_strided_slice %get3A_175 {offsets = [1], sizes = [1], strides = [1]} : vector<16xi32> to vector<1xi32>
          %squeeze3A_294 = vector.extract %slice3A_293[0] : i32 from vector<1xi32>
          %ne3A_295 = arith.cmpi ne, %squeeze3A_294, %squeeze3A_267 : i32
          %convert_element_type3A_296 = arith.extui %ne3A_295 : i1 to i32
          %cond3A_297 = arith.constant 0 : i32
          %cond3A_298 = arith.cmpi ne, %convert_element_type3A_296, %cond3A_297 : i32
          scf.if %cond3A_298 {
            %swap3A_780 = arith.constant 0 : index
            %swap3A_781 = tpu.vector_load %arg8[%swap3A_780] {strides = array<i32>} : memref<96xf32, #tpu.memory_space<vmem>>, vector<16xf32>,
            %swap3A_782 = vector.shape_cast %swap3A_781 : vector<16xf32> to vector<16xf32>
            %swap3A_783 = vector.shape_cast %select_n3A_287 : vector<16xf32> to vector<16xf32>
            tpu.vector_store %arg8[%swap3A_780], %swap3A_783 {strides = array<i32>} : memref<96xf32, #tpu.memory_space<vmem>>, vector<16xf32>,
            %swap3A_784 = arith.constant 16 : index
            %swap3A_785 = tpu.vector_load %arg8[%swap3A_784] {strides = array<i32>} : memref<96xf32, #tpu.memory_space<vmem>>, vector<16xf32>,
            %swap3A_786 = vector.shape_cast %swap3A_785 : vector<16xf32> to vector<16xf32>
            %swap3A_787 = vector.shape_cast %select_n3A_290 : vector<16xf32> to vector<16xf32>
            tpu.vector_store %arg8[%swap3A_784], %swap3A_787 {strides = array<i32>} : memref<96xf32, #tpu.memory_space<vmem>>, vector<16xf32>,
            %swap3A_788 = arith.constant 32 : index
            %swap3A_789 = tpu.vector_load %arg8[%swap3A_788] {strides = array<i32>} : memref<96xf32, #tpu.memory_space<vmem>>, vector<16xf32>,
            %swap3A_790 = vector.shape_cast %swap3A_789 : vector<16xf32> to vector<16xf32>
            %swap3A_791 = vector.shape_cast %select_n3A_291 : vector<16xf32> to vector<16xf32>
            tpu.vector_store %arg8[%swap3A_788], %swap3A_791 {strides = array<i32>} : memref<96xf32, #tpu.memory_space<vmem>>, vector<16xf32>,
            %swap3A_792 = arith.constant 48 : index
            %swap3A_793 = tpu.vector_load %arg8[%swap3A_792] {strides = array<i32>} : memref<96xf32, #tpu.memory_space<vmem>>, vector<16xf32>,
            %swap3A_794 = vector.shape_cast %swap3A_793 : vector<16xf32> to vector<16xf32>
            %swap3A_795 = vector.shape_cast %select_n3A_292 : vector<16xf32> to vector<16xf32>
            tpu.vector_store %arg8[%swap3A_792], %swap3A_795 {strides = array<i32>} : memref<96xf32, #tpu.memory_space<vmem>>, vector<16xf32>,
            %broadcast_in_dim3A_796 = vector.broadcast %add3A_273 : f32 to vector<16xf32>
            %swap3A_797 = arith.constant 64 : index
            %swap3A_798 = tpu.vector_load %arg8[%swap3A_797] {strides = array<i32>} : memref<96xf32, #tpu.memory_space<vmem>>, vector<16xf32>,
            %swap3A_799 = vector.shape_cast %swap3A_798 : vector<16xf32> to vector<16xf32>
            %swap3A_800 = vector.shape_cast %broadcast_in_dim3A_796 : vector<16xf32> to vector<16xf32>
            tpu.vector_store %arg8[%swap3A_797], %swap3A_800 {strides = array<i32>} : memref<96xf32, #tpu.memory_space<vmem>>, vector<16xf32>,
            %convert_element_type3A_801 = arith.sitofp %squeeze3A_267 : i32 to f32
            %broadcast_in_dim3A_802 = vector.broadcast %convert_element_type3A_801 : f32 to vector<16xf32>
            %swap3A_803 = arith.constant 80 : index
            %swap3A_804 = tpu.vector_load %arg8[%swap3A_803] {strides = array<i32>} : memref<96xf32, #tpu.memory_space<vmem>>, vector<16xf32>,
            %swap3A_805 = vector.shape_cast %swap3A_804 : vector<16xf32> to vector<16xf32>
            %swap3A_806 = vector.shape_cast %broadcast_in_dim3A_802 : vector<16xf32> to vector<16xf32>
            tpu.vector_store %arg8[%swap3A_803], %swap3A_806 {strides = array<i32>} : memref<96xf32, #tpu.memory_space<vmem>>, vector<16xf32>,
            %eq3A_807 = arith.cmpi eq, %squeeze3A_267, %squeeze3A : i32
            %eq3A_808 = arith.cmpi eq, %squeeze3A_267, %squeeze3A_60 : i32
            %or3A_809 = arith.ori %eq3A_807, %eq3A_808 : i1
            %convert_element_type3A_810 = arith.extui %or3A_809 : i1 to i32
            %cond3A_811 = arith.constant 0 : i32
            %cond3A_812 = arith.cmpi ne, %convert_element_type3A_810, %cond3A_811 : i32
            scf.if %cond3A_812 {
              %eq3A_818 = arith.cmpi eq, %squeeze3A_267, %squeeze3A : i32
              %mul3A_819 = arith.constant 2 : i32
              %mul3A_820 = arith.muli %mul3A_819, %arg1 : i32
              %mul3A_821 = arith.constant 2 : i32
              %mul3A_822 = arith.muli %mul3A_821, %arg1 : i32
              %add3A_823 = arith.constant 1 : i32
              %add3A_824 = arith.addi %mul3A_822, %add3A_823 : i32
              %select_n3A_825 = arith.select %eq3A_818, %mul3A_820, %add3A_824 : i32
              "tpu.region"() ({
                %run_scoped3A = tpu.sem_alloc : memref<!tpu.dma_semaphore, #tpu.memory_space<semaphore_mem>>
                %dma_start3A = arith.constant 0 : i32
                %dma_start3A_826 = tpu.memref_slice %arg5[%arg0, %select_n3A_825, %dma_start3A] : memref<2x32x96xf32, #tpu.memory_space<hbm>> -> memref<1x1x96xf32, #tpu.memory_space<hbm>>
                %dma_start3A_827 = tpu.memref_squeeze %dma_start3A_826 : memref<1x1x96xf32, #tpu.memory_space<hbm>> -> memref<96xf32, #tpu.memory_space<hbm>>
                %dma_start3A_828 = arith.constant 0 : i32
                %dma_start3A_829 = tpu.memref_slice %arg5[%arg0, %select_n3A_825, %dma_start3A_828] : memref<2x32x96xf32, #tpu.memory_space<hbm>> -> memref<1x1x96xf32, #tpu.memory_space<hbm>>
                %dma_start3A_830 = tpu.memref_squeeze %dma_start3A_829 : memref<1x1x96xf32, #tpu.memory_space<hbm>> -> memref<96xf32, #tpu.memory_space<hbm>>
                tpu.enqueue_dma source(%arg8 : memref<96xf32, #tpu.memory_space<vmem>>) target(%dma_start3A_830 : memref<96xf32, #tpu.memory_space<hbm>>) target_semaphore(%run_scoped3A : memref<!tpu.dma_semaphore, #tpu.memory_space<semaphore_mem>>)
                %dma_wait3A = arith.constant 0 : i32
                %dma_wait3A_831 = tpu.memref_slice %arg5[%arg0, %select_n3A_825, %dma_wait3A] : memref<2x32x96xf32, #tpu.memory_space<hbm>> -> memref<1x1x96xf32, #tpu.memory_space<hbm>>
                %dma_wait3A_832 = tpu.memref_squeeze %dma_wait3A_831 : memref<1x1x96xf32, #tpu.memory_space<hbm>> -> memref<96xf32, #tpu.memory_space<hbm>>
                %dma_wait3A_833 = arith.constant 0 : i32
                %dma_wait3A_834 = tpu.memref_slice %arg5[%arg0, %select_n3A_825, %dma_wait3A_833] : memref<2x32x96xf32, #tpu.memory_space<hbm>> -> memref<1x1x96xf32, #tpu.memory_space<hbm>>
                %dma_wait3A_835 = tpu.memref_squeeze %dma_wait3A_834 : memref<1x1x96xf32, #tpu.memory_space<hbm>> -> memref<96xf32, #tpu.memory_space<hbm>>
                tpu.wait_dma2 semaphore(%run_scoped3A : memref<!tpu.dma_semaphore, #tpu.memory_space<semaphore_mem>>) src(%arg8 : memref<96xf32, #tpu.memory_space<vmem>>) dst(%dma_wait3A_835 : memref<96xf32, #tpu.memory_space<hbm>>)
                tpu.yield
              }) : () -> ()
            } else {
            }
            %not3A_813 = arith.constant true
            %not3A_814 = arith.xori %or3A_809, %not3A_813 : i1
            %convert_element_type3A_815 = arith.extui %not3A_814 : i1 to i32
            %cond3A_816 = arith.constant 0 : i32
            %cond3A_817 = arith.cmpi ne, %convert_element_type3A_815, %cond3A_816 : i32
            scf.if %cond3A_817 {
              "tpu.region"() ({
                %run_scoped3A = tpu.sem_alloc : memref<!tpu.dma_semaphore, #tpu.memory_space<semaphore_mem>>
                %dma_start3A = arith.constant 0 : i32
                %dma_start3A_818 = tpu.memref_slice %arg4[%arg0, %squeeze3A_267, %dma_start3A] : memref<2x1024x96xf32, #tpu.memory_space<hbm>> -> memref<1x1x96xf32, #tpu.memory_space<hbm>>
                %dma_start3A_819 = tpu.memref_squeeze %dma_start3A_818 : memref<1x1x96xf32, #tpu.memory_space<hbm>> -> memref<96xf32, #tpu.memory_space<hbm>>
                %dma_start3A_820 = arith.constant 0 : i32
                %dma_start3A_821 = tpu.memref_slice %arg4[%arg0, %squeeze3A_267, %dma_start3A_820] : memref<2x1024x96xf32, #tpu.memory_space<hbm>> -> memref<1x1x96xf32, #tpu.memory_space<hbm>>
                %dma_start3A_822 = tpu.memref_squeeze %dma_start3A_821 : memref<1x1x96xf32, #tpu.memory_space<hbm>> -> memref<96xf32, #tpu.memory_space<hbm>>
                tpu.enqueue_dma source(%arg8 : memref<96xf32, #tpu.memory_space<vmem>>) target(%dma_start3A_822 : memref<96xf32, #tpu.memory_space<hbm>>) target_semaphore(%run_scoped3A : memref<!tpu.dma_semaphore, #tpu.memory_space<semaphore_mem>>)
                %dma_wait3A = arith.constant 0 : i32
                %dma_wait3A_823 = tpu.memref_slice %arg4[%arg0, %squeeze3A_267, %dma_wait3A] : memref<2x1024x96xf32, #tpu.memory_space<hbm>> -> memref<1x1x96xf32, #tpu.memory_space<hbm>>
                %dma_wait3A_824 = tpu.memref_squeeze %dma_wait3A_823 : memref<1x1x96xf32, #tpu.memory_space<hbm>> -> memref<96xf32, #tpu.memory_space<hbm>>
                %dma_wait3A_825 = arith.constant 0 : i32
                %dma_wait3A_826 = tpu.memref_slice %arg4[%arg0, %squeeze3A_267, %dma_wait3A_825] : memref<2x1024x96xf32, #tpu.memory_space<hbm>> -> memref<1x1x96xf32, #tpu.memory_space<hbm>>
                %dma_wait3A_827 = tpu.memref_squeeze %dma_wait3A_826 : memref<1x1x96xf32, #tpu.memory_space<hbm>> -> memref<96xf32, #tpu.memory_space<hbm>>
                tpu.wait_dma2 semaphore(%run_scoped3A : memref<!tpu.dma_semaphore, #tpu.memory_space<semaphore_mem>>) src(%arg8 : memref<96xf32, #tpu.memory_space<vmem>>) dst(%dma_wait3A_827 : memref<96xf32, #tpu.memory_space<hbm>>)
                tpu.yield
              }) : () -> ()
            } else {
            }
          } else {
          }
          %jit3A_299 = arith.constant 0.000000e+00 : f32
          %select_n3A_300 = arith.select %ne3A_295, %jit3A_299, %add3A_273 : f32
          %add3A_301 = arith.constant 1.000000e+00 : f32
          %add3A_302 = arith.addf %select_n3A_300, %add3A_301 : f32
          %broadcast_in_dim3A_303 = arith.constant 0.000000e+00 : f32
          %broadcast_in_dim3A_304 = vector.broadcast %broadcast_in_dim3A_303 : f32 to vector<16xf32>
          %select_n3A_305 = arith.select %ne3A_295, %broadcast_in_dim3A_304, %select_n3A_287 : vector<16xf32>
          %broadcast_in_dim3A_306 = arith.constant 0.000000e+00 : f32
          %broadcast_in_dim3A_307 = vector.broadcast %broadcast_in_dim3A_306 : f32 to vector<16xf32>
          %select_n3A_308 = arith.select %ne3A_295, %broadcast_in_dim3A_307, %select_n3A_290 : vector<16xf32>
          %broadcast_in_dim3A_309 = arith.constant 0xFF800000 : f32
          %broadcast_in_dim3A_310 = vector.broadcast %broadcast_in_dim3A_309 : f32 to vector<16xf32>
          %select_n3A_311 = arith.select %ne3A_295, %broadcast_in_dim3A_310, %select_n3A_291 : vector<16xf32>
          %broadcast_in_dim3A_312 = arith.constant 0x7F800000 : f32
          %broadcast_in_dim3A_313 = vector.broadcast %broadcast_in_dim3A_312 : f32 to vector<16xf32>
          %select_n3A_314 = arith.select %ne3A_295, %broadcast_in_dim3A_313, %select_n3A_292 : vector<16xf32>
          %add3A_315 = arith.addf %select_n3A_305, %get3A_186 : vector<16xf32>
          %select_n3A_316 = arith.select %ge3A_265, %add3A_315, %select_n3A_305 : vector<16xi1>, vector<16xf32>
          %mul3A_317 = arith.mulf %get3A_186, %get3A_186 : vector<16xf32>
          %add3A_318 = arith.addf %select_n3A_308, %mul3A_317 : vector<16xf32>
          %select_n3A_319 = arith.select %ge3A_265, %add3A_318, %select_n3A_308 : vector<16xi1>, vector<16xf32>
          %max3A_320 = arith.maximumf %select_n3A_311, %get3A_186 : vector<16xf32>
          %select_n3A_321 = arith.select %ge3A_265, %max3A_320, %select_n3A_311 : vector<16xi1>, vector<16xf32>
          %min3A_322 = arith.minimumf %select_n3A_314, %get3A_186 : vector<16xf32>
          %select_n3A_323 = arith.select %ge3A_265, %min3A_322, %select_n3A_314 : vector<16xi1>, vector<16xf32>
          %slice3A_324 = vector.extract_strided_slice %get3A_175 {offsets = [2], sizes = [1], strides = [1]} : vector<16xi32> to vector<1xi32>
          %squeeze3A_325 = vector.extract %slice3A_324[0] : i32 from vector<1xi32>
          %ne3A_326 = arith.cmpi ne, %squeeze3A_325, %squeeze3A_294 : i32
          %convert_element_type3A_327 = arith.extui %ne3A_326 : i1 to i32
          %cond3A_328 = arith.constant 0 : i32
          %cond3A_329 = arith.cmpi ne, %convert_element_type3A_327, %cond3A_328 : i32
          scf.if %cond3A_329 {
            %swap3A_780 = arith.constant 0 : index
            %swap3A_781 = tpu.vector_load %arg8[%swap3A_780] {strides = array<i32>} : memref<96xf32, #tpu.memory_space<vmem>>, vector<16xf32>,
            %swap3A_782 = vector.shape_cast %swap3A_781 : vector<16xf32> to vector<16xf32>
            %swap3A_783 = vector.shape_cast %select_n3A_316 : vector<16xf32> to vector<16xf32>
            tpu.vector_store %arg8[%swap3A_780], %swap3A_783 {strides = array<i32>} : memref<96xf32, #tpu.memory_space<vmem>>, vector<16xf32>,
            %swap3A_784 = arith.constant 16 : index
            %swap3A_785 = tpu.vector_load %arg8[%swap3A_784] {strides = array<i32>} : memref<96xf32, #tpu.memory_space<vmem>>, vector<16xf32>,
            %swap3A_786 = vector.shape_cast %swap3A_785 : vector<16xf32> to vector<16xf32>
            %swap3A_787 = vector.shape_cast %select_n3A_319 : vector<16xf32> to vector<16xf32>
            tpu.vector_store %arg8[%swap3A_784], %swap3A_787 {strides = array<i32>} : memref<96xf32, #tpu.memory_space<vmem>>, vector<16xf32>,
            %swap3A_788 = arith.constant 32 : index
            %swap3A_789 = tpu.vector_load %arg8[%swap3A_788] {strides = array<i32>} : memref<96xf32, #tpu.memory_space<vmem>>, vector<16xf32>,
            %swap3A_790 = vector.shape_cast %swap3A_789 : vector<16xf32> to vector<16xf32>
            %swap3A_791 = vector.shape_cast %select_n3A_321 : vector<16xf32> to vector<16xf32>
            tpu.vector_store %arg8[%swap3A_788], %swap3A_791 {strides = array<i32>} : memref<96xf32, #tpu.memory_space<vmem>>, vector<16xf32>,
            %swap3A_792 = arith.constant 48 : index
            %swap3A_793 = tpu.vector_load %arg8[%swap3A_792] {strides = array<i32>} : memref<96xf32, #tpu.memory_space<vmem>>, vector<16xf32>,
            %swap3A_794 = vector.shape_cast %swap3A_793 : vector<16xf32> to vector<16xf32>
            %swap3A_795 = vector.shape_cast %select_n3A_323 : vector<16xf32> to vector<16xf32>
            tpu.vector_store %arg8[%swap3A_792], %swap3A_795 {strides = array<i32>} : memref<96xf32, #tpu.memory_space<vmem>>, vector<16xf32>,
            %broadcast_in_dim3A_796 = vector.broadcast %add3A_302 : f32 to vector<16xf32>
            %swap3A_797 = arith.constant 64 : index
            %swap3A_798 = tpu.vector_load %arg8[%swap3A_797] {strides = array<i32>} : memref<96xf32, #tpu.memory_space<vmem>>, vector<16xf32>,
            %swap3A_799 = vector.shape_cast %swap3A_798 : vector<16xf32> to vector<16xf32>
            %swap3A_800 = vector.shape_cast %broadcast_in_dim3A_796 : vector<16xf32> to vector<16xf32>
            tpu.vector_store %arg8[%swap3A_797], %swap3A_800 {strides = array<i32>} : memref<96xf32, #tpu.memory_space<vmem>>, vector<16xf32>,
            %convert_element_type3A_801 = arith.sitofp %squeeze3A_294 : i32 to f32
            %broadcast_in_dim3A_802 = vector.broadcast %convert_element_type3A_801 : f32 to vector<16xf32>
            %swap3A_803 = arith.constant 80 : index
            %swap3A_804 = tpu.vector_load %arg8[%swap3A_803] {strides = array<i32>} : memref<96xf32, #tpu.memory_space<vmem>>, vector<16xf32>,
            %swap3A_805 = vector.shape_cast %swap3A_804 : vector<16xf32> to vector<16xf32>
            %swap3A_806 = vector.shape_cast %broadcast_in_dim3A_802 : vector<16xf32> to vector<16xf32>
            tpu.vector_store %arg8[%swap3A_803], %swap3A_806 {strides = array<i32>} : memref<96xf32, #tpu.memory_space<vmem>>, vector<16xf32>,
            %eq3A_807 = arith.cmpi eq, %squeeze3A_294, %squeeze3A : i32
            %eq3A_808 = arith.cmpi eq, %squeeze3A_294, %squeeze3A_60 : i32
            %or3A_809 = arith.ori %eq3A_807, %eq3A_808 : i1
            %convert_element_type3A_810 = arith.extui %or3A_809 : i1 to i32
            %cond3A_811 = arith.constant 0 : i32
            %cond3A_812 = arith.cmpi ne, %convert_element_type3A_810, %cond3A_811 : i32
            scf.if %cond3A_812 {
              %eq3A_818 = arith.cmpi eq, %squeeze3A_294, %squeeze3A : i32
              %mul3A_819 = arith.constant 2 : i32
              %mul3A_820 = arith.muli %mul3A_819, %arg1 : i32
              %mul3A_821 = arith.constant 2 : i32
              %mul3A_822 = arith.muli %mul3A_821, %arg1 : i32
              %add3A_823 = arith.constant 1 : i32
              %add3A_824 = arith.addi %mul3A_822, %add3A_823 : i32
              %select_n3A_825 = arith.select %eq3A_818, %mul3A_820, %add3A_824 : i32
              "tpu.region"() ({
                %run_scoped3A = tpu.sem_alloc : memref<!tpu.dma_semaphore, #tpu.memory_space<semaphore_mem>>
                %dma_start3A = arith.constant 0 : i32
                %dma_start3A_826 = tpu.memref_slice %arg5[%arg0, %select_n3A_825, %dma_start3A] : memref<2x32x96xf32, #tpu.memory_space<hbm>> -> memref<1x1x96xf32, #tpu.memory_space<hbm>>
                %dma_start3A_827 = tpu.memref_squeeze %dma_start3A_826 : memref<1x1x96xf32, #tpu.memory_space<hbm>> -> memref<96xf32, #tpu.memory_space<hbm>>
                %dma_start3A_828 = arith.constant 0 : i32
                %dma_start3A_829 = tpu.memref_slice %arg5[%arg0, %select_n3A_825, %dma_start3A_828] : memref<2x32x96xf32, #tpu.memory_space<hbm>> -> memref<1x1x96xf32, #tpu.memory_space<hbm>>
                %dma_start3A_830 = tpu.memref_squeeze %dma_start3A_829 : memref<1x1x96xf32, #tpu.memory_space<hbm>> -> memref<96xf32, #tpu.memory_space<hbm>>
                tpu.enqueue_dma source(%arg8 : memref<96xf32, #tpu.memory_space<vmem>>) target(%dma_start3A_830 : memref<96xf32, #tpu.memory_space<hbm>>) target_semaphore(%run_scoped3A : memref<!tpu.dma_semaphore, #tpu.memory_space<semaphore_mem>>)
                %dma_wait3A = arith.constant 0 : i32
                %dma_wait3A_831 = tpu.memref_slice %arg5[%arg0, %select_n3A_825, %dma_wait3A] : memref<2x32x96xf32, #tpu.memory_space<hbm>> -> memref<1x1x96xf32, #tpu.memory_space<hbm>>
                %dma_wait3A_832 = tpu.memref_squeeze %dma_wait3A_831 : memref<1x1x96xf32, #tpu.memory_space<hbm>> -> memref<96xf32, #tpu.memory_space<hbm>>
                %dma_wait3A_833 = arith.constant 0 : i32
                %dma_wait3A_834 = tpu.memref_slice %arg5[%arg0, %select_n3A_825, %dma_wait3A_833] : memref<2x32x96xf32, #tpu.memory_space<hbm>> -> memref<1x1x96xf32, #tpu.memory_space<hbm>>
                %dma_wait3A_835 = tpu.memref_squeeze %dma_wait3A_834 : memref<1x1x96xf32, #tpu.memory_space<hbm>> -> memref<96xf32, #tpu.memory_space<hbm>>
                tpu.wait_dma2 semaphore(%run_scoped3A : memref<!tpu.dma_semaphore, #tpu.memory_space<semaphore_mem>>) src(%arg8 : memref<96xf32, #tpu.memory_space<vmem>>) dst(%dma_wait3A_835 : memref<96xf32, #tpu.memory_space<hbm>>)
                tpu.yield
              }) : () -> ()
            } else {
            }
            %not3A_813 = arith.constant true
            %not3A_814 = arith.xori %or3A_809, %not3A_813 : i1
            %convert_element_type3A_815 = arith.extui %not3A_814 : i1 to i32
            %cond3A_816 = arith.constant 0 : i32
            %cond3A_817 = arith.cmpi ne, %convert_element_type3A_815, %cond3A_816 : i32
            scf.if %cond3A_817 {
              "tpu.region"() ({
                %run_scoped3A = tpu.sem_alloc : memref<!tpu.dma_semaphore, #tpu.memory_space<semaphore_mem>>
                %dma_start3A = arith.constant 0 : i32
                %dma_start3A_818 = tpu.memref_slice %arg4[%arg0, %squeeze3A_294, %dma_start3A] : memref<2x1024x96xf32, #tpu.memory_space<hbm>> -> memref<1x1x96xf32, #tpu.memory_space<hbm>>
                %dma_start3A_819 = tpu.memref_squeeze %dma_start3A_818 : memref<1x1x96xf32, #tpu.memory_space<hbm>> -> memref<96xf32, #tpu.memory_space<hbm>>
                %dma_start3A_820 = arith.constant 0 : i32
                %dma_start3A_821 = tpu.memref_slice %arg4[%arg0, %squeeze3A_294, %dma_start3A_820] : memref<2x1024x96xf32, #tpu.memory_space<hbm>> -> memref<1x1x96xf32, #tpu.memory_space<hbm>>
                %dma_start3A_822 = tpu.memref_squeeze %dma_start3A_821 : memref<1x1x96xf32, #tpu.memory_space<hbm>> -> memref<96xf32, #tpu.memory_space<hbm>>
                tpu.enqueue_dma source(%arg8 : memref<96xf32, #tpu.memory_space<vmem>>) target(%dma_start3A_822 : memref<96xf32, #tpu.memory_space<hbm>>) target_semaphore(%run_scoped3A : memref<!tpu.dma_semaphore, #tpu.memory_space<semaphore_mem>>)
                %dma_wait3A = arith.constant 0 : i32
                %dma_wait3A_823 = tpu.memref_slice %arg4[%arg0, %squeeze3A_294, %dma_wait3A] : memref<2x1024x96xf32, #tpu.memory_space<hbm>> -> memref<1x1x96xf32, #tpu.memory_space<hbm>>
                %dma_wait3A_824 = tpu.memref_squeeze %dma_wait3A_823 : memref<1x1x96xf32, #tpu.memory_space<hbm>> -> memref<96xf32, #tpu.memory_space<hbm>>
                %dma_wait3A_825 = arith.constant 0 : i32
                %dma_wait3A_826 = tpu.memref_slice %arg4[%arg0, %squeeze3A_294, %dma_wait3A_825] : memref<2x1024x96xf32, #tpu.memory_space<hbm>> -> memref<1x1x96xf32, #tpu.memory_space<hbm>>
                %dma_wait3A_827 = tpu.memref_squeeze %dma_wait3A_826 : memref<1x1x96xf32, #tpu.memory_space<hbm>> -> memref<96xf32, #tpu.memory_space<hbm>>
                tpu.wait_dma2 semaphore(%run_scoped3A : memref<!tpu.dma_semaphore, #tpu.memory_space<semaphore_mem>>) src(%arg8 : memref<96xf32, #tpu.memory_space<vmem>>) dst(%dma_wait3A_827 : memref<96xf32, #tpu.memory_space<hbm>>)
                tpu.yield
              }) : () -> ()
            } else {
            }
          } else {
          }
          %jit3A_330 = arith.constant 0.000000e+00 : f32
          %select_n3A_331 = arith.select %ne3A_326, %jit3A_330, %add3A_302 : f32
          %add3A_332 = arith.constant 1.000000e+00 : f32
          %add3A_333 = arith.addf %select_n3A_331, %add3A_332 : f32
          %broadcast_in_dim3A_334 = arith.constant 0.000000e+00 : f32
          %broadcast_in_dim3A_335 = vector.broadcast %broadcast_in_dim3A_334 : f32 to vector<16xf32>
          %select_n3A_336 = arith.select %ne3A_326, %broadcast_in_dim3A_335, %select_n3A_316 : vector<16xf32>
          %broadcast_in_dim3A_337 = arith.constant 0.000000e+00 : f32
          %broadcast_in_dim3A_338 = vector.broadcast %broadcast_in_dim3A_337 : f32 to vector<16xf32>
          %select_n3A_339 = arith.select %ne3A_326, %broadcast_in_dim3A_338, %select_n3A_319 : vector<16xf32>
          %broadcast_in_dim3A_340 = arith.constant 0xFF800000 : f32
          %broadcast_in_dim3A_341 = vector.broadcast %broadcast_in_dim3A_340 : f32 to vector<16xf32>
          %select_n3A_342 = arith.select %ne3A_326, %broadcast_in_dim3A_341, %select_n3A_321 : vector<16xf32>
          %broadcast_in_dim3A_343 = arith.constant 0x7F800000 : f32
          %broadcast_in_dim3A_344 = vector.broadcast %broadcast_in_dim3A_343 : f32 to vector<16xf32>
          %select_n3A_345 = arith.select %ne3A_326, %broadcast_in_dim3A_344, %select_n3A_323 : vector<16xf32>
          %add3A_346 = arith.addf %select_n3A_336, %get3A_193 : vector<16xf32>
          %select_n3A_347 = arith.select %lt3A_263, %add3A_346, %select_n3A_336 : vector<16xi1>, vector<16xf32>
          %mul3A_348 = arith.mulf %get3A_193, %get3A_193 : vector<16xf32>
          %add3A_349 = arith.addf %select_n3A_339, %mul3A_348 : vector<16xf32>
          %select_n3A_350 = arith.select %lt3A_263, %add3A_349, %select_n3A_339 : vector<16xi1>, vector<16xf32>
          %max3A_351 = arith.maximumf %select_n3A_342, %get3A_193 : vector<16xf32>
          %select_n3A_352 = arith.select %lt3A_263, %max3A_351, %select_n3A_342 : vector<16xi1>, vector<16xf32>
          %min3A_353 = arith.minimumf %select_n3A_345, %get3A_193 : vector<16xf32>
          %select_n3A_354 = arith.select %lt3A_263, %min3A_353, %select_n3A_345 : vector<16xi1>, vector<16xf32>
          %slice3A_355 = vector.extract_strided_slice %get3A_175 {offsets = [3], sizes = [1], strides = [1]} : vector<16xi32> to vector<1xi32>
          %squeeze3A_356 = vector.extract %slice3A_355[0] : i32 from vector<1xi32>
          %ne3A_357 = arith.cmpi ne, %squeeze3A_356, %squeeze3A_325 : i32
          %convert_element_type3A_358 = arith.extui %ne3A_357 : i1 to i32
          %cond3A_359 = arith.constant 0 : i32
          %cond3A_360 = arith.cmpi ne, %convert_element_type3A_358, %cond3A_359 : i32
          scf.if %cond3A_360 {
            %swap3A_780 = arith.constant 0 : index
            %swap3A_781 = tpu.vector_load %arg8[%swap3A_780] {strides = array<i32>} : memref<96xf32, #tpu.memory_space<vmem>>, vector<16xf32>,
            %swap3A_782 = vector.shape_cast %swap3A_781 : vector<16xf32> to vector<16xf32>
            %swap3A_783 = vector.shape_cast %select_n3A_347 : vector<16xf32> to vector<16xf32>
            tpu.vector_store %arg8[%swap3A_780], %swap3A_783 {strides = array<i32>} : memref<96xf32, #tpu.memory_space<vmem>>, vector<16xf32>,
            %swap3A_784 = arith.constant 16 : index
            %swap3A_785 = tpu.vector_load %arg8[%swap3A_784] {strides = array<i32>} : memref<96xf32, #tpu.memory_space<vmem>>, vector<16xf32>,
            %swap3A_786 = vector.shape_cast %swap3A_785 : vector<16xf32> to vector<16xf32>
            %swap3A_787 = vector.shape_cast %select_n3A_350 : vector<16xf32> to vector<16xf32>
            tpu.vector_store %arg8[%swap3A_784], %swap3A_787 {strides = array<i32>} : memref<96xf32, #tpu.memory_space<vmem>>, vector<16xf32>,
            %swap3A_788 = arith.constant 32 : index
            %swap3A_789 = tpu.vector_load %arg8[%swap3A_788] {strides = array<i32>} : memref<96xf32, #tpu.memory_space<vmem>>, vector<16xf32>,
            %swap3A_790 = vector.shape_cast %swap3A_789 : vector<16xf32> to vector<16xf32>
            %swap3A_791 = vector.shape_cast %select_n3A_352 : vector<16xf32> to vector<16xf32>
            tpu.vector_store %arg8[%swap3A_788], %swap3A_791 {strides = array<i32>} : memref<96xf32, #tpu.memory_space<vmem>>, vector<16xf32>,
            %swap3A_792 = arith.constant 48 : index
            %swap3A_793 = tpu.vector_load %arg8[%swap3A_792] {strides = array<i32>} : memref<96xf32, #tpu.memory_space<vmem>>, vector<16xf32>,
            %swap3A_794 = vector.shape_cast %swap3A_793 : vector<16xf32> to vector<16xf32>
            %swap3A_795 = vector.shape_cast %select_n3A_354 : vector<16xf32> to vector<16xf32>
            tpu.vector_store %arg8[%swap3A_792], %swap3A_795 {strides = array<i32>} : memref<96xf32, #tpu.memory_space<vmem>>, vector<16xf32>,
            %broadcast_in_dim3A_796 = vector.broadcast %add3A_333 : f32 to vector<16xf32>
            %swap3A_797 = arith.constant 64 : index
            %swap3A_798 = tpu.vector_load %arg8[%swap3A_797] {strides = array<i32>} : memref<96xf32, #tpu.memory_space<vmem>>, vector<16xf32>,
            %swap3A_799 = vector.shape_cast %swap3A_798 : vector<16xf32> to vector<16xf32>
            %swap3A_800 = vector.shape_cast %broadcast_in_dim3A_796 : vector<16xf32> to vector<16xf32>
            tpu.vector_store %arg8[%swap3A_797], %swap3A_800 {strides = array<i32>} : memref<96xf32, #tpu.memory_space<vmem>>, vector<16xf32>,
            %convert_element_type3A_801 = arith.sitofp %squeeze3A_325 : i32 to f32
            %broadcast_in_dim3A_802 = vector.broadcast %convert_element_type3A_801 : f32 to vector<16xf32>
            %swap3A_803 = arith.constant 80 : index
            %swap3A_804 = tpu.vector_load %arg8[%swap3A_803] {strides = array<i32>} : memref<96xf32, #tpu.memory_space<vmem>>, vector<16xf32>,
            %swap3A_805 = vector.shape_cast %swap3A_804 : vector<16xf32> to vector<16xf32>
            %swap3A_806 = vector.shape_cast %broadcast_in_dim3A_802 : vector<16xf32> to vector<16xf32>
            tpu.vector_store %arg8[%swap3A_803], %swap3A_806 {strides = array<i32>} : memref<96xf32, #tpu.memory_space<vmem>>, vector<16xf32>,
            %eq3A_807 = arith.cmpi eq, %squeeze3A_325, %squeeze3A : i32
            %eq3A_808 = arith.cmpi eq, %squeeze3A_325, %squeeze3A_60 : i32
            %or3A_809 = arith.ori %eq3A_807, %eq3A_808 : i1
            %convert_element_type3A_810 = arith.extui %or3A_809 : i1 to i32
            %cond3A_811 = arith.constant 0 : i32
            %cond3A_812 = arith.cmpi ne, %convert_element_type3A_810, %cond3A_811 : i32
            scf.if %cond3A_812 {
              %eq3A_818 = arith.cmpi eq, %squeeze3A_325, %squeeze3A : i32
              %mul3A_819 = arith.constant 2 : i32
              %mul3A_820 = arith.muli %mul3A_819, %arg1 : i32
              %mul3A_821 = arith.constant 2 : i32
              %mul3A_822 = arith.muli %mul3A_821, %arg1 : i32
              %add3A_823 = arith.constant 1 : i32
              %add3A_824 = arith.addi %mul3A_822, %add3A_823 : i32
              %select_n3A_825 = arith.select %eq3A_818, %mul3A_820, %add3A_824 : i32
              "tpu.region"() ({
                %run_scoped3A = tpu.sem_alloc : memref<!tpu.dma_semaphore, #tpu.memory_space<semaphore_mem>>
                %dma_start3A = arith.constant 0 : i32
                %dma_start3A_826 = tpu.memref_slice %arg5[%arg0, %select_n3A_825, %dma_start3A] : memref<2x32x96xf32, #tpu.memory_space<hbm>> -> memref<1x1x96xf32, #tpu.memory_space<hbm>>
                %dma_start3A_827 = tpu.memref_squeeze %dma_start3A_826 : memref<1x1x96xf32, #tpu.memory_space<hbm>> -> memref<96xf32, #tpu.memory_space<hbm>>
                %dma_start3A_828 = arith.constant 0 : i32
                %dma_start3A_829 = tpu.memref_slice %arg5[%arg0, %select_n3A_825, %dma_start3A_828] : memref<2x32x96xf32, #tpu.memory_space<hbm>> -> memref<1x1x96xf32, #tpu.memory_space<hbm>>
                %dma_start3A_830 = tpu.memref_squeeze %dma_start3A_829 : memref<1x1x96xf32, #tpu.memory_space<hbm>> -> memref<96xf32, #tpu.memory_space<hbm>>
                tpu.enqueue_dma source(%arg8 : memref<96xf32, #tpu.memory_space<vmem>>) target(%dma_start3A_830 : memref<96xf32, #tpu.memory_space<hbm>>) target_semaphore(%run_scoped3A : memref<!tpu.dma_semaphore, #tpu.memory_space<semaphore_mem>>)
                %dma_wait3A = arith.constant 0 : i32
                %dma_wait3A_831 = tpu.memref_slice %arg5[%arg0, %select_n3A_825, %dma_wait3A] : memref<2x32x96xf32, #tpu.memory_space<hbm>> -> memref<1x1x96xf32, #tpu.memory_space<hbm>>
                %dma_wait3A_832 = tpu.memref_squeeze %dma_wait3A_831 : memref<1x1x96xf32, #tpu.memory_space<hbm>> -> memref<96xf32, #tpu.memory_space<hbm>>
                %dma_wait3A_833 = arith.constant 0 : i32
                %dma_wait3A_834 = tpu.memref_slice %arg5[%arg0, %select_n3A_825, %dma_wait3A_833] : memref<2x32x96xf32, #tpu.memory_space<hbm>> -> memref<1x1x96xf32, #tpu.memory_space<hbm>>
                %dma_wait3A_835 = tpu.memref_squeeze %dma_wait3A_834 : memref<1x1x96xf32, #tpu.memory_space<hbm>> -> memref<96xf32, #tpu.memory_space<hbm>>
                tpu.wait_dma2 semaphore(%run_scoped3A : memref<!tpu.dma_semaphore, #tpu.memory_space<semaphore_mem>>) src(%arg8 : memref<96xf32, #tpu.memory_space<vmem>>) dst(%dma_wait3A_835 : memref<96xf32, #tpu.memory_space<hbm>>)
                tpu.yield
              }) : () -> ()
            } else {
            }
            %not3A_813 = arith.constant true
            %not3A_814 = arith.xori %or3A_809, %not3A_813 : i1
            %convert_element_type3A_815 = arith.extui %not3A_814 : i1 to i32
            %cond3A_816 = arith.constant 0 : i32
            %cond3A_817 = arith.cmpi ne, %convert_element_type3A_815, %cond3A_816 : i32
            scf.if %cond3A_817 {
              "tpu.region"() ({
                %run_scoped3A = tpu.sem_alloc : memref<!tpu.dma_semaphore, #tpu.memory_space<semaphore_mem>>
                %dma_start3A = arith.constant 0 : i32
                %dma_start3A_818 = tpu.memref_slice %arg4[%arg0, %squeeze3A_325, %dma_start3A] : memref<2x1024x96xf32, #tpu.memory_space<hbm>> -> memref<1x1x96xf32, #tpu.memory_space<hbm>>
                %dma_start3A_819 = tpu.memref_squeeze %dma_start3A_818 : memref<1x1x96xf32, #tpu.memory_space<hbm>> -> memref<96xf32, #tpu.memory_space<hbm>>
                %dma_start3A_820 = arith.constant 0 : i32
                %dma_start3A_821 = tpu.memref_slice %arg4[%arg0, %squeeze3A_325, %dma_start3A_820] : memref<2x1024x96xf32, #tpu.memory_space<hbm>> -> memref<1x1x96xf32, #tpu.memory_space<hbm>>
                %dma_start3A_822 = tpu.memref_squeeze %dma_start3A_821 : memref<1x1x96xf32, #tpu.memory_space<hbm>> -> memref<96xf32, #tpu.memory_space<hbm>>
                tpu.enqueue_dma source(%arg8 : memref<96xf32, #tpu.memory_space<vmem>>) target(%dma_start3A_822 : memref<96xf32, #tpu.memory_space<hbm>>) target_semaphore(%run_scoped3A : memref<!tpu.dma_semaphore, #tpu.memory_space<semaphore_mem>>)
                %dma_wait3A = arith.constant 0 : i32
                %dma_wait3A_823 = tpu.memref_slice %arg4[%arg0, %squeeze3A_325, %dma_wait3A] : memref<2x1024x96xf32, #tpu.memory_space<hbm>> -> memref<1x1x96xf32, #tpu.memory_space<hbm>>
                %dma_wait3A_824 = tpu.memref_squeeze %dma_wait3A_823 : memref<1x1x96xf32, #tpu.memory_space<hbm>> -> memref<96xf32, #tpu.memory_space<hbm>>
                %dma_wait3A_825 = arith.constant 0 : i32
                %dma_wait3A_826 = tpu.memref_slice %arg4[%arg0, %squeeze3A_325, %dma_wait3A_825] : memref<2x1024x96xf32, #tpu.memory_space<hbm>> -> memref<1x1x96xf32, #tpu.memory_space<hbm>>
                %dma_wait3A_827 = tpu.memref_squeeze %dma_wait3A_826 : memref<1x1x96xf32, #tpu.memory_space<hbm>> -> memref<96xf32, #tpu.memory_space<hbm>>
                tpu.wait_dma2 semaphore(%run_scoped3A : memref<!tpu.dma_semaphore, #tpu.memory_space<semaphore_mem>>) src(%arg8 : memref<96xf32, #tpu.memory_space<vmem>>) dst(%dma_wait3A_827 : memref<96xf32, #tpu.memory_space<hbm>>)
                tpu.yield
              }) : () -> ()
            } else {
            }
          } else {
          }
          %jit3A_361 = arith.constant 0.000000e+00 : f32
          %select_n3A_362 = arith.select %ne3A_357, %jit3A_361, %add3A_333 : f32
          %add3A_363 = arith.constant 1.000000e+00 : f32
          %add3A_364 = arith.addf %select_n3A_362, %add3A_363 : f32
          %broadcast_in_dim3A_365 = arith.constant 0.000000e+00 : f32
          %broadcast_in_dim3A_366 = vector.broadcast %broadcast_in_dim3A_365 : f32 to vector<16xf32>
          %select_n3A_367 = arith.select %ne3A_357, %broadcast_in_dim3A_366, %select_n3A_347 : vector<16xf32>
          %broadcast_in_dim3A_368 = arith.constant 0.000000e+00 : f32
          %broadcast_in_dim3A_369 = vector.broadcast %broadcast_in_dim3A_368 : f32 to vector<16xf32>
          %select_n3A_370 = arith.select %ne3A_357, %broadcast_in_dim3A_369, %select_n3A_350 : vector<16xf32>
          %broadcast_in_dim3A_371 = arith.constant 0xFF800000 : f32
          %broadcast_in_dim3A_372 = vector.broadcast %broadcast_in_dim3A_371 : f32 to vector<16xf32>
          %select_n3A_373 = arith.select %ne3A_357, %broadcast_in_dim3A_372, %select_n3A_352 : vector<16xf32>
          %broadcast_in_dim3A_374 = arith.constant 0x7F800000 : f32
          %broadcast_in_dim3A_375 = vector.broadcast %broadcast_in_dim3A_374 : f32 to vector<16xf32>
          %select_n3A_376 = arith.select %ne3A_357, %broadcast_in_dim3A_375, %select_n3A_354 : vector<16xf32>
          %add3A_377 = arith.addf %select_n3A_367, %get3A_193 : vector<16xf32>
          %select_n3A_378 = arith.select %ge3A_265, %add3A_377, %select_n3A_367 : vector<16xi1>, vector<16xf32>
          %mul3A_379 = arith.mulf %get3A_193, %get3A_193 : vector<16xf32>
          %add3A_380 = arith.addf %select_n3A_370, %mul3A_379 : vector<16xf32>
          %select_n3A_381 = arith.select %ge3A_265, %add3A_380, %select_n3A_370 : vector<16xi1>, vector<16xf32>
          %max3A_382 = arith.maximumf %select_n3A_373, %get3A_193 : vector<16xf32>
          %select_n3A_383 = arith.select %ge3A_265, %max3A_382, %select_n3A_373 : vector<16xi1>, vector<16xf32>
          %min3A_384 = arith.minimumf %select_n3A_376, %get3A_193 : vector<16xf32>
          %select_n3A_385 = arith.select %ge3A_265, %min3A_384, %select_n3A_376 : vector<16xi1>, vector<16xf32>
          %slice3A_386 = vector.extract_strided_slice %get3A_175 {offsets = [4], sizes = [1], strides = [1]} : vector<16xi32> to vector<1xi32>
          %squeeze3A_387 = vector.extract %slice3A_386[0] : i32 from vector<1xi32>
          %ne3A_388 = arith.cmpi ne, %squeeze3A_387, %squeeze3A_356 : i32
          %convert_element_type3A_389 = arith.extui %ne3A_388 : i1 to i32
          %cond3A_390 = arith.constant 0 : i32
          %cond3A_391 = arith.cmpi ne, %convert_element_type3A_389, %cond3A_390 : i32
          scf.if %cond3A_391 {
            %swap3A_780 = arith.constant 0 : index
            %swap3A_781 = tpu.vector_load %arg8[%swap3A_780] {strides = array<i32>} : memref<96xf32, #tpu.memory_space<vmem>>, vector<16xf32>,
            %swap3A_782 = vector.shape_cast %swap3A_781 : vector<16xf32> to vector<16xf32>
            %swap3A_783 = vector.shape_cast %select_n3A_378 : vector<16xf32> to vector<16xf32>
            tpu.vector_store %arg8[%swap3A_780], %swap3A_783 {strides = array<i32>} : memref<96xf32, #tpu.memory_space<vmem>>, vector<16xf32>,
            %swap3A_784 = arith.constant 16 : index
            %swap3A_785 = tpu.vector_load %arg8[%swap3A_784] {strides = array<i32>} : memref<96xf32, #tpu.memory_space<vmem>>, vector<16xf32>,
            %swap3A_786 = vector.shape_cast %swap3A_785 : vector<16xf32> to vector<16xf32>
            %swap3A_787 = vector.shape_cast %select_n3A_381 : vector<16xf32> to vector<16xf32>
            tpu.vector_store %arg8[%swap3A_784], %swap3A_787 {strides = array<i32>} : memref<96xf32, #tpu.memory_space<vmem>>, vector<16xf32>,
            %swap3A_788 = arith.constant 32 : index
            %swap3A_789 = tpu.vector_load %arg8[%swap3A_788] {strides = array<i32>} : memref<96xf32, #tpu.memory_space<vmem>>, vector<16xf32>,
            %swap3A_790 = vector.shape_cast %swap3A_789 : vector<16xf32> to vector<16xf32>
            %swap3A_791 = vector.shape_cast %select_n3A_383 : vector<16xf32> to vector<16xf32>
            tpu.vector_store %arg8[%swap3A_788], %swap3A_791 {strides = array<i32>} : memref<96xf32, #tpu.memory_space<vmem>>, vector<16xf32>,
            %swap3A_792 = arith.constant 48 : index
            %swap3A_793 = tpu.vector_load %arg8[%swap3A_792] {strides = array<i32>} : memref<96xf32, #tpu.memory_space<vmem>>, vector<16xf32>,
            %swap3A_794 = vector.shape_cast %swap3A_793 : vector<16xf32> to vector<16xf32>
            %swap3A_795 = vector.shape_cast %select_n3A_385 : vector<16xf32> to vector<16xf32>
            tpu.vector_store %arg8[%swap3A_792], %swap3A_795 {strides = array<i32>} : memref<96xf32, #tpu.memory_space<vmem>>, vector<16xf32>,
            %broadcast_in_dim3A_796 = vector.broadcast %add3A_364 : f32 to vector<16xf32>
            %swap3A_797 = arith.constant 64 : index
            %swap3A_798 = tpu.vector_load %arg8[%swap3A_797] {strides = array<i32>} : memref<96xf32, #tpu.memory_space<vmem>>, vector<16xf32>,
            %swap3A_799 = vector.shape_cast %swap3A_798 : vector<16xf32> to vector<16xf32>
            %swap3A_800 = vector.shape_cast %broadcast_in_dim3A_796 : vector<16xf32> to vector<16xf32>
            tpu.vector_store %arg8[%swap3A_797], %swap3A_800 {strides = array<i32>} : memref<96xf32, #tpu.memory_space<vmem>>, vector<16xf32>,
            %convert_element_type3A_801 = arith.sitofp %squeeze3A_356 : i32 to f32
            %broadcast_in_dim3A_802 = vector.broadcast %convert_element_type3A_801 : f32 to vector<16xf32>
            %swap3A_803 = arith.constant 80 : index
            %swap3A_804 = tpu.vector_load %arg8[%swap3A_803] {strides = array<i32>} : memref<96xf32, #tpu.memory_space<vmem>>, vector<16xf32>,
            %swap3A_805 = vector.shape_cast %swap3A_804 : vector<16xf32> to vector<16xf32>
            %swap3A_806 = vector.shape_cast %broadcast_in_dim3A_802 : vector<16xf32> to vector<16xf32>
            tpu.vector_store %arg8[%swap3A_803], %swap3A_806 {strides = array<i32>} : memref<96xf32, #tpu.memory_space<vmem>>, vector<16xf32>,
            %eq3A_807 = arith.cmpi eq, %squeeze3A_356, %squeeze3A : i32
            %eq3A_808 = arith.cmpi eq, %squeeze3A_356, %squeeze3A_60 : i32
            %or3A_809 = arith.ori %eq3A_807, %eq3A_808 : i1
            %convert_element_type3A_810 = arith.extui %or3A_809 : i1 to i32
            %cond3A_811 = arith.constant 0 : i32
            %cond3A_812 = arith.cmpi ne, %convert_element_type3A_810, %cond3A_811 : i32
            scf.if %cond3A_812 {
              %eq3A_818 = arith.cmpi eq, %squeeze3A_356, %squeeze3A : i32
              %mul3A_819 = arith.constant 2 : i32
              %mul3A_820 = arith.muli %mul3A_819, %arg1 : i32
              %mul3A_821 = arith.constant 2 : i32
              %mul3A_822 = arith.muli %mul3A_821, %arg1 : i32
              %add3A_823 = arith.constant 1 : i32
              %add3A_824 = arith.addi %mul3A_822, %add3A_823 : i32
              %select_n3A_825 = arith.select %eq3A_818, %mul3A_820, %add3A_824 : i32
              "tpu.region"() ({
                %run_scoped3A = tpu.sem_alloc : memref<!tpu.dma_semaphore, #tpu.memory_space<semaphore_mem>>
                %dma_start3A = arith.constant 0 : i32
                %dma_start3A_826 = tpu.memref_slice %arg5[%arg0, %select_n3A_825, %dma_start3A] : memref<2x32x96xf32, #tpu.memory_space<hbm>> -> memref<1x1x96xf32, #tpu.memory_space<hbm>>
                %dma_start3A_827 = tpu.memref_squeeze %dma_start3A_826 : memref<1x1x96xf32, #tpu.memory_space<hbm>> -> memref<96xf32, #tpu.memory_space<hbm>>
                %dma_start3A_828 = arith.constant 0 : i32
                %dma_start3A_829 = tpu.memref_slice %arg5[%arg0, %select_n3A_825, %dma_start3A_828] : memref<2x32x96xf32, #tpu.memory_space<hbm>> -> memref<1x1x96xf32, #tpu.memory_space<hbm>>
                %dma_start3A_830 = tpu.memref_squeeze %dma_start3A_829 : memref<1x1x96xf32, #tpu.memory_space<hbm>> -> memref<96xf32, #tpu.memory_space<hbm>>
                tpu.enqueue_dma source(%arg8 : memref<96xf32, #tpu.memory_space<vmem>>) target(%dma_start3A_830 : memref<96xf32, #tpu.memory_space<hbm>>) target_semaphore(%run_scoped3A : memref<!tpu.dma_semaphore, #tpu.memory_space<semaphore_mem>>)
                %dma_wait3A = arith.constant 0 : i32
                %dma_wait3A_831 = tpu.memref_slice %arg5[%arg0, %select_n3A_825, %dma_wait3A] : memref<2x32x96xf32, #tpu.memory_space<hbm>> -> memref<1x1x96xf32, #tpu.memory_space<hbm>>
                %dma_wait3A_832 = tpu.memref_squeeze %dma_wait3A_831 : memref<1x1x96xf32, #tpu.memory_space<hbm>> -> memref<96xf32, #tpu.memory_space<hbm>>
                %dma_wait3A_833 = arith.constant 0 : i32
                %dma_wait3A_834 = tpu.memref_slice %arg5[%arg0, %select_n3A_825, %dma_wait3A_833] : memref<2x32x96xf32, #tpu.memory_space<hbm>> -> memref<1x1x96xf32, #tpu.memory_space<hbm>>
                %dma_wait3A_835 = tpu.memref_squeeze %dma_wait3A_834 : memref<1x1x96xf32, #tpu.memory_space<hbm>> -> memref<96xf32, #tpu.memory_space<hbm>>
                tpu.wait_dma2 semaphore(%run_scoped3A : memref<!tpu.dma_semaphore, #tpu.memory_space<semaphore_mem>>) src(%arg8 : memref<96xf32, #tpu.memory_space<vmem>>) dst(%dma_wait3A_835 : memref<96xf32, #tpu.memory_space<hbm>>)
                tpu.yield
              }) : () -> ()
            } else {
            }
            %not3A_813 = arith.constant true
            %not3A_814 = arith.xori %or3A_809, %not3A_813 : i1
            %convert_element_type3A_815 = arith.extui %not3A_814 : i1 to i32
            %cond3A_816 = arith.constant 0 : i32
            %cond3A_817 = arith.cmpi ne, %convert_element_type3A_815, %cond3A_816 : i32
            scf.if %cond3A_817 {
              "tpu.region"() ({
                %run_scoped3A = tpu.sem_alloc : memref<!tpu.dma_semaphore, #tpu.memory_space<semaphore_mem>>
                %dma_start3A = arith.constant 0 : i32
                %dma_start3A_818 = tpu.memref_slice %arg4[%arg0, %squeeze3A_356, %dma_start3A] : memref<2x1024x96xf32, #tpu.memory_space<hbm>> -> memref<1x1x96xf32, #tpu.memory_space<hbm>>
                %dma_start3A_819 = tpu.memref_squeeze %dma_start3A_818 : memref<1x1x96xf32, #tpu.memory_space<hbm>> -> memref<96xf32, #tpu.memory_space<hbm>>
                %dma_start3A_820 = arith.constant 0 : i32
                %dma_start3A_821 = tpu.memref_slice %arg4[%arg0, %squeeze3A_356, %dma_start3A_820] : memref<2x1024x96xf32, #tpu.memory_space<hbm>> -> memref<1x1x96xf32, #tpu.memory_space<hbm>>
                %dma_start3A_822 = tpu.memref_squeeze %dma_start3A_821 : memref<1x1x96xf32, #tpu.memory_space<hbm>> -> memref<96xf32, #tpu.memory_space<hbm>>
                tpu.enqueue_dma source(%arg8 : memref<96xf32, #tpu.memory_space<vmem>>) target(%dma_start3A_822 : memref<96xf32, #tpu.memory_space<hbm>>) target_semaphore(%run_scoped3A : memref<!tpu.dma_semaphore, #tpu.memory_space<semaphore_mem>>)
                %dma_wait3A = arith.constant 0 : i32
                %dma_wait3A_823 = tpu.memref_slice %arg4[%arg0, %squeeze3A_356, %dma_wait3A] : memref<2x1024x96xf32, #tpu.memory_space<hbm>> -> memref<1x1x96xf32, #tpu.memory_space<hbm>>
                %dma_wait3A_824 = tpu.memref_squeeze %dma_wait3A_823 : memref<1x1x96xf32, #tpu.memory_space<hbm>> -> memref<96xf32, #tpu.memory_space<hbm>>
                %dma_wait3A_825 = arith.constant 0 : i32
                %dma_wait3A_826 = tpu.memref_slice %arg4[%arg0, %squeeze3A_356, %dma_wait3A_825] : memref<2x1024x96xf32, #tpu.memory_space<hbm>> -> memref<1x1x96xf32, #tpu.memory_space<hbm>>
                %dma_wait3A_827 = tpu.memref_squeeze %dma_wait3A_826 : memref<1x1x96xf32, #tpu.memory_space<hbm>> -> memref<96xf32, #tpu.memory_space<hbm>>
                tpu.wait_dma2 semaphore(%run_scoped3A : memref<!tpu.dma_semaphore, #tpu.memory_space<semaphore_mem>>) src(%arg8 : memref<96xf32, #tpu.memory_space<vmem>>) dst(%dma_wait3A_827 : memref<96xf32, #tpu.memory_space<hbm>>)
                tpu.yield
              }) : () -> ()
            } else {
            }
          } else {
          }
          %jit3A_392 = arith.constant 0.000000e+00 : f32
          %select_n3A_393 = arith.select %ne3A_388, %jit3A_392, %add3A_364 : f32
          %add3A_394 = arith.constant 1.000000e+00 : f32
          %add3A_395 = arith.addf %select_n3A_393, %add3A_394 : f32
          %broadcast_in_dim3A_396 = arith.constant 0.000000e+00 : f32
          %broadcast_in_dim3A_397 = vector.broadcast %broadcast_in_dim3A_396 : f32 to vector<16xf32>
          %select_n3A_398 = arith.select %ne3A_388, %broadcast_in_dim3A_397, %select_n3A_378 : vector<16xf32>
          %broadcast_in_dim3A_399 = arith.constant 0.000000e+00 : f32
          %broadcast_in_dim3A_400 = vector.broadcast %broadcast_in_dim3A_399 : f32 to vector<16xf32>
          %select_n3A_401 = arith.select %ne3A_388, %broadcast_in_dim3A_400, %select_n3A_381 : vector<16xf32>
          %broadcast_in_dim3A_402 = arith.constant 0xFF800000 : f32
          %broadcast_in_dim3A_403 = vector.broadcast %broadcast_in_dim3A_402 : f32 to vector<16xf32>
          %select_n3A_404 = arith.select %ne3A_388, %broadcast_in_dim3A_403, %select_n3A_383 : vector<16xf32>
          %broadcast_in_dim3A_405 = arith.constant 0x7F800000 : f32
          %broadcast_in_dim3A_406 = vector.broadcast %broadcast_in_dim3A_405 : f32 to vector<16xf32>
          %select_n3A_407 = arith.select %ne3A_388, %broadcast_in_dim3A_406, %select_n3A_385 : vector<16xf32>
          %add3A_408 = arith.addf %select_n3A_398, %get3A_200 : vector<16xf32>
          %select_n3A_409 = arith.select %lt3A_263, %add3A_408, %select_n3A_398 : vector<16xi1>, vector<16xf32>
          %mul3A_410 = arith.mulf %get3A_200, %get3A_200 : vector<16xf32>
          %add3A_411 = arith.addf %select_n3A_401, %mul3A_410 : vector<16xf32>
          %select_n3A_412 = arith.select %lt3A_263, %add3A_411, %select_n3A_401 : vector<16xi1>, vector<16xf32>
          %max3A_413 = arith.maximumf %select_n3A_404, %get3A_200 : vector<16xf32>
          %select_n3A_414 = arith.select %lt3A_263, %max3A_413, %select_n3A_404 : vector<16xi1>, vector<16xf32>
          %min3A_415 = arith.minimumf %select_n3A_407, %get3A_200 : vector<16xf32>
          %select_n3A_416 = arith.select %lt3A_263, %min3A_415, %select_n3A_407 : vector<16xi1>, vector<16xf32>
          %slice3A_417 = vector.extract_strided_slice %get3A_175 {offsets = [5], sizes = [1], strides = [1]} : vector<16xi32> to vector<1xi32>
          %squeeze3A_418 = vector.extract %slice3A_417[0] : i32 from vector<1xi32>
          %ne3A_419 = arith.cmpi ne, %squeeze3A_418, %squeeze3A_387 : i32
          %convert_element_type3A_420 = arith.extui %ne3A_419 : i1 to i32
          %cond3A_421 = arith.constant 0 : i32
          %cond3A_422 = arith.cmpi ne, %convert_element_type3A_420, %cond3A_421 : i32
          scf.if %cond3A_422 {
            %swap3A_780 = arith.constant 0 : index
            %swap3A_781 = tpu.vector_load %arg8[%swap3A_780] {strides = array<i32>} : memref<96xf32, #tpu.memory_space<vmem>>, vector<16xf32>,
            %swap3A_782 = vector.shape_cast %swap3A_781 : vector<16xf32> to vector<16xf32>
            %swap3A_783 = vector.shape_cast %select_n3A_409 : vector<16xf32> to vector<16xf32>
            tpu.vector_store %arg8[%swap3A_780], %swap3A_783 {strides = array<i32>} : memref<96xf32, #tpu.memory_space<vmem>>, vector<16xf32>,
            %swap3A_784 = arith.constant 16 : index
            %swap3A_785 = tpu.vector_load %arg8[%swap3A_784] {strides = array<i32>} : memref<96xf32, #tpu.memory_space<vmem>>, vector<16xf32>,
            %swap3A_786 = vector.shape_cast %swap3A_785 : vector<16xf32> to vector<16xf32>
            %swap3A_787 = vector.shape_cast %select_n3A_412 : vector<16xf32> to vector<16xf32>
            tpu.vector_store %arg8[%swap3A_784], %swap3A_787 {strides = array<i32>} : memref<96xf32, #tpu.memory_space<vmem>>, vector<16xf32>,
            %swap3A_788 = arith.constant 32 : index
            %swap3A_789 = tpu.vector_load %arg8[%swap3A_788] {strides = array<i32>} : memref<96xf32, #tpu.memory_space<vmem>>, vector<16xf32>,
            %swap3A_790 = vector.shape_cast %swap3A_789 : vector<16xf32> to vector<16xf32>
            %swap3A_791 = vector.shape_cast %select_n3A_414 : vector<16xf32> to vector<16xf32>
            tpu.vector_store %arg8[%swap3A_788], %swap3A_791 {strides = array<i32>} : memref<96xf32, #tpu.memory_space<vmem>>, vector<16xf32>,
            %swap3A_792 = arith.constant 48 : index
            %swap3A_793 = tpu.vector_load %arg8[%swap3A_792] {strides = array<i32>} : memref<96xf32, #tpu.memory_space<vmem>>, vector<16xf32>,
            %swap3A_794 = vector.shape_cast %swap3A_793 : vector<16xf32> to vector<16xf32>
            %swap3A_795 = vector.shape_cast %select_n3A_416 : vector<16xf32> to vector<16xf32>
            tpu.vector_store %arg8[%swap3A_792], %swap3A_795 {strides = array<i32>} : memref<96xf32, #tpu.memory_space<vmem>>, vector<16xf32>,
            %broadcast_in_dim3A_796 = vector.broadcast %add3A_395 : f32 to vector<16xf32>
            %swap3A_797 = arith.constant 64 : index
            %swap3A_798 = tpu.vector_load %arg8[%swap3A_797] {strides = array<i32>} : memref<96xf32, #tpu.memory_space<vmem>>, vector<16xf32>,
            %swap3A_799 = vector.shape_cast %swap3A_798 : vector<16xf32> to vector<16xf32>
            %swap3A_800 = vector.shape_cast %broadcast_in_dim3A_796 : vector<16xf32> to vector<16xf32>
            tpu.vector_store %arg8[%swap3A_797], %swap3A_800 {strides = array<i32>} : memref<96xf32, #tpu.memory_space<vmem>>, vector<16xf32>,
            %convert_element_type3A_801 = arith.sitofp %squeeze3A_387 : i32 to f32
            %broadcast_in_dim3A_802 = vector.broadcast %convert_element_type3A_801 : f32 to vector<16xf32>
            %swap3A_803 = arith.constant 80 : index
            %swap3A_804 = tpu.vector_load %arg8[%swap3A_803] {strides = array<i32>} : memref<96xf32, #tpu.memory_space<vmem>>, vector<16xf32>,
            %swap3A_805 = vector.shape_cast %swap3A_804 : vector<16xf32> to vector<16xf32>
            %swap3A_806 = vector.shape_cast %broadcast_in_dim3A_802 : vector<16xf32> to vector<16xf32>
            tpu.vector_store %arg8[%swap3A_803], %swap3A_806 {strides = array<i32>} : memref<96xf32, #tpu.memory_space<vmem>>, vector<16xf32>,
            %eq3A_807 = arith.cmpi eq, %squeeze3A_387, %squeeze3A : i32
            %eq3A_808 = arith.cmpi eq, %squeeze3A_387, %squeeze3A_60 : i32
            %or3A_809 = arith.ori %eq3A_807, %eq3A_808 : i1
            %convert_element_type3A_810 = arith.extui %or3A_809 : i1 to i32
            %cond3A_811 = arith.constant 0 : i32
            %cond3A_812 = arith.cmpi ne, %convert_element_type3A_810, %cond3A_811 : i32
            scf.if %cond3A_812 {
              %eq3A_818 = arith.cmpi eq, %squeeze3A_387, %squeeze3A : i32
              %mul3A_819 = arith.constant 2 : i32
              %mul3A_820 = arith.muli %mul3A_819, %arg1 : i32
              %mul3A_821 = arith.constant 2 : i32
              %mul3A_822 = arith.muli %mul3A_821, %arg1 : i32
              %add3A_823 = arith.constant 1 : i32
              %add3A_824 = arith.addi %mul3A_822, %add3A_823 : i32
              %select_n3A_825 = arith.select %eq3A_818, %mul3A_820, %add3A_824 : i32
              "tpu.region"() ({
                %run_scoped3A = tpu.sem_alloc : memref<!tpu.dma_semaphore, #tpu.memory_space<semaphore_mem>>
                %dma_start3A = arith.constant 0 : i32
                %dma_start3A_826 = tpu.memref_slice %arg5[%arg0, %select_n3A_825, %dma_start3A] : memref<2x32x96xf32, #tpu.memory_space<hbm>> -> memref<1x1x96xf32, #tpu.memory_space<hbm>>
                %dma_start3A_827 = tpu.memref_squeeze %dma_start3A_826 : memref<1x1x96xf32, #tpu.memory_space<hbm>> -> memref<96xf32, #tpu.memory_space<hbm>>
                %dma_start3A_828 = arith.constant 0 : i32
                %dma_start3A_829 = tpu.memref_slice %arg5[%arg0, %select_n3A_825, %dma_start3A_828] : memref<2x32x96xf32, #tpu.memory_space<hbm>> -> memref<1x1x96xf32, #tpu.memory_space<hbm>>
                %dma_start3A_830 = tpu.memref_squeeze %dma_start3A_829 : memref<1x1x96xf32, #tpu.memory_space<hbm>> -> memref<96xf32, #tpu.memory_space<hbm>>
                tpu.enqueue_dma source(%arg8 : memref<96xf32, #tpu.memory_space<vmem>>) target(%dma_start3A_830 : memref<96xf32, #tpu.memory_space<hbm>>) target_semaphore(%run_scoped3A : memref<!tpu.dma_semaphore, #tpu.memory_space<semaphore_mem>>)
                %dma_wait3A = arith.constant 0 : i32
                %dma_wait3A_831 = tpu.memref_slice %arg5[%arg0, %select_n3A_825, %dma_wait3A] : memref<2x32x96xf32, #tpu.memory_space<hbm>> -> memref<1x1x96xf32, #tpu.memory_space<hbm>>
                %dma_wait3A_832 = tpu.memref_squeeze %dma_wait3A_831 : memref<1x1x96xf32, #tpu.memory_space<hbm>> -> memref<96xf32, #tpu.memory_space<hbm>>
                %dma_wait3A_833 = arith.constant 0 : i32
                %dma_wait3A_834 = tpu.memref_slice %arg5[%arg0, %select_n3A_825, %dma_wait3A_833] : memref<2x32x96xf32, #tpu.memory_space<hbm>> -> memref<1x1x96xf32, #tpu.memory_space<hbm>>
                %dma_wait3A_835 = tpu.memref_squeeze %dma_wait3A_834 : memref<1x1x96xf32, #tpu.memory_space<hbm>> -> memref<96xf32, #tpu.memory_space<hbm>>
                tpu.wait_dma2 semaphore(%run_scoped3A : memref<!tpu.dma_semaphore, #tpu.memory_space<semaphore_mem>>) src(%arg8 : memref<96xf32, #tpu.memory_space<vmem>>) dst(%dma_wait3A_835 : memref<96xf32, #tpu.memory_space<hbm>>)
                tpu.yield
              }) : () -> ()
            } else {
            }
            %not3A_813 = arith.constant true
            %not3A_814 = arith.xori %or3A_809, %not3A_813 : i1
            %convert_element_type3A_815 = arith.extui %not3A_814 : i1 to i32
            %cond3A_816 = arith.constant 0 : i32
            %cond3A_817 = arith.cmpi ne, %convert_element_type3A_815, %cond3A_816 : i32
            scf.if %cond3A_817 {
              "tpu.region"() ({
                %run_scoped3A = tpu.sem_alloc : memref<!tpu.dma_semaphore, #tpu.memory_space<semaphore_mem>>
                %dma_start3A = arith.constant 0 : i32
                %dma_start3A_818 = tpu.memref_slice %arg4[%arg0, %squeeze3A_387, %dma_start3A] : memref<2x1024x96xf32, #tpu.memory_space<hbm>> -> memref<1x1x96xf32, #tpu.memory_space<hbm>>
                %dma_start3A_819 = tpu.memref_squeeze %dma_start3A_818 : memref<1x1x96xf32, #tpu.memory_space<hbm>> -> memref<96xf32, #tpu.memory_space<hbm>>
                %dma_start3A_820 = arith.constant 0 : i32
                %dma_start3A_821 = tpu.memref_slice %arg4[%arg0, %squeeze3A_387, %dma_start3A_820] : memref<2x1024x96xf32, #tpu.memory_space<hbm>> -> memref<1x1x96xf32, #tpu.memory_space<hbm>>
                %dma_start3A_822 = tpu.memref_squeeze %dma_start3A_821 : memref<1x1x96xf32, #tpu.memory_space<hbm>> -> memref<96xf32, #tpu.memory_space<hbm>>
                tpu.enqueue_dma source(%arg8 : memref<96xf32, #tpu.memory_space<vmem>>) target(%dma_start3A_822 : memref<96xf32, #tpu.memory_space<hbm>>) target_semaphore(%run_scoped3A : memref<!tpu.dma_semaphore, #tpu.memory_space<semaphore_mem>>)
                %dma_wait3A = arith.constant 0 : i32
                %dma_wait3A_823 = tpu.memref_slice %arg4[%arg0, %squeeze3A_387, %dma_wait3A] : memref<2x1024x96xf32, #tpu.memory_space<hbm>> -> memref<1x1x96xf32, #tpu.memory_space<hbm>>
                %dma_wait3A_824 = tpu.memref_squeeze %dma_wait3A_823 : memref<1x1x96xf32, #tpu.memory_space<hbm>> -> memref<96xf32, #tpu.memory_space<hbm>>
                %dma_wait3A_825 = arith.constant 0 : i32
                %dma_wait3A_826 = tpu.memref_slice %arg4[%arg0, %squeeze3A_387, %dma_wait3A_825] : memref<2x1024x96xf32, #tpu.memory_space<hbm>> -> memref<1x1x96xf32, #tpu.memory_space<hbm>>
                %dma_wait3A_827 = tpu.memref_squeeze %dma_wait3A_826 : memref<1x1x96xf32, #tpu.memory_space<hbm>> -> memref<96xf32, #tpu.memory_space<hbm>>
                tpu.wait_dma2 semaphore(%run_scoped3A : memref<!tpu.dma_semaphore, #tpu.memory_space<semaphore_mem>>) src(%arg8 : memref<96xf32, #tpu.memory_space<vmem>>) dst(%dma_wait3A_827 : memref<96xf32, #tpu.memory_space<hbm>>)
                tpu.yield
              }) : () -> ()
            } else {
            }
          } else {
          }
          %jit3A_423 = arith.constant 0.000000e+00 : f32
          %select_n3A_424 = arith.select %ne3A_419, %jit3A_423, %add3A_395 : f32
          %add3A_425 = arith.constant 1.000000e+00 : f32
          %add3A_426 = arith.addf %select_n3A_424, %add3A_425 : f32
          %broadcast_in_dim3A_427 = arith.constant 0.000000e+00 : f32
          %broadcast_in_dim3A_428 = vector.broadcast %broadcast_in_dim3A_427 : f32 to vector<16xf32>
          %select_n3A_429 = arith.select %ne3A_419, %broadcast_in_dim3A_428, %select_n3A_409 : vector<16xf32>
          %broadcast_in_dim3A_430 = arith.constant 0.000000e+00 : f32
          %broadcast_in_dim3A_431 = vector.broadcast %broadcast_in_dim3A_430 : f32 to vector<16xf32>
          %select_n3A_432 = arith.select %ne3A_419, %broadcast_in_dim3A_431, %select_n3A_412 : vector<16xf32>
          %broadcast_in_dim3A_433 = arith.constant 0xFF800000 : f32
          %broadcast_in_dim3A_434 = vector.broadcast %broadcast_in_dim3A_433 : f32 to vector<16xf32>
          %select_n3A_435 = arith.select %ne3A_419, %broadcast_in_dim3A_434, %select_n3A_414 : vector<16xf32>
          %broadcast_in_dim3A_436 = arith.constant 0x7F800000 : f32
          %broadcast_in_dim3A_437 = vector.broadcast %broadcast_in_dim3A_436 : f32 to vector<16xf32>
          %select_n3A_438 = arith.select %ne3A_419, %broadcast_in_dim3A_437, %select_n3A_416 : vector<16xf32>
          %add3A_439 = arith.addf %select_n3A_429, %get3A_200 : vector<16xf32>
          %select_n3A_440 = arith.select %ge3A_265, %add3A_439, %select_n3A_429 : vector<16xi1>, vector<16xf32>
          %mul3A_441 = arith.mulf %get3A_200, %get3A_200 : vector<16xf32>
          %add3A_442 = arith.addf %select_n3A_432, %mul3A_441 : vector<16xf32>
          %select_n3A_443 = arith.select %ge3A_265, %add3A_442, %select_n3A_432 : vector<16xi1>, vector<16xf32>
          %max3A_444 = arith.maximumf %select_n3A_435, %get3A_200 : vector<16xf32>
          %select_n3A_445 = arith.select %ge3A_265, %max3A_444, %select_n3A_435 : vector<16xi1>, vector<16xf32>
          %min3A_446 = arith.minimumf %select_n3A_438, %get3A_200 : vector<16xf32>
          %select_n3A_447 = arith.select %ge3A_265, %min3A_446, %select_n3A_438 : vector<16xi1>, vector<16xf32>
          %slice3A_448 = vector.extract_strided_slice %get3A_175 {offsets = [6], sizes = [1], strides = [1]} : vector<16xi32> to vector<1xi32>
          %squeeze3A_449 = vector.extract %slice3A_448[0] : i32 from vector<1xi32>
          %ne3A_450 = arith.cmpi ne, %squeeze3A_449, %squeeze3A_418 : i32
          %convert_element_type3A_451 = arith.extui %ne3A_450 : i1 to i32
          %cond3A_452 = arith.constant 0 : i32
          %cond3A_453 = arith.cmpi ne, %convert_element_type3A_451, %cond3A_452 : i32
          scf.if %cond3A_453 {
            %swap3A_780 = arith.constant 0 : index
            %swap3A_781 = tpu.vector_load %arg8[%swap3A_780] {strides = array<i32>} : memref<96xf32, #tpu.memory_space<vmem>>, vector<16xf32>,
            %swap3A_782 = vector.shape_cast %swap3A_781 : vector<16xf32> to vector<16xf32>
            %swap3A_783 = vector.shape_cast %select_n3A_440 : vector<16xf32> to vector<16xf32>
            tpu.vector_store %arg8[%swap3A_780], %swap3A_783 {strides = array<i32>} : memref<96xf32, #tpu.memory_space<vmem>>, vector<16xf32>,
            %swap3A_784 = arith.constant 16 : index
            %swap3A_785 = tpu.vector_load %arg8[%swap3A_784] {strides = array<i32>} : memref<96xf32, #tpu.memory_space<vmem>>, vector<16xf32>,
            %swap3A_786 = vector.shape_cast %swap3A_785 : vector<16xf32> to vector<16xf32>
            %swap3A_787 = vector.shape_cast %select_n3A_443 : vector<16xf32> to vector<16xf32>
            tpu.vector_store %arg8[%swap3A_784], %swap3A_787 {strides = array<i32>} : memref<96xf32, #tpu.memory_space<vmem>>, vector<16xf32>,
            %swap3A_788 = arith.constant 32 : index
            %swap3A_789 = tpu.vector_load %arg8[%swap3A_788] {strides = array<i32>} : memref<96xf32, #tpu.memory_space<vmem>>, vector<16xf32>,
            %swap3A_790 = vector.shape_cast %swap3A_789 : vector<16xf32> to vector<16xf32>
            %swap3A_791 = vector.shape_cast %select_n3A_445 : vector<16xf32> to vector<16xf32>
            tpu.vector_store %arg8[%swap3A_788], %swap3A_791 {strides = array<i32>} : memref<96xf32, #tpu.memory_space<vmem>>, vector<16xf32>,
            %swap3A_792 = arith.constant 48 : index
            %swap3A_793 = tpu.vector_load %arg8[%swap3A_792] {strides = array<i32>} : memref<96xf32, #tpu.memory_space<vmem>>, vector<16xf32>,
            %swap3A_794 = vector.shape_cast %swap3A_793 : vector<16xf32> to vector<16xf32>
            %swap3A_795 = vector.shape_cast %select_n3A_447 : vector<16xf32> to vector<16xf32>
            tpu.vector_store %arg8[%swap3A_792], %swap3A_795 {strides = array<i32>} : memref<96xf32, #tpu.memory_space<vmem>>, vector<16xf32>,
            %broadcast_in_dim3A_796 = vector.broadcast %add3A_426 : f32 to vector<16xf32>
            %swap3A_797 = arith.constant 64 : index
            %swap3A_798 = tpu.vector_load %arg8[%swap3A_797] {strides = array<i32>} : memref<96xf32, #tpu.memory_space<vmem>>, vector<16xf32>,
            %swap3A_799 = vector.shape_cast %swap3A_798 : vector<16xf32> to vector<16xf32>
            %swap3A_800 = vector.shape_cast %broadcast_in_dim3A_796 : vector<16xf32> to vector<16xf32>
            tpu.vector_store %arg8[%swap3A_797], %swap3A_800 {strides = array<i32>} : memref<96xf32, #tpu.memory_space<vmem>>, vector<16xf32>,
            %convert_element_type3A_801 = arith.sitofp %squeeze3A_418 : i32 to f32
            %broadcast_in_dim3A_802 = vector.broadcast %convert_element_type3A_801 : f32 to vector<16xf32>
            %swap3A_803 = arith.constant 80 : index
            %swap3A_804 = tpu.vector_load %arg8[%swap3A_803] {strides = array<i32>} : memref<96xf32, #tpu.memory_space<vmem>>, vector<16xf32>,
            %swap3A_805 = vector.shape_cast %swap3A_804 : vector<16xf32> to vector<16xf32>
            %swap3A_806 = vector.shape_cast %broadcast_in_dim3A_802 : vector<16xf32> to vector<16xf32>
            tpu.vector_store %arg8[%swap3A_803], %swap3A_806 {strides = array<i32>} : memref<96xf32, #tpu.memory_space<vmem>>, vector<16xf32>,
            %eq3A_807 = arith.cmpi eq, %squeeze3A_418, %squeeze3A : i32
            %eq3A_808 = arith.cmpi eq, %squeeze3A_418, %squeeze3A_60 : i32
            %or3A_809 = arith.ori %eq3A_807, %eq3A_808 : i1
            %convert_element_type3A_810 = arith.extui %or3A_809 : i1 to i32
            %cond3A_811 = arith.constant 0 : i32
            %cond3A_812 = arith.cmpi ne, %convert_element_type3A_810, %cond3A_811 : i32
            scf.if %cond3A_812 {
              %eq3A_818 = arith.cmpi eq, %squeeze3A_418, %squeeze3A : i32
              %mul3A_819 = arith.constant 2 : i32
              %mul3A_820 = arith.muli %mul3A_819, %arg1 : i32
              %mul3A_821 = arith.constant 2 : i32
              %mul3A_822 = arith.muli %mul3A_821, %arg1 : i32
              %add3A_823 = arith.constant 1 : i32
              %add3A_824 = arith.addi %mul3A_822, %add3A_823 : i32
              %select_n3A_825 = arith.select %eq3A_818, %mul3A_820, %add3A_824 : i32
              "tpu.region"() ({
                %run_scoped3A = tpu.sem_alloc : memref<!tpu.dma_semaphore, #tpu.memory_space<semaphore_mem>>
                %dma_start3A = arith.constant 0 : i32
                %dma_start3A_826 = tpu.memref_slice %arg5[%arg0, %select_n3A_825, %dma_start3A] : memref<2x32x96xf32, #tpu.memory_space<hbm>> -> memref<1x1x96xf32, #tpu.memory_space<hbm>>
                %dma_start3A_827 = tpu.memref_squeeze %dma_start3A_826 : memref<1x1x96xf32, #tpu.memory_space<hbm>> -> memref<96xf32, #tpu.memory_space<hbm>>
                %dma_start3A_828 = arith.constant 0 : i32
                %dma_start3A_829 = tpu.memref_slice %arg5[%arg0, %select_n3A_825, %dma_start3A_828] : memref<2x32x96xf32, #tpu.memory_space<hbm>> -> memref<1x1x96xf32, #tpu.memory_space<hbm>>
                %dma_start3A_830 = tpu.memref_squeeze %dma_start3A_829 : memref<1x1x96xf32, #tpu.memory_space<hbm>> -> memref<96xf32, #tpu.memory_space<hbm>>
                tpu.enqueue_dma source(%arg8 : memref<96xf32, #tpu.memory_space<vmem>>) target(%dma_start3A_830 : memref<96xf32, #tpu.memory_space<hbm>>) target_semaphore(%run_scoped3A : memref<!tpu.dma_semaphore, #tpu.memory_space<semaphore_mem>>)
                %dma_wait3A = arith.constant 0 : i32
                %dma_wait3A_831 = tpu.memref_slice %arg5[%arg0, %select_n3A_825, %dma_wait3A] : memref<2x32x96xf32, #tpu.memory_space<hbm>> -> memref<1x1x96xf32, #tpu.memory_space<hbm>>
                %dma_wait3A_832 = tpu.memref_squeeze %dma_wait3A_831 : memref<1x1x96xf32, #tpu.memory_space<hbm>> -> memref<96xf32, #tpu.memory_space<hbm>>
                %dma_wait3A_833 = arith.constant 0 : i32
                %dma_wait3A_834 = tpu.memref_slice %arg5[%arg0, %select_n3A_825, %dma_wait3A_833] : memref<2x32x96xf32, #tpu.memory_space<hbm>> -> memref<1x1x96xf32, #tpu.memory_space<hbm>>
                %dma_wait3A_835 = tpu.memref_squeeze %dma_wait3A_834 : memref<1x1x96xf32, #tpu.memory_space<hbm>> -> memref<96xf32, #tpu.memory_space<hbm>>
                tpu.wait_dma2 semaphore(%run_scoped3A : memref<!tpu.dma_semaphore, #tpu.memory_space<semaphore_mem>>) src(%arg8 : memref<96xf32, #tpu.memory_space<vmem>>) dst(%dma_wait3A_835 : memref<96xf32, #tpu.memory_space<hbm>>)
                tpu.yield
              }) : () -> ()
            } else {
            }
            %not3A_813 = arith.constant true
            %not3A_814 = arith.xori %or3A_809, %not3A_813 : i1
            %convert_element_type3A_815 = arith.extui %not3A_814 : i1 to i32
            %cond3A_816 = arith.constant 0 : i32
            %cond3A_817 = arith.cmpi ne, %convert_element_type3A_815, %cond3A_816 : i32
            scf.if %cond3A_817 {
              "tpu.region"() ({
                %run_scoped3A = tpu.sem_alloc : memref<!tpu.dma_semaphore, #tpu.memory_space<semaphore_mem>>
                %dma_start3A = arith.constant 0 : i32
                %dma_start3A_818 = tpu.memref_slice %arg4[%arg0, %squeeze3A_418, %dma_start3A] : memref<2x1024x96xf32, #tpu.memory_space<hbm>> -> memref<1x1x96xf32, #tpu.memory_space<hbm>>
                %dma_start3A_819 = tpu.memref_squeeze %dma_start3A_818 : memref<1x1x96xf32, #tpu.memory_space<hbm>> -> memref<96xf32, #tpu.memory_space<hbm>>
                %dma_start3A_820 = arith.constant 0 : i32
                %dma_start3A_821 = tpu.memref_slice %arg4[%arg0, %squeeze3A_418, %dma_start3A_820] : memref<2x1024x96xf32, #tpu.memory_space<hbm>> -> memref<1x1x96xf32, #tpu.memory_space<hbm>>
                %dma_start3A_822 = tpu.memref_squeeze %dma_start3A_821 : memref<1x1x96xf32, #tpu.memory_space<hbm>> -> memref<96xf32, #tpu.memory_space<hbm>>
                tpu.enqueue_dma source(%arg8 : memref<96xf32, #tpu.memory_space<vmem>>) target(%dma_start3A_822 : memref<96xf32, #tpu.memory_space<hbm>>) target_semaphore(%run_scoped3A : memref<!tpu.dma_semaphore, #tpu.memory_space<semaphore_mem>>)
                %dma_wait3A = arith.constant 0 : i32
                %dma_wait3A_823 = tpu.memref_slice %arg4[%arg0, %squeeze3A_418, %dma_wait3A] : memref<2x1024x96xf32, #tpu.memory_space<hbm>> -> memref<1x1x96xf32, #tpu.memory_space<hbm>>
                %dma_wait3A_824 = tpu.memref_squeeze %dma_wait3A_823 : memref<1x1x96xf32, #tpu.memory_space<hbm>> -> memref<96xf32, #tpu.memory_space<hbm>>
                %dma_wait3A_825 = arith.constant 0 : i32
                %dma_wait3A_826 = tpu.memref_slice %arg4[%arg0, %squeeze3A_418, %dma_wait3A_825] : memref<2x1024x96xf32, #tpu.memory_space<hbm>> -> memref<1x1x96xf32, #tpu.memory_space<hbm>>
                %dma_wait3A_827 = tpu.memref_squeeze %dma_wait3A_826 : memref<1x1x96xf32, #tpu.memory_space<hbm>> -> memref<96xf32, #tpu.memory_space<hbm>>
                tpu.wait_dma2 semaphore(%run_scoped3A : memref<!tpu.dma_semaphore, #tpu.memory_space<semaphore_mem>>) src(%arg8 : memref<96xf32, #tpu.memory_space<vmem>>) dst(%dma_wait3A_827 : memref<96xf32, #tpu.memory_space<hbm>>)
                tpu.yield
              }) : () -> ()
            } else {
            }
          } else {
          }
          %jit3A_454 = arith.constant 0.000000e+00 : f32
          %select_n3A_455 = arith.select %ne3A_450, %jit3A_454, %add3A_426 : f32
          %add3A_456 = arith.constant 1.000000e+00 : f32
          %add3A_457 = arith.addf %select_n3A_455, %add3A_456 : f32
          %broadcast_in_dim3A_458 = arith.constant 0.000000e+00 : f32
          %broadcast_in_dim3A_459 = vector.broadcast %broadcast_in_dim3A_458 : f32 to vector<16xf32>
          %select_n3A_460 = arith.select %ne3A_450, %broadcast_in_dim3A_459, %select_n3A_440 : vector<16xf32>
          %broadcast_in_dim3A_461 = arith.constant 0.000000e+00 : f32
          %broadcast_in_dim3A_462 = vector.broadcast %broadcast_in_dim3A_461 : f32 to vector<16xf32>
          %select_n3A_463 = arith.select %ne3A_450, %broadcast_in_dim3A_462, %select_n3A_443 : vector<16xf32>
          %broadcast_in_dim3A_464 = arith.constant 0xFF800000 : f32
          %broadcast_in_dim3A_465 = vector.broadcast %broadcast_in_dim3A_464 : f32 to vector<16xf32>
          %select_n3A_466 = arith.select %ne3A_450, %broadcast_in_dim3A_465, %select_n3A_445 : vector<16xf32>
          %broadcast_in_dim3A_467 = arith.constant 0x7F800000 : f32
          %broadcast_in_dim3A_468 = vector.broadcast %broadcast_in_dim3A_467 : f32 to vector<16xf32>
          %select_n3A_469 = arith.select %ne3A_450, %broadcast_in_dim3A_468, %select_n3A_447 : vector<16xf32>
          %add3A_470 = arith.addf %select_n3A_460, %get3A_207 : vector<16xf32>
          %select_n3A_471 = arith.select %lt3A_263, %add3A_470, %select_n3A_460 : vector<16xi1>, vector<16xf32>
          %mul3A_472 = arith.mulf %get3A_207, %get3A_207 : vector<16xf32>
          %add3A_473 = arith.addf %select_n3A_463, %mul3A_472 : vector<16xf32>
          %select_n3A_474 = arith.select %lt3A_263, %add3A_473, %select_n3A_463 : vector<16xi1>, vector<16xf32>
          %max3A_475 = arith.maximumf %select_n3A_466, %get3A_207 : vector<16xf32>
          %select_n3A_476 = arith.select %lt3A_263, %max3A_475, %select_n3A_466 : vector<16xi1>, vector<16xf32>
          %min3A_477 = arith.minimumf %select_n3A_469, %get3A_207 : vector<16xf32>
          %select_n3A_478 = arith.select %lt3A_263, %min3A_477, %select_n3A_469 : vector<16xi1>, vector<16xf32>
          %slice3A_479 = vector.extract_strided_slice %get3A_175 {offsets = [7], sizes = [1], strides = [1]} : vector<16xi32> to vector<1xi32>
          %squeeze3A_480 = vector.extract %slice3A_479[0] : i32 from vector<1xi32>
          %ne3A_481 = arith.cmpi ne, %squeeze3A_480, %squeeze3A_449 : i32
          %convert_element_type3A_482 = arith.extui %ne3A_481 : i1 to i32
          %cond3A_483 = arith.constant 0 : i32
          %cond3A_484 = arith.cmpi ne, %convert_element_type3A_482, %cond3A_483 : i32
          scf.if %cond3A_484 {
            %swap3A_780 = arith.constant 0 : index
            %swap3A_781 = tpu.vector_load %arg8[%swap3A_780] {strides = array<i32>} : memref<96xf32, #tpu.memory_space<vmem>>, vector<16xf32>,
            %swap3A_782 = vector.shape_cast %swap3A_781 : vector<16xf32> to vector<16xf32>
            %swap3A_783 = vector.shape_cast %select_n3A_471 : vector<16xf32> to vector<16xf32>
            tpu.vector_store %arg8[%swap3A_780], %swap3A_783 {strides = array<i32>} : memref<96xf32, #tpu.memory_space<vmem>>, vector<16xf32>,
            %swap3A_784 = arith.constant 16 : index
            %swap3A_785 = tpu.vector_load %arg8[%swap3A_784] {strides = array<i32>} : memref<96xf32, #tpu.memory_space<vmem>>, vector<16xf32>,
            %swap3A_786 = vector.shape_cast %swap3A_785 : vector<16xf32> to vector<16xf32>
            %swap3A_787 = vector.shape_cast %select_n3A_474 : vector<16xf32> to vector<16xf32>
            tpu.vector_store %arg8[%swap3A_784], %swap3A_787 {strides = array<i32>} : memref<96xf32, #tpu.memory_space<vmem>>, vector<16xf32>,
            %swap3A_788 = arith.constant 32 : index
            %swap3A_789 = tpu.vector_load %arg8[%swap3A_788] {strides = array<i32>} : memref<96xf32, #tpu.memory_space<vmem>>, vector<16xf32>,
            %swap3A_790 = vector.shape_cast %swap3A_789 : vector<16xf32> to vector<16xf32>
            %swap3A_791 = vector.shape_cast %select_n3A_476 : vector<16xf32> to vector<16xf32>
            tpu.vector_store %arg8[%swap3A_788], %swap3A_791 {strides = array<i32>} : memref<96xf32, #tpu.memory_space<vmem>>, vector<16xf32>,
            %swap3A_792 = arith.constant 48 : index
            %swap3A_793 = tpu.vector_load %arg8[%swap3A_792] {strides = array<i32>} : memref<96xf32, #tpu.memory_space<vmem>>, vector<16xf32>,
            %swap3A_794 = vector.shape_cast %swap3A_793 : vector<16xf32> to vector<16xf32>
            %swap3A_795 = vector.shape_cast %select_n3A_478 : vector<16xf32> to vector<16xf32>
            tpu.vector_store %arg8[%swap3A_792], %swap3A_795 {strides = array<i32>} : memref<96xf32, #tpu.memory_space<vmem>>, vector<16xf32>,
            %broadcast_in_dim3A_796 = vector.broadcast %add3A_457 : f32 to vector<16xf32>
            %swap3A_797 = arith.constant 64 : index
            %swap3A_798 = tpu.vector_load %arg8[%swap3A_797] {strides = array<i32>} : memref<96xf32, #tpu.memory_space<vmem>>, vector<16xf32>,
            %swap3A_799 = vector.shape_cast %swap3A_798 : vector<16xf32> to vector<16xf32>
            %swap3A_800 = vector.shape_cast %broadcast_in_dim3A_796 : vector<16xf32> to vector<16xf32>
            tpu.vector_store %arg8[%swap3A_797], %swap3A_800 {strides = array<i32>} : memref<96xf32, #tpu.memory_space<vmem>>, vector<16xf32>,
            %convert_element_type3A_801 = arith.sitofp %squeeze3A_449 : i32 to f32
            %broadcast_in_dim3A_802 = vector.broadcast %convert_element_type3A_801 : f32 to vector<16xf32>
            %swap3A_803 = arith.constant 80 : index
            %swap3A_804 = tpu.vector_load %arg8[%swap3A_803] {strides = array<i32>} : memref<96xf32, #tpu.memory_space<vmem>>, vector<16xf32>,
            %swap3A_805 = vector.shape_cast %swap3A_804 : vector<16xf32> to vector<16xf32>
            %swap3A_806 = vector.shape_cast %broadcast_in_dim3A_802 : vector<16xf32> to vector<16xf32>
            tpu.vector_store %arg8[%swap3A_803], %swap3A_806 {strides = array<i32>} : memref<96xf32, #tpu.memory_space<vmem>>, vector<16xf32>,
            %eq3A_807 = arith.cmpi eq, %squeeze3A_449, %squeeze3A : i32
            %eq3A_808 = arith.cmpi eq, %squeeze3A_449, %squeeze3A_60 : i32
            %or3A_809 = arith.ori %eq3A_807, %eq3A_808 : i1
            %convert_element_type3A_810 = arith.extui %or3A_809 : i1 to i32
            %cond3A_811 = arith.constant 0 : i32
            %cond3A_812 = arith.cmpi ne, %convert_element_type3A_810, %cond3A_811 : i32
            scf.if %cond3A_812 {
              %eq3A_818 = arith.cmpi eq, %squeeze3A_449, %squeeze3A : i32
              %mul3A_819 = arith.constant 2 : i32
              %mul3A_820 = arith.muli %mul3A_819, %arg1 : i32
              %mul3A_821 = arith.constant 2 : i32
              %mul3A_822 = arith.muli %mul3A_821, %arg1 : i32
              %add3A_823 = arith.constant 1 : i32
              %add3A_824 = arith.addi %mul3A_822, %add3A_823 : i32
              %select_n3A_825 = arith.select %eq3A_818, %mul3A_820, %add3A_824 : i32
              "tpu.region"() ({
                %run_scoped3A = tpu.sem_alloc : memref<!tpu.dma_semaphore, #tpu.memory_space<semaphore_mem>>
                %dma_start3A = arith.constant 0 : i32
                %dma_start3A_826 = tpu.memref_slice %arg5[%arg0, %select_n3A_825, %dma_start3A] : memref<2x32x96xf32, #tpu.memory_space<hbm>> -> memref<1x1x96xf32, #tpu.memory_space<hbm>>
                %dma_start3A_827 = tpu.memref_squeeze %dma_start3A_826 : memref<1x1x96xf32, #tpu.memory_space<hbm>> -> memref<96xf32, #tpu.memory_space<hbm>>
                %dma_start3A_828 = arith.constant 0 : i32
                %dma_start3A_829 = tpu.memref_slice %arg5[%arg0, %select_n3A_825, %dma_start3A_828] : memref<2x32x96xf32, #tpu.memory_space<hbm>> -> memref<1x1x96xf32, #tpu.memory_space<hbm>>
                %dma_start3A_830 = tpu.memref_squeeze %dma_start3A_829 : memref<1x1x96xf32, #tpu.memory_space<hbm>> -> memref<96xf32, #tpu.memory_space<hbm>>
                tpu.enqueue_dma source(%arg8 : memref<96xf32, #tpu.memory_space<vmem>>) target(%dma_start3A_830 : memref<96xf32, #tpu.memory_space<hbm>>) target_semaphore(%run_scoped3A : memref<!tpu.dma_semaphore, #tpu.memory_space<semaphore_mem>>)
                %dma_wait3A = arith.constant 0 : i32
                %dma_wait3A_831 = tpu.memref_slice %arg5[%arg0, %select_n3A_825, %dma_wait3A] : memref<2x32x96xf32, #tpu.memory_space<hbm>> -> memref<1x1x96xf32, #tpu.memory_space<hbm>>
                %dma_wait3A_832 = tpu.memref_squeeze %dma_wait3A_831 : memref<1x1x96xf32, #tpu.memory_space<hbm>> -> memref<96xf32, #tpu.memory_space<hbm>>
                %dma_wait3A_833 = arith.constant 0 : i32
                %dma_wait3A_834 = tpu.memref_slice %arg5[%arg0, %select_n3A_825, %dma_wait3A_833] : memref<2x32x96xf32, #tpu.memory_space<hbm>> -> memref<1x1x96xf32, #tpu.memory_space<hbm>>
                %dma_wait3A_835 = tpu.memref_squeeze %dma_wait3A_834 : memref<1x1x96xf32, #tpu.memory_space<hbm>> -> memref<96xf32, #tpu.memory_space<hbm>>
                tpu.wait_dma2 semaphore(%run_scoped3A : memref<!tpu.dma_semaphore, #tpu.memory_space<semaphore_mem>>) src(%arg8 : memref<96xf32, #tpu.memory_space<vmem>>) dst(%dma_wait3A_835 : memref<96xf32, #tpu.memory_space<hbm>>)
                tpu.yield
              }) : () -> ()
            } else {
            }
            %not3A_813 = arith.constant true
            %not3A_814 = arith.xori %or3A_809, %not3A_813 : i1
            %convert_element_type3A_815 = arith.extui %not3A_814 : i1 to i32
            %cond3A_816 = arith.constant 0 : i32
            %cond3A_817 = arith.cmpi ne, %convert_element_type3A_815, %cond3A_816 : i32
            scf.if %cond3A_817 {
              "tpu.region"() ({
                %run_scoped3A = tpu.sem_alloc : memref<!tpu.dma_semaphore, #tpu.memory_space<semaphore_mem>>
                %dma_start3A = arith.constant 0 : i32
                %dma_start3A_818 = tpu.memref_slice %arg4[%arg0, %squeeze3A_449, %dma_start3A] : memref<2x1024x96xf32, #tpu.memory_space<hbm>> -> memref<1x1x96xf32, #tpu.memory_space<hbm>>
                %dma_start3A_819 = tpu.memref_squeeze %dma_start3A_818 : memref<1x1x96xf32, #tpu.memory_space<hbm>> -> memref<96xf32, #tpu.memory_space<hbm>>
                %dma_start3A_820 = arith.constant 0 : i32
                %dma_start3A_821 = tpu.memref_slice %arg4[%arg0, %squeeze3A_449, %dma_start3A_820] : memref<2x1024x96xf32, #tpu.memory_space<hbm>> -> memref<1x1x96xf32, #tpu.memory_space<hbm>>
                %dma_start3A_822 = tpu.memref_squeeze %dma_start3A_821 : memref<1x1x96xf32, #tpu.memory_space<hbm>> -> memref<96xf32, #tpu.memory_space<hbm>>
                tpu.enqueue_dma source(%arg8 : memref<96xf32, #tpu.memory_space<vmem>>) target(%dma_start3A_822 : memref<96xf32, #tpu.memory_space<hbm>>) target_semaphore(%run_scoped3A : memref<!tpu.dma_semaphore, #tpu.memory_space<semaphore_mem>>)
                %dma_wait3A = arith.constant 0 : i32
                %dma_wait3A_823 = tpu.memref_slice %arg4[%arg0, %squeeze3A_449, %dma_wait3A] : memref<2x1024x96xf32, #tpu.memory_space<hbm>> -> memref<1x1x96xf32, #tpu.memory_space<hbm>>
                %dma_wait3A_824 = tpu.memref_squeeze %dma_wait3A_823 : memref<1x1x96xf32, #tpu.memory_space<hbm>> -> memref<96xf32, #tpu.memory_space<hbm>>
                %dma_wait3A_825 = arith.constant 0 : i32
                %dma_wait3A_826 = tpu.memref_slice %arg4[%arg0, %squeeze3A_449, %dma_wait3A_825] : memref<2x1024x96xf32, #tpu.memory_space<hbm>> -> memref<1x1x96xf32, #tpu.memory_space<hbm>>
                %dma_wait3A_827 = tpu.memref_squeeze %dma_wait3A_826 : memref<1x1x96xf32, #tpu.memory_space<hbm>> -> memref<96xf32, #tpu.memory_space<hbm>>
                tpu.wait_dma2 semaphore(%run_scoped3A : memref<!tpu.dma_semaphore, #tpu.memory_space<semaphore_mem>>) src(%arg8 : memref<96xf32, #tpu.memory_space<vmem>>) dst(%dma_wait3A_827 : memref<96xf32, #tpu.memory_space<hbm>>)
                tpu.yield
              }) : () -> ()
            } else {
            }
          } else {
          }
          %jit3A_485 = arith.constant 0.000000e+00 : f32
          %select_n3A_486 = arith.select %ne3A_481, %jit3A_485, %add3A_457 : f32
          %add3A_487 = arith.constant 1.000000e+00 : f32
          %add3A_488 = arith.addf %select_n3A_486, %add3A_487 : f32
          %broadcast_in_dim3A_489 = arith.constant 0.000000e+00 : f32
          %broadcast_in_dim3A_490 = vector.broadcast %broadcast_in_dim3A_489 : f32 to vector<16xf32>
          %select_n3A_491 = arith.select %ne3A_481, %broadcast_in_dim3A_490, %select_n3A_471 : vector<16xf32>
          %broadcast_in_dim3A_492 = arith.constant 0.000000e+00 : f32
          %broadcast_in_dim3A_493 = vector.broadcast %broadcast_in_dim3A_492 : f32 to vector<16xf32>
          %select_n3A_494 = arith.select %ne3A_481, %broadcast_in_dim3A_493, %select_n3A_474 : vector<16xf32>
          %broadcast_in_dim3A_495 = arith.constant 0xFF800000 : f32
          %broadcast_in_dim3A_496 = vector.broadcast %broadcast_in_dim3A_495 : f32 to vector<16xf32>
          %select_n3A_497 = arith.select %ne3A_481, %broadcast_in_dim3A_496, %select_n3A_476 : vector<16xf32>
          %broadcast_in_dim3A_498 = arith.constant 0x7F800000 : f32
          %broadcast_in_dim3A_499 = vector.broadcast %broadcast_in_dim3A_498 : f32 to vector<16xf32>
          %select_n3A_500 = arith.select %ne3A_481, %broadcast_in_dim3A_499, %select_n3A_478 : vector<16xf32>
          %add3A_501 = arith.addf %select_n3A_491, %get3A_207 : vector<16xf32>
          %select_n3A_502 = arith.select %ge3A_265, %add3A_501, %select_n3A_491 : vector<16xi1>, vector<16xf32>
          %mul3A_503 = arith.mulf %get3A_207, %get3A_207 : vector<16xf32>
          %add3A_504 = arith.addf %select_n3A_494, %mul3A_503 : vector<16xf32>
          %select_n3A_505 = arith.select %ge3A_265, %add3A_504, %select_n3A_494 : vector<16xi1>, vector<16xf32>
          %max3A_506 = arith.maximumf %select_n3A_497, %get3A_207 : vector<16xf32>
          %select_n3A_507 = arith.select %ge3A_265, %max3A_506, %select_n3A_497 : vector<16xi1>, vector<16xf32>
          %min3A_508 = arith.minimumf %select_n3A_500, %get3A_207 : vector<16xf32>
          %select_n3A_509 = arith.select %ge3A_265, %min3A_508, %select_n3A_500 : vector<16xi1>, vector<16xf32>
          %slice3A_510 = vector.extract_strided_slice %get3A_175 {offsets = [8], sizes = [1], strides = [1]} : vector<16xi32> to vector<1xi32>
          %squeeze3A_511 = vector.extract %slice3A_510[0] : i32 from vector<1xi32>
          %ne3A_512 = arith.cmpi ne, %squeeze3A_511, %squeeze3A_480 : i32
          %convert_element_type3A_513 = arith.extui %ne3A_512 : i1 to i32
          %cond3A_514 = arith.constant 0 : i32
          %cond3A_515 = arith.cmpi ne, %convert_element_type3A_513, %cond3A_514 : i32
          scf.if %cond3A_515 {
            %swap3A_780 = arith.constant 0 : index
            %swap3A_781 = tpu.vector_load %arg8[%swap3A_780] {strides = array<i32>} : memref<96xf32, #tpu.memory_space<vmem>>, vector<16xf32>,
            %swap3A_782 = vector.shape_cast %swap3A_781 : vector<16xf32> to vector<16xf32>
            %swap3A_783 = vector.shape_cast %select_n3A_502 : vector<16xf32> to vector<16xf32>
            tpu.vector_store %arg8[%swap3A_780], %swap3A_783 {strides = array<i32>} : memref<96xf32, #tpu.memory_space<vmem>>, vector<16xf32>,
            %swap3A_784 = arith.constant 16 : index
            %swap3A_785 = tpu.vector_load %arg8[%swap3A_784] {strides = array<i32>} : memref<96xf32, #tpu.memory_space<vmem>>, vector<16xf32>,
            %swap3A_786 = vector.shape_cast %swap3A_785 : vector<16xf32> to vector<16xf32>
            %swap3A_787 = vector.shape_cast %select_n3A_505 : vector<16xf32> to vector<16xf32>
            tpu.vector_store %arg8[%swap3A_784], %swap3A_787 {strides = array<i32>} : memref<96xf32, #tpu.memory_space<vmem>>, vector<16xf32>,
            %swap3A_788 = arith.constant 32 : index
            %swap3A_789 = tpu.vector_load %arg8[%swap3A_788] {strides = array<i32>} : memref<96xf32, #tpu.memory_space<vmem>>, vector<16xf32>,
            %swap3A_790 = vector.shape_cast %swap3A_789 : vector<16xf32> to vector<16xf32>
            %swap3A_791 = vector.shape_cast %select_n3A_507 : vector<16xf32> to vector<16xf32>
            tpu.vector_store %arg8[%swap3A_788], %swap3A_791 {strides = array<i32>} : memref<96xf32, #tpu.memory_space<vmem>>, vector<16xf32>,
            %swap3A_792 = arith.constant 48 : index
            %swap3A_793 = tpu.vector_load %arg8[%swap3A_792] {strides = array<i32>} : memref<96xf32, #tpu.memory_space<vmem>>, vector<16xf32>,
            %swap3A_794 = vector.shape_cast %swap3A_793 : vector<16xf32> to vector<16xf32>
            %swap3A_795 = vector.shape_cast %select_n3A_509 : vector<16xf32> to vector<16xf32>
            tpu.vector_store %arg8[%swap3A_792], %swap3A_795 {strides = array<i32>} : memref<96xf32, #tpu.memory_space<vmem>>, vector<16xf32>,
            %broadcast_in_dim3A_796 = vector.broadcast %add3A_488 : f32 to vector<16xf32>
            %swap3A_797 = arith.constant 64 : index
            %swap3A_798 = tpu.vector_load %arg8[%swap3A_797] {strides = array<i32>} : memref<96xf32, #tpu.memory_space<vmem>>, vector<16xf32>,
            %swap3A_799 = vector.shape_cast %swap3A_798 : vector<16xf32> to vector<16xf32>
            %swap3A_800 = vector.shape_cast %broadcast_in_dim3A_796 : vector<16xf32> to vector<16xf32>
            tpu.vector_store %arg8[%swap3A_797], %swap3A_800 {strides = array<i32>} : memref<96xf32, #tpu.memory_space<vmem>>, vector<16xf32>,
            %convert_element_type3A_801 = arith.sitofp %squeeze3A_480 : i32 to f32
            %broadcast_in_dim3A_802 = vector.broadcast %convert_element_type3A_801 : f32 to vector<16xf32>
            %swap3A_803 = arith.constant 80 : index
            %swap3A_804 = tpu.vector_load %arg8[%swap3A_803] {strides = array<i32>} : memref<96xf32, #tpu.memory_space<vmem>>, vector<16xf32>,
            %swap3A_805 = vector.shape_cast %swap3A_804 : vector<16xf32> to vector<16xf32>
            %swap3A_806 = vector.shape_cast %broadcast_in_dim3A_802 : vector<16xf32> to vector<16xf32>
            tpu.vector_store %arg8[%swap3A_803], %swap3A_806 {strides = array<i32>} : memref<96xf32, #tpu.memory_space<vmem>>, vector<16xf32>,
            %eq3A_807 = arith.cmpi eq, %squeeze3A_480, %squeeze3A : i32
            %eq3A_808 = arith.cmpi eq, %squeeze3A_480, %squeeze3A_60 : i32
            %or3A_809 = arith.ori %eq3A_807, %eq3A_808 : i1
            %convert_element_type3A_810 = arith.extui %or3A_809 : i1 to i32
            %cond3A_811 = arith.constant 0 : i32
            %cond3A_812 = arith.cmpi ne, %convert_element_type3A_810, %cond3A_811 : i32
            scf.if %cond3A_812 {
              %eq3A_818 = arith.cmpi eq, %squeeze3A_480, %squeeze3A : i32
              %mul3A_819 = arith.constant 2 : i32
              %mul3A_820 = arith.muli %mul3A_819, %arg1 : i32
              %mul3A_821 = arith.constant 2 : i32
              %mul3A_822 = arith.muli %mul3A_821, %arg1 : i32
              %add3A_823 = arith.constant 1 : i32
              %add3A_824 = arith.addi %mul3A_822, %add3A_823 : i32
              %select_n3A_825 = arith.select %eq3A_818, %mul3A_820, %add3A_824 : i32
              "tpu.region"() ({
                %run_scoped3A = tpu.sem_alloc : memref<!tpu.dma_semaphore, #tpu.memory_space<semaphore_mem>>
                %dma_start3A = arith.constant 0 : i32
                %dma_start3A_826 = tpu.memref_slice %arg5[%arg0, %select_n3A_825, %dma_start3A] : memref<2x32x96xf32, #tpu.memory_space<hbm>> -> memref<1x1x96xf32, #tpu.memory_space<hbm>>
                %dma_start3A_827 = tpu.memref_squeeze %dma_start3A_826 : memref<1x1x96xf32, #tpu.memory_space<hbm>> -> memref<96xf32, #tpu.memory_space<hbm>>
                %dma_start3A_828 = arith.constant 0 : i32
                %dma_start3A_829 = tpu.memref_slice %arg5[%arg0, %select_n3A_825, %dma_start3A_828] : memref<2x32x96xf32, #tpu.memory_space<hbm>> -> memref<1x1x96xf32, #tpu.memory_space<hbm>>
                %dma_start3A_830 = tpu.memref_squeeze %dma_start3A_829 : memref<1x1x96xf32, #tpu.memory_space<hbm>> -> memref<96xf32, #tpu.memory_space<hbm>>
                tpu.enqueue_dma source(%arg8 : memref<96xf32, #tpu.memory_space<vmem>>) target(%dma_start3A_830 : memref<96xf32, #tpu.memory_space<hbm>>) target_semaphore(%run_scoped3A : memref<!tpu.dma_semaphore, #tpu.memory_space<semaphore_mem>>)
                %dma_wait3A = arith.constant 0 : i32
                %dma_wait3A_831 = tpu.memref_slice %arg5[%arg0, %select_n3A_825, %dma_wait3A] : memref<2x32x96xf32, #tpu.memory_space<hbm>> -> memref<1x1x96xf32, #tpu.memory_space<hbm>>
                %dma_wait3A_832 = tpu.memref_squeeze %dma_wait3A_831 : memref<1x1x96xf32, #tpu.memory_space<hbm>> -> memref<96xf32, #tpu.memory_space<hbm>>
                %dma_wait3A_833 = arith.constant 0 : i32
                %dma_wait3A_834 = tpu.memref_slice %arg5[%arg0, %select_n3A_825, %dma_wait3A_833] : memref<2x32x96xf32, #tpu.memory_space<hbm>> -> memref<1x1x96xf32, #tpu.memory_space<hbm>>
                %dma_wait3A_835 = tpu.memref_squeeze %dma_wait3A_834 : memref<1x1x96xf32, #tpu.memory_space<hbm>> -> memref<96xf32, #tpu.memory_space<hbm>>
                tpu.wait_dma2 semaphore(%run_scoped3A : memref<!tpu.dma_semaphore, #tpu.memory_space<semaphore_mem>>) src(%arg8 : memref<96xf32, #tpu.memory_space<vmem>>) dst(%dma_wait3A_835 : memref<96xf32, #tpu.memory_space<hbm>>)
                tpu.yield
              }) : () -> ()
            } else {
            }
            %not3A_813 = arith.constant true
            %not3A_814 = arith.xori %or3A_809, %not3A_813 : i1
            %convert_element_type3A_815 = arith.extui %not3A_814 : i1 to i32
            %cond3A_816 = arith.constant 0 : i32
            %cond3A_817 = arith.cmpi ne, %convert_element_type3A_815, %cond3A_816 : i32
            scf.if %cond3A_817 {
              "tpu.region"() ({
                %run_scoped3A = tpu.sem_alloc : memref<!tpu.dma_semaphore, #tpu.memory_space<semaphore_mem>>
                %dma_start3A = arith.constant 0 : i32
                %dma_start3A_818 = tpu.memref_slice %arg4[%arg0, %squeeze3A_480, %dma_start3A] : memref<2x1024x96xf32, #tpu.memory_space<hbm>> -> memref<1x1x96xf32, #tpu.memory_space<hbm>>
                %dma_start3A_819 = tpu.memref_squeeze %dma_start3A_818 : memref<1x1x96xf32, #tpu.memory_space<hbm>> -> memref<96xf32, #tpu.memory_space<hbm>>
                %dma_start3A_820 = arith.constant 0 : i32
                %dma_start3A_821 = tpu.memref_slice %arg4[%arg0, %squeeze3A_480, %dma_start3A_820] : memref<2x1024x96xf32, #tpu.memory_space<hbm>> -> memref<1x1x96xf32, #tpu.memory_space<hbm>>
                %dma_start3A_822 = tpu.memref_squeeze %dma_start3A_821 : memref<1x1x96xf32, #tpu.memory_space<hbm>> -> memref<96xf32, #tpu.memory_space<hbm>>
                tpu.enqueue_dma source(%arg8 : memref<96xf32, #tpu.memory_space<vmem>>) target(%dma_start3A_822 : memref<96xf32, #tpu.memory_space<hbm>>) target_semaphore(%run_scoped3A : memref<!tpu.dma_semaphore, #tpu.memory_space<semaphore_mem>>)
                %dma_wait3A = arith.constant 0 : i32
                %dma_wait3A_823 = tpu.memref_slice %arg4[%arg0, %squeeze3A_480, %dma_wait3A] : memref<2x1024x96xf32, #tpu.memory_space<hbm>> -> memref<1x1x96xf32, #tpu.memory_space<hbm>>
                %dma_wait3A_824 = tpu.memref_squeeze %dma_wait3A_823 : memref<1x1x96xf32, #tpu.memory_space<hbm>> -> memref<96xf32, #tpu.memory_space<hbm>>
                %dma_wait3A_825 = arith.constant 0 : i32
                %dma_wait3A_826 = tpu.memref_slice %arg4[%arg0, %squeeze3A_480, %dma_wait3A_825] : memref<2x1024x96xf32, #tpu.memory_space<hbm>> -> memref<1x1x96xf32, #tpu.memory_space<hbm>>
                %dma_wait3A_827 = tpu.memref_squeeze %dma_wait3A_826 : memref<1x1x96xf32, #tpu.memory_space<hbm>> -> memref<96xf32, #tpu.memory_space<hbm>>
                tpu.wait_dma2 semaphore(%run_scoped3A : memref<!tpu.dma_semaphore, #tpu.memory_space<semaphore_mem>>) src(%arg8 : memref<96xf32, #tpu.memory_space<vmem>>) dst(%dma_wait3A_827 : memref<96xf32, #tpu.memory_space<hbm>>)
                tpu.yield
              }) : () -> ()
            } else {
            }
          } else {
          }
          %jit3A_516 = arith.constant 0.000000e+00 : f32
          %select_n3A_517 = arith.select %ne3A_512, %jit3A_516, %add3A_488 : f32
          %add3A_518 = arith.constant 1.000000e+00 : f32
          %add3A_519 = arith.addf %select_n3A_517, %add3A_518 : f32
          %broadcast_in_dim3A_520 = arith.constant 0.000000e+00 : f32
          %broadcast_in_dim3A_521 = vector.broadcast %broadcast_in_dim3A_520 : f32 to vector<16xf32>
          %select_n3A_522 = arith.select %ne3A_512, %broadcast_in_dim3A_521, %select_n3A_502 : vector<16xf32>
          %broadcast_in_dim3A_523 = arith.constant 0.000000e+00 : f32
          %broadcast_in_dim3A_524 = vector.broadcast %broadcast_in_dim3A_523 : f32 to vector<16xf32>
          %select_n3A_525 = arith.select %ne3A_512, %broadcast_in_dim3A_524, %select_n3A_505 : vector<16xf32>
          %broadcast_in_dim3A_526 = arith.constant 0xFF800000 : f32
          %broadcast_in_dim3A_527 = vector.broadcast %broadcast_in_dim3A_526 : f32 to vector<16xf32>
          %select_n3A_528 = arith.select %ne3A_512, %broadcast_in_dim3A_527, %select_n3A_507 : vector<16xf32>
          %broadcast_in_dim3A_529 = arith.constant 0x7F800000 : f32
          %broadcast_in_dim3A_530 = vector.broadcast %broadcast_in_dim3A_529 : f32 to vector<16xf32>
          %select_n3A_531 = arith.select %ne3A_512, %broadcast_in_dim3A_530, %select_n3A_509 : vector<16xf32>
          %add3A_532 = arith.addf %select_n3A_522, %get3A_214 : vector<16xf32>
          %select_n3A_533 = arith.select %lt3A_263, %add3A_532, %select_n3A_522 : vector<16xi1>, vector<16xf32>
          %mul3A_534 = arith.mulf %get3A_214, %get3A_214 : vector<16xf32>
          %add3A_535 = arith.addf %select_n3A_525, %mul3A_534 : vector<16xf32>
          %select_n3A_536 = arith.select %lt3A_263, %add3A_535, %select_n3A_525 : vector<16xi1>, vector<16xf32>
          %max3A_537 = arith.maximumf %select_n3A_528, %get3A_214 : vector<16xf32>
          %select_n3A_538 = arith.select %lt3A_263, %max3A_537, %select_n3A_528 : vector<16xi1>, vector<16xf32>
          %min3A_539 = arith.minimumf %select_n3A_531, %get3A_214 : vector<16xf32>
          %select_n3A_540 = arith.select %lt3A_263, %min3A_539, %select_n3A_531 : vector<16xi1>, vector<16xf32>
          %slice3A_541 = vector.extract_strided_slice %get3A_175 {offsets = [9], sizes = [1], strides = [1]} : vector<16xi32> to vector<1xi32>
          %squeeze3A_542 = vector.extract %slice3A_541[0] : i32 from vector<1xi32>
          %ne3A_543 = arith.cmpi ne, %squeeze3A_542, %squeeze3A_511 : i32
          %convert_element_type3A_544 = arith.extui %ne3A_543 : i1 to i32
          %cond3A_545 = arith.constant 0 : i32
          %cond3A_546 = arith.cmpi ne, %convert_element_type3A_544, %cond3A_545 : i32
          scf.if %cond3A_546 {
            %swap3A_780 = arith.constant 0 : index
            %swap3A_781 = tpu.vector_load %arg8[%swap3A_780] {strides = array<i32>} : memref<96xf32, #tpu.memory_space<vmem>>, vector<16xf32>,
            %swap3A_782 = vector.shape_cast %swap3A_781 : vector<16xf32> to vector<16xf32>
            %swap3A_783 = vector.shape_cast %select_n3A_533 : vector<16xf32> to vector<16xf32>
            tpu.vector_store %arg8[%swap3A_780], %swap3A_783 {strides = array<i32>} : memref<96xf32, #tpu.memory_space<vmem>>, vector<16xf32>,
            %swap3A_784 = arith.constant 16 : index
            %swap3A_785 = tpu.vector_load %arg8[%swap3A_784] {strides = array<i32>} : memref<96xf32, #tpu.memory_space<vmem>>, vector<16xf32>,
            %swap3A_786 = vector.shape_cast %swap3A_785 : vector<16xf32> to vector<16xf32>
            %swap3A_787 = vector.shape_cast %select_n3A_536 : vector<16xf32> to vector<16xf32>
            tpu.vector_store %arg8[%swap3A_784], %swap3A_787 {strides = array<i32>} : memref<96xf32, #tpu.memory_space<vmem>>, vector<16xf32>,
            %swap3A_788 = arith.constant 32 : index
            %swap3A_789 = tpu.vector_load %arg8[%swap3A_788] {strides = array<i32>} : memref<96xf32, #tpu.memory_space<vmem>>, vector<16xf32>,
            %swap3A_790 = vector.shape_cast %swap3A_789 : vector<16xf32> to vector<16xf32>
            %swap3A_791 = vector.shape_cast %select_n3A_538 : vector<16xf32> to vector<16xf32>
            tpu.vector_store %arg8[%swap3A_788], %swap3A_791 {strides = array<i32>} : memref<96xf32, #tpu.memory_space<vmem>>, vector<16xf32>,
            %swap3A_792 = arith.constant 48 : index
            %swap3A_793 = tpu.vector_load %arg8[%swap3A_792] {strides = array<i32>} : memref<96xf32, #tpu.memory_space<vmem>>, vector<16xf32>,
            %swap3A_794 = vector.shape_cast %swap3A_793 : vector<16xf32> to vector<16xf32>
            %swap3A_795 = vector.shape_cast %select_n3A_540 : vector<16xf32> to vector<16xf32>
            tpu.vector_store %arg8[%swap3A_792], %swap3A_795 {strides = array<i32>} : memref<96xf32, #tpu.memory_space<vmem>>, vector<16xf32>,
            %broadcast_in_dim3A_796 = vector.broadcast %add3A_519 : f32 to vector<16xf32>
            %swap3A_797 = arith.constant 64 : index
            %swap3A_798 = tpu.vector_load %arg8[%swap3A_797] {strides = array<i32>} : memref<96xf32, #tpu.memory_space<vmem>>, vector<16xf32>,
            %swap3A_799 = vector.shape_cast %swap3A_798 : vector<16xf32> to vector<16xf32>
            %swap3A_800 = vector.shape_cast %broadcast_in_dim3A_796 : vector<16xf32> to vector<16xf32>
            tpu.vector_store %arg8[%swap3A_797], %swap3A_800 {strides = array<i32>} : memref<96xf32, #tpu.memory_space<vmem>>, vector<16xf32>,
            %convert_element_type3A_801 = arith.sitofp %squeeze3A_511 : i32 to f32
            %broadcast_in_dim3A_802 = vector.broadcast %convert_element_type3A_801 : f32 to vector<16xf32>
            %swap3A_803 = arith.constant 80 : index
            %swap3A_804 = tpu.vector_load %arg8[%swap3A_803] {strides = array<i32>} : memref<96xf32, #tpu.memory_space<vmem>>, vector<16xf32>,
            %swap3A_805 = vector.shape_cast %swap3A_804 : vector<16xf32> to vector<16xf32>
            %swap3A_806 = vector.shape_cast %broadcast_in_dim3A_802 : vector<16xf32> to vector<16xf32>
            tpu.vector_store %arg8[%swap3A_803], %swap3A_806 {strides = array<i32>} : memref<96xf32, #tpu.memory_space<vmem>>, vector<16xf32>,
            %eq3A_807 = arith.cmpi eq, %squeeze3A_511, %squeeze3A : i32
            %eq3A_808 = arith.cmpi eq, %squeeze3A_511, %squeeze3A_60 : i32
            %or3A_809 = arith.ori %eq3A_807, %eq3A_808 : i1
            %convert_element_type3A_810 = arith.extui %or3A_809 : i1 to i32
            %cond3A_811 = arith.constant 0 : i32
            %cond3A_812 = arith.cmpi ne, %convert_element_type3A_810, %cond3A_811 : i32
            scf.if %cond3A_812 {
              %eq3A_818 = arith.cmpi eq, %squeeze3A_511, %squeeze3A : i32
              %mul3A_819 = arith.constant 2 : i32
              %mul3A_820 = arith.muli %mul3A_819, %arg1 : i32
              %mul3A_821 = arith.constant 2 : i32
              %mul3A_822 = arith.muli %mul3A_821, %arg1 : i32
              %add3A_823 = arith.constant 1 : i32
              %add3A_824 = arith.addi %mul3A_822, %add3A_823 : i32
              %select_n3A_825 = arith.select %eq3A_818, %mul3A_820, %add3A_824 : i32
              "tpu.region"() ({
                %run_scoped3A = tpu.sem_alloc : memref<!tpu.dma_semaphore, #tpu.memory_space<semaphore_mem>>
                %dma_start3A = arith.constant 0 : i32
                %dma_start3A_826 = tpu.memref_slice %arg5[%arg0, %select_n3A_825, %dma_start3A] : memref<2x32x96xf32, #tpu.memory_space<hbm>> -> memref<1x1x96xf32, #tpu.memory_space<hbm>>
                %dma_start3A_827 = tpu.memref_squeeze %dma_start3A_826 : memref<1x1x96xf32, #tpu.memory_space<hbm>> -> memref<96xf32, #tpu.memory_space<hbm>>
                %dma_start3A_828 = arith.constant 0 : i32
                %dma_start3A_829 = tpu.memref_slice %arg5[%arg0, %select_n3A_825, %dma_start3A_828] : memref<2x32x96xf32, #tpu.memory_space<hbm>> -> memref<1x1x96xf32, #tpu.memory_space<hbm>>
                %dma_start3A_830 = tpu.memref_squeeze %dma_start3A_829 : memref<1x1x96xf32, #tpu.memory_space<hbm>> -> memref<96xf32, #tpu.memory_space<hbm>>
                tpu.enqueue_dma source(%arg8 : memref<96xf32, #tpu.memory_space<vmem>>) target(%dma_start3A_830 : memref<96xf32, #tpu.memory_space<hbm>>) target_semaphore(%run_scoped3A : memref<!tpu.dma_semaphore, #tpu.memory_space<semaphore_mem>>)
                %dma_wait3A = arith.constant 0 : i32
                %dma_wait3A_831 = tpu.memref_slice %arg5[%arg0, %select_n3A_825, %dma_wait3A] : memref<2x32x96xf32, #tpu.memory_space<hbm>> -> memref<1x1x96xf32, #tpu.memory_space<hbm>>
                %dma_wait3A_832 = tpu.memref_squeeze %dma_wait3A_831 : memref<1x1x96xf32, #tpu.memory_space<hbm>> -> memref<96xf32, #tpu.memory_space<hbm>>
                %dma_wait3A_833 = arith.constant 0 : i32
                %dma_wait3A_834 = tpu.memref_slice %arg5[%arg0, %select_n3A_825, %dma_wait3A_833] : memref<2x32x96xf32, #tpu.memory_space<hbm>> -> memref<1x1x96xf32, #tpu.memory_space<hbm>>
                %dma_wait3A_835 = tpu.memref_squeeze %dma_wait3A_834 : memref<1x1x96xf32, #tpu.memory_space<hbm>> -> memref<96xf32, #tpu.memory_space<hbm>>
                tpu.wait_dma2 semaphore(%run_scoped3A : memref<!tpu.dma_semaphore, #tpu.memory_space<semaphore_mem>>) src(%arg8 : memref<96xf32, #tpu.memory_space<vmem>>) dst(%dma_wait3A_835 : memref<96xf32, #tpu.memory_space<hbm>>)
                tpu.yield
              }) : () -> ()
            } else {
            }
            %not3A_813 = arith.constant true
            %not3A_814 = arith.xori %or3A_809, %not3A_813 : i1
            %convert_element_type3A_815 = arith.extui %not3A_814 : i1 to i32
            %cond3A_816 = arith.constant 0 : i32
            %cond3A_817 = arith.cmpi ne, %convert_element_type3A_815, %cond3A_816 : i32
            scf.if %cond3A_817 {
              "tpu.region"() ({
                %run_scoped3A = tpu.sem_alloc : memref<!tpu.dma_semaphore, #tpu.memory_space<semaphore_mem>>
                %dma_start3A = arith.constant 0 : i32
                %dma_start3A_818 = tpu.memref_slice %arg4[%arg0, %squeeze3A_511, %dma_start3A] : memref<2x1024x96xf32, #tpu.memory_space<hbm>> -> memref<1x1x96xf32, #tpu.memory_space<hbm>>
                %dma_start3A_819 = tpu.memref_squeeze %dma_start3A_818 : memref<1x1x96xf32, #tpu.memory_space<hbm>> -> memref<96xf32, #tpu.memory_space<hbm>>
                %dma_start3A_820 = arith.constant 0 : i32
                %dma_start3A_821 = tpu.memref_slice %arg4[%arg0, %squeeze3A_511, %dma_start3A_820] : memref<2x1024x96xf32, #tpu.memory_space<hbm>> -> memref<1x1x96xf32, #tpu.memory_space<hbm>>
                %dma_start3A_822 = tpu.memref_squeeze %dma_start3A_821 : memref<1x1x96xf32, #tpu.memory_space<hbm>> -> memref<96xf32, #tpu.memory_space<hbm>>
                tpu.enqueue_dma source(%arg8 : memref<96xf32, #tpu.memory_space<vmem>>) target(%dma_start3A_822 : memref<96xf32, #tpu.memory_space<hbm>>) target_semaphore(%run_scoped3A : memref<!tpu.dma_semaphore, #tpu.memory_space<semaphore_mem>>)
                %dma_wait3A = arith.constant 0 : i32
                %dma_wait3A_823 = tpu.memref_slice %arg4[%arg0, %squeeze3A_511, %dma_wait3A] : memref<2x1024x96xf32, #tpu.memory_space<hbm>> -> memref<1x1x96xf32, #tpu.memory_space<hbm>>
                %dma_wait3A_824 = tpu.memref_squeeze %dma_wait3A_823 : memref<1x1x96xf32, #tpu.memory_space<hbm>> -> memref<96xf32, #tpu.memory_space<hbm>>
                %dma_wait3A_825 = arith.constant 0 : i32
                %dma_wait3A_826 = tpu.memref_slice %arg4[%arg0, %squeeze3A_511, %dma_wait3A_825] : memref<2x1024x96xf32, #tpu.memory_space<hbm>> -> memref<1x1x96xf32, #tpu.memory_space<hbm>>
                %dma_wait3A_827 = tpu.memref_squeeze %dma_wait3A_826 : memref<1x1x96xf32, #tpu.memory_space<hbm>> -> memref<96xf32, #tpu.memory_space<hbm>>
                tpu.wait_dma2 semaphore(%run_scoped3A : memref<!tpu.dma_semaphore, #tpu.memory_space<semaphore_mem>>) src(%arg8 : memref<96xf32, #tpu.memory_space<vmem>>) dst(%dma_wait3A_827 : memref<96xf32, #tpu.memory_space<hbm>>)
                tpu.yield
              }) : () -> ()
            } else {
            }
          } else {
          }
          %jit3A_547 = arith.constant 0.000000e+00 : f32
          %select_n3A_548 = arith.select %ne3A_543, %jit3A_547, %add3A_519 : f32
          %add3A_549 = arith.constant 1.000000e+00 : f32
          %add3A_550 = arith.addf %select_n3A_548, %add3A_549 : f32
          %broadcast_in_dim3A_551 = arith.constant 0.000000e+00 : f32
          %broadcast_in_dim3A_552 = vector.broadcast %broadcast_in_dim3A_551 : f32 to vector<16xf32>
          %select_n3A_553 = arith.select %ne3A_543, %broadcast_in_dim3A_552, %select_n3A_533 : vector<16xf32>
          %broadcast_in_dim3A_554 = arith.constant 0.000000e+00 : f32
          %broadcast_in_dim3A_555 = vector.broadcast %broadcast_in_dim3A_554 : f32 to vector<16xf32>
          %select_n3A_556 = arith.select %ne3A_543, %broadcast_in_dim3A_555, %select_n3A_536 : vector<16xf32>
          %broadcast_in_dim3A_557 = arith.constant 0xFF800000 : f32
          %broadcast_in_dim3A_558 = vector.broadcast %broadcast_in_dim3A_557 : f32 to vector<16xf32>
          %select_n3A_559 = arith.select %ne3A_543, %broadcast_in_dim3A_558, %select_n3A_538 : vector<16xf32>
          %broadcast_in_dim3A_560 = arith.constant 0x7F800000 : f32
          %broadcast_in_dim3A_561 = vector.broadcast %broadcast_in_dim3A_560 : f32 to vector<16xf32>
          %select_n3A_562 = arith.select %ne3A_543, %broadcast_in_dim3A_561, %select_n3A_540 : vector<16xf32>
          %add3A_563 = arith.addf %select_n3A_553, %get3A_214 : vector<16xf32>
          %select_n3A_564 = arith.select %ge3A_265, %add3A_563, %select_n3A_553 : vector<16xi1>, vector<16xf32>
          %mul3A_565 = arith.mulf %get3A_214, %get3A_214 : vector<16xf32>
          %add3A_566 = arith.addf %select_n3A_556, %mul3A_565 : vector<16xf32>
          %select_n3A_567 = arith.select %ge3A_265, %add3A_566, %select_n3A_556 : vector<16xi1>, vector<16xf32>
          %max3A_568 = arith.maximumf %select_n3A_559, %get3A_214 : vector<16xf32>
          %select_n3A_569 = arith.select %ge3A_265, %max3A_568, %select_n3A_559 : vector<16xi1>, vector<16xf32>
          %min3A_570 = arith.minimumf %select_n3A_562, %get3A_214 : vector<16xf32>
          %select_n3A_571 = arith.select %ge3A_265, %min3A_570, %select_n3A_562 : vector<16xi1>, vector<16xf32>
          %slice3A_572 = vector.extract_strided_slice %get3A_175 {offsets = [10], sizes = [1], strides = [1]} : vector<16xi32> to vector<1xi32>
          %squeeze3A_573 = vector.extract %slice3A_572[0] : i32 from vector<1xi32>
          %ne3A_574 = arith.cmpi ne, %squeeze3A_573, %squeeze3A_542 : i32
          %convert_element_type3A_575 = arith.extui %ne3A_574 : i1 to i32
          %cond3A_576 = arith.constant 0 : i32
          %cond3A_577 = arith.cmpi ne, %convert_element_type3A_575, %cond3A_576 : i32
          scf.if %cond3A_577 {
            %swap3A_780 = arith.constant 0 : index
            %swap3A_781 = tpu.vector_load %arg8[%swap3A_780] {strides = array<i32>} : memref<96xf32, #tpu.memory_space<vmem>>, vector<16xf32>,
            %swap3A_782 = vector.shape_cast %swap3A_781 : vector<16xf32> to vector<16xf32>
            %swap3A_783 = vector.shape_cast %select_n3A_564 : vector<16xf32> to vector<16xf32>
            tpu.vector_store %arg8[%swap3A_780], %swap3A_783 {strides = array<i32>} : memref<96xf32, #tpu.memory_space<vmem>>, vector<16xf32>,
            %swap3A_784 = arith.constant 16 : index
            %swap3A_785 = tpu.vector_load %arg8[%swap3A_784] {strides = array<i32>} : memref<96xf32, #tpu.memory_space<vmem>>, vector<16xf32>,
            %swap3A_786 = vector.shape_cast %swap3A_785 : vector<16xf32> to vector<16xf32>
            %swap3A_787 = vector.shape_cast %select_n3A_567 : vector<16xf32> to vector<16xf32>
            tpu.vector_store %arg8[%swap3A_784], %swap3A_787 {strides = array<i32>} : memref<96xf32, #tpu.memory_space<vmem>>, vector<16xf32>,
            %swap3A_788 = arith.constant 32 : index
            %swap3A_789 = tpu.vector_load %arg8[%swap3A_788] {strides = array<i32>} : memref<96xf32, #tpu.memory_space<vmem>>, vector<16xf32>,
            %swap3A_790 = vector.shape_cast %swap3A_789 : vector<16xf32> to vector<16xf32>
            %swap3A_791 = vector.shape_cast %select_n3A_569 : vector<16xf32> to vector<16xf32>
            tpu.vector_store %arg8[%swap3A_788], %swap3A_791 {strides = array<i32>} : memref<96xf32, #tpu.memory_space<vmem>>, vector<16xf32>,
            %swap3A_792 = arith.constant 48 : index
            %swap3A_793 = tpu.vector_load %arg8[%swap3A_792] {strides = array<i32>} : memref<96xf32, #tpu.memory_space<vmem>>, vector<16xf32>,
            %swap3A_794 = vector.shape_cast %swap3A_793 : vector<16xf32> to vector<16xf32>
            %swap3A_795 = vector.shape_cast %select_n3A_571 : vector<16xf32> to vector<16xf32>
            tpu.vector_store %arg8[%swap3A_792], %swap3A_795 {strides = array<i32>} : memref<96xf32, #tpu.memory_space<vmem>>, vector<16xf32>,
            %broadcast_in_dim3A_796 = vector.broadcast %add3A_550 : f32 to vector<16xf32>
            %swap3A_797 = arith.constant 64 : index
            %swap3A_798 = tpu.vector_load %arg8[%swap3A_797] {strides = array<i32>} : memref<96xf32, #tpu.memory_space<vmem>>, vector<16xf32>,
            %swap3A_799 = vector.shape_cast %swap3A_798 : vector<16xf32> to vector<16xf32>
            %swap3A_800 = vector.shape_cast %broadcast_in_dim3A_796 : vector<16xf32> to vector<16xf32>
            tpu.vector_store %arg8[%swap3A_797], %swap3A_800 {strides = array<i32>} : memref<96xf32, #tpu.memory_space<vmem>>, vector<16xf32>,
            %convert_element_type3A_801 = arith.sitofp %squeeze3A_542 : i32 to f32
            %broadcast_in_dim3A_802 = vector.broadcast %convert_element_type3A_801 : f32 to vector<16xf32>
            %swap3A_803 = arith.constant 80 : index
            %swap3A_804 = tpu.vector_load %arg8[%swap3A_803] {strides = array<i32>} : memref<96xf32, #tpu.memory_space<vmem>>, vector<16xf32>,
            %swap3A_805 = vector.shape_cast %swap3A_804 : vector<16xf32> to vector<16xf32>
            %swap3A_806 = vector.shape_cast %broadcast_in_dim3A_802 : vector<16xf32> to vector<16xf32>
            tpu.vector_store %arg8[%swap3A_803], %swap3A_806 {strides = array<i32>} : memref<96xf32, #tpu.memory_space<vmem>>, vector<16xf32>,
            %eq3A_807 = arith.cmpi eq, %squeeze3A_542, %squeeze3A : i32
            %eq3A_808 = arith.cmpi eq, %squeeze3A_542, %squeeze3A_60 : i32
            %or3A_809 = arith.ori %eq3A_807, %eq3A_808 : i1
            %convert_element_type3A_810 = arith.extui %or3A_809 : i1 to i32
            %cond3A_811 = arith.constant 0 : i32
            %cond3A_812 = arith.cmpi ne, %convert_element_type3A_810, %cond3A_811 : i32
            scf.if %cond3A_812 {
              %eq3A_818 = arith.cmpi eq, %squeeze3A_542, %squeeze3A : i32
              %mul3A_819 = arith.constant 2 : i32
              %mul3A_820 = arith.muli %mul3A_819, %arg1 : i32
              %mul3A_821 = arith.constant 2 : i32
              %mul3A_822 = arith.muli %mul3A_821, %arg1 : i32
              %add3A_823 = arith.constant 1 : i32
              %add3A_824 = arith.addi %mul3A_822, %add3A_823 : i32
              %select_n3A_825 = arith.select %eq3A_818, %mul3A_820, %add3A_824 : i32
              "tpu.region"() ({
                %run_scoped3A = tpu.sem_alloc : memref<!tpu.dma_semaphore, #tpu.memory_space<semaphore_mem>>
                %dma_start3A = arith.constant 0 : i32
                %dma_start3A_826 = tpu.memref_slice %arg5[%arg0, %select_n3A_825, %dma_start3A] : memref<2x32x96xf32, #tpu.memory_space<hbm>> -> memref<1x1x96xf32, #tpu.memory_space<hbm>>
                %dma_start3A_827 = tpu.memref_squeeze %dma_start3A_826 : memref<1x1x96xf32, #tpu.memory_space<hbm>> -> memref<96xf32, #tpu.memory_space<hbm>>
                %dma_start3A_828 = arith.constant 0 : i32
                %dma_start3A_829 = tpu.memref_slice %arg5[%arg0, %select_n3A_825, %dma_start3A_828] : memref<2x32x96xf32, #tpu.memory_space<hbm>> -> memref<1x1x96xf32, #tpu.memory_space<hbm>>
                %dma_start3A_830 = tpu.memref_squeeze %dma_start3A_829 : memref<1x1x96xf32, #tpu.memory_space<hbm>> -> memref<96xf32, #tpu.memory_space<hbm>>
                tpu.enqueue_dma source(%arg8 : memref<96xf32, #tpu.memory_space<vmem>>) target(%dma_start3A_830 : memref<96xf32, #tpu.memory_space<hbm>>) target_semaphore(%run_scoped3A : memref<!tpu.dma_semaphore, #tpu.memory_space<semaphore_mem>>)
                %dma_wait3A = arith.constant 0 : i32
                %dma_wait3A_831 = tpu.memref_slice %arg5[%arg0, %select_n3A_825, %dma_wait3A] : memref<2x32x96xf32, #tpu.memory_space<hbm>> -> memref<1x1x96xf32, #tpu.memory_space<hbm>>
                %dma_wait3A_832 = tpu.memref_squeeze %dma_wait3A_831 : memref<1x1x96xf32, #tpu.memory_space<hbm>> -> memref<96xf32, #tpu.memory_space<hbm>>
                %dma_wait3A_833 = arith.constant 0 : i32
                %dma_wait3A_834 = tpu.memref_slice %arg5[%arg0, %select_n3A_825, %dma_wait3A_833] : memref<2x32x96xf32, #tpu.memory_space<hbm>> -> memref<1x1x96xf32, #tpu.memory_space<hbm>>
                %dma_wait3A_835 = tpu.memref_squeeze %dma_wait3A_834 : memref<1x1x96xf32, #tpu.memory_space<hbm>> -> memref<96xf32, #tpu.memory_space<hbm>>
                tpu.wait_dma2 semaphore(%run_scoped3A : memref<!tpu.dma_semaphore, #tpu.memory_space<semaphore_mem>>) src(%arg8 : memref<96xf32, #tpu.memory_space<vmem>>) dst(%dma_wait3A_835 : memref<96xf32, #tpu.memory_space<hbm>>)
                tpu.yield
              }) : () -> ()
            } else {
            }
            %not3A_813 = arith.constant true
            %not3A_814 = arith.xori %or3A_809, %not3A_813 : i1
            %convert_element_type3A_815 = arith.extui %not3A_814 : i1 to i32
            %cond3A_816 = arith.constant 0 : i32
            %cond3A_817 = arith.cmpi ne, %convert_element_type3A_815, %cond3A_816 : i32
            scf.if %cond3A_817 {
              "tpu.region"() ({
                %run_scoped3A = tpu.sem_alloc : memref<!tpu.dma_semaphore, #tpu.memory_space<semaphore_mem>>
                %dma_start3A = arith.constant 0 : i32
                %dma_start3A_818 = tpu.memref_slice %arg4[%arg0, %squeeze3A_542, %dma_start3A] : memref<2x1024x96xf32, #tpu.memory_space<hbm>> -> memref<1x1x96xf32, #tpu.memory_space<hbm>>
                %dma_start3A_819 = tpu.memref_squeeze %dma_start3A_818 : memref<1x1x96xf32, #tpu.memory_space<hbm>> -> memref<96xf32, #tpu.memory_space<hbm>>
                %dma_start3A_820 = arith.constant 0 : i32
                %dma_start3A_821 = tpu.memref_slice %arg4[%arg0, %squeeze3A_542, %dma_start3A_820] : memref<2x1024x96xf32, #tpu.memory_space<hbm>> -> memref<1x1x96xf32, #tpu.memory_space<hbm>>
                %dma_start3A_822 = tpu.memref_squeeze %dma_start3A_821 : memref<1x1x96xf32, #tpu.memory_space<hbm>> -> memref<96xf32, #tpu.memory_space<hbm>>
                tpu.enqueue_dma source(%arg8 : memref<96xf32, #tpu.memory_space<vmem>>) target(%dma_start3A_822 : memref<96xf32, #tpu.memory_space<hbm>>) target_semaphore(%run_scoped3A : memref<!tpu.dma_semaphore, #tpu.memory_space<semaphore_mem>>)
                %dma_wait3A = arith.constant 0 : i32
                %dma_wait3A_823 = tpu.memref_slice %arg4[%arg0, %squeeze3A_542, %dma_wait3A] : memref<2x1024x96xf32, #tpu.memory_space<hbm>> -> memref<1x1x96xf32, #tpu.memory_space<hbm>>
                %dma_wait3A_824 = tpu.memref_squeeze %dma_wait3A_823 : memref<1x1x96xf32, #tpu.memory_space<hbm>> -> memref<96xf32, #tpu.memory_space<hbm>>
                %dma_wait3A_825 = arith.constant 0 : i32
                %dma_wait3A_826 = tpu.memref_slice %arg4[%arg0, %squeeze3A_542, %dma_wait3A_825] : memref<2x1024x96xf32, #tpu.memory_space<hbm>> -> memref<1x1x96xf32, #tpu.memory_space<hbm>>
                %dma_wait3A_827 = tpu.memref_squeeze %dma_wait3A_826 : memref<1x1x96xf32, #tpu.memory_space<hbm>> -> memref<96xf32, #tpu.memory_space<hbm>>
                tpu.wait_dma2 semaphore(%run_scoped3A : memref<!tpu.dma_semaphore, #tpu.memory_space<semaphore_mem>>) src(%arg8 : memref<96xf32, #tpu.memory_space<vmem>>) dst(%dma_wait3A_827 : memref<96xf32, #tpu.memory_space<hbm>>)
                tpu.yield
              }) : () -> ()
            } else {
            }
          } else {
          }
          %jit3A_578 = arith.constant 0.000000e+00 : f32
          %select_n3A_579 = arith.select %ne3A_574, %jit3A_578, %add3A_550 : f32
          %add3A_580 = arith.constant 1.000000e+00 : f32
          %add3A_581 = arith.addf %select_n3A_579, %add3A_580 : f32
          %broadcast_in_dim3A_582 = arith.constant 0.000000e+00 : f32
          %broadcast_in_dim3A_583 = vector.broadcast %broadcast_in_dim3A_582 : f32 to vector<16xf32>
          %select_n3A_584 = arith.select %ne3A_574, %broadcast_in_dim3A_583, %select_n3A_564 : vector<16xf32>
          %broadcast_in_dim3A_585 = arith.constant 0.000000e+00 : f32
          %broadcast_in_dim3A_586 = vector.broadcast %broadcast_in_dim3A_585 : f32 to vector<16xf32>
          %select_n3A_587 = arith.select %ne3A_574, %broadcast_in_dim3A_586, %select_n3A_567 : vector<16xf32>
          %broadcast_in_dim3A_588 = arith.constant 0xFF800000 : f32
          %broadcast_in_dim3A_589 = vector.broadcast %broadcast_in_dim3A_588 : f32 to vector<16xf32>
          %select_n3A_590 = arith.select %ne3A_574, %broadcast_in_dim3A_589, %select_n3A_569 : vector<16xf32>
          %broadcast_in_dim3A_591 = arith.constant 0x7F800000 : f32
          %broadcast_in_dim3A_592 = vector.broadcast %broadcast_in_dim3A_591 : f32 to vector<16xf32>
          %select_n3A_593 = arith.select %ne3A_574, %broadcast_in_dim3A_592, %select_n3A_571 : vector<16xf32>
          %add3A_594 = arith.addf %select_n3A_584, %get3A_221 : vector<16xf32>
          %select_n3A_595 = arith.select %lt3A_263, %add3A_594, %select_n3A_584 : vector<16xi1>, vector<16xf32>
          %mul3A_596 = arith.mulf %get3A_221, %get3A_221 : vector<16xf32>
          %add3A_597 = arith.addf %select_n3A_587, %mul3A_596 : vector<16xf32>
          %select_n3A_598 = arith.select %lt3A_263, %add3A_597, %select_n3A_587 : vector<16xi1>, vector<16xf32>
          %max3A_599 = arith.maximumf %select_n3A_590, %get3A_221 : vector<16xf32>
          %select_n3A_600 = arith.select %lt3A_263, %max3A_599, %select_n3A_590 : vector<16xi1>, vector<16xf32>
          %min3A_601 = arith.minimumf %select_n3A_593, %get3A_221 : vector<16xf32>
          %select_n3A_602 = arith.select %lt3A_263, %min3A_601, %select_n3A_593 : vector<16xi1>, vector<16xf32>
          %slice3A_603 = vector.extract_strided_slice %get3A_175 {offsets = [11], sizes = [1], strides = [1]} : vector<16xi32> to vector<1xi32>
          %squeeze3A_604 = vector.extract %slice3A_603[0] : i32 from vector<1xi32>
          %ne3A_605 = arith.cmpi ne, %squeeze3A_604, %squeeze3A_573 : i32
          %convert_element_type3A_606 = arith.extui %ne3A_605 : i1 to i32
          %cond3A_607 = arith.constant 0 : i32
          %cond3A_608 = arith.cmpi ne, %convert_element_type3A_606, %cond3A_607 : i32
          scf.if %cond3A_608 {
            %swap3A_780 = arith.constant 0 : index
            %swap3A_781 = tpu.vector_load %arg8[%swap3A_780] {strides = array<i32>} : memref<96xf32, #tpu.memory_space<vmem>>, vector<16xf32>,
            %swap3A_782 = vector.shape_cast %swap3A_781 : vector<16xf32> to vector<16xf32>
            %swap3A_783 = vector.shape_cast %select_n3A_595 : vector<16xf32> to vector<16xf32>
            tpu.vector_store %arg8[%swap3A_780], %swap3A_783 {strides = array<i32>} : memref<96xf32, #tpu.memory_space<vmem>>, vector<16xf32>,
            %swap3A_784 = arith.constant 16 : index
            %swap3A_785 = tpu.vector_load %arg8[%swap3A_784] {strides = array<i32>} : memref<96xf32, #tpu.memory_space<vmem>>, vector<16xf32>,
            %swap3A_786 = vector.shape_cast %swap3A_785 : vector<16xf32> to vector<16xf32>
            %swap3A_787 = vector.shape_cast %select_n3A_598 : vector<16xf32> to vector<16xf32>
            tpu.vector_store %arg8[%swap3A_784], %swap3A_787 {strides = array<i32>} : memref<96xf32, #tpu.memory_space<vmem>>, vector<16xf32>,
            %swap3A_788 = arith.constant 32 : index
            %swap3A_789 = tpu.vector_load %arg8[%swap3A_788] {strides = array<i32>} : memref<96xf32, #tpu.memory_space<vmem>>, vector<16xf32>,
            %swap3A_790 = vector.shape_cast %swap3A_789 : vector<16xf32> to vector<16xf32>
            %swap3A_791 = vector.shape_cast %select_n3A_600 : vector<16xf32> to vector<16xf32>
            tpu.vector_store %arg8[%swap3A_788], %swap3A_791 {strides = array<i32>} : memref<96xf32, #tpu.memory_space<vmem>>, vector<16xf32>,
            %swap3A_792 = arith.constant 48 : index
            %swap3A_793 = tpu.vector_load %arg8[%swap3A_792] {strides = array<i32>} : memref<96xf32, #tpu.memory_space<vmem>>, vector<16xf32>,
            %swap3A_794 = vector.shape_cast %swap3A_793 : vector<16xf32> to vector<16xf32>
            %swap3A_795 = vector.shape_cast %select_n3A_602 : vector<16xf32> to vector<16xf32>
            tpu.vector_store %arg8[%swap3A_792], %swap3A_795 {strides = array<i32>} : memref<96xf32, #tpu.memory_space<vmem>>, vector<16xf32>,
            %broadcast_in_dim3A_796 = vector.broadcast %add3A_581 : f32 to vector<16xf32>
            %swap3A_797 = arith.constant 64 : index
            %swap3A_798 = tpu.vector_load %arg8[%swap3A_797] {strides = array<i32>} : memref<96xf32, #tpu.memory_space<vmem>>, vector<16xf32>,
            %swap3A_799 = vector.shape_cast %swap3A_798 : vector<16xf32> to vector<16xf32>
            %swap3A_800 = vector.shape_cast %broadcast_in_dim3A_796 : vector<16xf32> to vector<16xf32>
            tpu.vector_store %arg8[%swap3A_797], %swap3A_800 {strides = array<i32>} : memref<96xf32, #tpu.memory_space<vmem>>, vector<16xf32>,
            %convert_element_type3A_801 = arith.sitofp %squeeze3A_573 : i32 to f32
            %broadcast_in_dim3A_802 = vector.broadcast %convert_element_type3A_801 : f32 to vector<16xf32>
            %swap3A_803 = arith.constant 80 : index
            %swap3A_804 = tpu.vector_load %arg8[%swap3A_803] {strides = array<i32>} : memref<96xf32, #tpu.memory_space<vmem>>, vector<16xf32>,
            %swap3A_805 = vector.shape_cast %swap3A_804 : vector<16xf32> to vector<16xf32>
            %swap3A_806 = vector.shape_cast %broadcast_in_dim3A_802 : vector<16xf32> to vector<16xf32>
            tpu.vector_store %arg8[%swap3A_803], %swap3A_806 {strides = array<i32>} : memref<96xf32, #tpu.memory_space<vmem>>, vector<16xf32>,
            %eq3A_807 = arith.cmpi eq, %squeeze3A_573, %squeeze3A : i32
            %eq3A_808 = arith.cmpi eq, %squeeze3A_573, %squeeze3A_60 : i32
            %or3A_809 = arith.ori %eq3A_807, %eq3A_808 : i1
            %convert_element_type3A_810 = arith.extui %or3A_809 : i1 to i32
            %cond3A_811 = arith.constant 0 : i32
            %cond3A_812 = arith.cmpi ne, %convert_element_type3A_810, %cond3A_811 : i32
            scf.if %cond3A_812 {
              %eq3A_818 = arith.cmpi eq, %squeeze3A_573, %squeeze3A : i32
              %mul3A_819 = arith.constant 2 : i32
              %mul3A_820 = arith.muli %mul3A_819, %arg1 : i32
              %mul3A_821 = arith.constant 2 : i32
              %mul3A_822 = arith.muli %mul3A_821, %arg1 : i32
              %add3A_823 = arith.constant 1 : i32
              %add3A_824 = arith.addi %mul3A_822, %add3A_823 : i32
              %select_n3A_825 = arith.select %eq3A_818, %mul3A_820, %add3A_824 : i32
              "tpu.region"() ({
                %run_scoped3A = tpu.sem_alloc : memref<!tpu.dma_semaphore, #tpu.memory_space<semaphore_mem>>
                %dma_start3A = arith.constant 0 : i32
                %dma_start3A_826 = tpu.memref_slice %arg5[%arg0, %select_n3A_825, %dma_start3A] : memref<2x32x96xf32, #tpu.memory_space<hbm>> -> memref<1x1x96xf32, #tpu.memory_space<hbm>>
                %dma_start3A_827 = tpu.memref_squeeze %dma_start3A_826 : memref<1x1x96xf32, #tpu.memory_space<hbm>> -> memref<96xf32, #tpu.memory_space<hbm>>
                %dma_start3A_828 = arith.constant 0 : i32
                %dma_start3A_829 = tpu.memref_slice %arg5[%arg0, %select_n3A_825, %dma_start3A_828] : memref<2x32x96xf32, #tpu.memory_space<hbm>> -> memref<1x1x96xf32, #tpu.memory_space<hbm>>
                %dma_start3A_830 = tpu.memref_squeeze %dma_start3A_829 : memref<1x1x96xf32, #tpu.memory_space<hbm>> -> memref<96xf32, #tpu.memory_space<hbm>>
                tpu.enqueue_dma source(%arg8 : memref<96xf32, #tpu.memory_space<vmem>>) target(%dma_start3A_830 : memref<96xf32, #tpu.memory_space<hbm>>) target_semaphore(%run_scoped3A : memref<!tpu.dma_semaphore, #tpu.memory_space<semaphore_mem>>)
                %dma_wait3A = arith.constant 0 : i32
                %dma_wait3A_831 = tpu.memref_slice %arg5[%arg0, %select_n3A_825, %dma_wait3A] : memref<2x32x96xf32, #tpu.memory_space<hbm>> -> memref<1x1x96xf32, #tpu.memory_space<hbm>>
                %dma_wait3A_832 = tpu.memref_squeeze %dma_wait3A_831 : memref<1x1x96xf32, #tpu.memory_space<hbm>> -> memref<96xf32, #tpu.memory_space<hbm>>
                %dma_wait3A_833 = arith.constant 0 : i32
                %dma_wait3A_834 = tpu.memref_slice %arg5[%arg0, %select_n3A_825, %dma_wait3A_833] : memref<2x32x96xf32, #tpu.memory_space<hbm>> -> memref<1x1x96xf32, #tpu.memory_space<hbm>>
                %dma_wait3A_835 = tpu.memref_squeeze %dma_wait3A_834 : memref<1x1x96xf32, #tpu.memory_space<hbm>> -> memref<96xf32, #tpu.memory_space<hbm>>
                tpu.wait_dma2 semaphore(%run_scoped3A : memref<!tpu.dma_semaphore, #tpu.memory_space<semaphore_mem>>) src(%arg8 : memref<96xf32, #tpu.memory_space<vmem>>) dst(%dma_wait3A_835 : memref<96xf32, #tpu.memory_space<hbm>>)
                tpu.yield
              }) : () -> ()
            } else {
            }
            %not3A_813 = arith.constant true
            %not3A_814 = arith.xori %or3A_809, %not3A_813 : i1
            %convert_element_type3A_815 = arith.extui %not3A_814 : i1 to i32
            %cond3A_816 = arith.constant 0 : i32
            %cond3A_817 = arith.cmpi ne, %convert_element_type3A_815, %cond3A_816 : i32
            scf.if %cond3A_817 {
              "tpu.region"() ({
                %run_scoped3A = tpu.sem_alloc : memref<!tpu.dma_semaphore, #tpu.memory_space<semaphore_mem>>
                %dma_start3A = arith.constant 0 : i32
                %dma_start3A_818 = tpu.memref_slice %arg4[%arg0, %squeeze3A_573, %dma_start3A] : memref<2x1024x96xf32, #tpu.memory_space<hbm>> -> memref<1x1x96xf32, #tpu.memory_space<hbm>>
                %dma_start3A_819 = tpu.memref_squeeze %dma_start3A_818 : memref<1x1x96xf32, #tpu.memory_space<hbm>> -> memref<96xf32, #tpu.memory_space<hbm>>
                %dma_start3A_820 = arith.constant 0 : i32
                %dma_start3A_821 = tpu.memref_slice %arg4[%arg0, %squeeze3A_573, %dma_start3A_820] : memref<2x1024x96xf32, #tpu.memory_space<hbm>> -> memref<1x1x96xf32, #tpu.memory_space<hbm>>
                %dma_start3A_822 = tpu.memref_squeeze %dma_start3A_821 : memref<1x1x96xf32, #tpu.memory_space<hbm>> -> memref<96xf32, #tpu.memory_space<hbm>>
                tpu.enqueue_dma source(%arg8 : memref<96xf32, #tpu.memory_space<vmem>>) target(%dma_start3A_822 : memref<96xf32, #tpu.memory_space<hbm>>) target_semaphore(%run_scoped3A : memref<!tpu.dma_semaphore, #tpu.memory_space<semaphore_mem>>)
                %dma_wait3A = arith.constant 0 : i32
                %dma_wait3A_823 = tpu.memref_slice %arg4[%arg0, %squeeze3A_573, %dma_wait3A] : memref<2x1024x96xf32, #tpu.memory_space<hbm>> -> memref<1x1x96xf32, #tpu.memory_space<hbm>>
                %dma_wait3A_824 = tpu.memref_squeeze %dma_wait3A_823 : memref<1x1x96xf32, #tpu.memory_space<hbm>> -> memref<96xf32, #tpu.memory_space<hbm>>
                %dma_wait3A_825 = arith.constant 0 : i32
                %dma_wait3A_826 = tpu.memref_slice %arg4[%arg0, %squeeze3A_573, %dma_wait3A_825] : memref<2x1024x96xf32, #tpu.memory_space<hbm>> -> memref<1x1x96xf32, #tpu.memory_space<hbm>>
                %dma_wait3A_827 = tpu.memref_squeeze %dma_wait3A_826 : memref<1x1x96xf32, #tpu.memory_space<hbm>> -> memref<96xf32, #tpu.memory_space<hbm>>
                tpu.wait_dma2 semaphore(%run_scoped3A : memref<!tpu.dma_semaphore, #tpu.memory_space<semaphore_mem>>) src(%arg8 : memref<96xf32, #tpu.memory_space<vmem>>) dst(%dma_wait3A_827 : memref<96xf32, #tpu.memory_space<hbm>>)
                tpu.yield
              }) : () -> ()
            } else {
            }
          } else {
          }
          %jit3A_609 = arith.constant 0.000000e+00 : f32
          %select_n3A_610 = arith.select %ne3A_605, %jit3A_609, %add3A_581 : f32
          %add3A_611 = arith.constant 1.000000e+00 : f32
          %add3A_612 = arith.addf %select_n3A_610, %add3A_611 : f32
          %broadcast_in_dim3A_613 = arith.constant 0.000000e+00 : f32
          %broadcast_in_dim3A_614 = vector.broadcast %broadcast_in_dim3A_613 : f32 to vector<16xf32>
          %select_n3A_615 = arith.select %ne3A_605, %broadcast_in_dim3A_614, %select_n3A_595 : vector<16xf32>
          %broadcast_in_dim3A_616 = arith.constant 0.000000e+00 : f32
          %broadcast_in_dim3A_617 = vector.broadcast %broadcast_in_dim3A_616 : f32 to vector<16xf32>
          %select_n3A_618 = arith.select %ne3A_605, %broadcast_in_dim3A_617, %select_n3A_598 : vector<16xf32>
          %broadcast_in_dim3A_619 = arith.constant 0xFF800000 : f32
          %broadcast_in_dim3A_620 = vector.broadcast %broadcast_in_dim3A_619 : f32 to vector<16xf32>
          %select_n3A_621 = arith.select %ne3A_605, %broadcast_in_dim3A_620, %select_n3A_600 : vector<16xf32>
          %broadcast_in_dim3A_622 = arith.constant 0x7F800000 : f32
          %broadcast_in_dim3A_623 = vector.broadcast %broadcast_in_dim3A_622 : f32 to vector<16xf32>
          %select_n3A_624 = arith.select %ne3A_605, %broadcast_in_dim3A_623, %select_n3A_602 : vector<16xf32>
          %add3A_625 = arith.addf %select_n3A_615, %get3A_221 : vector<16xf32>
          %select_n3A_626 = arith.select %ge3A_265, %add3A_625, %select_n3A_615 : vector<16xi1>, vector<16xf32>
          %mul3A_627 = arith.mulf %get3A_221, %get3A_221 : vector<16xf32>
          %add3A_628 = arith.addf %select_n3A_618, %mul3A_627 : vector<16xf32>
          %select_n3A_629 = arith.select %ge3A_265, %add3A_628, %select_n3A_618 : vector<16xi1>, vector<16xf32>
          %max3A_630 = arith.maximumf %select_n3A_621, %get3A_221 : vector<16xf32>
          %select_n3A_631 = arith.select %ge3A_265, %max3A_630, %select_n3A_621 : vector<16xi1>, vector<16xf32>
          %min3A_632 = arith.minimumf %select_n3A_624, %get3A_221 : vector<16xf32>
          %select_n3A_633 = arith.select %ge3A_265, %min3A_632, %select_n3A_624 : vector<16xi1>, vector<16xf32>
          %slice3A_634 = vector.extract_strided_slice %get3A_175 {offsets = [12], sizes = [1], strides = [1]} : vector<16xi32> to vector<1xi32>
          %squeeze3A_635 = vector.extract %slice3A_634[0] : i32 from vector<1xi32>
          %ne3A_636 = arith.cmpi ne, %squeeze3A_635, %squeeze3A_604 : i32
          %convert_element_type3A_637 = arith.extui %ne3A_636 : i1 to i32
          %cond3A_638 = arith.constant 0 : i32
          %cond3A_639 = arith.cmpi ne, %convert_element_type3A_637, %cond3A_638 : i32
          scf.if %cond3A_639 {
            %swap3A_780 = arith.constant 0 : index
            %swap3A_781 = tpu.vector_load %arg8[%swap3A_780] {strides = array<i32>} : memref<96xf32, #tpu.memory_space<vmem>>, vector<16xf32>,
            %swap3A_782 = vector.shape_cast %swap3A_781 : vector<16xf32> to vector<16xf32>
            %swap3A_783 = vector.shape_cast %select_n3A_626 : vector<16xf32> to vector<16xf32>
            tpu.vector_store %arg8[%swap3A_780], %swap3A_783 {strides = array<i32>} : memref<96xf32, #tpu.memory_space<vmem>>, vector<16xf32>,
            %swap3A_784 = arith.constant 16 : index
            %swap3A_785 = tpu.vector_load %arg8[%swap3A_784] {strides = array<i32>} : memref<96xf32, #tpu.memory_space<vmem>>, vector<16xf32>,
            %swap3A_786 = vector.shape_cast %swap3A_785 : vector<16xf32> to vector<16xf32>
            %swap3A_787 = vector.shape_cast %select_n3A_629 : vector<16xf32> to vector<16xf32>
            tpu.vector_store %arg8[%swap3A_784], %swap3A_787 {strides = array<i32>} : memref<96xf32, #tpu.memory_space<vmem>>, vector<16xf32>,
            %swap3A_788 = arith.constant 32 : index
            %swap3A_789 = tpu.vector_load %arg8[%swap3A_788] {strides = array<i32>} : memref<96xf32, #tpu.memory_space<vmem>>, vector<16xf32>,
            %swap3A_790 = vector.shape_cast %swap3A_789 : vector<16xf32> to vector<16xf32>
            %swap3A_791 = vector.shape_cast %select_n3A_631 : vector<16xf32> to vector<16xf32>
            tpu.vector_store %arg8[%swap3A_788], %swap3A_791 {strides = array<i32>} : memref<96xf32, #tpu.memory_space<vmem>>, vector<16xf32>,
            %swap3A_792 = arith.constant 48 : index
            %swap3A_793 = tpu.vector_load %arg8[%swap3A_792] {strides = array<i32>} : memref<96xf32, #tpu.memory_space<vmem>>, vector<16xf32>,
            %swap3A_794 = vector.shape_cast %swap3A_793 : vector<16xf32> to vector<16xf32>
            %swap3A_795 = vector.shape_cast %select_n3A_633 : vector<16xf32> to vector<16xf32>
            tpu.vector_store %arg8[%swap3A_792], %swap3A_795 {strides = array<i32>} : memref<96xf32, #tpu.memory_space<vmem>>, vector<16xf32>,
            %broadcast_in_dim3A_796 = vector.broadcast %add3A_612 : f32 to vector<16xf32>
            %swap3A_797 = arith.constant 64 : index
            %swap3A_798 = tpu.vector_load %arg8[%swap3A_797] {strides = array<i32>} : memref<96xf32, #tpu.memory_space<vmem>>, vector<16xf32>,
            %swap3A_799 = vector.shape_cast %swap3A_798 : vector<16xf32> to vector<16xf32>
            %swap3A_800 = vector.shape_cast %broadcast_in_dim3A_796 : vector<16xf32> to vector<16xf32>
            tpu.vector_store %arg8[%swap3A_797], %swap3A_800 {strides = array<i32>} : memref<96xf32, #tpu.memory_space<vmem>>, vector<16xf32>,
            %convert_element_type3A_801 = arith.sitofp %squeeze3A_604 : i32 to f32
            %broadcast_in_dim3A_802 = vector.broadcast %convert_element_type3A_801 : f32 to vector<16xf32>
            %swap3A_803 = arith.constant 80 : index
            %swap3A_804 = tpu.vector_load %arg8[%swap3A_803] {strides = array<i32>} : memref<96xf32, #tpu.memory_space<vmem>>, vector<16xf32>,
            %swap3A_805 = vector.shape_cast %swap3A_804 : vector<16xf32> to vector<16xf32>
            %swap3A_806 = vector.shape_cast %broadcast_in_dim3A_802 : vector<16xf32> to vector<16xf32>
            tpu.vector_store %arg8[%swap3A_803], %swap3A_806 {strides = array<i32>} : memref<96xf32, #tpu.memory_space<vmem>>, vector<16xf32>,
            %eq3A_807 = arith.cmpi eq, %squeeze3A_604, %squeeze3A : i32
            %eq3A_808 = arith.cmpi eq, %squeeze3A_604, %squeeze3A_60 : i32
            %or3A_809 = arith.ori %eq3A_807, %eq3A_808 : i1
            %convert_element_type3A_810 = arith.extui %or3A_809 : i1 to i32
            %cond3A_811 = arith.constant 0 : i32
            %cond3A_812 = arith.cmpi ne, %convert_element_type3A_810, %cond3A_811 : i32
            scf.if %cond3A_812 {
              %eq3A_818 = arith.cmpi eq, %squeeze3A_604, %squeeze3A : i32
              %mul3A_819 = arith.constant 2 : i32
              %mul3A_820 = arith.muli %mul3A_819, %arg1 : i32
              %mul3A_821 = arith.constant 2 : i32
              %mul3A_822 = arith.muli %mul3A_821, %arg1 : i32
              %add3A_823 = arith.constant 1 : i32
              %add3A_824 = arith.addi %mul3A_822, %add3A_823 : i32
              %select_n3A_825 = arith.select %eq3A_818, %mul3A_820, %add3A_824 : i32
              "tpu.region"() ({
                %run_scoped3A = tpu.sem_alloc : memref<!tpu.dma_semaphore, #tpu.memory_space<semaphore_mem>>
                %dma_start3A = arith.constant 0 : i32
                %dma_start3A_826 = tpu.memref_slice %arg5[%arg0, %select_n3A_825, %dma_start3A] : memref<2x32x96xf32, #tpu.memory_space<hbm>> -> memref<1x1x96xf32, #tpu.memory_space<hbm>>
                %dma_start3A_827 = tpu.memref_squeeze %dma_start3A_826 : memref<1x1x96xf32, #tpu.memory_space<hbm>> -> memref<96xf32, #tpu.memory_space<hbm>>
                %dma_start3A_828 = arith.constant 0 : i32
                %dma_start3A_829 = tpu.memref_slice %arg5[%arg0, %select_n3A_825, %dma_start3A_828] : memref<2x32x96xf32, #tpu.memory_space<hbm>> -> memref<1x1x96xf32, #tpu.memory_space<hbm>>
                %dma_start3A_830 = tpu.memref_squeeze %dma_start3A_829 : memref<1x1x96xf32, #tpu.memory_space<hbm>> -> memref<96xf32, #tpu.memory_space<hbm>>
                tpu.enqueue_dma source(%arg8 : memref<96xf32, #tpu.memory_space<vmem>>) target(%dma_start3A_830 : memref<96xf32, #tpu.memory_space<hbm>>) target_semaphore(%run_scoped3A : memref<!tpu.dma_semaphore, #tpu.memory_space<semaphore_mem>>)
                %dma_wait3A = arith.constant 0 : i32
                %dma_wait3A_831 = tpu.memref_slice %arg5[%arg0, %select_n3A_825, %dma_wait3A] : memref<2x32x96xf32, #tpu.memory_space<hbm>> -> memref<1x1x96xf32, #tpu.memory_space<hbm>>
                %dma_wait3A_832 = tpu.memref_squeeze %dma_wait3A_831 : memref<1x1x96xf32, #tpu.memory_space<hbm>> -> memref<96xf32, #tpu.memory_space<hbm>>
                %dma_wait3A_833 = arith.constant 0 : i32
                %dma_wait3A_834 = tpu.memref_slice %arg5[%arg0, %select_n3A_825, %dma_wait3A_833] : memref<2x32x96xf32, #tpu.memory_space<hbm>> -> memref<1x1x96xf32, #tpu.memory_space<hbm>>
                %dma_wait3A_835 = tpu.memref_squeeze %dma_wait3A_834 : memref<1x1x96xf32, #tpu.memory_space<hbm>> -> memref<96xf32, #tpu.memory_space<hbm>>
                tpu.wait_dma2 semaphore(%run_scoped3A : memref<!tpu.dma_semaphore, #tpu.memory_space<semaphore_mem>>) src(%arg8 : memref<96xf32, #tpu.memory_space<vmem>>) dst(%dma_wait3A_835 : memref<96xf32, #tpu.memory_space<hbm>>)
                tpu.yield
              }) : () -> ()
            } else {
            }
            %not3A_813 = arith.constant true
            %not3A_814 = arith.xori %or3A_809, %not3A_813 : i1
            %convert_element_type3A_815 = arith.extui %not3A_814 : i1 to i32
            %cond3A_816 = arith.constant 0 : i32
            %cond3A_817 = arith.cmpi ne, %convert_element_type3A_815, %cond3A_816 : i32
            scf.if %cond3A_817 {
              "tpu.region"() ({
                %run_scoped3A = tpu.sem_alloc : memref<!tpu.dma_semaphore, #tpu.memory_space<semaphore_mem>>
                %dma_start3A = arith.constant 0 : i32
                %dma_start3A_818 = tpu.memref_slice %arg4[%arg0, %squeeze3A_604, %dma_start3A] : memref<2x1024x96xf32, #tpu.memory_space<hbm>> -> memref<1x1x96xf32, #tpu.memory_space<hbm>>
                %dma_start3A_819 = tpu.memref_squeeze %dma_start3A_818 : memref<1x1x96xf32, #tpu.memory_space<hbm>> -> memref<96xf32, #tpu.memory_space<hbm>>
                %dma_start3A_820 = arith.constant 0 : i32
                %dma_start3A_821 = tpu.memref_slice %arg4[%arg0, %squeeze3A_604, %dma_start3A_820] : memref<2x1024x96xf32, #tpu.memory_space<hbm>> -> memref<1x1x96xf32, #tpu.memory_space<hbm>>
                %dma_start3A_822 = tpu.memref_squeeze %dma_start3A_821 : memref<1x1x96xf32, #tpu.memory_space<hbm>> -> memref<96xf32, #tpu.memory_space<hbm>>
                tpu.enqueue_dma source(%arg8 : memref<96xf32, #tpu.memory_space<vmem>>) target(%dma_start3A_822 : memref<96xf32, #tpu.memory_space<hbm>>) target_semaphore(%run_scoped3A : memref<!tpu.dma_semaphore, #tpu.memory_space<semaphore_mem>>)
                %dma_wait3A = arith.constant 0 : i32
                %dma_wait3A_823 = tpu.memref_slice %arg4[%arg0, %squeeze3A_604, %dma_wait3A] : memref<2x1024x96xf32, #tpu.memory_space<hbm>> -> memref<1x1x96xf32, #tpu.memory_space<hbm>>
                %dma_wait3A_824 = tpu.memref_squeeze %dma_wait3A_823 : memref<1x1x96xf32, #tpu.memory_space<hbm>> -> memref<96xf32, #tpu.memory_space<hbm>>
                %dma_wait3A_825 = arith.constant 0 : i32
                %dma_wait3A_826 = tpu.memref_slice %arg4[%arg0, %squeeze3A_604, %dma_wait3A_825] : memref<2x1024x96xf32, #tpu.memory_space<hbm>> -> memref<1x1x96xf32, #tpu.memory_space<hbm>>
                %dma_wait3A_827 = tpu.memref_squeeze %dma_wait3A_826 : memref<1x1x96xf32, #tpu.memory_space<hbm>> -> memref<96xf32, #tpu.memory_space<hbm>>
                tpu.wait_dma2 semaphore(%run_scoped3A : memref<!tpu.dma_semaphore, #tpu.memory_space<semaphore_mem>>) src(%arg8 : memref<96xf32, #tpu.memory_space<vmem>>) dst(%dma_wait3A_827 : memref<96xf32, #tpu.memory_space<hbm>>)
                tpu.yield
              }) : () -> ()
            } else {
            }
          } else {
          }
          %jit3A_640 = arith.constant 0.000000e+00 : f32
          %select_n3A_641 = arith.select %ne3A_636, %jit3A_640, %add3A_612 : f32
          %add3A_642 = arith.constant 1.000000e+00 : f32
          %add3A_643 = arith.addf %select_n3A_641, %add3A_642 : f32
          %broadcast_in_dim3A_644 = arith.constant 0.000000e+00 : f32
          %broadcast_in_dim3A_645 = vector.broadcast %broadcast_in_dim3A_644 : f32 to vector<16xf32>
          %select_n3A_646 = arith.select %ne3A_636, %broadcast_in_dim3A_645, %select_n3A_626 : vector<16xf32>
          %broadcast_in_dim3A_647 = arith.constant 0.000000e+00 : f32
          %broadcast_in_dim3A_648 = vector.broadcast %broadcast_in_dim3A_647 : f32 to vector<16xf32>
          %select_n3A_649 = arith.select %ne3A_636, %broadcast_in_dim3A_648, %select_n3A_629 : vector<16xf32>
          %broadcast_in_dim3A_650 = arith.constant 0xFF800000 : f32
          %broadcast_in_dim3A_651 = vector.broadcast %broadcast_in_dim3A_650 : f32 to vector<16xf32>
          %select_n3A_652 = arith.select %ne3A_636, %broadcast_in_dim3A_651, %select_n3A_631 : vector<16xf32>
          %broadcast_in_dim3A_653 = arith.constant 0x7F800000 : f32
          %broadcast_in_dim3A_654 = vector.broadcast %broadcast_in_dim3A_653 : f32 to vector<16xf32>
          %select_n3A_655 = arith.select %ne3A_636, %broadcast_in_dim3A_654, %select_n3A_633 : vector<16xf32>
          %add3A_656 = arith.addf %select_n3A_646, %get3A_228 : vector<16xf32>
          %select_n3A_657 = arith.select %lt3A_263, %add3A_656, %select_n3A_646 : vector<16xi1>, vector<16xf32>
          %mul3A_658 = arith.mulf %get3A_228, %get3A_228 : vector<16xf32>
          %add3A_659 = arith.addf %select_n3A_649, %mul3A_658 : vector<16xf32>
          %select_n3A_660 = arith.select %lt3A_263, %add3A_659, %select_n3A_649 : vector<16xi1>, vector<16xf32>
          %max3A_661 = arith.maximumf %select_n3A_652, %get3A_228 : vector<16xf32>
          %select_n3A_662 = arith.select %lt3A_263, %max3A_661, %select_n3A_652 : vector<16xi1>, vector<16xf32>
          %min3A_663 = arith.minimumf %select_n3A_655, %get3A_228 : vector<16xf32>
          %select_n3A_664 = arith.select %lt3A_263, %min3A_663, %select_n3A_655 : vector<16xi1>, vector<16xf32>
          %slice3A_665 = vector.extract_strided_slice %get3A_175 {offsets = [13], sizes = [1], strides = [1]} : vector<16xi32> to vector<1xi32>
          %squeeze3A_666 = vector.extract %slice3A_665[0] : i32 from vector<1xi32>
          %ne3A_667 = arith.cmpi ne, %squeeze3A_666, %squeeze3A_635 : i32
          %convert_element_type3A_668 = arith.extui %ne3A_667 : i1 to i32
          %cond3A_669 = arith.constant 0 : i32
          %cond3A_670 = arith.cmpi ne, %convert_element_type3A_668, %cond3A_669 : i32
          scf.if %cond3A_670 {
            %swap3A_780 = arith.constant 0 : index
            %swap3A_781 = tpu.vector_load %arg8[%swap3A_780] {strides = array<i32>} : memref<96xf32, #tpu.memory_space<vmem>>, vector<16xf32>,
            %swap3A_782 = vector.shape_cast %swap3A_781 : vector<16xf32> to vector<16xf32>
            %swap3A_783 = vector.shape_cast %select_n3A_657 : vector<16xf32> to vector<16xf32>
            tpu.vector_store %arg8[%swap3A_780], %swap3A_783 {strides = array<i32>} : memref<96xf32, #tpu.memory_space<vmem>>, vector<16xf32>,
            %swap3A_784 = arith.constant 16 : index
            %swap3A_785 = tpu.vector_load %arg8[%swap3A_784] {strides = array<i32>} : memref<96xf32, #tpu.memory_space<vmem>>, vector<16xf32>,
            %swap3A_786 = vector.shape_cast %swap3A_785 : vector<16xf32> to vector<16xf32>
            %swap3A_787 = vector.shape_cast %select_n3A_660 : vector<16xf32> to vector<16xf32>
            tpu.vector_store %arg8[%swap3A_784], %swap3A_787 {strides = array<i32>} : memref<96xf32, #tpu.memory_space<vmem>>, vector<16xf32>,
            %swap3A_788 = arith.constant 32 : index
            %swap3A_789 = tpu.vector_load %arg8[%swap3A_788] {strides = array<i32>} : memref<96xf32, #tpu.memory_space<vmem>>, vector<16xf32>,
            %swap3A_790 = vector.shape_cast %swap3A_789 : vector<16xf32> to vector<16xf32>
            %swap3A_791 = vector.shape_cast %select_n3A_662 : vector<16xf32> to vector<16xf32>
            tpu.vector_store %arg8[%swap3A_788], %swap3A_791 {strides = array<i32>} : memref<96xf32, #tpu.memory_space<vmem>>, vector<16xf32>,
            %swap3A_792 = arith.constant 48 : index
            %swap3A_793 = tpu.vector_load %arg8[%swap3A_792] {strides = array<i32>} : memref<96xf32, #tpu.memory_space<vmem>>, vector<16xf32>,
            %swap3A_794 = vector.shape_cast %swap3A_793 : vector<16xf32> to vector<16xf32>
            %swap3A_795 = vector.shape_cast %select_n3A_664 : vector<16xf32> to vector<16xf32>
            tpu.vector_store %arg8[%swap3A_792], %swap3A_795 {strides = array<i32>} : memref<96xf32, #tpu.memory_space<vmem>>, vector<16xf32>,
            %broadcast_in_dim3A_796 = vector.broadcast %add3A_643 : f32 to vector<16xf32>
            %swap3A_797 = arith.constant 64 : index
            %swap3A_798 = tpu.vector_load %arg8[%swap3A_797] {strides = array<i32>} : memref<96xf32, #tpu.memory_space<vmem>>, vector<16xf32>,
            %swap3A_799 = vector.shape_cast %swap3A_798 : vector<16xf32> to vector<16xf32>
            %swap3A_800 = vector.shape_cast %broadcast_in_dim3A_796 : vector<16xf32> to vector<16xf32>
            tpu.vector_store %arg8[%swap3A_797], %swap3A_800 {strides = array<i32>} : memref<96xf32, #tpu.memory_space<vmem>>, vector<16xf32>,
            %convert_element_type3A_801 = arith.sitofp %squeeze3A_635 : i32 to f32
            %broadcast_in_dim3A_802 = vector.broadcast %convert_element_type3A_801 : f32 to vector<16xf32>
            %swap3A_803 = arith.constant 80 : index
            %swap3A_804 = tpu.vector_load %arg8[%swap3A_803] {strides = array<i32>} : memref<96xf32, #tpu.memory_space<vmem>>, vector<16xf32>,
            %swap3A_805 = vector.shape_cast %swap3A_804 : vector<16xf32> to vector<16xf32>
            %swap3A_806 = vector.shape_cast %broadcast_in_dim3A_802 : vector<16xf32> to vector<16xf32>
            tpu.vector_store %arg8[%swap3A_803], %swap3A_806 {strides = array<i32>} : memref<96xf32, #tpu.memory_space<vmem>>, vector<16xf32>,
            %eq3A_807 = arith.cmpi eq, %squeeze3A_635, %squeeze3A : i32
            %eq3A_808 = arith.cmpi eq, %squeeze3A_635, %squeeze3A_60 : i32
            %or3A_809 = arith.ori %eq3A_807, %eq3A_808 : i1
            %convert_element_type3A_810 = arith.extui %or3A_809 : i1 to i32
            %cond3A_811 = arith.constant 0 : i32
            %cond3A_812 = arith.cmpi ne, %convert_element_type3A_810, %cond3A_811 : i32
            scf.if %cond3A_812 {
              %eq3A_818 = arith.cmpi eq, %squeeze3A_635, %squeeze3A : i32
              %mul3A_819 = arith.constant 2 : i32
              %mul3A_820 = arith.muli %mul3A_819, %arg1 : i32
              %mul3A_821 = arith.constant 2 : i32
              %mul3A_822 = arith.muli %mul3A_821, %arg1 : i32
              %add3A_823 = arith.constant 1 : i32
              %add3A_824 = arith.addi %mul3A_822, %add3A_823 : i32
              %select_n3A_825 = arith.select %eq3A_818, %mul3A_820, %add3A_824 : i32
              "tpu.region"() ({
                %run_scoped3A = tpu.sem_alloc : memref<!tpu.dma_semaphore, #tpu.memory_space<semaphore_mem>>
                %dma_start3A = arith.constant 0 : i32
                %dma_start3A_826 = tpu.memref_slice %arg5[%arg0, %select_n3A_825, %dma_start3A] : memref<2x32x96xf32, #tpu.memory_space<hbm>> -> memref<1x1x96xf32, #tpu.memory_space<hbm>>
                %dma_start3A_827 = tpu.memref_squeeze %dma_start3A_826 : memref<1x1x96xf32, #tpu.memory_space<hbm>> -> memref<96xf32, #tpu.memory_space<hbm>>
                %dma_start3A_828 = arith.constant 0 : i32
                %dma_start3A_829 = tpu.memref_slice %arg5[%arg0, %select_n3A_825, %dma_start3A_828] : memref<2x32x96xf32, #tpu.memory_space<hbm>> -> memref<1x1x96xf32, #tpu.memory_space<hbm>>
                %dma_start3A_830 = tpu.memref_squeeze %dma_start3A_829 : memref<1x1x96xf32, #tpu.memory_space<hbm>> -> memref<96xf32, #tpu.memory_space<hbm>>
                tpu.enqueue_dma source(%arg8 : memref<96xf32, #tpu.memory_space<vmem>>) target(%dma_start3A_830 : memref<96xf32, #tpu.memory_space<hbm>>) target_semaphore(%run_scoped3A : memref<!tpu.dma_semaphore, #tpu.memory_space<semaphore_mem>>)
                %dma_wait3A = arith.constant 0 : i32
                %dma_wait3A_831 = tpu.memref_slice %arg5[%arg0, %select_n3A_825, %dma_wait3A] : memref<2x32x96xf32, #tpu.memory_space<hbm>> -> memref<1x1x96xf32, #tpu.memory_space<hbm>>
                %dma_wait3A_832 = tpu.memref_squeeze %dma_wait3A_831 : memref<1x1x96xf32, #tpu.memory_space<hbm>> -> memref<96xf32, #tpu.memory_space<hbm>>
                %dma_wait3A_833 = arith.constant 0 : i32
                %dma_wait3A_834 = tpu.memref_slice %arg5[%arg0, %select_n3A_825, %dma_wait3A_833] : memref<2x32x96xf32, #tpu.memory_space<hbm>> -> memref<1x1x96xf32, #tpu.memory_space<hbm>>
                %dma_wait3A_835 = tpu.memref_squeeze %dma_wait3A_834 : memref<1x1x96xf32, #tpu.memory_space<hbm>> -> memref<96xf32, #tpu.memory_space<hbm>>
                tpu.wait_dma2 semaphore(%run_scoped3A : memref<!tpu.dma_semaphore, #tpu.memory_space<semaphore_mem>>) src(%arg8 : memref<96xf32, #tpu.memory_space<vmem>>) dst(%dma_wait3A_835 : memref<96xf32, #tpu.memory_space<hbm>>)
                tpu.yield
              }) : () -> ()
            } else {
            }
            %not3A_813 = arith.constant true
            %not3A_814 = arith.xori %or3A_809, %not3A_813 : i1
            %convert_element_type3A_815 = arith.extui %not3A_814 : i1 to i32
            %cond3A_816 = arith.constant 0 : i32
            %cond3A_817 = arith.cmpi ne, %convert_element_type3A_815, %cond3A_816 : i32
            scf.if %cond3A_817 {
              "tpu.region"() ({
                %run_scoped3A = tpu.sem_alloc : memref<!tpu.dma_semaphore, #tpu.memory_space<semaphore_mem>>
                %dma_start3A = arith.constant 0 : i32
                %dma_start3A_818 = tpu.memref_slice %arg4[%arg0, %squeeze3A_635, %dma_start3A] : memref<2x1024x96xf32, #tpu.memory_space<hbm>> -> memref<1x1x96xf32, #tpu.memory_space<hbm>>
                %dma_start3A_819 = tpu.memref_squeeze %dma_start3A_818 : memref<1x1x96xf32, #tpu.memory_space<hbm>> -> memref<96xf32, #tpu.memory_space<hbm>>
                %dma_start3A_820 = arith.constant 0 : i32
                %dma_start3A_821 = tpu.memref_slice %arg4[%arg0, %squeeze3A_635, %dma_start3A_820] : memref<2x1024x96xf32, #tpu.memory_space<hbm>> -> memref<1x1x96xf32, #tpu.memory_space<hbm>>
                %dma_start3A_822 = tpu.memref_squeeze %dma_start3A_821 : memref<1x1x96xf32, #tpu.memory_space<hbm>> -> memref<96xf32, #tpu.memory_space<hbm>>
                tpu.enqueue_dma source(%arg8 : memref<96xf32, #tpu.memory_space<vmem>>) target(%dma_start3A_822 : memref<96xf32, #tpu.memory_space<hbm>>) target_semaphore(%run_scoped3A : memref<!tpu.dma_semaphore, #tpu.memory_space<semaphore_mem>>)
                %dma_wait3A = arith.constant 0 : i32
                %dma_wait3A_823 = tpu.memref_slice %arg4[%arg0, %squeeze3A_635, %dma_wait3A] : memref<2x1024x96xf32, #tpu.memory_space<hbm>> -> memref<1x1x96xf32, #tpu.memory_space<hbm>>
                %dma_wait3A_824 = tpu.memref_squeeze %dma_wait3A_823 : memref<1x1x96xf32, #tpu.memory_space<hbm>> -> memref<96xf32, #tpu.memory_space<hbm>>
                %dma_wait3A_825 = arith.constant 0 : i32
                %dma_wait3A_826 = tpu.memref_slice %arg4[%arg0, %squeeze3A_635, %dma_wait3A_825] : memref<2x1024x96xf32, #tpu.memory_space<hbm>> -> memref<1x1x96xf32, #tpu.memory_space<hbm>>
                %dma_wait3A_827 = tpu.memref_squeeze %dma_wait3A_826 : memref<1x1x96xf32, #tpu.memory_space<hbm>> -> memref<96xf32, #tpu.memory_space<hbm>>
                tpu.wait_dma2 semaphore(%run_scoped3A : memref<!tpu.dma_semaphore, #tpu.memory_space<semaphore_mem>>) src(%arg8 : memref<96xf32, #tpu.memory_space<vmem>>) dst(%dma_wait3A_827 : memref<96xf32, #tpu.memory_space<hbm>>)
                tpu.yield
              }) : () -> ()
            } else {
            }
          } else {
          }
          %jit3A_671 = arith.constant 0.000000e+00 : f32
          %select_n3A_672 = arith.select %ne3A_667, %jit3A_671, %add3A_643 : f32
          %add3A_673 = arith.constant 1.000000e+00 : f32
          %add3A_674 = arith.addf %select_n3A_672, %add3A_673 : f32
          %broadcast_in_dim3A_675 = arith.constant 0.000000e+00 : f32
          %broadcast_in_dim3A_676 = vector.broadcast %broadcast_in_dim3A_675 : f32 to vector<16xf32>
          %select_n3A_677 = arith.select %ne3A_667, %broadcast_in_dim3A_676, %select_n3A_657 : vector<16xf32>
          %broadcast_in_dim3A_678 = arith.constant 0.000000e+00 : f32
          %broadcast_in_dim3A_679 = vector.broadcast %broadcast_in_dim3A_678 : f32 to vector<16xf32>
          %select_n3A_680 = arith.select %ne3A_667, %broadcast_in_dim3A_679, %select_n3A_660 : vector<16xf32>
          %broadcast_in_dim3A_681 = arith.constant 0xFF800000 : f32
          %broadcast_in_dim3A_682 = vector.broadcast %broadcast_in_dim3A_681 : f32 to vector<16xf32>
          %select_n3A_683 = arith.select %ne3A_667, %broadcast_in_dim3A_682, %select_n3A_662 : vector<16xf32>
          %broadcast_in_dim3A_684 = arith.constant 0x7F800000 : f32
          %broadcast_in_dim3A_685 = vector.broadcast %broadcast_in_dim3A_684 : f32 to vector<16xf32>
          %select_n3A_686 = arith.select %ne3A_667, %broadcast_in_dim3A_685, %select_n3A_664 : vector<16xf32>
          %add3A_687 = arith.addf %select_n3A_677, %get3A_228 : vector<16xf32>
          %select_n3A_688 = arith.select %ge3A_265, %add3A_687, %select_n3A_677 : vector<16xi1>, vector<16xf32>
          %mul3A_689 = arith.mulf %get3A_228, %get3A_228 : vector<16xf32>
          %add3A_690 = arith.addf %select_n3A_680, %mul3A_689 : vector<16xf32>
          %select_n3A_691 = arith.select %ge3A_265, %add3A_690, %select_n3A_680 : vector<16xi1>, vector<16xf32>
          %max3A_692 = arith.maximumf %select_n3A_683, %get3A_228 : vector<16xf32>
          %select_n3A_693 = arith.select %ge3A_265, %max3A_692, %select_n3A_683 : vector<16xi1>, vector<16xf32>
          %min3A_694 = arith.minimumf %select_n3A_686, %get3A_228 : vector<16xf32>
          %select_n3A_695 = arith.select %ge3A_265, %min3A_694, %select_n3A_686 : vector<16xi1>, vector<16xf32>
          %slice3A_696 = vector.extract_strided_slice %get3A_175 {offsets = [14], sizes = [1], strides = [1]} : vector<16xi32> to vector<1xi32>
          %squeeze3A_697 = vector.extract %slice3A_696[0] : i32 from vector<1xi32>
          %ne3A_698 = arith.cmpi ne, %squeeze3A_697, %squeeze3A_666 : i32
          %convert_element_type3A_699 = arith.extui %ne3A_698 : i1 to i32
          %cond3A_700 = arith.constant 0 : i32
          %cond3A_701 = arith.cmpi ne, %convert_element_type3A_699, %cond3A_700 : i32
          scf.if %cond3A_701 {
            %swap3A_780 = arith.constant 0 : index
            %swap3A_781 = tpu.vector_load %arg8[%swap3A_780] {strides = array<i32>} : memref<96xf32, #tpu.memory_space<vmem>>, vector<16xf32>,
            %swap3A_782 = vector.shape_cast %swap3A_781 : vector<16xf32> to vector<16xf32>
            %swap3A_783 = vector.shape_cast %select_n3A_688 : vector<16xf32> to vector<16xf32>
            tpu.vector_store %arg8[%swap3A_780], %swap3A_783 {strides = array<i32>} : memref<96xf32, #tpu.memory_space<vmem>>, vector<16xf32>,
            %swap3A_784 = arith.constant 16 : index
            %swap3A_785 = tpu.vector_load %arg8[%swap3A_784] {strides = array<i32>} : memref<96xf32, #tpu.memory_space<vmem>>, vector<16xf32>,
            %swap3A_786 = vector.shape_cast %swap3A_785 : vector<16xf32> to vector<16xf32>
            %swap3A_787 = vector.shape_cast %select_n3A_691 : vector<16xf32> to vector<16xf32>
            tpu.vector_store %arg8[%swap3A_784], %swap3A_787 {strides = array<i32>} : memref<96xf32, #tpu.memory_space<vmem>>, vector<16xf32>,
            %swap3A_788 = arith.constant 32 : index
            %swap3A_789 = tpu.vector_load %arg8[%swap3A_788] {strides = array<i32>} : memref<96xf32, #tpu.memory_space<vmem>>, vector<16xf32>,
            %swap3A_790 = vector.shape_cast %swap3A_789 : vector<16xf32> to vector<16xf32>
            %swap3A_791 = vector.shape_cast %select_n3A_693 : vector<16xf32> to vector<16xf32>
            tpu.vector_store %arg8[%swap3A_788], %swap3A_791 {strides = array<i32>} : memref<96xf32, #tpu.memory_space<vmem>>, vector<16xf32>,
            %swap3A_792 = arith.constant 48 : index
            %swap3A_793 = tpu.vector_load %arg8[%swap3A_792] {strides = array<i32>} : memref<96xf32, #tpu.memory_space<vmem>>, vector<16xf32>,
            %swap3A_794 = vector.shape_cast %swap3A_793 : vector<16xf32> to vector<16xf32>
            %swap3A_795 = vector.shape_cast %select_n3A_695 : vector<16xf32> to vector<16xf32>
            tpu.vector_store %arg8[%swap3A_792], %swap3A_795 {strides = array<i32>} : memref<96xf32, #tpu.memory_space<vmem>>, vector<16xf32>,
            %broadcast_in_dim3A_796 = vector.broadcast %add3A_674 : f32 to vector<16xf32>
            %swap3A_797 = arith.constant 64 : index
            %swap3A_798 = tpu.vector_load %arg8[%swap3A_797] {strides = array<i32>} : memref<96xf32, #tpu.memory_space<vmem>>, vector<16xf32>,
            %swap3A_799 = vector.shape_cast %swap3A_798 : vector<16xf32> to vector<16xf32>
            %swap3A_800 = vector.shape_cast %broadcast_in_dim3A_796 : vector<16xf32> to vector<16xf32>
            tpu.vector_store %arg8[%swap3A_797], %swap3A_800 {strides = array<i32>} : memref<96xf32, #tpu.memory_space<vmem>>, vector<16xf32>,
            %convert_element_type3A_801 = arith.sitofp %squeeze3A_666 : i32 to f32
            %broadcast_in_dim3A_802 = vector.broadcast %convert_element_type3A_801 : f32 to vector<16xf32>
            %swap3A_803 = arith.constant 80 : index
            %swap3A_804 = tpu.vector_load %arg8[%swap3A_803] {strides = array<i32>} : memref<96xf32, #tpu.memory_space<vmem>>, vector<16xf32>,
            %swap3A_805 = vector.shape_cast %swap3A_804 : vector<16xf32> to vector<16xf32>
            %swap3A_806 = vector.shape_cast %broadcast_in_dim3A_802 : vector<16xf32> to vector<16xf32>
            tpu.vector_store %arg8[%swap3A_803], %swap3A_806 {strides = array<i32>} : memref<96xf32, #tpu.memory_space<vmem>>, vector<16xf32>,
            %eq3A_807 = arith.cmpi eq, %squeeze3A_666, %squeeze3A : i32
            %eq3A_808 = arith.cmpi eq, %squeeze3A_666, %squeeze3A_60 : i32
            %or3A_809 = arith.ori %eq3A_807, %eq3A_808 : i1
            %convert_element_type3A_810 = arith.extui %or3A_809 : i1 to i32
            %cond3A_811 = arith.constant 0 : i32
            %cond3A_812 = arith.cmpi ne, %convert_element_type3A_810, %cond3A_811 : i32
            scf.if %cond3A_812 {
              %eq3A_818 = arith.cmpi eq, %squeeze3A_666, %squeeze3A : i32
              %mul3A_819 = arith.constant 2 : i32
              %mul3A_820 = arith.muli %mul3A_819, %arg1 : i32
              %mul3A_821 = arith.constant 2 : i32
              %mul3A_822 = arith.muli %mul3A_821, %arg1 : i32
              %add3A_823 = arith.constant 1 : i32
              %add3A_824 = arith.addi %mul3A_822, %add3A_823 : i32
              %select_n3A_825 = arith.select %eq3A_818, %mul3A_820, %add3A_824 : i32
              "tpu.region"() ({
                %run_scoped3A = tpu.sem_alloc : memref<!tpu.dma_semaphore, #tpu.memory_space<semaphore_mem>>
                %dma_start3A = arith.constant 0 : i32
                %dma_start3A_826 = tpu.memref_slice %arg5[%arg0, %select_n3A_825, %dma_start3A] : memref<2x32x96xf32, #tpu.memory_space<hbm>> -> memref<1x1x96xf32, #tpu.memory_space<hbm>>
                %dma_start3A_827 = tpu.memref_squeeze %dma_start3A_826 : memref<1x1x96xf32, #tpu.memory_space<hbm>> -> memref<96xf32, #tpu.memory_space<hbm>>
                %dma_start3A_828 = arith.constant 0 : i32
                %dma_start3A_829 = tpu.memref_slice %arg5[%arg0, %select_n3A_825, %dma_start3A_828] : memref<2x32x96xf32, #tpu.memory_space<hbm>> -> memref<1x1x96xf32, #tpu.memory_space<hbm>>
                %dma_start3A_830 = tpu.memref_squeeze %dma_start3A_829 : memref<1x1x96xf32, #tpu.memory_space<hbm>> -> memref<96xf32, #tpu.memory_space<hbm>>
                tpu.enqueue_dma source(%arg8 : memref<96xf32, #tpu.memory_space<vmem>>) target(%dma_start3A_830 : memref<96xf32, #tpu.memory_space<hbm>>) target_semaphore(%run_scoped3A : memref<!tpu.dma_semaphore, #tpu.memory_space<semaphore_mem>>)
                %dma_wait3A = arith.constant 0 : i32
                %dma_wait3A_831 = tpu.memref_slice %arg5[%arg0, %select_n3A_825, %dma_wait3A] : memref<2x32x96xf32, #tpu.memory_space<hbm>> -> memref<1x1x96xf32, #tpu.memory_space<hbm>>
                %dma_wait3A_832 = tpu.memref_squeeze %dma_wait3A_831 : memref<1x1x96xf32, #tpu.memory_space<hbm>> -> memref<96xf32, #tpu.memory_space<hbm>>
                %dma_wait3A_833 = arith.constant 0 : i32
                %dma_wait3A_834 = tpu.memref_slice %arg5[%arg0, %select_n3A_825, %dma_wait3A_833] : memref<2x32x96xf32, #tpu.memory_space<hbm>> -> memref<1x1x96xf32, #tpu.memory_space<hbm>>
                %dma_wait3A_835 = tpu.memref_squeeze %dma_wait3A_834 : memref<1x1x96xf32, #tpu.memory_space<hbm>> -> memref<96xf32, #tpu.memory_space<hbm>>
                tpu.wait_dma2 semaphore(%run_scoped3A : memref<!tpu.dma_semaphore, #tpu.memory_space<semaphore_mem>>) src(%arg8 : memref<96xf32, #tpu.memory_space<vmem>>) dst(%dma_wait3A_835 : memref<96xf32, #tpu.memory_space<hbm>>)
                tpu.yield
              }) : () -> ()
            } else {
            }
            %not3A_813 = arith.constant true
            %not3A_814 = arith.xori %or3A_809, %not3A_813 : i1
            %convert_element_type3A_815 = arith.extui %not3A_814 : i1 to i32
            %cond3A_816 = arith.constant 0 : i32
            %cond3A_817 = arith.cmpi ne, %convert_element_type3A_815, %cond3A_816 : i32
            scf.if %cond3A_817 {
              "tpu.region"() ({
                %run_scoped3A = tpu.sem_alloc : memref<!tpu.dma_semaphore, #tpu.memory_space<semaphore_mem>>
                %dma_start3A = arith.constant 0 : i32
                %dma_start3A_818 = tpu.memref_slice %arg4[%arg0, %squeeze3A_666, %dma_start3A] : memref<2x1024x96xf32, #tpu.memory_space<hbm>> -> memref<1x1x96xf32, #tpu.memory_space<hbm>>
                %dma_start3A_819 = tpu.memref_squeeze %dma_start3A_818 : memref<1x1x96xf32, #tpu.memory_space<hbm>> -> memref<96xf32, #tpu.memory_space<hbm>>
                %dma_start3A_820 = arith.constant 0 : i32
                %dma_start3A_821 = tpu.memref_slice %arg4[%arg0, %squeeze3A_666, %dma_start3A_820] : memref<2x1024x96xf32, #tpu.memory_space<hbm>> -> memref<1x1x96xf32, #tpu.memory_space<hbm>>
                %dma_start3A_822 = tpu.memref_squeeze %dma_start3A_821 : memref<1x1x96xf32, #tpu.memory_space<hbm>> -> memref<96xf32, #tpu.memory_space<hbm>>
                tpu.enqueue_dma source(%arg8 : memref<96xf32, #tpu.memory_space<vmem>>) target(%dma_start3A_822 : memref<96xf32, #tpu.memory_space<hbm>>) target_semaphore(%run_scoped3A : memref<!tpu.dma_semaphore, #tpu.memory_space<semaphore_mem>>)
                %dma_wait3A = arith.constant 0 : i32
                %dma_wait3A_823 = tpu.memref_slice %arg4[%arg0, %squeeze3A_666, %dma_wait3A] : memref<2x1024x96xf32, #tpu.memory_space<hbm>> -> memref<1x1x96xf32, #tpu.memory_space<hbm>>
                %dma_wait3A_824 = tpu.memref_squeeze %dma_wait3A_823 : memref<1x1x96xf32, #tpu.memory_space<hbm>> -> memref<96xf32, #tpu.memory_space<hbm>>
                %dma_wait3A_825 = arith.constant 0 : i32
                %dma_wait3A_826 = tpu.memref_slice %arg4[%arg0, %squeeze3A_666, %dma_wait3A_825] : memref<2x1024x96xf32, #tpu.memory_space<hbm>> -> memref<1x1x96xf32, #tpu.memory_space<hbm>>
                %dma_wait3A_827 = tpu.memref_squeeze %dma_wait3A_826 : memref<1x1x96xf32, #tpu.memory_space<hbm>> -> memref<96xf32, #tpu.memory_space<hbm>>
                tpu.wait_dma2 semaphore(%run_scoped3A : memref<!tpu.dma_semaphore, #tpu.memory_space<semaphore_mem>>) src(%arg8 : memref<96xf32, #tpu.memory_space<vmem>>) dst(%dma_wait3A_827 : memref<96xf32, #tpu.memory_space<hbm>>)
                tpu.yield
              }) : () -> ()
            } else {
            }
          } else {
          }
          %jit3A_702 = arith.constant 0.000000e+00 : f32
          %select_n3A_703 = arith.select %ne3A_698, %jit3A_702, %add3A_674 : f32
          %add3A_704 = arith.constant 1.000000e+00 : f32
          %add3A_705 = arith.addf %select_n3A_703, %add3A_704 : f32
          %broadcast_in_dim3A_706 = arith.constant 0.000000e+00 : f32
          %broadcast_in_dim3A_707 = vector.broadcast %broadcast_in_dim3A_706 : f32 to vector<16xf32>
          %select_n3A_708 = arith.select %ne3A_698, %broadcast_in_dim3A_707, %select_n3A_688 : vector<16xf32>
          %broadcast_in_dim3A_709 = arith.constant 0.000000e+00 : f32
          %broadcast_in_dim3A_710 = vector.broadcast %broadcast_in_dim3A_709 : f32 to vector<16xf32>
          %select_n3A_711 = arith.select %ne3A_698, %broadcast_in_dim3A_710, %select_n3A_691 : vector<16xf32>
          %broadcast_in_dim3A_712 = arith.constant 0xFF800000 : f32
          %broadcast_in_dim3A_713 = vector.broadcast %broadcast_in_dim3A_712 : f32 to vector<16xf32>
          %select_n3A_714 = arith.select %ne3A_698, %broadcast_in_dim3A_713, %select_n3A_693 : vector<16xf32>
          %broadcast_in_dim3A_715 = arith.constant 0x7F800000 : f32
          %broadcast_in_dim3A_716 = vector.broadcast %broadcast_in_dim3A_715 : f32 to vector<16xf32>
          %select_n3A_717 = arith.select %ne3A_698, %broadcast_in_dim3A_716, %select_n3A_695 : vector<16xf32>
          %add3A_718 = arith.addf %select_n3A_708, %get3A_235 : vector<16xf32>
          %select_n3A_719 = arith.select %lt3A_263, %add3A_718, %select_n3A_708 : vector<16xi1>, vector<16xf32>
          %mul3A_720 = arith.mulf %get3A_235, %get3A_235 : vector<16xf32>
          %add3A_721 = arith.addf %select_n3A_711, %mul3A_720 : vector<16xf32>
          %select_n3A_722 = arith.select %lt3A_263, %add3A_721, %select_n3A_711 : vector<16xi1>, vector<16xf32>
          %max3A_723 = arith.maximumf %select_n3A_714, %get3A_235 : vector<16xf32>
          %select_n3A_724 = arith.select %lt3A_263, %max3A_723, %select_n3A_714 : vector<16xi1>, vector<16xf32>
          %min3A_725 = arith.minimumf %select_n3A_717, %get3A_235 : vector<16xf32>
          %select_n3A_726 = arith.select %lt3A_263, %min3A_725, %select_n3A_717 : vector<16xi1>, vector<16xf32>
          %slice3A_727 = vector.extract_strided_slice %get3A_175 {offsets = [15], sizes = [1], strides = [1]} : vector<16xi32> to vector<1xi32>
          %squeeze3A_728 = vector.extract %slice3A_727[0] : i32 from vector<1xi32>
          %ne3A_729 = arith.cmpi ne, %squeeze3A_728, %squeeze3A_697 : i32
          %convert_element_type3A_730 = arith.extui %ne3A_729 : i1 to i32
          %cond3A_731 = arith.constant 0 : i32
          %cond3A_732 = arith.cmpi ne, %convert_element_type3A_730, %cond3A_731 : i32
          scf.if %cond3A_732 {
            %swap3A_780 = arith.constant 0 : index
            %swap3A_781 = tpu.vector_load %arg8[%swap3A_780] {strides = array<i32>} : memref<96xf32, #tpu.memory_space<vmem>>, vector<16xf32>,
            %swap3A_782 = vector.shape_cast %swap3A_781 : vector<16xf32> to vector<16xf32>
            %swap3A_783 = vector.shape_cast %select_n3A_719 : vector<16xf32> to vector<16xf32>
            tpu.vector_store %arg8[%swap3A_780], %swap3A_783 {strides = array<i32>} : memref<96xf32, #tpu.memory_space<vmem>>, vector<16xf32>,
            %swap3A_784 = arith.constant 16 : index
            %swap3A_785 = tpu.vector_load %arg8[%swap3A_784] {strides = array<i32>} : memref<96xf32, #tpu.memory_space<vmem>>, vector<16xf32>,
            %swap3A_786 = vector.shape_cast %swap3A_785 : vector<16xf32> to vector<16xf32>
            %swap3A_787 = vector.shape_cast %select_n3A_722 : vector<16xf32> to vector<16xf32>
            tpu.vector_store %arg8[%swap3A_784], %swap3A_787 {strides = array<i32>} : memref<96xf32, #tpu.memory_space<vmem>>, vector<16xf32>,
            %swap3A_788 = arith.constant 32 : index
            %swap3A_789 = tpu.vector_load %arg8[%swap3A_788] {strides = array<i32>} : memref<96xf32, #tpu.memory_space<vmem>>, vector<16xf32>,
            %swap3A_790 = vector.shape_cast %swap3A_789 : vector<16xf32> to vector<16xf32>
            %swap3A_791 = vector.shape_cast %select_n3A_724 : vector<16xf32> to vector<16xf32>
            tpu.vector_store %arg8[%swap3A_788], %swap3A_791 {strides = array<i32>} : memref<96xf32, #tpu.memory_space<vmem>>, vector<16xf32>,
            %swap3A_792 = arith.constant 48 : index
            %swap3A_793 = tpu.vector_load %arg8[%swap3A_792] {strides = array<i32>} : memref<96xf32, #tpu.memory_space<vmem>>, vector<16xf32>,
            %swap3A_794 = vector.shape_cast %swap3A_793 : vector<16xf32> to vector<16xf32>
            %swap3A_795 = vector.shape_cast %select_n3A_726 : vector<16xf32> to vector<16xf32>
            tpu.vector_store %arg8[%swap3A_792], %swap3A_795 {strides = array<i32>} : memref<96xf32, #tpu.memory_space<vmem>>, vector<16xf32>,
            %broadcast_in_dim3A_796 = vector.broadcast %add3A_705 : f32 to vector<16xf32>
            %swap3A_797 = arith.constant 64 : index
            %swap3A_798 = tpu.vector_load %arg8[%swap3A_797] {strides = array<i32>} : memref<96xf32, #tpu.memory_space<vmem>>, vector<16xf32>,
            %swap3A_799 = vector.shape_cast %swap3A_798 : vector<16xf32> to vector<16xf32>
            %swap3A_800 = vector.shape_cast %broadcast_in_dim3A_796 : vector<16xf32> to vector<16xf32>
            tpu.vector_store %arg8[%swap3A_797], %swap3A_800 {strides = array<i32>} : memref<96xf32, #tpu.memory_space<vmem>>, vector<16xf32>,
            %convert_element_type3A_801 = arith.sitofp %squeeze3A_697 : i32 to f32
            %broadcast_in_dim3A_802 = vector.broadcast %convert_element_type3A_801 : f32 to vector<16xf32>
            %swap3A_803 = arith.constant 80 : index
            %swap3A_804 = tpu.vector_load %arg8[%swap3A_803] {strides = array<i32>} : memref<96xf32, #tpu.memory_space<vmem>>, vector<16xf32>,
            %swap3A_805 = vector.shape_cast %swap3A_804 : vector<16xf32> to vector<16xf32>
            %swap3A_806 = vector.shape_cast %broadcast_in_dim3A_802 : vector<16xf32> to vector<16xf32>
            tpu.vector_store %arg8[%swap3A_803], %swap3A_806 {strides = array<i32>} : memref<96xf32, #tpu.memory_space<vmem>>, vector<16xf32>,
            %eq3A_807 = arith.cmpi eq, %squeeze3A_697, %squeeze3A : i32
            %eq3A_808 = arith.cmpi eq, %squeeze3A_697, %squeeze3A_60 : i32
            %or3A_809 = arith.ori %eq3A_807, %eq3A_808 : i1
            %convert_element_type3A_810 = arith.extui %or3A_809 : i1 to i32
            %cond3A_811 = arith.constant 0 : i32
            %cond3A_812 = arith.cmpi ne, %convert_element_type3A_810, %cond3A_811 : i32
            scf.if %cond3A_812 {
              %eq3A_818 = arith.cmpi eq, %squeeze3A_697, %squeeze3A : i32
              %mul3A_819 = arith.constant 2 : i32
              %mul3A_820 = arith.muli %mul3A_819, %arg1 : i32
              %mul3A_821 = arith.constant 2 : i32
              %mul3A_822 = arith.muli %mul3A_821, %arg1 : i32
              %add3A_823 = arith.constant 1 : i32
              %add3A_824 = arith.addi %mul3A_822, %add3A_823 : i32
              %select_n3A_825 = arith.select %eq3A_818, %mul3A_820, %add3A_824 : i32
              "tpu.region"() ({
                %run_scoped3A = tpu.sem_alloc : memref<!tpu.dma_semaphore, #tpu.memory_space<semaphore_mem>>
                %dma_start3A = arith.constant 0 : i32
                %dma_start3A_826 = tpu.memref_slice %arg5[%arg0, %select_n3A_825, %dma_start3A] : memref<2x32x96xf32, #tpu.memory_space<hbm>> -> memref<1x1x96xf32, #tpu.memory_space<hbm>>
                %dma_start3A_827 = tpu.memref_squeeze %dma_start3A_826 : memref<1x1x96xf32, #tpu.memory_space<hbm>> -> memref<96xf32, #tpu.memory_space<hbm>>
                %dma_start3A_828 = arith.constant 0 : i32
                %dma_start3A_829 = tpu.memref_slice %arg5[%arg0, %select_n3A_825, %dma_start3A_828] : memref<2x32x96xf32, #tpu.memory_space<hbm>> -> memref<1x1x96xf32, #tpu.memory_space<hbm>>
                %dma_start3A_830 = tpu.memref_squeeze %dma_start3A_829 : memref<1x1x96xf32, #tpu.memory_space<hbm>> -> memref<96xf32, #tpu.memory_space<hbm>>
                tpu.enqueue_dma source(%arg8 : memref<96xf32, #tpu.memory_space<vmem>>) target(%dma_start3A_830 : memref<96xf32, #tpu.memory_space<hbm>>) target_semaphore(%run_scoped3A : memref<!tpu.dma_semaphore, #tpu.memory_space<semaphore_mem>>)
                %dma_wait3A = arith.constant 0 : i32
                %dma_wait3A_831 = tpu.memref_slice %arg5[%arg0, %select_n3A_825, %dma_wait3A] : memref<2x32x96xf32, #tpu.memory_space<hbm>> -> memref<1x1x96xf32, #tpu.memory_space<hbm>>
                %dma_wait3A_832 = tpu.memref_squeeze %dma_wait3A_831 : memref<1x1x96xf32, #tpu.memory_space<hbm>> -> memref<96xf32, #tpu.memory_space<hbm>>
                %dma_wait3A_833 = arith.constant 0 : i32
                %dma_wait3A_834 = tpu.memref_slice %arg5[%arg0, %select_n3A_825, %dma_wait3A_833] : memref<2x32x96xf32, #tpu.memory_space<hbm>> -> memref<1x1x96xf32, #tpu.memory_space<hbm>>
                %dma_wait3A_835 = tpu.memref_squeeze %dma_wait3A_834 : memref<1x1x96xf32, #tpu.memory_space<hbm>> -> memref<96xf32, #tpu.memory_space<hbm>>
                tpu.wait_dma2 semaphore(%run_scoped3A : memref<!tpu.dma_semaphore, #tpu.memory_space<semaphore_mem>>) src(%arg8 : memref<96xf32, #tpu.memory_space<vmem>>) dst(%dma_wait3A_835 : memref<96xf32, #tpu.memory_space<hbm>>)
                tpu.yield
              }) : () -> ()
            } else {
            }
            %not3A_813 = arith.constant true
            %not3A_814 = arith.xori %or3A_809, %not3A_813 : i1
            %convert_element_type3A_815 = arith.extui %not3A_814 : i1 to i32
            %cond3A_816 = arith.constant 0 : i32
            %cond3A_817 = arith.cmpi ne, %convert_element_type3A_815, %cond3A_816 : i32
            scf.if %cond3A_817 {
              "tpu.region"() ({
                %run_scoped3A = tpu.sem_alloc : memref<!tpu.dma_semaphore, #tpu.memory_space<semaphore_mem>>
                %dma_start3A = arith.constant 0 : i32
                %dma_start3A_818 = tpu.memref_slice %arg4[%arg0, %squeeze3A_697, %dma_start3A] : memref<2x1024x96xf32, #tpu.memory_space<hbm>> -> memref<1x1x96xf32, #tpu.memory_space<hbm>>
                %dma_start3A_819 = tpu.memref_squeeze %dma_start3A_818 : memref<1x1x96xf32, #tpu.memory_space<hbm>> -> memref<96xf32, #tpu.memory_space<hbm>>
                %dma_start3A_820 = arith.constant 0 : i32
                %dma_start3A_821 = tpu.memref_slice %arg4[%arg0, %squeeze3A_697, %dma_start3A_820] : memref<2x1024x96xf32, #tpu.memory_space<hbm>> -> memref<1x1x96xf32, #tpu.memory_space<hbm>>
                %dma_start3A_822 = tpu.memref_squeeze %dma_start3A_821 : memref<1x1x96xf32, #tpu.memory_space<hbm>> -> memref<96xf32, #tpu.memory_space<hbm>>
                tpu.enqueue_dma source(%arg8 : memref<96xf32, #tpu.memory_space<vmem>>) target(%dma_start3A_822 : memref<96xf32, #tpu.memory_space<hbm>>) target_semaphore(%run_scoped3A : memref<!tpu.dma_semaphore, #tpu.memory_space<semaphore_mem>>)
                %dma_wait3A = arith.constant 0 : i32
                %dma_wait3A_823 = tpu.memref_slice %arg4[%arg0, %squeeze3A_697, %dma_wait3A] : memref<2x1024x96xf32, #tpu.memory_space<hbm>> -> memref<1x1x96xf32, #tpu.memory_space<hbm>>
                %dma_wait3A_824 = tpu.memref_squeeze %dma_wait3A_823 : memref<1x1x96xf32, #tpu.memory_space<hbm>> -> memref<96xf32, #tpu.memory_space<hbm>>
                %dma_wait3A_825 = arith.constant 0 : i32
                %dma_wait3A_826 = tpu.memref_slice %arg4[%arg0, %squeeze3A_697, %dma_wait3A_825] : memref<2x1024x96xf32, #tpu.memory_space<hbm>> -> memref<1x1x96xf32, #tpu.memory_space<hbm>>
                %dma_wait3A_827 = tpu.memref_squeeze %dma_wait3A_826 : memref<1x1x96xf32, #tpu.memory_space<hbm>> -> memref<96xf32, #tpu.memory_space<hbm>>
                tpu.wait_dma2 semaphore(%run_scoped3A : memref<!tpu.dma_semaphore, #tpu.memory_space<semaphore_mem>>) src(%arg8 : memref<96xf32, #tpu.memory_space<vmem>>) dst(%dma_wait3A_827 : memref<96xf32, #tpu.memory_space<hbm>>)
                tpu.yield
              }) : () -> ()
            } else {
            }
          } else {
          }
          %jit3A_733 = arith.constant 0.000000e+00 : f32
          %select_n3A_734 = arith.select %ne3A_729, %jit3A_733, %add3A_705 : f32
          %add3A_735 = arith.constant 1.000000e+00 : f32
          %add3A_736 = arith.addf %select_n3A_734, %add3A_735 : f32
          %broadcast_in_dim3A_737 = arith.constant 0.000000e+00 : f32
          %broadcast_in_dim3A_738 = vector.broadcast %broadcast_in_dim3A_737 : f32 to vector<16xf32>
          %select_n3A_739 = arith.select %ne3A_729, %broadcast_in_dim3A_738, %select_n3A_719 : vector<16xf32>
          %broadcast_in_dim3A_740 = arith.constant 0.000000e+00 : f32
          %broadcast_in_dim3A_741 = vector.broadcast %broadcast_in_dim3A_740 : f32 to vector<16xf32>
          %select_n3A_742 = arith.select %ne3A_729, %broadcast_in_dim3A_741, %select_n3A_722 : vector<16xf32>
          %broadcast_in_dim3A_743 = arith.constant 0xFF800000 : f32
          %broadcast_in_dim3A_744 = vector.broadcast %broadcast_in_dim3A_743 : f32 to vector<16xf32>
          %select_n3A_745 = arith.select %ne3A_729, %broadcast_in_dim3A_744, %select_n3A_724 : vector<16xf32>
          %broadcast_in_dim3A_746 = arith.constant 0x7F800000 : f32
          %broadcast_in_dim3A_747 = vector.broadcast %broadcast_in_dim3A_746 : f32 to vector<16xf32>
          %select_n3A_748 = arith.select %ne3A_729, %broadcast_in_dim3A_747, %select_n3A_726 : vector<16xf32>
          %add3A_749 = arith.addf %select_n3A_739, %get3A_235 : vector<16xf32>
          %select_n3A_750 = arith.select %ge3A_265, %add3A_749, %select_n3A_739 : vector<16xi1>, vector<16xf32>
          %mul3A_751 = arith.mulf %get3A_235, %get3A_235 : vector<16xf32>
          %add3A_752 = arith.addf %select_n3A_742, %mul3A_751 : vector<16xf32>
          %select_n3A_753 = arith.select %ge3A_265, %add3A_752, %select_n3A_742 : vector<16xi1>, vector<16xf32>
          %max3A_754 = arith.maximumf %select_n3A_745, %get3A_235 : vector<16xf32>
          %select_n3A_755 = arith.select %ge3A_265, %max3A_754, %select_n3A_745 : vector<16xi1>, vector<16xf32>
          %min3A_756 = arith.minimumf %select_n3A_748, %get3A_235 : vector<16xf32>
          %select_n3A_757 = arith.select %ge3A_265, %min3A_756, %select_n3A_748 : vector<16xi1>, vector<16xf32>
          %swap3A_758 = arith.constant 0 : i32
          %swap3A_759 = arith.index_cast %swap3A_758 : i32 to index
          %swap3A_760 = memref.load %arg14[%swap3A_759] : memref<1xi32, #tpu.memory_space<smem>>
          memref.store %squeeze3A_728, %arg14[%swap3A_759] : memref<1xi32, #tpu.memory_space<smem>>
          %swap3A_761 = arith.constant 0 : i32
          %swap3A_762 = arith.index_cast %swap3A_761 : i32 to index
          %swap3A_763 = memref.load %arg15[%swap3A_762] : memref<1xf32, #tpu.memory_space<smem>>
          memref.store %add3A_736, %arg15[%swap3A_762] : memref<1xf32, #tpu.memory_space<smem>>
          %swap3A_764 = arith.constant 0 : index
          %swap3A_765 = tpu.vector_load %arg13[%swap3A_764] {strides = array<i32>} : memref<80xf32, #tpu.memory_space<vmem>>, vector<16xf32>,
          %swap3A_766 = vector.shape_cast %swap3A_765 : vector<16xf32> to vector<16xf32>
          %swap3A_767 = vector.shape_cast %select_n3A_750 : vector<16xf32> to vector<16xf32>
          tpu.vector_store %arg13[%swap3A_764], %swap3A_767 {strides = array<i32>} : memref<80xf32, #tpu.memory_space<vmem>>, vector<16xf32>,
          %swap3A_768 = arith.constant 16 : index
          %swap3A_769 = tpu.vector_load %arg13[%swap3A_768] {strides = array<i32>} : memref<80xf32, #tpu.memory_space<vmem>>, vector<16xf32>,
          %swap3A_770 = vector.shape_cast %swap3A_769 : vector<16xf32> to vector<16xf32>
          %swap3A_771 = vector.shape_cast %select_n3A_753 : vector<16xf32> to vector<16xf32>
          tpu.vector_store %arg13[%swap3A_768], %swap3A_771 {strides = array<i32>} : memref<80xf32, #tpu.memory_space<vmem>>, vector<16xf32>,
          %swap3A_772 = arith.constant 32 : index
          %swap3A_773 = tpu.vector_load %arg13[%swap3A_772] {strides = array<i32>} : memref<80xf32, #tpu.memory_space<vmem>>, vector<16xf32>,
          %swap3A_774 = vector.shape_cast %swap3A_773 : vector<16xf32> to vector<16xf32>
          %swap3A_775 = vector.shape_cast %select_n3A_755 : vector<16xf32> to vector<16xf32>
          tpu.vector_store %arg13[%swap3A_772], %swap3A_775 {strides = array<i32>} : memref<80xf32, #tpu.memory_space<vmem>>, vector<16xf32>,
          %swap3A_776 = arith.constant 48 : index
          %swap3A_777 = tpu.vector_load %arg13[%swap3A_776] {strides = array<i32>} : memref<80xf32, #tpu.memory_space<vmem>>, vector<16xf32>,
          %swap3A_778 = vector.shape_cast %swap3A_777 : vector<16xf32> to vector<16xf32>
          %swap3A_779 = vector.shape_cast %select_n3A_757 : vector<16xf32> to vector<16xf32>
          tpu.vector_store %arg13[%swap3A_776], %swap3A_779 {strides = array<i32>} : memref<80xf32, #tpu.memory_space<vmem>>, vector<16xf32>,
        } else {
        }
        %scan3A_243 = arith.constant 0 : i32
        scf.yield %scan3A_243 : i32
      }
      %scan3A_168 = arith.constant 125 : i32
      scf.yield %scan3A_167 : i32
    }
    %scan3A_98 = arith.constant 50 : i32
    %get3A_99 = arith.constant 0 : i32
    %get3A_100 = arith.index_cast %get3A_99 : i32 to index
    %get3A_101 = memref.load %arg14[%get3A_100] : memref<1xi32, #tpu.memory_space<smem>>
    %get3A_102 = arith.constant 0 : i32
    %get3A_103 = arith.index_cast %get3A_102 : i32 to index
    %get3A_104 = memref.load %arg15[%get3A_103] : memref<1xf32, #tpu.memory_space<smem>>
    %get3A_105 = arith.constant 0 : index
    %get3A_106 = tpu.vector_load %arg13[%get3A_105] {strides = array<i32>} : memref<80xf32, #tpu.memory_space<vmem>>, vector<16xf32>,
    %get3A_107 = vector.shape_cast %get3A_106 : vector<16xf32> to vector<16xf32>
    %get3A_108 = arith.constant 16 : index
    %get3A_109 = tpu.vector_load %arg13[%get3A_108] {strides = array<i32>} : memref<80xf32, #tpu.memory_space<vmem>>, vector<16xf32>,
    %get3A_110 = vector.shape_cast %get3A_109 : vector<16xf32> to vector<16xf32>
    %get3A_111 = arith.constant 32 : index
    %get3A_112 = tpu.vector_load %arg13[%get3A_111] {strides = array<i32>} : memref<80xf32, #tpu.memory_space<vmem>>, vector<16xf32>,
    %get3A_113 = vector.shape_cast %get3A_112 : vector<16xf32> to vector<16xf32>
    %get3A_114 = arith.constant 48 : index
    %get3A_115 = tpu.vector_load %arg13[%get3A_114] {strides = array<i32>} : memref<80xf32, #tpu.memory_space<vmem>>, vector<16xf32>,
    %get3A_116 = vector.shape_cast %get3A_115 : vector<16xf32> to vector<16xf32>
    %swap3A_117 = arith.constant 0 : index
    %swap3A_118 = tpu.vector_load %arg8[%swap3A_117] {strides = array<i32>} : memref<96xf32, #tpu.memory_space<vmem>>, vector<16xf32>,
    %swap3A_119 = vector.shape_cast %swap3A_118 : vector<16xf32> to vector<16xf32>
    %swap3A_120 = vector.shape_cast %get3A_107 : vector<16xf32> to vector<16xf32>
    tpu.vector_store %arg8[%swap3A_117], %swap3A_120 {strides = array<i32>} : memref<96xf32, #tpu.memory_space<vmem>>, vector<16xf32>,
    %swap3A_121 = arith.constant 16 : index
    %swap3A_122 = tpu.vector_load %arg8[%swap3A_121] {strides = array<i32>} : memref<96xf32, #tpu.memory_space<vmem>>, vector<16xf32>,
    %swap3A_123 = vector.shape_cast %swap3A_122 : vector<16xf32> to vector<16xf32>
    %swap3A_124 = vector.shape_cast %get3A_110 : vector<16xf32> to vector<16xf32>
    tpu.vector_store %arg8[%swap3A_121], %swap3A_124 {strides = array<i32>} : memref<96xf32, #tpu.memory_space<vmem>>, vector<16xf32>,
    %swap3A_125 = arith.constant 32 : index
    %swap3A_126 = tpu.vector_load %arg8[%swap3A_125] {strides = array<i32>} : memref<96xf32, #tpu.memory_space<vmem>>, vector<16xf32>,
    %swap3A_127 = vector.shape_cast %swap3A_126 : vector<16xf32> to vector<16xf32>
    %swap3A_128 = vector.shape_cast %get3A_113 : vector<16xf32> to vector<16xf32>
    tpu.vector_store %arg8[%swap3A_125], %swap3A_128 {strides = array<i32>} : memref<96xf32, #tpu.memory_space<vmem>>, vector<16xf32>,
    %swap3A_129 = arith.constant 48 : index
    %swap3A_130 = tpu.vector_load %arg8[%swap3A_129] {strides = array<i32>} : memref<96xf32, #tpu.memory_space<vmem>>, vector<16xf32>,
    %swap3A_131 = vector.shape_cast %swap3A_130 : vector<16xf32> to vector<16xf32>
    %swap3A_132 = vector.shape_cast %get3A_116 : vector<16xf32> to vector<16xf32>
    tpu.vector_store %arg8[%swap3A_129], %swap3A_132 {strides = array<i32>} : memref<96xf32, #tpu.memory_space<vmem>>, vector<16xf32>,
    %broadcast_in_dim3A_133 = vector.broadcast %get3A_104 : f32 to vector<16xf32>
    %swap3A_134 = arith.constant 64 : index
    %swap3A_135 = tpu.vector_load %arg8[%swap3A_134] {strides = array<i32>} : memref<96xf32, #tpu.memory_space<vmem>>, vector<16xf32>,
    %swap3A_136 = vector.shape_cast %swap3A_135 : vector<16xf32> to vector<16xf32>
    %swap3A_137 = vector.shape_cast %broadcast_in_dim3A_133 : vector<16xf32> to vector<16xf32>
    tpu.vector_store %arg8[%swap3A_134], %swap3A_137 {strides = array<i32>} : memref<96xf32, #tpu.memory_space<vmem>>, vector<16xf32>,
    %convert_element_type3A = arith.sitofp %get3A_101 : i32 to f32
    %broadcast_in_dim3A_138 = vector.broadcast %convert_element_type3A : f32 to vector<16xf32>
    %swap3A_139 = arith.constant 80 : index
    %swap3A_140 = tpu.vector_load %arg8[%swap3A_139] {strides = array<i32>} : memref<96xf32, #tpu.memory_space<vmem>>, vector<16xf32>,
    %swap3A_141 = vector.shape_cast %swap3A_140 : vector<16xf32> to vector<16xf32>
    %swap3A_142 = vector.shape_cast %broadcast_in_dim3A_138 : vector<16xf32> to vector<16xf32>
    tpu.vector_store %arg8[%swap3A_139], %swap3A_142 {strides = array<i32>} : memref<96xf32, #tpu.memory_space<vmem>>, vector<16xf32>,
    %eq3A = arith.cmpi eq, %get3A_101, %squeeze3A : i32
    %eq3A_143 = arith.cmpi eq, %get3A_101, %squeeze3A_60 : i32
    %or3A = arith.ori %eq3A, %eq3A_143 : i1
    %convert_element_type3A_144 = arith.extui %or3A : i1 to i32
    %cond3A = arith.constant 0 : i32
    %cond3A_145 = arith.cmpi ne, %convert_element_type3A_144, %cond3A : i32
    scf.if %cond3A_145 {
      %eq3A_156 = arith.cmpi eq, %get3A_101, %squeeze3A : i32
      %mul3A_157 = arith.constant 2 : i32
      %mul3A_158 = arith.muli %mul3A_157, %arg1 : i32
      %mul3A_159 = arith.constant 2 : i32
      %mul3A_160 = arith.muli %mul3A_159, %arg1 : i32
      %add3A_161 = arith.constant 1 : i32
      %add3A_162 = arith.addi %mul3A_160, %add3A_161 : i32
      %select_n3A = arith.select %eq3A_156, %mul3A_158, %add3A_162 : i32
      "tpu.region"() ({
        %run_scoped3A = tpu.sem_alloc : memref<!tpu.dma_semaphore, #tpu.memory_space<semaphore_mem>>
        %dma_start3A = arith.constant 0 : i32
        %dma_start3A_163 = tpu.memref_slice %arg5[%arg0, %select_n3A, %dma_start3A] : memref<2x32x96xf32, #tpu.memory_space<hbm>> -> memref<1x1x96xf32, #tpu.memory_space<hbm>>
        %dma_start3A_164 = tpu.memref_squeeze %dma_start3A_163 : memref<1x1x96xf32, #tpu.memory_space<hbm>> -> memref<96xf32, #tpu.memory_space<hbm>>
        %dma_start3A_165 = arith.constant 0 : i32
        %dma_start3A_166 = tpu.memref_slice %arg5[%arg0, %select_n3A, %dma_start3A_165] : memref<2x32x96xf32, #tpu.memory_space<hbm>> -> memref<1x1x96xf32, #tpu.memory_space<hbm>>
        %dma_start3A_167 = tpu.memref_squeeze %dma_start3A_166 : memref<1x1x96xf32, #tpu.memory_space<hbm>> -> memref<96xf32, #tpu.memory_space<hbm>>
        tpu.enqueue_dma source(%arg8 : memref<96xf32, #tpu.memory_space<vmem>>) target(%dma_start3A_167 : memref<96xf32, #tpu.memory_space<hbm>>) target_semaphore(%run_scoped3A : memref<!tpu.dma_semaphore, #tpu.memory_space<semaphore_mem>>)
        %dma_wait3A = arith.constant 0 : i32
        %dma_wait3A_168 = tpu.memref_slice %arg5[%arg0, %select_n3A, %dma_wait3A] : memref<2x32x96xf32, #tpu.memory_space<hbm>> -> memref<1x1x96xf32, #tpu.memory_space<hbm>>
        %dma_wait3A_169 = tpu.memref_squeeze %dma_wait3A_168 : memref<1x1x96xf32, #tpu.memory_space<hbm>> -> memref<96xf32, #tpu.memory_space<hbm>>
        %dma_wait3A_170 = arith.constant 0 : i32
        %dma_wait3A_171 = tpu.memref_slice %arg5[%arg0, %select_n3A, %dma_wait3A_170] : memref<2x32x96xf32, #tpu.memory_space<hbm>> -> memref<1x1x96xf32, #tpu.memory_space<hbm>>
        %dma_wait3A_172 = tpu.memref_squeeze %dma_wait3A_171 : memref<1x1x96xf32, #tpu.memory_space<hbm>> -> memref<96xf32, #tpu.memory_space<hbm>>
        tpu.wait_dma2 semaphore(%run_scoped3A : memref<!tpu.dma_semaphore, #tpu.memory_space<semaphore_mem>>) src(%arg8 : memref<96xf32, #tpu.memory_space<vmem>>) dst(%dma_wait3A_172 : memref<96xf32, #tpu.memory_space<hbm>>)
        tpu.yield
      }) : () -> ()
    } else {
    }
    %not3A = arith.constant true
    %not3A_146 = arith.xori %or3A, %not3A : i1
    %convert_element_type3A_147 = arith.extui %not3A_146 : i1 to i32
    %cond3A_148 = arith.constant 0 : i32
    %cond3A_149 = arith.cmpi ne, %convert_element_type3A_147, %cond3A_148 : i32
    scf.if %cond3A_149 {
      "tpu.region"() ({
        %run_scoped3A = tpu.sem_alloc : memref<!tpu.dma_semaphore, #tpu.memory_space<semaphore_mem>>
        %dma_start3A = arith.constant 0 : i32
        %dma_start3A_156 = tpu.memref_slice %arg4[%arg0, %get3A_101, %dma_start3A] : memref<2x1024x96xf32, #tpu.memory_space<hbm>> -> memref<1x1x96xf32, #tpu.memory_space<hbm>>
        %dma_start3A_157 = tpu.memref_squeeze %dma_start3A_156 : memref<1x1x96xf32, #tpu.memory_space<hbm>> -> memref<96xf32, #tpu.memory_space<hbm>>
        %dma_start3A_158 = arith.constant 0 : i32
        %dma_start3A_159 = tpu.memref_slice %arg4[%arg0, %get3A_101, %dma_start3A_158] : memref<2x1024x96xf32, #tpu.memory_space<hbm>> -> memref<1x1x96xf32, #tpu.memory_space<hbm>>
        %dma_start3A_160 = tpu.memref_squeeze %dma_start3A_159 : memref<1x1x96xf32, #tpu.memory_space<hbm>> -> memref<96xf32, #tpu.memory_space<hbm>>
        tpu.enqueue_dma source(%arg8 : memref<96xf32, #tpu.memory_space<vmem>>) target(%dma_start3A_160 : memref<96xf32, #tpu.memory_space<hbm>>) target_semaphore(%run_scoped3A : memref<!tpu.dma_semaphore, #tpu.memory_space<semaphore_mem>>)
        %dma_wait3A = arith.constant 0 : i32
        %dma_wait3A_161 = tpu.memref_slice %arg4[%arg0, %get3A_101, %dma_wait3A] : memref<2x1024x96xf32, #tpu.memory_space<hbm>> -> memref<1x1x96xf32, #tpu.memory_space<hbm>>
        %dma_wait3A_162 = tpu.memref_squeeze %dma_wait3A_161 : memref<1x1x96xf32, #tpu.memory_space<hbm>> -> memref<96xf32, #tpu.memory_space<hbm>>
        %dma_wait3A_163 = arith.constant 0 : i32
        %dma_wait3A_164 = tpu.memref_slice %arg4[%arg0, %get3A_101, %dma_wait3A_163] : memref<2x1024x96xf32, #tpu.memory_space<hbm>> -> memref<1x1x96xf32, #tpu.memory_space<hbm>>
        %dma_wait3A_165 = tpu.memref_squeeze %dma_wait3A_164 : memref<1x1x96xf32, #tpu.memory_space<hbm>> -> memref<96xf32, #tpu.memory_space<hbm>>
        tpu.wait_dma2 semaphore(%run_scoped3A : memref<!tpu.dma_semaphore, #tpu.memory_space<semaphore_mem>>) src(%arg8 : memref<96xf32, #tpu.memory_space<vmem>>) dst(%dma_wait3A_165 : memref<96xf32, #tpu.memory_space<hbm>>)
        tpu.yield
      }) : () -> ()
    } else {
    }
    %barrier3A_150 = arith.constant 0 : index
    tpu.barrier barrier_id(%barrier3A_150)
    %eq3A_151 = arith.constant 0 : i32
    %eq3A_152 = arith.cmpi eq, %arg1, %eq3A_151 : i32
    %convert_element_type3A_153 = arith.extui %eq3A_152 : i1 to i32
    %cond3A_154 = arith.constant 0 : i32
    %cond3A_155 = arith.cmpi ne, %convert_element_type3A_153, %cond3A_154 : i32
    scf.if %cond3A_155 {
      "tpu.region"() ({
        %run_scoped3A = tpu.sem_alloc : memref<!tpu.dma_semaphore, #tpu.memory_space<semaphore_mem>>
        %dma_start3A = arith.constant 0 : i32
        %dma_start3A_219 = arith.constant 0 : i32
        %dma_start3A_220 = tpu.memref_slice %arg5[%arg0, %dma_start3A, %dma_start3A_219] : memref<2x32x96xf32, #tpu.memory_space<hbm>> -> memref<1x32x96xf32, #tpu.memory_space<hbm>>
        %dma_start3A_221 = tpu.memref_squeeze %dma_start3A_220 : memref<1x32x96xf32, #tpu.memory_space<hbm>> -> memref<32x96xf32, #tpu.memory_space<hbm>>
        %dma_start3A_222 = arith.constant 0 : i32
        %dma_start3A_223 = arith.constant 0 : i32
        %dma_start3A_224 = tpu.memref_slice %arg5[%arg0, %dma_start3A_222, %dma_start3A_223] : memref<2x32x96xf32, #tpu.memory_space<hbm>> -> memref<1x32x96xf32, #tpu.memory_space<hbm>>
        %dma_start3A_225 = tpu.memref_squeeze %dma_start3A_224 : memref<1x32x96xf32, #tpu.memory_space<hbm>> -> memref<32x96xf32, #tpu.memory_space<hbm>>
        tpu.enqueue_dma source(%dma_start3A_225 : memref<32x96xf32, #tpu.memory_space<hbm>>) target(%arg9 : memref<32x96xf32, #tpu.memory_space<vmem>>) target_semaphore(%run_scoped3A : memref<!tpu.dma_semaphore, #tpu.memory_space<semaphore_mem>>)
        %dma_wait3A = arith.constant 0 : i32
        %dma_wait3A_226 = arith.constant 0 : i32
        %dma_wait3A_227 = tpu.memref_slice %arg5[%arg0, %dma_wait3A, %dma_wait3A_226] : memref<2x32x96xf32, #tpu.memory_space<hbm>> -> memref<1x32x96xf32, #tpu.memory_space<hbm>>
        %dma_wait3A_228 = tpu.memref_squeeze %dma_wait3A_227 : memref<1x32x96xf32, #tpu.memory_space<hbm>> -> memref<32x96xf32, #tpu.memory_space<hbm>>
        %dma_wait3A_229 = arith.constant 0 : i32
        %dma_wait3A_230 = arith.constant 0 : i32
        %dma_wait3A_231 = tpu.memref_slice %arg5[%arg0, %dma_wait3A_229, %dma_wait3A_230] : memref<2x32x96xf32, #tpu.memory_space<hbm>> -> memref<1x32x96xf32, #tpu.memory_space<hbm>>
        %dma_wait3A_232 = tpu.memref_squeeze %dma_wait3A_231 : memref<1x32x96xf32, #tpu.memory_space<hbm>> -> memref<32x96xf32, #tpu.memory_space<hbm>>
        tpu.wait_dma2 semaphore(%run_scoped3A : memref<!tpu.dma_semaphore, #tpu.memory_space<semaphore_mem>>) src(%dma_wait3A_232 : memref<32x96xf32, #tpu.memory_space<hbm>>) dst(%arg9 : memref<32x96xf32, #tpu.memory_space<vmem>>)
        tpu.yield
      }) : () -> ()
      %broadcast_in_dim3A_156 = arith.constant 0.000000e+00 : f32
      %broadcast_in_dim3A_157 = vector.broadcast %broadcast_in_dim3A_156 : f32 to vector<16xf32>
      %broadcast_in_dim3A_158 = arith.constant 0.000000e+00 : f32
      %broadcast_in_dim3A_159 = vector.broadcast %broadcast_in_dim3A_158 : f32 to vector<16xf32>
      %broadcast_in_dim3A_160 = arith.constant 0xFF800000 : f32
      %broadcast_in_dim3A_161 = vector.broadcast %broadcast_in_dim3A_160 : f32 to vector<16xf32>
      %broadcast_in_dim3A_162 = arith.constant 0x7F800000 : f32
      %broadcast_in_dim3A_163 = vector.broadcast %broadcast_in_dim3A_162 : f32 to vector<16xf32>
      %broadcast_in_dim3A_164 = arith.constant 0.000000e+00 : f32
      %broadcast_in_dim3A_165 = vector.broadcast %broadcast_in_dim3A_164 : f32 to vector<16xf32>
      %swap3A_166 = arith.constant -1.000000e+00 : f32
      %swap3A_167 = arith.constant 0 : i32
      %swap3A_168 = arith.index_cast %swap3A_167 : i32 to index
      %swap3A_169 = memref.load %arg15[%swap3A_168] : memref<1xf32, #tpu.memory_space<smem>>
      memref.store %swap3A_166, %arg15[%swap3A_168] : memref<1xf32, #tpu.memory_space<smem>>
      %swap3A_170 = arith.constant 0 : index
      %swap3A_171 = tpu.vector_load %arg13[%swap3A_170] {strides = array<i32>} : memref<80xf32, #tpu.memory_space<vmem>>, vector<16xf32>,
      %swap3A_172 = vector.shape_cast %swap3A_171 : vector<16xf32> to vector<16xf32>
      %swap3A_173 = vector.shape_cast %broadcast_in_dim3A_157 : vector<16xf32> to vector<16xf32>
      tpu.vector_store %arg13[%swap3A_170], %swap3A_173 {strides = array<i32>} : memref<80xf32, #tpu.memory_space<vmem>>, vector<16xf32>,
      %swap3A_174 = arith.constant 16 : index
      %swap3A_175 = tpu.vector_load %arg13[%swap3A_174] {strides = array<i32>} : memref<80xf32, #tpu.memory_space<vmem>>, vector<16xf32>,
      %swap3A_176 = vector.shape_cast %swap3A_175 : vector<16xf32> to vector<16xf32>
      %swap3A_177 = vector.shape_cast %broadcast_in_dim3A_159 : vector<16xf32> to vector<16xf32>
      tpu.vector_store %arg13[%swap3A_174], %swap3A_177 {strides = array<i32>} : memref<80xf32, #tpu.memory_space<vmem>>, vector<16xf32>,
      %swap3A_178 = arith.constant 32 : index
      %swap3A_179 = tpu.vector_load %arg13[%swap3A_178] {strides = array<i32>} : memref<80xf32, #tpu.memory_space<vmem>>, vector<16xf32>,
      %swap3A_180 = vector.shape_cast %swap3A_179 : vector<16xf32> to vector<16xf32>
      %swap3A_181 = vector.shape_cast %broadcast_in_dim3A_161 : vector<16xf32> to vector<16xf32>
      tpu.vector_store %arg13[%swap3A_178], %swap3A_181 {strides = array<i32>} : memref<80xf32, #tpu.memory_space<vmem>>, vector<16xf32>,
      %swap3A_182 = arith.constant 48 : index
      %swap3A_183 = tpu.vector_load %arg13[%swap3A_182] {strides = array<i32>} : memref<80xf32, #tpu.memory_space<vmem>>, vector<16xf32>,
      %swap3A_184 = vector.shape_cast %swap3A_183 : vector<16xf32> to vector<16xf32>
      %swap3A_185 = vector.shape_cast %broadcast_in_dim3A_163 : vector<16xf32> to vector<16xf32>
      tpu.vector_store %arg13[%swap3A_182], %swap3A_185 {strides = array<i32>} : memref<80xf32, #tpu.memory_space<vmem>>, vector<16xf32>,
      %swap3A_186 = arith.constant 64 : index
      %swap3A_187 = tpu.vector_load %arg13[%swap3A_186] {strides = array<i32>} : memref<80xf32, #tpu.memory_space<vmem>>, vector<16xf32>,
      %swap3A_188 = vector.shape_cast %swap3A_187 : vector<16xf32> to vector<16xf32>
      %swap3A_189 = vector.shape_cast %broadcast_in_dim3A_165 : vector<16xf32> to vector<16xf32>
      tpu.vector_store %arg13[%swap3A_186], %swap3A_189 {strides = array<i32>} : memref<80xf32, #tpu.memory_space<vmem>>, vector<16xf32>,
      %scan3A_190 = arith.constant 0 : i32
      %scan3A_191 = arith.constant 0 : i32
      %scan3A_192 = arith.constant 32 : i32
      %scan3A_193 = arith.addi %scan3A_191, %scan3A_192 : i32
      %scan3A_194 = arith.constant 1 : i32
      %scan3A_195 = scf.for %scan3A_219 = %scan3A_191 to %scan3A_193 step %scan3A_194 iter_args(%scan3A_220 = %scan3A_190) -> (i32)  : i32 {
        %get3A_221 = arith.constant 0 : i32
        %get3A_222 = arith.index_cast %get3A_221 : i32 to index
        %get3A_223 = memref.load %arg15[%get3A_222] : memref<1xf32, #tpu.memory_space<smem>>
        %get3A_224 = arith.constant 0 : index
        %get3A_225 = tpu.vector_load %arg13[%get3A_224] {strides = array<i32>} : memref<80xf32, #tpu.memory_space<vmem>>, vector<16xf32>,
        %get3A_226 = vector.shape_cast %get3A_225 : vector<16xf32> to vector<16xf32>
        %get3A_227 = arith.constant 16 : index
        %get3A_228 = tpu.vector_load %arg13[%get3A_227] {strides = array<i32>} : memref<80xf32, #tpu.memory_space<vmem>>, vector<16xf32>,
        %get3A_229 = vector.shape_cast %get3A_228 : vector<16xf32> to vector<16xf32>
        %get3A_230 = arith.constant 32 : index
        %get3A_231 = tpu.vector_load %arg13[%get3A_230] {strides = array<i32>} : memref<80xf32, #tpu.memory_space<vmem>>, vector<16xf32>,
        %get3A_232 = vector.shape_cast %get3A_231 : vector<16xf32> to vector<16xf32>
        %get3A_233 = arith.constant 48 : index
        %get3A_234 = tpu.vector_load %arg13[%get3A_233] {strides = array<i32>} : memref<80xf32, #tpu.memory_space<vmem>>, vector<16xf32>,
        %get3A_235 = vector.shape_cast %get3A_234 : vector<16xf32> to vector<16xf32>
        %get3A_236 = arith.constant 64 : index
        %get3A_237 = tpu.vector_load %arg13[%get3A_236] {strides = array<i32>} : memref<80xf32, #tpu.memory_space<vmem>>, vector<16xf32>,
        %get3A_238 = vector.shape_cast %get3A_237 : vector<16xf32> to vector<16xf32>
        %get3A_239 = arith.index_cast %scan3A_219 : i32 to index
        %get3A_240 = arith.constant 80 : index
        %get3A_241 = tpu.vector_load %arg9[%get3A_239, %get3A_240] {strides = array<i32>} : memref<32x96xf32, #tpu.memory_space<vmem>>, vector<1x16xf32>,
        %get3A_242 = vector.shape_cast %get3A_241 : vector<1x16xf32> to vector<16xf32>
        %slice3A_243 = vector.extract_strided_slice %get3A_242 {offsets = [0], sizes = [1], strides = [1]} : vector<16xf32> to vector<1xf32>
        %squeeze3A_244 = vector.extract %slice3A_243[0] : f32 from vector<1xf32>
        %ge3A_245 = arith.constant 0.000000e+00 : f32
        %ge3A_246 = arith.cmpf oge, %squeeze3A_244, %ge3A_245 : f32
        %ne3A = arith.cmpf one, %squeeze3A_244, %get3A_223 : f32
        %and3A = arith.andi %ge3A_246, %ne3A : i1
        %ge3A_247 = arith.constant 0.000000e+00 : f32
        %ge3A_248 = arith.cmpf oge, %get3A_223, %ge3A_247 : f32
        %and3A_249 = arith.andi %and3A, %ge3A_248 : i1
        %convert_element_type3A_250 = arith.extui %and3A_249 : i1 to i32
        %cond3A_251 = arith.constant 0 : i32
        %cond3A_252 = arith.cmpi ne, %convert_element_type3A_250, %cond3A_251 : i32
        scf.if %cond3A_252 {
          %swap3A_320 = arith.constant 0 : index
          %swap3A_321 = tpu.vector_load %arg8[%swap3A_320] {strides = array<i32>} : memref<96xf32, #tpu.memory_space<vmem>>, vector<16xf32>,
          %swap3A_322 = vector.shape_cast %swap3A_321 : vector<16xf32> to vector<16xf32>
          %swap3A_323 = vector.shape_cast %get3A_226 : vector<16xf32> to vector<16xf32>
          tpu.vector_store %arg8[%swap3A_320], %swap3A_323 {strides = array<i32>} : memref<96xf32, #tpu.memory_space<vmem>>, vector<16xf32>,
          %swap3A_324 = arith.constant 16 : index
          %swap3A_325 = tpu.vector_load %arg8[%swap3A_324] {strides = array<i32>} : memref<96xf32, #tpu.memory_space<vmem>>, vector<16xf32>,
          %swap3A_326 = vector.shape_cast %swap3A_325 : vector<16xf32> to vector<16xf32>
          %swap3A_327 = vector.shape_cast %get3A_229 : vector<16xf32> to vector<16xf32>
          tpu.vector_store %arg8[%swap3A_324], %swap3A_327 {strides = array<i32>} : memref<96xf32, #tpu.memory_space<vmem>>, vector<16xf32>,
          %swap3A_328 = arith.constant 32 : index
          %swap3A_329 = tpu.vector_load %arg8[%swap3A_328] {strides = array<i32>} : memref<96xf32, #tpu.memory_space<vmem>>, vector<16xf32>,
          %swap3A_330 = vector.shape_cast %swap3A_329 : vector<16xf32> to vector<16xf32>
          %swap3A_331 = vector.shape_cast %get3A_232 : vector<16xf32> to vector<16xf32>
          tpu.vector_store %arg8[%swap3A_328], %swap3A_331 {strides = array<i32>} : memref<96xf32, #tpu.memory_space<vmem>>, vector<16xf32>,
          %swap3A_332 = arith.constant 48 : index
          %swap3A_333 = tpu.vector_load %arg8[%swap3A_332] {strides = array<i32>} : memref<96xf32, #tpu.memory_space<vmem>>, vector<16xf32>,
          %swap3A_334 = vector.shape_cast %swap3A_333 : vector<16xf32> to vector<16xf32>
          %swap3A_335 = vector.shape_cast %get3A_235 : vector<16xf32> to vector<16xf32>
          tpu.vector_store %arg8[%swap3A_332], %swap3A_335 {strides = array<i32>} : memref<96xf32, #tpu.memory_space<vmem>>, vector<16xf32>,
          %swap3A_336 = arith.constant 64 : index
          %swap3A_337 = tpu.vector_load %arg8[%swap3A_336] {strides = array<i32>} : memref<96xf32, #tpu.memory_space<vmem>>, vector<16xf32>,
          %swap3A_338 = vector.shape_cast %swap3A_337 : vector<16xf32> to vector<16xf32>
          %swap3A_339 = vector.shape_cast %get3A_238 : vector<16xf32> to vector<16xf32>
          tpu.vector_store %arg8[%swap3A_336], %swap3A_339 {strides = array<i32>} : memref<96xf32, #tpu.memory_space<vmem>>, vector<16xf32>,
          %broadcast_in_dim3A_340 = vector.broadcast %get3A_223 : f32 to vector<16xf32>
          %swap3A_341 = arith.constant 80 : index
          %swap3A_342 = tpu.vector_load %arg8[%swap3A_341] {strides = array<i32>} : memref<96xf32, #tpu.memory_space<vmem>>, vector<16xf32>,
          %swap3A_343 = vector.shape_cast %swap3A_342 : vector<16xf32> to vector<16xf32>
          %swap3A_344 = vector.shape_cast %broadcast_in_dim3A_340 : vector<16xf32> to vector<16xf32>
          tpu.vector_store %arg8[%swap3A_341], %swap3A_344 {strides = array<i32>} : memref<96xf32, #tpu.memory_space<vmem>>, vector<16xf32>,
          %convert_element_type3A_345 = arith.fptosi %get3A_223 : f32 to i32
          "tpu.region"() ({
            %run_scoped3A = tpu.sem_alloc : memref<!tpu.dma_semaphore, #tpu.memory_space<semaphore_mem>>
            %dma_start3A = arith.constant 0 : i32
            %dma_start3A_346 = tpu.memref_slice %arg4[%arg0, %convert_element_type3A_345, %dma_start3A] : memref<2x1024x96xf32, #tpu.memory_space<hbm>> -> memref<1x1x96xf32, #tpu.memory_space<hbm>>
            %dma_start3A_347 = tpu.memref_squeeze %dma_start3A_346 : memref<1x1x96xf32, #tpu.memory_space<hbm>> -> memref<96xf32, #tpu.memory_space<hbm>>
            %dma_start3A_348 = arith.constant 0 : i32
            %dma_start3A_349 = tpu.memref_slice %arg4[%arg0, %convert_element_type3A_345, %dma_start3A_348] : memref<2x1024x96xf32, #tpu.memory_space<hbm>> -> memref<1x1x96xf32, #tpu.memory_space<hbm>>
            %dma_start3A_350 = tpu.memref_squeeze %dma_start3A_349 : memref<1x1x96xf32, #tpu.memory_space<hbm>> -> memref<96xf32, #tpu.memory_space<hbm>>
            tpu.enqueue_dma source(%arg8 : memref<96xf32, #tpu.memory_space<vmem>>) target(%dma_start3A_350 : memref<96xf32, #tpu.memory_space<hbm>>) target_semaphore(%run_scoped3A : memref<!tpu.dma_semaphore, #tpu.memory_space<semaphore_mem>>)
            %dma_wait3A = arith.constant 0 : i32
            %dma_wait3A_351 = tpu.memref_slice %arg4[%arg0, %convert_element_type3A_345, %dma_wait3A] : memref<2x1024x96xf32, #tpu.memory_space<hbm>> -> memref<1x1x96xf32, #tpu.memory_space<hbm>>
            %dma_wait3A_352 = tpu.memref_squeeze %dma_wait3A_351 : memref<1x1x96xf32, #tpu.memory_space<hbm>> -> memref<96xf32, #tpu.memory_space<hbm>>
            %dma_wait3A_353 = arith.constant 0 : i32
            %dma_wait3A_354 = tpu.memref_slice %arg4[%arg0, %convert_element_type3A_345, %dma_wait3A_353] : memref<2x1024x96xf32, #tpu.memory_space<hbm>> -> memref<1x1x96xf32, #tpu.memory_space<hbm>>
            %dma_wait3A_355 = tpu.memref_squeeze %dma_wait3A_354 : memref<1x1x96xf32, #tpu.memory_space<hbm>> -> memref<96xf32, #tpu.memory_space<hbm>>
            tpu.wait_dma2 semaphore(%run_scoped3A : memref<!tpu.dma_semaphore, #tpu.memory_space<semaphore_mem>>) src(%arg8 : memref<96xf32, #tpu.memory_space<vmem>>) dst(%dma_wait3A_355 : memref<96xf32, #tpu.memory_space<hbm>>)
            tpu.yield
          }) : () -> ()
        } else {
        }
        %broadcast_in_dim3A_253 = arith.constant 0.000000e+00 : f32
        %broadcast_in_dim3A_254 = vector.broadcast %broadcast_in_dim3A_253 : f32 to vector<16xf32>
        %select_n3A = arith.select %and3A, %broadcast_in_dim3A_254, %get3A_226 : vector<16xf32>
        %broadcast_in_dim3A_255 = arith.constant 0.000000e+00 : f32
        %broadcast_in_dim3A_256 = vector.broadcast %broadcast_in_dim3A_255 : f32 to vector<16xf32>
        %select_n3A_257 = arith.select %and3A, %broadcast_in_dim3A_256, %get3A_229 : vector<16xf32>
        %broadcast_in_dim3A_258 = arith.constant 0xFF800000 : f32
        %broadcast_in_dim3A_259 = vector.broadcast %broadcast_in_dim3A_258 : f32 to vector<16xf32>
        %select_n3A_260 = arith.select %and3A, %broadcast_in_dim3A_259, %get3A_232 : vector<16xf32>
        %broadcast_in_dim3A_261 = arith.constant 0x7F800000 : f32
        %broadcast_in_dim3A_262 = vector.broadcast %broadcast_in_dim3A_261 : f32 to vector<16xf32>
        %select_n3A_263 = arith.select %and3A, %broadcast_in_dim3A_262, %get3A_235 : vector<16xf32>
        %broadcast_in_dim3A_264 = arith.constant 0.000000e+00 : f32
        %broadcast_in_dim3A_265 = vector.broadcast %broadcast_in_dim3A_264 : f32 to vector<16xf32>
        %select_n3A_266 = arith.select %and3A, %broadcast_in_dim3A_265, %get3A_238 : vector<16xf32>
        %select_n3A_267 = arith.select %and3A, %squeeze3A_244, %get3A_223 : f32
        %get3A_268 = arith.index_cast %scan3A_219 : i32 to index
        %get3A_269 = arith.constant 0 : index
        %get3A_270 = tpu.vector_load %arg9[%get3A_268, %get3A_269] {strides = array<i32>} : memref<32x96xf32, #tpu.memory_space<vmem>>, vector<1x16xf32>,
        %get3A_271 = vector.shape_cast %get3A_270 : vector<1x16xf32> to vector<16xf32>
        %get3A_272 = arith.index_cast %scan3A_219 : i32 to index
        %get3A_273 = arith.constant 16 : index
        %get3A_274 = tpu.vector_load %arg9[%get3A_272, %get3A_273] {strides = array<i32>} : memref<32x96xf32, #tpu.memory_space<vmem>>, vector<1x16xf32>,
        %get3A_275 = vector.shape_cast %get3A_274 : vector<1x16xf32> to vector<16xf32>
        %get3A_276 = arith.index_cast %scan3A_219 : i32 to index
        %get3A_277 = arith.constant 32 : index
        %get3A_278 = tpu.vector_load %arg9[%get3A_276, %get3A_277] {strides = array<i32>} : memref<32x96xf32, #tpu.memory_space<vmem>>, vector<1x16xf32>,
        %get3A_279 = vector.shape_cast %get3A_278 : vector<1x16xf32> to vector<16xf32>
        %get3A_280 = arith.index_cast %scan3A_219 : i32 to index
        %get3A_281 = arith.constant 48 : index
        %get3A_282 = tpu.vector_load %arg9[%get3A_280, %get3A_281] {strides = array<i32>} : memref<32x96xf32, #tpu.memory_space<vmem>>, vector<1x16xf32>,
        %get3A_283 = vector.shape_cast %get3A_282 : vector<1x16xf32> to vector<16xf32>
        %get3A_284 = arith.index_cast %scan3A_219 : i32 to index
        %get3A_285 = arith.constant 64 : index
        %get3A_286 = tpu.vector_load %arg9[%get3A_284, %get3A_285] {strides = array<i32>} : memref<32x96xf32, #tpu.memory_space<vmem>>, vector<1x16xf32>,
        %get3A_287 = vector.shape_cast %get3A_286 : vector<1x16xf32> to vector<16xf32>
        %add3A_288 = arith.addf %select_n3A, %get3A_271 : vector<16xf32>
        %select_n3A_289 = arith.select %ge3A_246, %add3A_288, %select_n3A : vector<16xf32>
        %add3A_290 = arith.addf %select_n3A_257, %get3A_275 : vector<16xf32>
        %select_n3A_291 = arith.select %ge3A_246, %add3A_290, %select_n3A_257 : vector<16xf32>
        %max3A = arith.maximumf %select_n3A_260, %get3A_279 : vector<16xf32>
        %select_n3A_292 = arith.select %ge3A_246, %max3A, %select_n3A_260 : vector<16xf32>
        %min3A = arith.minimumf %select_n3A_263, %get3A_283 : vector<16xf32>
        %select_n3A_293 = arith.select %ge3A_246, %min3A, %select_n3A_263 : vector<16xf32>
        %add3A_294 = arith.addf %select_n3A_266, %get3A_287 : vector<16xf32>
        %select_n3A_295 = arith.select %ge3A_246, %add3A_294, %select_n3A_266 : vector<16xf32>
        %swap3A_296 = arith.constant 0 : i32
        %swap3A_297 = arith.index_cast %swap3A_296 : i32 to index
        %swap3A_298 = memref.load %arg15[%swap3A_297] : memref<1xf32, #tpu.memory_space<smem>>
        memref.store %select_n3A_267, %arg15[%swap3A_297] : memref<1xf32, #tpu.memory_space<smem>>
        %swap3A_299 = arith.constant 0 : index
        %swap3A_300 = tpu.vector_load %arg13[%swap3A_299] {strides = array<i32>} : memref<80xf32, #tpu.memory_space<vmem>>, vector<16xf32>,
        %swap3A_301 = vector.shape_cast %swap3A_300 : vector<16xf32> to vector<16xf32>
        %swap3A_302 = vector.shape_cast %select_n3A_289 : vector<16xf32> to vector<16xf32>
        tpu.vector_store %arg13[%swap3A_299], %swap3A_302 {strides = array<i32>} : memref<80xf32, #tpu.memory_space<vmem>>, vector<16xf32>,
        %swap3A_303 = arith.constant 16 : index
        %swap3A_304 = tpu.vector_load %arg13[%swap3A_303] {strides = array<i32>} : memref<80xf32, #tpu.memory_space<vmem>>, vector<16xf32>,
        %swap3A_305 = vector.shape_cast %swap3A_304 : vector<16xf32> to vector<16xf32>
        %swap3A_306 = vector.shape_cast %select_n3A_291 : vector<16xf32> to vector<16xf32>
        tpu.vector_store %arg13[%swap3A_303], %swap3A_306 {strides = array<i32>} : memref<80xf32, #tpu.memory_space<vmem>>, vector<16xf32>,
        %swap3A_307 = arith.constant 32 : index
        %swap3A_308 = tpu.vector_load %arg13[%swap3A_307] {strides = array<i32>} : memref<80xf32, #tpu.memory_space<vmem>>, vector<16xf32>,
        %swap3A_309 = vector.shape_cast %swap3A_308 : vector<16xf32> to vector<16xf32>
        %swap3A_310 = vector.shape_cast %select_n3A_292 : vector<16xf32> to vector<16xf32>
        tpu.vector_store %arg13[%swap3A_307], %swap3A_310 {strides = array<i32>} : memref<80xf32, #tpu.memory_space<vmem>>, vector<16xf32>,
        %swap3A_311 = arith.constant 48 : index
        %swap3A_312 = tpu.vector_load %arg13[%swap3A_311] {strides = array<i32>} : memref<80xf32, #tpu.memory_space<vmem>>, vector<16xf32>,
        %swap3A_313 = vector.shape_cast %swap3A_312 : vector<16xf32> to vector<16xf32>
        %swap3A_314 = vector.shape_cast %select_n3A_293 : vector<16xf32> to vector<16xf32>
        tpu.vector_store %arg13[%swap3A_311], %swap3A_314 {strides = array<i32>} : memref<80xf32, #tpu.memory_space<vmem>>, vector<16xf32>,
        %swap3A_315 = arith.constant 64 : index
        %swap3A_316 = tpu.vector_load %arg13[%swap3A_315] {strides = array<i32>} : memref<80xf32, #tpu.memory_space<vmem>>, vector<16xf32>,
        %swap3A_317 = vector.shape_cast %swap3A_316 : vector<16xf32> to vector<16xf32>
        %swap3A_318 = vector.shape_cast %select_n3A_295 : vector<16xf32> to vector<16xf32>
        tpu.vector_store %arg13[%swap3A_315], %swap3A_318 {strides = array<i32>} : memref<80xf32, #tpu.memory_space<vmem>>, vector<16xf32>,
        %scan3A_319 = arith.constant 0 : i32
        scf.yield %scan3A_319 : i32
      }
      %scan3A_196 = arith.constant 32 : i32
      %get3A_197 = arith.constant 0 : i32
      %get3A_198 = arith.index_cast %get3A_197 : i32 to index
      %get3A_199 = memref.load %arg15[%get3A_198] : memref<1xf32, #tpu.memory_space<smem>>
      %get3A_200 = arith.constant 0 : index
      %get3A_201 = tpu.vector_load %arg13[%get3A_200] {strides = array<i32>} : memref<80xf32, #tpu.memory_space<vmem>>, vector<16xf32>,
      %get3A_202 = vector.shape_cast %get3A_201 : vector<16xf32> to vector<16xf32>
      %get3A_203 = arith.constant 16 : index
      %get3A_204 = tpu.vector_load %arg13[%get3A_203] {strides = array<i32>} : memref<80xf32, #tpu.memory_space<vmem>>, vector<16xf32>,
      %get3A_205 = vector.shape_cast %get3A_204 : vector<16xf32> to vector<16xf32>
      %get3A_206 = arith.constant 32 : index
      %get3A_207 = tpu.vector_load %arg13[%get3A_206] {strides = array<i32>} : memref<80xf32, #tpu.memory_space<vmem>>, vector<16xf32>,
      %get3A_208 = vector.shape_cast %get3A_207 : vector<16xf32> to vector<16xf32>
      %get3A_209 = arith.constant 48 : index
      %get3A_210 = tpu.vector_load %arg13[%get3A_209] {strides = array<i32>} : memref<80xf32, #tpu.memory_space<vmem>>, vector<16xf32>,
      %get3A_211 = vector.shape_cast %get3A_210 : vector<16xf32> to vector<16xf32>
      %get3A_212 = arith.constant 64 : index
      %get3A_213 = tpu.vector_load %arg13[%get3A_212] {strides = array<i32>} : memref<80xf32, #tpu.memory_space<vmem>>, vector<16xf32>,
      %get3A_214 = vector.shape_cast %get3A_213 : vector<16xf32> to vector<16xf32>
      %ge3A = arith.constant 0.000000e+00 : f32
      %ge3A_215 = arith.cmpf oge, %get3A_199, %ge3A : f32
      %convert_element_type3A_216 = arith.extui %ge3A_215 : i1 to i32
      %cond3A_217 = arith.constant 0 : i32
      %cond3A_218 = arith.cmpi ne, %convert_element_type3A_216, %cond3A_217 : i32
      scf.if %cond3A_218 {
        %swap3A_219 = arith.constant 0 : index
        %swap3A_220 = tpu.vector_load %arg8[%swap3A_219] {strides = array<i32>} : memref<96xf32, #tpu.memory_space<vmem>>, vector<16xf32>,
        %swap3A_221 = vector.shape_cast %swap3A_220 : vector<16xf32> to vector<16xf32>
        %swap3A_222 = vector.shape_cast %get3A_202 : vector<16xf32> to vector<16xf32>
        tpu.vector_store %arg8[%swap3A_219], %swap3A_222 {strides = array<i32>} : memref<96xf32, #tpu.memory_space<vmem>>, vector<16xf32>,
        %swap3A_223 = arith.constant 16 : index
        %swap3A_224 = tpu.vector_load %arg8[%swap3A_223] {strides = array<i32>} : memref<96xf32, #tpu.memory_space<vmem>>, vector<16xf32>,
        %swap3A_225 = vector.shape_cast %swap3A_224 : vector<16xf32> to vector<16xf32>
        %swap3A_226 = vector.shape_cast %get3A_205 : vector<16xf32> to vector<16xf32>
        tpu.vector_store %arg8[%swap3A_223], %swap3A_226 {strides = array<i32>} : memref<96xf32, #tpu.memory_space<vmem>>, vector<16xf32>,
        %swap3A_227 = arith.constant 32 : index
        %swap3A_228 = tpu.vector_load %arg8[%swap3A_227] {strides = array<i32>} : memref<96xf32, #tpu.memory_space<vmem>>, vector<16xf32>,
        %swap3A_229 = vector.shape_cast %swap3A_228 : vector<16xf32> to vector<16xf32>
        %swap3A_230 = vector.shape_cast %get3A_208 : vector<16xf32> to vector<16xf32>
        tpu.vector_store %arg8[%swap3A_227], %swap3A_230 {strides = array<i32>} : memref<96xf32, #tpu.memory_space<vmem>>, vector<16xf32>,
        %swap3A_231 = arith.constant 48 : index
        %swap3A_232 = tpu.vector_load %arg8[%swap3A_231] {strides = array<i32>} : memref<96xf32, #tpu.memory_space<vmem>>, vector<16xf32>,
        %swap3A_233 = vector.shape_cast %swap3A_232 : vector<16xf32> to vector<16xf32>
        %swap3A_234 = vector.shape_cast %get3A_211 : vector<16xf32> to vector<16xf32>
        tpu.vector_store %arg8[%swap3A_231], %swap3A_234 {strides = array<i32>} : memref<96xf32, #tpu.memory_space<vmem>>, vector<16xf32>,
        %swap3A_235 = arith.constant 64 : index
        %swap3A_236 = tpu.vector_load %arg8[%swap3A_235] {strides = array<i32>} : memref<96xf32, #tpu.memory_space<vmem>>, vector<16xf32>,
        %swap3A_237 = vector.shape_cast %swap3A_236 : vector<16xf32> to vector<16xf32>
        %swap3A_238 = vector.shape_cast %get3A_214 : vector<16xf32> to vector<16xf32>
        tpu.vector_store %arg8[%swap3A_235], %swap3A_238 {strides = array<i32>} : memref<96xf32, #tpu.memory_space<vmem>>, vector<16xf32>,
        %broadcast_in_dim3A_239 = vector.broadcast %get3A_199 : f32 to vector<16xf32>
        %swap3A_240 = arith.constant 80 : index
        %swap3A_241 = tpu.vector_load %arg8[%swap3A_240] {strides = array<i32>} : memref<96xf32, #tpu.memory_space<vmem>>, vector<16xf32>,
        %swap3A_242 = vector.shape_cast %swap3A_241 : vector<16xf32> to vector<16xf32>
        %swap3A_243 = vector.shape_cast %broadcast_in_dim3A_239 : vector<16xf32> to vector<16xf32>
        tpu.vector_store %arg8[%swap3A_240], %swap3A_243 {strides = array<i32>} : memref<96xf32, #tpu.memory_space<vmem>>, vector<16xf32>,
        %convert_element_type3A_244 = arith.fptosi %get3A_199 : f32 to i32
        "tpu.region"() ({
          %run_scoped3A = tpu.sem_alloc : memref<!tpu.dma_semaphore, #tpu.memory_space<semaphore_mem>>
          %dma_start3A = arith.constant 0 : i32
          %dma_start3A_245 = tpu.memref_slice %arg4[%arg0, %convert_element_type3A_244, %dma_start3A] : memref<2x1024x96xf32, #tpu.memory_space<hbm>> -> memref<1x1x96xf32, #tpu.memory_space<hbm>>
          %dma_start3A_246 = tpu.memref_squeeze %dma_start3A_245 : memref<1x1x96xf32, #tpu.memory_space<hbm>> -> memref<96xf32, #tpu.memory_space<hbm>>
          %dma_start3A_247 = arith.constant 0 : i32
          %dma_start3A_248 = tpu.memref_slice %arg4[%arg0, %convert_element_type3A_244, %dma_start3A_247] : memref<2x1024x96xf32, #tpu.memory_space<hbm>> -> memref<1x1x96xf32, #tpu.memory_space<hbm>>
          %dma_start3A_249 = tpu.memref_squeeze %dma_start3A_248 : memref<1x1x96xf32, #tpu.memory_space<hbm>> -> memref<96xf32, #tpu.memory_space<hbm>>
          tpu.enqueue_dma source(%arg8 : memref<96xf32, #tpu.memory_space<vmem>>) target(%dma_start3A_249 : memref<96xf32, #tpu.memory_space<hbm>>) target_semaphore(%run_scoped3A : memref<!tpu.dma_semaphore, #tpu.memory_space<semaphore_mem>>)
          %dma_wait3A = arith.constant 0 : i32
          %dma_wait3A_250 = tpu.memref_slice %arg4[%arg0, %convert_element_type3A_244, %dma_wait3A] : memref<2x1024x96xf32, #tpu.memory_space<hbm>> -> memref<1x1x96xf32, #tpu.memory_space<hbm>>
          %dma_wait3A_251 = tpu.memref_squeeze %dma_wait3A_250 : memref<1x1x96xf32, #tpu.memory_space<hbm>> -> memref<96xf32, #tpu.memory_space<hbm>>
          %dma_wait3A_252 = arith.constant 0 : i32
          %dma_wait3A_253 = tpu.memref_slice %arg4[%arg0, %convert_element_type3A_244, %dma_wait3A_252] : memref<2x1024x96xf32, #tpu.memory_space<hbm>> -> memref<1x1x96xf32, #tpu.memory_space<hbm>>
          %dma_wait3A_254 = tpu.memref_squeeze %dma_wait3A_253 : memref<1x1x96xf32, #tpu.memory_space<hbm>> -> memref<96xf32, #tpu.memory_space<hbm>>
          tpu.wait_dma2 semaphore(%run_scoped3A : memref<!tpu.dma_semaphore, #tpu.memory_space<semaphore_mem>>) src(%arg8 : memref<96xf32, #tpu.memory_space<vmem>>) dst(%dma_wait3A_254 : memref<96xf32, #tpu.memory_space<hbm>>)
          tpu.yield
        }) : () -> ()
      } else {
      }
    } else {
    }
    return
  }
}

module attributes {stable_mosaic.version = 14 : i64} {
  func.func @_finalize_kernel(%arg0: memref<2x1024x96xf32, #tpu.memory_space<vmem>>, %arg1: memref<1024x16xf32, #tpu.memory_space<vmem>>, %arg2: memref<1024x8xf32, #tpu.memory_space<vmem>>, %arg3: memref<1024x8xf32, #tpu.memory_space<vmem>>, %arg4: memref<1024x64xf32, #tpu.memory_space<vmem>>) attributes {dimension_semantics = [], scalar_prefetch = 0 : i64, scratch_operands = 0 : i64, tpu.core_type = #tpu.core_type<tc>} {
    %get3A = arith.constant 0 : index
    %get3A_0 = arith.constant 0 : index
    %get3A_1 = arith.constant 0 : index
    %get3A_2 = vector.load %arg0[%get3A, %get3A_0, %get3A_1] : memref<2x1024x96xf32, #tpu.memory_space<vmem>>, vector<1x1024x96xf32>
    %get3A_3 = vector.shape_cast %get3A_2 : vector<1x1024x96xf32> to vector<1024x96xf32>
    %get3A_4 = arith.constant 1 : index
    %get3A_5 = arith.constant 0 : index
    %get3A_6 = arith.constant 0 : index
    %get3A_7 = vector.load %arg0[%get3A_4, %get3A_5, %get3A_6] : memref<2x1024x96xf32, #tpu.memory_space<vmem>>, vector<1x1024x96xf32>
    %get3A_8 = vector.shape_cast %get3A_7 : vector<1x1024x96xf32> to vector<1024x96xf32>
    %slice3A = vector.extract_strided_slice %get3A_3 {offsets = [0, 0], sizes = [1024, 16], strides = [1, 1]} : vector<1024x96xf32> to vector<1024x16xf32>
    %slice3A_9 = vector.extract_strided_slice %get3A_8 {offsets = [0, 0], sizes = [1024, 16], strides = [1, 1]} : vector<1024x96xf32> to vector<1024x16xf32>
    %add3A = arith.addf %slice3A, %slice3A_9 : vector<1024x16xf32>
    %slice3A_10 = vector.extract_strided_slice %add3A {offsets = [0, 0], sizes = [1024, 8], strides = [1, 1]} : vector<1024x16xf32> to vector<1024x8xf32>
    %slice3A_11 = vector.extract_strided_slice %add3A {offsets = [0, 8], sizes = [1024, 8], strides = [1, 1]} : vector<1024x16xf32> to vector<1024x8xf32>
    %add3A_12 = arith.addf %slice3A_10, %slice3A_11 : vector<1024x8xf32>
    %slice3A_13 = vector.extract_strided_slice %get3A_3 {offsets = [0, 16], sizes = [1024, 16], strides = [1, 1]} : vector<1024x96xf32> to vector<1024x16xf32>
    %slice3A_14 = vector.extract_strided_slice %get3A_8 {offsets = [0, 16], sizes = [1024, 16], strides = [1, 1]} : vector<1024x96xf32> to vector<1024x16xf32>
    %add3A_15 = arith.addf %slice3A_13, %slice3A_14 : vector<1024x16xf32>
    %slice3A_16 = vector.extract_strided_slice %add3A_15 {offsets = [0, 0], sizes = [1024, 8], strides = [1, 1]} : vector<1024x16xf32> to vector<1024x8xf32>
    %slice3A_17 = vector.extract_strided_slice %add3A_15 {offsets = [0, 8], sizes = [1024, 8], strides = [1, 1]} : vector<1024x16xf32> to vector<1024x8xf32>
    %add3A_18 = arith.addf %slice3A_16, %slice3A_17 : vector<1024x8xf32>
    %slice3A_19 = vector.extract_strided_slice %get3A_3 {offsets = [0, 32], sizes = [1024, 16], strides = [1, 1]} : vector<1024x96xf32> to vector<1024x16xf32>
    %slice3A_20 = vector.extract_strided_slice %get3A_8 {offsets = [0, 32], sizes = [1024, 16], strides = [1, 1]} : vector<1024x96xf32> to vector<1024x16xf32>
    %max3A = arith.maximumf %slice3A_19, %slice3A_20 : vector<1024x16xf32>
    %slice3A_21 = vector.extract_strided_slice %max3A {offsets = [0, 0], sizes = [1024, 8], strides = [1, 1]} : vector<1024x16xf32> to vector<1024x8xf32>
    %slice3A_22 = vector.extract_strided_slice %max3A {offsets = [0, 8], sizes = [1024, 8], strides = [1, 1]} : vector<1024x16xf32> to vector<1024x8xf32>
    %max3A_23 = arith.maximumf %slice3A_21, %slice3A_22 : vector<1024x8xf32>
    %slice3A_24 = vector.extract_strided_slice %get3A_3 {offsets = [0, 48], sizes = [1024, 16], strides = [1, 1]} : vector<1024x96xf32> to vector<1024x16xf32>
    %slice3A_25 = vector.extract_strided_slice %get3A_8 {offsets = [0, 48], sizes = [1024, 16], strides = [1, 1]} : vector<1024x96xf32> to vector<1024x16xf32>
    %min3A = arith.minimumf %slice3A_24, %slice3A_25 : vector<1024x16xf32>
    %slice3A_26 = vector.extract_strided_slice %min3A {offsets = [0, 0], sizes = [1024, 8], strides = [1, 1]} : vector<1024x16xf32> to vector<1024x8xf32>
    %slice3A_27 = vector.extract_strided_slice %min3A {offsets = [0, 8], sizes = [1024, 8], strides = [1, 1]} : vector<1024x16xf32> to vector<1024x8xf32>
    %min3A_28 = arith.minimumf %slice3A_26, %slice3A_27 : vector<1024x8xf32>
    %slice3A_29 = vector.extract_strided_slice %get3A_3 {offsets = [0, 64], sizes = [1024, 1], strides = [1, 1]} : vector<1024x96xf32> to vector<1024x1xf32>
    %slice3A_30 = vector.extract_strided_slice %get3A_8 {offsets = [0, 64], sizes = [1024, 1], strides = [1, 1]} : vector<1024x96xf32> to vector<1024x1xf32>
    %add3A_31 = arith.addf %slice3A_29, %slice3A_30 : vector<1024x1xf32>
    %max3A_32 = arith.constant 1.000000e+00 : f32
    %max3A_33 = vector.broadcast %max3A_32 : f32 to vector<1024x1xf32>
    %max3A_34 = arith.maximumf %add3A_31, %max3A_33 : vector<1024x1xf32>
    %div3A = vector.broadcast %max3A_34 : vector<1024x1xf32> to vector<1024x8xf32>
    %div3A_35 = arith.divf %add3A_12, %div3A : vector<1024x8xf32>
    %div3A_36 = vector.broadcast %max3A_34 : vector<1024x1xf32> to vector<1024x8xf32>
    %div3A_37 = arith.divf %add3A_18, %div3A_36 : vector<1024x8xf32>
    %mul3A = arith.mulf %div3A_35, %div3A_35 : vector<1024x8xf32>
    %sub3A = arith.subf %div3A_37, %mul3A : vector<1024x8xf32>
    %gt3A = arith.constant 0.000000e+00 : f32
    %gt3A_38 = vector.broadcast %gt3A : f32 to vector<1024x1xf32>
    %gt3A_39 = arith.cmpf ogt, %add3A_31, %gt3A_38 : vector<1024x1xf32>
    %jit3A = arith.constant 0.000000e+00 : f32
    %broadcast_in_dim3A = vector.shape_cast %gt3A_39 : vector<1024x1xi1> to vector<1024x1xi1>
    %broadcast_in_dim3A_40 = vector.broadcast %broadcast_in_dim3A : vector<1024x1xi1> to vector<1024x8xi1>
    %broadcast_in_dim3A_41 = vector.broadcast %jit3A : f32 to vector<1024x8xf32>
    %select_n3A = arith.select %broadcast_in_dim3A_40, %max3A_23, %broadcast_in_dim3A_41 : vector<1024x8xi1>, vector<1024x8xf32>
    %jit3A_42 = arith.constant 0.000000e+00 : f32
    %broadcast_in_dim3A_43 = vector.shape_cast %gt3A_39 : vector<1024x1xi1> to vector<1024x1xi1>
    %broadcast_in_dim3A_44 = vector.broadcast %broadcast_in_dim3A_43 : vector<1024x1xi1> to vector<1024x8xi1>
    %broadcast_in_dim3A_45 = vector.broadcast %jit3A_42 : f32 to vector<1024x8xf32>
    %select_n3A_46 = arith.select %broadcast_in_dim3A_44, %min3A_28, %broadcast_in_dim3A_45 : vector<1024x8xi1>, vector<1024x8xf32>
    %get3A_47 = arith.constant 0 : index
    %get3A_48 = arith.constant 0 : index
    %get3A_49 = vector.load %arg1[%get3A_47, %get3A_48] : memref<1024x16xf32, #tpu.memory_space<vmem>>, vector<1024x16xf32>
    %get3A_50 = arith.constant 0 : index
    %get3A_51 = arith.constant 0 : index
    %get3A_52 = vector.load %arg2[%get3A_50, %get3A_51] : memref<1024x8xf32, #tpu.memory_space<vmem>>, vector<1024x8xf32>
    %get3A_53 = arith.constant 0 : index
    %get3A_54 = arith.constant 0 : index
    %get3A_55 = vector.load %arg3[%get3A_53, %get3A_54] : memref<1024x8xf32, #tpu.memory_space<vmem>>, vector<1024x8xf32>
    %concatenate3A = tpu.concatenate %get3A_49, %div3A_35, %sub3A, %select_n3A, %select_n3A_46, %get3A_52, %get3A_55 in 1 : vector<1024x16xf32>, vector<1024x8xf32>, vector<1024x8xf32>, vector<1024x8xf32>, vector<1024x8xf32>, vector<1024x8xf32>, vector<1024x8xf32> -> vector<1024x64xf32>
    %swap3A = arith.constant 0 : index
    %swap3A_56 = arith.constant 0 : index
    %swap3A_57 = vector.load %arg4[%swap3A, %swap3A_56] : memref<1024x64xf32, #tpu.memory_space<vmem>>, vector<1024x64xf32>
    tpu.vector_store %arg4[%swap3A, %swap3A_56], %concatenate3A {strides = array<i32>} : memref<1024x64xf32, #tpu.memory_space<vmem>>, vector<1024x64xf32>,
    return
  }
}

</mosaic_0001>

<sc_bundles>
// kernel: kernel.4.cloned.1.call-start
scs
__scs_entry_jumppad:
0x0: {  	(pc) =	sbr.rel $0x88, $3  }
0x1: {  	(tag) =	ssettag $0x0;
	lr =	simm.s32 $0x1  }
0x2: {  	[smem:$0x3F9C] =	sst lr;
	_ =	strace $0xD0000000  }
0x3: {  	_ = 	snop  }
0x4: {  	_ = 	snop  }
0x5: {  	_ = 	snop  }
0x6: {  	_ = 	snop  }
0x7: {  	_ = 	snop  }
__scs_overlays_trampoline_lowered:
0x8: {  	[smem:$0x3FAB] =	sst s0  }
0x9: {  	[smem:$0x3FAC] =	sst s1  }
0xa: {  	[smem:$0x3FAD] =	sst s2  }
0xb: {  	[smem:$0x3FAE] =	sst s3  }
0xc: {  	[smem:$0x3FAF] =	sst s4  }
0xd: {  	[smem:$0x3FB0] =	sst s5  }
0xe: {  	[smem:$0x3FB1] =	sst s6  }
0xf: {  	[smem:$0x3FB2] =	sst s7  }
0x10: {  	[smem:$0x3FB3] =	sst s8  }
0x11: {  	[smem:$0x3FB4] =	sst s9;
	s0 =	simm.s32 @!p0 $0x0  }
0x12: {  	s1 =	sld [smem:$0x3F9A];
	s0 =	simm.s32 @p0 $0x1  }
0x13: {  	[smem:$0x3FB5] =	sst s0;
	s0 =	simm.s32 @!p1 $0x0  }
0x14: {  	s2 =	sld [smem:$0x3F99];
	s0 =	simm.s32 @p1 $0x1  }
0x15: {  	[smem:$0x3FB6] =	sst s0;
	s0 =	simm.s32 @!p2 $0x0  }
0x16: {  	s3 =	sld [smem:$0x3FDB];
	s0 =	simm.s32 @p2 $0x1  }
0x17: {  	s4 =	simm.s32 $0x1BF5;
	[smem:$0x3FB8] =	sst s0  }
0x18: {  	s0 =	sld [smem:$0x3F9B];
	_ =	swait.ge [sflag:s4], $0x0  }
0x19: {  	s7 =	sld [smem:$0x3F9C]  }
0x1a: {  	s8 =	sadd.s32 $0xFFFFE003, lr  }
0x1b: {  	s9 =	sadd.s32 $0xFFFFFEF7, lr;
	s5 =	simm.s32 $0xFFFFFFFF;
	p2 =	slt.u32 s8, $0xFFFFF086  }
0x1c: {  	p1 =	slt.u32 s9, $0xF7A;
	s5 =	simm.s32 @!p2 $0x0  }
0x1d: {  	s5 =	simm.s32 @p1 $0x1;
	p0 =	seq.s32 s7, s2  }
0x1e: {  	s7 =	smul.u32 @!p0 $0xF7A, s2;
	p2 =	seq.s32 @!p0 s5, $0x0  }
0x1f: {  	s9 =	smul.u32 $0xF7A, s1;
	s8 =	simm.s32 @!p0 $0x1BF5;
	p2 =	por !p2, p0  }
0x20: {  	[sflag:s8] =	ssyncset.s32 @!p0 $0xFFFFF086;
	s6 =	sadd.s32 @!p0 s3, s7;
	s7 =	simm.s32 @!p0 $0x108  }
0x21: {  	s3 =	sadd.s32 s3, s9;
	s6 =	sadd.s32 @!p0 $0x88, s6;
	s7 =	simm.s32 @p2 $0x1082  }
0x22: {  	[simem:s7], [sflag:s8] =	dma.local @!p0 [hbm:s6], $0xF7A  }
0x23: {  	s9 =	sor.u32 $0xD0000000, s2;
	s6 =	simm.s32 $0x108;
	_ =	swait.ge @!p0 [sflag:s8], $0x0  }
0x24: {  	s3 =	sadd.s32 $0x88, s3;
	s6 =	simm.s32 @!p1 $0x1082;
	[sflag:s4] =	ssyncset.s32 $0xFFFFF086  }
0x25: {  	[simem:s6], [sflag:s4] =	dma.local [hbm:s3], $0xF7A  }
0x26: {  	[smem:$0x3F9C] =	sst s1;
	(tag) =	ssettag s2;
	_ =	strace s9  }
0x27: {  	s1 =	sld [smem:$0x3FAC]  }
0x28: {  	s2 =	sld [smem:$0x3FAD]  }
0x29: {  	s4 =	sld [smem:$0x3FAF]  }
0x2a: {  	p0 =	seq.s32 s5, $0x0;
	s5 =	sld [smem:$0x3FB0]  }
0x2b: {  	s6 =	sld [smem:$0x3FB1]  }
0x2c: {  	s7 =	sld [smem:$0x3FB2]  }
0x2d: {  	s3 =	simm.s32 $0x108;
	s8 =	sld [smem:$0x3FB3]  }
0x2e: {  	s3 =	simm.s32 @!p0 $0x1082;
	s9 =	sld [smem:$0x3FB4]  }
0x2f: {  	lr =	sadd.s32 s0, s3;
	s0 =	sld [smem:$0x3FAB]  }
0x30: {  	s3 =	sld [smem:$0x3FAE]  }
0x31: {  	[smem:$0x3FB7] =	sst s10  }
0x32: {  	s10 =	sld [smem:$0x3FB5];
	_ =	sdelay $0x3  }
0x33: {  	p0 =	seq.s32 s10, $0x1;
	s10 =	sld [smem:$0x3FB7];
	_ =	sdelay $0x3  }
0x34: {  	[smem:$0x3FB7] =	sst s10  }
0x35: {  	s10 =	sld [smem:$0x3FB6];
	_ =	sdelay $0x3  }
0x36: {  	p1 =	seq.s32 s10, $0x1;
	s10 =	sld [smem:$0x3FB7];
	_ =	sdelay $0x3  }
0x37: {  	[smem:$0x3FB7] =	sst s10  }
0x38: {  	s10 =	sld [smem:$0x3FB8]  }
0x39: {  	_ = 	snop;
	(pc) =	sbr.ind lr, $3  }
0x3a: {  	_ = 	snop  }
0x3b: {  	_ = 	snop  }
0x3c: {  	p2 =	seq.s32 s10, $0x1;
	s10 =	sld [smem:$0x3FB7]  }
0x3d: {  	_ =	shalt  }
0x3e: {  	_ =	shalt  }
0x3f: {  	_ =	shalt  }
0x40: {  	_ =	shalt  }
0x41: {  	_ =	shalt  }
0x42: {  	_ =	shalt  }
0x43: {  	_ =	shalt  }
0x44: {  	_ =	shalt  }
0x45: {  	_ =	shalt  }
0x46: {  	_ =	shalt  }
0x47: {  	_ =	shalt  }
0x48: {  	_ =	shalt  }
0x49: {  	_ =	shalt  }
0x4a: {  	_ =	shalt  }
0x4b: {  	_ =	shalt  }
0x4c: {  	_ =	shalt  }
0x4d: {  	_ =	shalt  }
0x4e: {  	_ =	shalt  }
0x4f: {  	_ =	shalt  }
0x50: {  	_ =	shalt  }
0x51: {  	_ =	shalt  }
0x52: {  	_ =	shalt  }
0x53: {  	_ =	shalt  }
0x54: {  	_ =	shalt  }
0x55: {  	_ =	shalt  }
0x56: {  	_ =	shalt  }
0x57: {  	_ =	shalt  }
0x58: {  	_ =	shalt  }
0x59: {  	_ =	shalt  }
0x5a: {  	_ =	shalt  }
0x5b: {  	_ =	shalt  }
0x5c: {  	_ =	shalt  }
0x5d: {  	_ =	shalt  }
0x5e: {  	_ =	shalt  }
0x5f: {  	_ =	shalt  }
0x60: {  	_ =	shalt  }
0x61: {  	_ =	shalt  }
0x62: {  	_ =	shalt  }
0x63: {  	_ =	shalt  }
0x64: {  	_ =	shalt  }
0x65: {  	_ =	shalt  }
0x66: {  	_ =	shalt  }
0x67: {  	_ =	shalt  }
0x68: {  	_ =	shalt  }
0x69: {  	_ =	shalt  }
0x6a: {  	_ =	shalt  }
0x6b: {  	_ =	shalt  }
0x6c: {  	_ =	shalt  }
0x6d: {  	_ =	shalt  }
0x6e: {  	_ =	shalt  }
0x6f: {  	_ =	shalt  }
0x70: {  	_ =	shalt  }
0x71: {  	_ =	shalt  }
0x72: {  	_ =	shalt  }
0x73: {  	_ =	shalt  }
0x74: {  	_ =	shalt  }
0x75: {  	_ =	shalt  }
0x76: {  	_ =	shalt  }
0x77: {  	_ =	shalt  }
0x78: {  	_ =	shalt  }
0x79: {  	_ =	shalt  }
0x7a: {  	_ =	shalt  }
0x7b: {  	_ =	shalt  }
0x7c: {  	_ =	shalt  }
0x7d: {  	_ =	shalt  }
0x7e: {  	_ =	shalt  }
0x7f: {  	_ =	shalt  }
0x80: {  	_ =	shalt  }
0x81: {  	_ =	shalt  }
0x82: {  	_ =	shalt  }
0x83: {  	_ =	shalt  }
0x84: {  	_ =	shalt  }
0x85: {  	_ =	shalt  }
0x86: {  	_ =	shalt  }
0x87: {  	_ =	shalt  }
.Lfunc_end0:
.L_simem_size_0:
called_computation_lowered:
.L_overlay_start_0:
0x88: {  	s2 =	sld [smem:$0x3FD9]  }
0x89: {  	s3 =	sld [smem:$0x3FFE];
	_ =	sdelay $0x1  }
0x8a: {  	s1 =	srdreg.scid  }
0x8b: {  	s0 =	sand.u32 $0x1, s1  }
0x8c: {  	s17 =	sshll.u32 s0, $0xA;
	s2 =	sadd.s32 s3, s2  }
0x8d: {  	s2 =	sadd.s32 s2, s17  }
0x8e: {  	[smem:$0x3FC3] =	sst s2  }
0x8f: {  	_ = 	snop  }
0x90: {  	s2 =	sld [smem:$0x3FC8]  }
0x91: {  	s18 =	sld [smem:$0x3FD0];
	(tm) =	ssettm $0x1  }
0x92: {  	s4 =	sld [smem:$0x3FFB];
	_ =	sdelay $0x3  }
0x93: {  	_ =	strace s4  }
0x94: {  	s4 =	sld [smem:$0x3FFC];
	_ =	sdelay $0x3  }
0x95: {  	_ =	strace s4  }
0x96: {  	s4 =	sld [smem:$0x3FFD];
	_ =	sdelay $0x3  }
0x97: {  	_ =	strace s4  }
0x98: {  	_ =	strace $0x8FFFFFFF  }
0x99: {  	s19 =	sld [smem:$0x3FDB];
	_ =	sdelay $0x1  }
0x9a: {  	s5 =	simm.s32 $_scs_section_size  }
0x9b: {  	s6 =	simm.s32 $_size__tile_overlayer_lowered;
	s7 =	simm.s32 $_tile_overlayer_lowered  }
0x9c: {  	s22 =	simm.s32 $0x1BFF;
	s21 =	sshll.u32 s7, $0x1;
	s4 =	sadd.s32 s5, s19  }
0x9d: {  	s8 =	simm.s32 $0x0;
	s20 =	sshll.u32 s6, $0x1;
	s6 =	sadd.s32 s21, s4  }
0x9e: {  	[timem:s8], [sflag:s22] =	dma.local [hbm:s6], s20  }
0x9f: {  	_ =	swait.ge [sflag:s22], s20  }
0xa0: {  	s5 =	ssub.s32 $0x0, s20;
	[sflag:s22] =	ssyncset.done $0x0  }
0xa1: {  	[sflag:s22] =	ssyncadd.s32 s5;
	_ =	sdelay $0x1  }
0xa2: {  	s23 =	simm.s32 $0x1B8B  }
0xa3: {  	_ =	swait.ge [sflag:s23], $0x1  }
0xa4: {  	[sflag:s23] =	ssyncset.done $0x0  }
0xa5: {  	s25 =	simm.s32 $0x1B8E;
	s24 =	sld [smem:$0x3FFE];
	[sflag:s23] =	ssyncadd.s32 $0xFFFFFFFF  }
0xa6: {  	s26 =	simm.s32 $execute0_lowered;
	[smem:$0x3FD2] =	sst s25  }
0xa7: {  	s6 =	sshll.u32 s26, $0x1;
	_ =	strace $0x80000046;
	[dreg:$0x1] =	wrdreg $0xFFFFFFFF  }
0xa8: {  	s28 =	simm.s32 $_size_execute0_lowered;
	s4 =	sadd.s32 s4, s6;
	[dreg:$0x0] =	wrdreg $0x0  }
0xa9: {  	s6 =	sshll.u32 s28, $0x1;
	[dreg:$0x2] =	wrdreg s4  }
0xaa: {  	[dreg:$0x3] =	wrdreg s6  }
0xab: {  	[dreg:$0x4] =	wrdreg $0xC0  }
0xac: {  	_ =	task [dreg:s8], $0x5FFFF  }
0xad: {  	[dreg:$0x1] =	wrdreg $0xFFFFFFFF  }
0xae: {  	[dreg:$0x0] =	wrdreg $0x60  }
0xaf: {  	[dreg:$0x2] =	wrdreg s24  }
0xb0: {  	[dreg:$0x3] =	wrdreg s2  }
0xb1: {  	[dreg:$0x4] =	wrdreg s18  }
0xb2: {  	[dreg:$0x5] =	wrdreg $0x9  }
0xb3: {  	_ =	task.clear_ibuf [dreg:s8], $0x6FFFF;
	_ =	strace $0x90000046  }
0xb4: {  	s29 =	simm.s32 $0x9;
	_ =	strace $0x80000048  }
0xb5: {  	_ =	swait.ge [sflag:s29], $0x1  }
0xb6: {  	[sflag:s29] =	ssyncadd.s32 $0xFFFFFFFF  }
0xb7: {  	_ =	strace $0x90000048  }
0xb8: {  	_ =	sfence  }
0xb9: {  	s30 =	sld [smem:$0x0];
	_ =	sdelay $0x2  }
0xba: {  	s31 =	sshll.u32 s1, $0xD;
	s1 =	sshrl.u32 s1, $0x2  }
0xbb: {  	s3 =	sand.u32 $0x4000, s31;
	s1 =	sadd.s32 s1, s30  }
0xbc: {  	s0 =	sor.u32 s3, s0;
	s1 =	sshll.u32 s1, $0x11  }
0xbd: {  	s0 =	sor.u32 s1, s0  }
0xbe: {  	s0 =	sadd.s32 $0x8F2B, s0  }
0xbf: {  	[sflag:s0] =	ssyncadd.remote.s32 $0x1  }
0xc0: {  	_ =	sfence.sel $0xFFFF  }
0xc1: {  	[dreg:$0x0] =	wrdreg $0xFFFFFFFF;
	(pc) =	sbr.abs _section_cstart, $3  }
0xc2: {  	[dreg:$0x1] =	wrdreg $0xFFFFFFFF  }
0xc3: {  	_ =	task.clear_ibuf [dreg:s8], $0x2FFFF;
	_ =	strace $0x9FFFFFFF  }
0xc4: {  	(tm) =	ssettm $0x7FFFFFFF  }
0xc5: {  	_ =	shalt  }
tec
execute0_lowered:
.L_overlay_start_1:
0x0: {  	(tag) =	ssettag $0x1  }
0x1: {  	s0 =	rddreg [dreg:$0x0]  }
0x2: {  	s1 =	rddreg [dreg:$0x1]  }
0x3: {  	s2 =	rddreg [dreg:$0x2]  }
0x4: {  	s3 =	simm.s32 $0x0;
	s6 =	srdreg.scid;
	s30 =	stileid.u32  }
0x5: {  	s19 =	simm.s32 $0x1;
	s20 =	simm.s32 $0x4680;
	s23 =	simm.s32 $0x3E80  }
0x6: {  	s26 =	simm.s32 $0x0;
	s28 =	simm.s32 $0x0;
	[smem:$0x7FF] =	sst s3  }
0x7: {  	s4 =	sadd.s32 $0x30D5000, s0;
	s5 =	sadd.s32 $0x1000, s0;
	s16 =	sand.u32 $0x1, s6  }
0x8: {  	s8 =	sshll.u32 s30, $0xD;
	s11 =	sshll.u32 s30, $0x8;
	p0 =	sne.s32 s30, $0x0  }
0x9: {  	_ =	strace $0x80000047;
	s7 =	ssub.s32 $0x2, s16;
	s6 =	sshll.u32 s16, $0x11  }
0xa: {  	s10 =	sshll.u32 s16, $0x4;
	s12 =	sand.u32 $0xC00, s11;
	s13 =	sand.u32 $0x300, s11  }
0xb: {  	s11 =	sshll.u32 s30, $0x1;
	s9 =	sshrl.u32 s7, $0x1;
	s8 =	sor.u32 s8, s6  }
0xc: {  	s31 =	sor.u32 s30, s10;
	s10 =	sshllo.u32 s30, $0x1;
	s17 =	ssub.s32 s7, s9  }
0xd: {  	s8 =	sshrl.u32 s8, $0x3;
	s7 =	smul.u32 $0x186A0, s31;
	s9 =	sshll.u32 s16, $0xC  }
0xe: {  	s14 =	sshll.u32 s10, $0x7;
	s16 =	sshll.u32 s16, $0x9;
	s8 =	sadd.s32 s5, s8  }
.Ltmp0:
0xf: {  	s12 =	sor.u32 s9, s12;
	s14 =	sand.u32 $0x380, s14;
	(pc) =	sbr.rel .LBB2_1-.Ltmp0, $4  }
0x10: {  	s16 =	sadd.s32 s2, s16;
	s17 =	smax.u32 s17, $0x1;
	s13 =	sor.u32 s13, s12  }
0x11: {  	s14 =	sor.u32 s12, s14;
	s15 =	sshrl.u32 s7, $0x3;
	s13 =	sshrl.u32 s13, $0x3  }
0x12: {  	v0 =	vimm.f32 $0.0e+00;
	v1 =	vimm.f32 $-Inf;
	s14 =	sshrl.u32 s14, $0x3;
	s12 =	sadd.s32 s2, s13;
	s13 =	sadd.s32 s1, s15  }
0x13: {  	v2 =	vimm.f32 $+Inf;
	v3 =	vimm.f32 $-1.000000000e+00;
	vm0 =	vmmov $0xff;
	[dreg:$0x4] =	wrdreg s16;
	s14 =	sadd.s32 s2, s14;
	s15 =	sadd.s32 $0x30D2, s13  }
.LBB2_101:
0x14: {  	v9 =	vadd.f32 v12, v9  }
0x15: {  	v15 =	vpsel p2, $0x0, v5;
	v62 =	vmax.f32 v4, v10  }
0x16: {  	v59 =	vadd.f32 v13, v15;
	v10 =	vpsel p2, v10, v62;
	v8 =	vpsel p1, v9, v8  }
0x17: {  	v14 =	vld [tilespmem:s16+$0x4700];
	v61 =	vmin.f32 v6, v11;
	v4 =	vpsel p1, v10, v4;
	[tilespmem:$0x7810] =	vst v8  }
0x18: {  	v60 =	vpsel p2, $0x0, v7;
	v9 =	vpsel p2, v11, v61;
	p2 =	sge.f32 s0, $0.0e+00;
	v5 =	vpsel p1, v59, v5;
	[tilespmem:$0x7820] =	vst v4  }
0x19: {  	v6 =	vpsel p1, v9, v6;
	[tilespmem:$0x7840] =	vst v5  }
0x1a: {  	[tilespmem:$0x7830] =	vst v6;
	s16 =	scvt.f32.s32 @p2 s0  }
0x1b: {  	[tilespmem:$0x4690] =	vst @p2 v8  }
0x1c: {  	[tilespmem:$0x46A0] =	vst @p2 v4;
	s16 =	sshll.u32 @p2 s16, $0x7  }
0x1d: {  	[tilespmem:$0x46B0] =	vst @p2 v6;
	v63 =	vadd.f32 v14, v60;
	s18 =	sand.u32 @p2 $0xFFFFFC00, s16  }
0x1e: {  	[tilespmem:$0x46C0] =	vst @p2 v5;
	v4 =	vmov @p2 s0;
	s16 =	sand.u32 @p2 $0x380, s16;
	s18 =	sadd.s32 @p2 s6, s18  }
0x1f: {  	[tilespmem:$0x46D0] =	vst @p2 v4;
	v7 =	vpsel p1, v63, v7;
	s16 =	sor.u32 @p2 s16, s18  }
0x20: {  	[tilespmem:$0x7800] =	vst v7;
	s0 =	sshrl.u32 @p2 s16, $0x3  }
0x21: {  	[tilespmem:$0x4680] =	vst @p2 v7;
	s18 =	simm.s32 @p2 $0x4680;
	s16 =	simm.s32 @p2 $0x0;
	s0 =	sadd.s32 @p2 s5, s0  }
0x22: {  	[hbm4b:s0+s16] =	stream.linear.scatter @p2 [tilespmem:s18], [sflag:$0x1], $0x80, $0x38;
	[tilespmem:$0x7880] =	vst v63  }
0x23: {  	s0 =	simm.s32 @p2 $0x1  }
0x24: {  	_ =	swait.ge @p2 [sflag:s0], $0x80  }
0x25: {  	[sflag:s0] =	ssyncset.done @p2 $0x0  }
0x26: {  	[sflag:s0] =	ssyncadd.s32 @p2 $0xFFFFFF80  }
.LBB2_102:
0x27: {  	s26 =	sadd.s32 $0x1, s26  }
0x28: {  	p1 =	sne.s32 s26, s17  }
.Ltmp1:
0x29: {  	_ = 	snop;
	(pc) =	sbr.rel @!p1 .LBB2_103-.Ltmp1, $1  }
0x2a: {  	_ =	sdelay $0x3  }
.LBB2_1:
0x2b: {  	s0 =	simm.s32 $0x0  }
0x2c: {  	[tilespmem:s0+$0x5750] =	vst v3  }
0x2d: {  	[tilespmem:s0+$0x5700] =	vst v0  }
0x2e: {  	[tilespmem:s0+$0x5710] =	vst v0  }
0x2f: {  	[tilespmem:s0+$0x5720] =	vst v1  }
0x30: {  	s16 =	simm.s32 $0x200;
	[tilespmem:s0+$0x5730] =	vst v2  }
.LBB2_2:
0x31: {  	p1 =	sne.s32 s16, $0x7E00;
	[tilespmem:s0+$0x5740] =	vst v0;
	s0 =	sshra.s32 s16, $0x2;
	s16 =	sadd.s32 $0x200, s16  }
.Ltmp2:
0x32: {  	[tilespmem:s0+$0x5750] =	vst v3;
	(pc) =	sbr.rel @p1 .LBB2_2-.Ltmp2, $4  }
0x33: {  	[tilespmem:s0+$0x5700] =	vst v0  }
0x34: {  	[tilespmem:s0+$0x5710] =	vst v0  }
0x35: {  	[tilespmem:s0+$0x5720] =	vst v1  }
0x36: {  	[tilespmem:s0+$0x5730] =	vst v2  }
0x37: {  	[tilespmem:s0+$0x5740] =	vst v0;
	s22 =	simm.s32 $0x5700  }
0x38: {  	[hbm4b:s8+s28] =	stream.linear.scatter [tilespmem:s22], [sflag:$0x1], $0x2000, $0x38;
	[tilespmem:$0x7880] =	vst v63  }
0x39: {  	_ =	swait.ge [sflag:s19], $0x2000  }
0x3a: {  	[sflag:s19] =	ssyncset.done $0x0  }
0x3b: {  	[sflag:s19] =	ssyncadd.s32 $0xFFFFE000  }
0x3c: {  	[tilespmem:$0x4680] =	vst v0  }
0x3d: {  	[tilespmem:$0x4690] =	vst v0  }
0x3e: {  	[tilespmem:$0x46A0] =	vst v0  }
0x3f: {  	[tilespmem:$0x46B0] =	vst v0  }
0x40: {  	[tilespmem:$0x46C0] =	vst v0  }
0x41: {  	[tilespmem:$0x46D0] =	vst v3  }
0x42: {  	[hbm4b:s12+s28] =	stream.linear.scatter [tilespmem:s20], [sflag:$0x1], $0x80, $0x38;
	[tilespmem:$0x7880] =	vst v63  }
0x43: {  	_ =	swait.ge [sflag:s19], $0x80  }
0x44: {  	[sflag:s19] =	ssyncset.done $0x0  }
0x45: {  	[sflag:s19] =	ssyncadd.s32 $0xFFFFFF80  }
0x46: {  	[hbm4b:s14+s28] =	stream.linear.scatter [tilespmem:s20], [sflag:$0x1], $0x80, $0x38;
	[tilespmem:$0x7880] =	vst v63  }
0x47: {  	_ =	swait.ge [sflag:s19], $0x80  }
0x48: {  	[sflag:s19] =	ssyncset.done $0x0  }
0x49: {  	s24 =	simm.s32 $0x7700;
	[sflag:s19] =	ssyncadd.s32 $0xFFFFFF80  }
0x4a: {  	[tilespmem:s24], [sflag:$0x1] =	stream.linear.gather [hbm4b:s13+s28], $0x10, $0x38;
	[tilespmem:$0x7880] =	vst v63  }
0x4b: {  	_ =	swait.ge [sflag:s19], $0x10  }
0x4c: {  	[sflag:s19] =	ssyncset.done $0x0  }
0x4d: {  	s25 =	simm.s32 $0x7780;
	[sflag:s19] =	ssyncadd.s32 $0xFFFFFFF0  }
0x4e: {  	[tilespmem:s25], [sflag:$0x1] =	stream.linear.gather [hbm4b:s15+s28], $0x10, $0x38;
	[tilespmem:$0x7880] =	vst v63  }
0x4f: {  	_ =	swait.ge [sflag:s19], $0x10  }
0x50: {  	[sflag:s19] =	ssyncset.done $0x0  }
0x51: {  	[sflag:s19] =	ssyncadd.s32 $0xFFFFFFF0  }
0x52: {  	v4 =	vld [tilespmem:$0x7700]  }
0x53: {  	v5 =	vld [tilespmem:$0x7780];
	_ =	sdelay $0x3  }
0x54: {  	(v2sf) =	vpush v4, $0x0  }
0x55: {  	(v2sf) =	vpush v5, $0xF;
	_ =	sdelay $0xd  }
0x56: {  	s29 =	spop (v2sf)  }
0x57: {  	s30 =	spop (v2sf)  }
.Ltmp3:
0x58: {  	[bflag:$0x0] =	sbarrier.arrive $0xFFFF;
	(pc) =	sbr.rel .LBB2_4-.Ltmp3, $4  }
0x59: {  	[tilespmem:$0x7800] =	vst v0  }
0x5a: {  	[tilespmem:$0x7810] =	vst v0  }
0x5b: {  	[smem:$0x0] =	sst s29;
	[tilespmem:$0x7820] =	vst v1  }
0x5c: {  	s18 =	simm.f32 $0.0e+00;
	s31 =	simm.s32 $0x0;
	[tilespmem:$0x7830] =	vst v2;
	[smem:$0x80] =	sst s28  }
.LBB2_94:
0x5d: {  	s31 =	sadd.s32 $0x1, s31  }
0x5e: {  	p1 =	sne.s32 s31, $0x32  }
.Ltmp4:
0x5f: {  	_ = 	snop;
	(pc) =	sbr.rel @!p1 .LBB2_95-.Ltmp4, $1  }
0x60: {  	_ =	sdelay $0x3  }
.LBB2_4:
0x61: {  	s0 =	smul.u32 $0x7D0, s31;
	_ =	sdelay $0x1  }
0x62: {  	s0 =	sadd.s32 s7, s0  }
0x63: {  	s16 =	sadd.s32 s4, s0  }
0x64: {  	[tilespmem:s28], [sflag:$0x1] =	stream.linear.gather [hbm4b:s16+s28], $0x3E80, $0x38;
	[tilespmem:$0x7880] =	vst v63  }
0x65: {  	_ =	swait.ge [sflag:s19], $0x3E80  }
0x66: {  	s0 =	sshrl.u32 s0, $0x3;
	[sflag:s19] =	ssyncset.done $0x0  }
.Ltmp5:
0x67: {  	s0 =	sadd.s32 s1, s0;
	[sflag:s19] =	ssyncadd.s32 $0xFFFFC180;
	(pc) =	sbr.rel .LBB2_5-.Ltmp5, $4  }
0x68: {  	[tilespmem:s23], [sflag:$0x1] =	stream.linear.gather [hbm4b:s0+s28], $0x7D0, $0x38;
	[tilespmem:$0x7880] =	vst v63  }
0x69: {  	_ =	swait.ge [sflag:s19], $0x7D0  }
0x6a: {  	[sflag:s19] =	ssyncset.done $0x0  }
0x6b: {  	s24 =	simm.s32 $0x0;
	s0 =	simm.s32 $0x40;
	[sflag:s19] =	ssyncadd.s32 $0xFFFFF830  }
.LBB2_90:
0x6c: {  	s18 =	sshll.u32 s18, $0x7  }
0x6d: {  	s21 =	sand.u32 $0xFFFFFC00, s18  }
0x6e: {  	s18 =	sand.u32 $0x380, s18;
	s21 =	sadd.s32 s6, s21  }
0x6f: {  	s18 =	sor.u32 s18, s21;
	s21 =	smov.u32 s5  }
.LBB2_91:
0x70: {  	s18 =	sshrl.u32 s18, $0x3  }
0x71: {  	s18 =	sadd.s32 s21, s18  }
0x72: {  	[hbm4b:s18+s3] =	stream.linear.scatter [tilespmem:s20], [sflag:$0x1], $0x80, $0x38;
	[tilespmem:$0x7880] =	vst v63  }
0x73: {  	_ =	swait.ge [sflag:s19], $0x80  }
0x74: {  	v7 =	vimm.f32 $0.0e+00;
	[sflag:s19] =	ssyncset.done $0x0  }
0x75: {  	v8 =	vimm.f32 $-Inf;
	v6 =	vimm.f32 $+Inf;
	v10 =	vimm.f32 $0.0e+00;
	s21 =	simm.f32 $0.0e+00;
	[sflag:s19] =	ssyncadd.s32 $0xFFFFFF80  }
.LBB2_92:
0x76: {  	v9 =	vadd.f32 v10, v4;
	v11 =	vadd.f32 v7, v5;
	v63 =	vmin.f32 v6, v4  }
0x77: {  	v62 =	vmax.f32 v8, v4;
	v6 =	vsel vm0, v6, v63  }
0x78: {  	s18 =	sadd.f32 $1.000000000e+00, s21;
	s25 =	smov.u32 s16;
	v5 =	vsel vm0, v10, v9;
	v4 =	vsel vm0, v7, v11;
	v7 =	vsel vm0, v8, v62  }
.LBB2_93:
0x79: {  	s24 =	sadd.s32 $0x40, s24  }
0x7a: {  	p1 =	sne.s32 s24, $0x1F40  }
.Ltmp6:
0x7b: {  	_ = 	snop;
	(pc) =	sbr.rel @!p1 .LBB2_94-.Ltmp6, $4  }
0x7c: {  	[tilespmem:$0x7800] =	vst v5  }
0x7d: {  	[tilespmem:$0x7810] =	vst v4  }
0x7e: {  	[smem:$0x0] =	sst s25;
	[tilespmem:$0x7820] =	vst v7  }
0x7f: {  	[tilespmem:$0x7830] =	vst v6;
	s0 =	sadd.s32 $0x80, s0;
	[smem:$0x80] =	sst s18  }
.LBB2_5:
0x80: {  	s16 =	sshra.s32 s24, $0x2  }
0x81: {  	v6 =	vld [tilespmem:s16+$0x3E80];
	_ =	sdelay $0x4  }
0x82: {  	(v2sf) =	vpush v6, $0x0  }
0x83: {  	(v2sf) =	vpush v6, $0xF;
	_ =	sdelay $0x9  }
0x84: {  	v12 =	vld [tilespmem:s0+$0xFFFFFFC0]  }
0x85: {  	v11 =	vld [tilespmem:s0+$0xFFFFFFD0]  }
0x86: {  	v10 =	vld [tilespmem:s0+$0xFFFFFFE0]  }
0x87: {  	v9 =	vld [tilespmem:s0+$0xFFFFFFF0]  }
0x88: {  	v8 =	vld [tilespmem:s0+$0x0];
	s25 =	spop (v2sf)  }
0x89: {  	v7 =	vld [tilespmem:s0+$0x10];
	s16 =	spop (v2sf)  }
0x8a: {  	v5 =	vld [tilespmem:s0+$0x20];
	p2 =	sne.s32 s25, s16  }
.Ltmp7:
0x8b: {  	v4 =	vld [tilespmem:s0+$0x30];
	(pc) =	sbr.rel @p2 .LBB2_12-.Ltmp7, $4  }
0x8c: {  	s21 =	sld [smem:$0x0];
	v16 =	vld [tilespmem:$0x7800]  }
0x8d: {  	v14 =	vld [tilespmem:$0x7810]  }
0x8e: {  	v15 =	vld [tilespmem:$0x7820]  }
0x8f: {  	v13 =	vld [tilespmem:$0x7830];
	p1 =	seq.s32 s25, s21  }
.Ltmp8:
0x90: {  	(pc) =	sbr.rel @p1 .LBB2_11-.Ltmp8, $1  }
0x91: {  	_ =	sdelay $0x3  }
0x92: {  	p1 =	seq.s32 s21, s29  }
0x93: {  	p2 =	sne.s32 @!p1 s21, s30  }
0x94: {  	[tilespmem:$0x4680] =	vst v16;
	p1 =	por p1, !p2  }
.Ltmp9:
0x95: {  	v6 =	vmov s18;
	[tilespmem:$0x4690] =	vst v14;
	(pc) =	sbr.rel @p1 .LBB2_8-.Ltmp9, $4  }
0x96: {  	s16 =	scvt.s32.f32 s21;
	[tilespmem:$0x46C0] =	vst v6  }
0x97: {  	[tilespmem:$0x46A0] =	vst v15  }
0x98: {  	v6 =	vmov s16;
	[tilespmem:$0x46B0] =	vst v13  }
0x99: {  	[tilespmem:$0x46D0] =	vst v6  }
.Ltmp10:
0x9a: {  	(pc) =	sbr.rel .LBB2_10-.Ltmp10, $4  }
0x9b: {  	s16 =	sshll.u32 s21, $0x7  }
0x9c: {  	s18 =	sand.u32 $0xFFFFFC00, s16  }
0x9d: {  	s16 =	sand.u32 $0x380, s16;
	s18 =	sadd.s32 s6, s18  }
0x9e: {  	s16 =	sor.u32 s16, s18;
	s18 =	smov.u32 s5  }
.LBB2_12:
.Ltmp11:
0x9f: {  	(pc) =	sbr.rel @p1 .LBB2_17-.Ltmp11, $1  }
0xa0: {  	_ =	sdelay $0x3  }
0xa1: {  	p1 =	seq.s32 s21, s29  }
0xa2: {  	p2 =	sne.s32 @!p1 s21, s30  }
0xa3: {  	[tilespmem:$0x4680] =	vst v16;
	p1 =	por p1, !p2  }
.Ltmp12:
0xa4: {  	[tilespmem:$0x4690] =	vst v14;
	(pc) =	sbr.rel @p1 .LBB2_14-.Ltmp12, $4  }
0xa5: {  	s22 =	scvt.s32.f32 s21;
	[tilespmem:$0x46A0] =	vst v15  }
0xa6: {  	[tilespmem:$0x46B0] =	vst v13;
	v13 =	vmov s18  }
0xa7: {  	[tilespmem:$0x46C0] =	vst v13;
	v13 =	vmov s22  }
0xa8: {  	[tilespmem:$0x46D0] =	vst v13  }
.Ltmp13:
0xa9: {  	(pc) =	sbr.rel .LBB2_16-.Ltmp13, $4  }
0xaa: {  	s18 =	sshll.u32 s21, $0x7  }
0xab: {  	s21 =	sand.u32 $0xFFFFFC00, s18  }
0xac: {  	s18 =	sand.u32 $0x380, s18;
	s21 =	sadd.s32 s6, s21  }
0xad: {  	s18 =	sor.u32 s18, s21;
	s21 =	smov.u32 s5  }
.LBB2_8:
0xae: {  	p1 =	sne.s32 s21, s29;
	s16 =	smov.u32 s11  }
0xaf: {  	s16 =	smov.u32 @p1 s10  }
0xb0: {  	s16 =	sshll.u32 s16, $0x7  }
0xb1: {  	s18 =	smov.u32 s2;
	s16 =	sor.u32 s9, s16  }
.LBB2_10:
0xb2: {  	s16 =	sshrl.u32 s16, $0x3  }
0xb3: {  	s16 =	sadd.s32 s18, s16  }
0xb4: {  	[hbm4b:s16+s3] =	stream.linear.scatter [tilespmem:s20], [sflag:$0x1], $0x80, $0x38;
	[tilespmem:$0x7880] =	vst v63  }
0xb5: {  	_ =	swait.ge [sflag:s19], $0x80  }
0xb6: {  	v14 =	vimm.f32 $0.0e+00;
	[sflag:s19] =	ssyncset.done $0x0  }
0xb7: {  	v15 =	vimm.f32 $-Inf;
	v13 =	vimm.f32 $+Inf;
	v16 =	vimm.f32 $0.0e+00;
	s18 =	simm.f32 $0.0e+00;
	[sflag:s19] =	ssyncadd.s32 $0xFFFFFF80  }
.LBB2_11:
0xb8: {  	v17 =	vmul.f32 v12, v12  }
0xb9: {  	v6 =	vadd.f32 v11, v12;
	v18 =	vmul.f32 v11, v11;
	v20 =	vmul.f32 v10, v10  }
0xba: {  	v19 =	vadd.f32 v9, v10;
	v21 =	vmul.f32 v9, v9;
	v23 =	vmul.f32 v8, v8  }
0xbb: {  	v22 =	vadd.f32 v7, v8;
	v24 =	vmul.f32 v7, v7;
	v55 =	vmul.f32 v5, v5  }
0xbc: {  	v25 =	vmul.f32 v4, v4;
	v56 =	vadd.f32 v4, v5;
	v58 =	vmax.f32 v12, v11  }
0xbd: {  	v59 =	vmax.f32 v10, v9;
	v60 =	vmax.f32 v8, v7;
	v61 =	vmax.f32 v5, v4  }
0xbe: {  	v62 =	vmin.f32 v12, v11;
	v17 =	vadd.f32 v18, v17;
	v20 =	vadd.f32 v21, v20  }
0xbf: {  	v63 =	vmin.f32 v10, v9;
	v23 =	vadd.f32 v24, v23;
	v18 =	vadd.f32 v25, v55  }
0xc0: {  	v7 =	vmin.f32 v8, v7;
	v6 =	vadd.f32 v19, v6;
	v57 =	vadd.f32 v56, v22  }
.Ltmp14:
0xc1: {  	v4 =	vmin.f32 v5, v4;
	v17 =	vadd.f32 v20, v17;
	v18 =	vadd.f32 v18, v23;
	(pc) =	sbr.rel .LBB2_93-.Ltmp14, $4  }
0xc2: {  	v8 =	vmax.f32 v60, v61;
	v9 =	vmin.f32 v62, v63;
	v6 =	vadd.f32 v57, v6  }
0xc3: {  	v4 =	vmin.f32 v7, v4;
	v17 =	vadd.f32 v18, v17;
	v18 =	vmax.f32 v58, v59  }
0xc4: {  	v5 =	vadd.f32 v16, v6;
	v6 =	vmax.f32 v18, v8;
	v8 =	vmin.f32 v9, v4  }
0xc5: {  	s18 =	sadd.f32 $1.600000000e+01, s18;
	v4 =	vadd.f32 v14, v17;
	v7 =	vmax.f32 v15, v6;
	v6 =	vmin.f32 v13, v8  }
.LBB2_14:
0xc6: {  	p1 =	sne.s32 s21, s29;
	s18 =	smov.u32 s11  }
0xc7: {  	s18 =	smov.u32 @p1 s10  }
0xc8: {  	s18 =	sshll.u32 s18, $0x7  }
0xc9: {  	s21 =	smov.u32 s2;
	s18 =	sor.u32 s9, s18  }
.LBB2_16:
0xca: {  	s18 =	sshrl.u32 s18, $0x3  }
0xcb: {  	s18 =	sadd.s32 s21, s18  }
0xcc: {  	[hbm4b:s18+s3] =	stream.linear.scatter [tilespmem:s20], [sflag:$0x1], $0x80, $0x38;
	[tilespmem:$0x7880] =	vst v63  }
0xcd: {  	_ =	swait.ge [sflag:s19], $0x80  }
0xce: {  	v14 =	vimm.f32 $0.0e+00;
	[sflag:s19] =	ssyncset.done $0x0  }
0xcf: {  	v15 =	vimm.f32 $-Inf;
	v13 =	vimm.f32 $+Inf;
	v16 =	vimm.f32 $0.0e+00;
	s18 =	simm.f32 $0.0e+00;
	[sflag:s19] =	ssyncadd.s32 $0xFFFFFF80  }
.LBB2_17:
0xd0: {  	(v2sf) =	vpush v6, $0x1;
	_ =	sdelay $0xe  }
0xd1: {  	s21 =	spop (v2sf)  }
0xd2: {  	p1 =	seq.s32 s21, s25  }
.Ltmp15:
0xd3: {  	v17 =	vmul.f32 v12, v12;
	(pc) =	sbr.rel @p1 .LBB2_22-.Ltmp15, $4  }
0xd4: {  	v18 =	vadd.f32 v16, v12  }
0xd5: {  	v19 =	vadd.f32 v14, v17  }
0xd6: {  	v16 =	vsel vm0, v18, v16;
	v18 =	vmax.f32 v15, v12;
	v20 =	vmin.f32 v13, v12  }
0xd7: {  	s22 =	sadd.f32 $1.000000000e+00, s18;
	v15 =	vsel vm0, v18, v15;
	v14 =	vsel vm0, v19, v14;
	v13 =	vsel vm0, v20, v13  }
0xd8: {  	p1 =	seq.s32 s25, s29  }
0xd9: {  	p2 =	sne.s32 @!p1 s25, s30  }
0xda: {  	[tilespmem:$0x4680] =	vst v16;
	p1 =	por p1, !p2  }
.Ltmp16:
0xdb: {  	[tilespmem:$0x4690] =	vst v14;
	(pc) =	sbr.rel @p1 .LBB2_19-.Ltmp16, $4  }
0xdc: {  	[tilespmem:$0x46A0] =	vst v15;
	s18 =	scvt.s32.f32 s25  }
0xdd: {  	[tilespmem:$0x46B0] =	vst v13;
	v13 =	vmov s22  }
0xde: {  	[tilespmem:$0x46C0] =	vst v13;
	v13 =	vmov s18  }
0xdf: {  	[tilespmem:$0x46D0] =	vst v13  }
.Ltmp17:
0xe0: {  	(pc) =	sbr.rel .LBB2_21-.Ltmp17, $4  }
0xe1: {  	s18 =	sshll.u32 s25, $0x7  }
0xe2: {  	s22 =	sand.u32 $0xFFFFFC00, s18  }
0xe3: {  	s18 =	sand.u32 $0x380, s18;
	s22 =	sadd.s32 s6, s22  }
0xe4: {  	s18 =	sor.u32 s18, s22;
	s22 =	smov.u32 s5  }
.LBB2_19:
0xe5: {  	p1 =	sne.s32 s25, s29;
	s18 =	smov.u32 s11  }
0xe6: {  	s18 =	smov.u32 @p1 s10  }
0xe7: {  	s18 =	sshll.u32 s18, $0x7  }
0xe8: {  	s22 =	smov.u32 s2;
	s18 =	sor.u32 s9, s18  }
.LBB2_21:
0xe9: {  	s18 =	sshrl.u32 s18, $0x3  }
0xea: {  	s18 =	sadd.s32 s22, s18  }
0xeb: {  	[hbm4b:s18+s3] =	stream.linear.scatter [tilespmem:s20], [sflag:$0x1], $0x80, $0x38;
	[tilespmem:$0x7880] =	vst v63  }
0xec: {  	_ =	swait.ge [sflag:s19], $0x80  }
0xed: {  	v14 =	vimm.f32 $0.0e+00;
	[sflag:s19] =	ssyncset.done $0x0  }
0xee: {  	v15 =	vimm.f32 $-Inf;
	v13 =	vimm.f32 $+Inf;
	v16 =	vimm.f32 $0.0e+00;
	s22 =	simm.f32 $0.0e+00;
	[sflag:s19] =	ssyncadd.s32 $0xFFFFFF80  }
.LBB2_22:
0xef: {  	(v2sf) =	vpush v6, $0x2;
	_ =	sdelay $0xe  }
0xf0: {  	s18 =	spop (v2sf)  }
0xf1: {  	p1 =	seq.s32 s18, s21  }
.Ltmp18:
0xf2: {  	_ = 	snop;
	(pc) =	sbr.rel @p1 .LBB2_27-.Ltmp18, $4  }
0xf3: {  	v18 =	vadd.f32 v16, v12  }
0xf4: {  	v19 =	vadd.f32 v14, v17  }
0xf5: {  	v17 =	vsel vm0, v16, v18;
	v16 =	vmax.f32 v15, v12;
	v12 =	vmin.f32 v13, v12  }
0xf6: {  	s25 =	sadd.f32 $1.000000000e+00, s22;
	v14 =	vsel vm0, v14, v19;
	v16 =	vsel vm0, v15, v16;
	v13 =	vsel vm0, v13, v12  }
0xf7: {  	p1 =	seq.s32 s21, s29  }
0xf8: {  	p2 =	sne.s32 @!p1 s21, s30  }
0xf9: {  	[tilespmem:$0x4680] =	vst v17;
	p1 =	por p1, !p2  }
.Ltmp19:
0xfa: {  	[tilespmem:$0x4690] =	vst v14;
	(pc) =	sbr.rel @p1 .LBB2_24-.Ltmp19, $4  }
0xfb: {  	[tilespmem:$0x46A0] =	vst v16;
	s22 =	scvt.s32.f32 s21  }
0xfc: {  	[tilespmem:$0x46B0] =	vst v13;
	v12 =	vmov s25  }
0xfd: {  	[tilespmem:$0x46C0] =	vst v12;
	v63 =	vmov s22  }
0xfe: {  	[tilespmem:$0x46D0] =	vst v63  }
.Ltmp20:
0xff: {  	(pc) =	sbr.rel .LBB2_26-.Ltmp20, $4  }
0x100: {  	s21 =	sshll.u32 s21, $0x7  }
0x101: {  	s22 =	sand.u32 $0xFFFFFC00, s21  }
0x102: {  	s21 =	sand.u32 $0x380, s21;
	s22 =	sadd.s32 s6, s22  }
0x103: {  	s21 =	sor.u32 s21, s22;
	s22 =	smov.u32 s5  }
.LBB2_24:
0x104: {  	p1 =	sne.s32 s21, s29;
	s21 =	smov.u32 s11  }
0x105: {  	s21 =	smov.u32 @p1 s10  }
0x106: {  	s21 =	sshll.u32 s21, $0x7  }
0x107: {  	s22 =	smov.u32 s2;
	s21 =	sor.u32 s9, s21  }
.LBB2_26:
0x108: {  	s21 =	sshrl.u32 s21, $0x3  }
0x109: {  	s21 =	sadd.s32 s22, s21  }
0x10a: {  	[hbm4b:s21+s3] =	stream.linear.scatter [tilespmem:s20], [sflag:$0x1], $0x80, $0x38;
	[tilespmem:$0x7880] =	vst v63  }
0x10b: {  	_ =	swait.ge [sflag:s19], $0x80  }
0x10c: {  	v14 =	vimm.f32 $0.0e+00;
	[sflag:s19] =	ssyncset.done $0x0  }
0x10d: {  	s25 =	simm.f32 $0.0e+00;
	v16 =	vimm.f32 $-Inf;
	v13 =	vimm.f32 $+Inf;
	v17 =	vimm.f32 $0.0e+00;
	[sflag:s19] =	ssyncadd.s32 $0xFFFFFF80  }
.LBB2_27:
0x10e: {  	(v2sf) =	vpush v6, $0x3;
	_ =	sdelay $0xe  }
0x10f: {  	s21 =	spop (v2sf)  }
0x110: {  	p1 =	seq.s32 s21, s18  }
.Ltmp21:
0x111: {  	v12 =	vmul.f32 v11, v11;
	(pc) =	sbr.rel @p1 .LBB2_32-.Ltmp21, $4  }
0x112: {  	_ = 	snop  }
0x113: {  	v15 =	vadd.f32 v17, v11;
	v19 =	vmax.f32 v16, v11;
	v18 =	vadd.f32 v14, v12  }
0x114: {  	v20 =	vmin.f32 v13, v11;
	v16 =	vsel vm0, v19, v16  }
0x115: {  	s22 =	sadd.f32 $1.000000000e+00, s25;
	v17 =	vsel vm0, v15, v17;
	v15 =	vsel vm0, v18, v14;
	v14 =	vsel vm0, v20, v13  }
0x116: {  	p1 =	seq.s32 s18, s29  }
0x117: {  	p2 =	sne.s32 @!p1 s18, s30  }
0x118: {  	[tilespmem:$0x4680] =	vst v17;
	p1 =	por p1, !p2  }
.Ltmp22:
0x119: {  	[tilespmem:$0x4690] =	vst v15;
	(pc) =	sbr.rel @p1 .LBB2_29-.Ltmp22, $4  }
0x11a: {  	[tilespmem:$0x46A0] =	vst v16;
	s25 =	scvt.s32.f32 s18  }
0x11b: {  	[tilespmem:$0x46B0] =	vst v14;
	v13 =	vmov s22  }
0x11c: {  	[tilespmem:$0x46C0] =	vst v13;
	v13 =	vmov s25  }
0x11d: {  	[tilespmem:$0x46D0] =	vst v13  }
.Ltmp23:
0x11e: {  	(pc) =	sbr.rel .LBB2_31-.Ltmp23, $4  }
0x11f: {  	s18 =	sshll.u32 s18, $0x7  }
0x120: {  	s22 =	sand.u32 $0xFFFFFC00, s18  }
0x121: {  	s18 =	sand.u32 $0x380, s18;
	s22 =	sadd.s32 s6, s22  }
0x122: {  	s18 =	sor.u32 s18, s22;
	s22 =	smov.u32 s5  }
.LBB2_29:
0x123: {  	p1 =	sne.s32 s18, s29;
	s18 =	smov.u32 s11  }
0x124: {  	s18 =	smov.u32 @p1 s10  }
0x125: {  	s18 =	sshll.u32 s18, $0x7  }
0x126: {  	s22 =	smov.u32 s2;
	s18 =	sor.u32 s9, s18  }
.LBB2_31:
0x127: {  	s18 =	sshrl.u32 s18, $0x3  }
0x128: {  	s18 =	sadd.s32 s22, s18  }
0x129: {  	[hbm4b:s18+s3] =	stream.linear.scatter [tilespmem:s20], [sflag:$0x1], $0x80, $0x38;
	[tilespmem:$0x7880] =	vst v63  }
0x12a: {  	_ =	swait.ge [sflag:s19], $0x80  }
0x12b: {  	v15 =	vimm.f32 $0.0e+00;
	[sflag:s19] =	ssyncset.done $0x0  }
0x12c: {  	v16 =	vimm.f32 $-Inf;
	v14 =	vimm.f32 $+Inf;
	v17 =	vimm.f32 $0.0e+00;
	s22 =	simm.f32 $0.0e+00;
	[sflag:s19] =	ssyncadd.s32 $0xFFFFFF80  }
.LBB2_32:
0x12d: {  	(v2sf) =	vpush v6, $0x4;
	_ =	sdelay $0xe  }
0x12e: {  	s18 =	spop (v2sf)  }
0x12f: {  	p1 =	seq.s32 s18, s21  }
.Ltmp24:
0x130: {  	_ = 	snop;
	(pc) =	sbr.rel @p1 .LBB2_37-.Ltmp24, $4  }
0x131: {  	v13 =	vadd.f32 v17, v11  }
0x132: {  	v12 =	vadd.f32 v15, v12  }
0x133: {  	v18 =	vmax.f32 v16, v11;
	v11 =	vmin.f32 v14, v11;
	v17 =	vsel vm0, v17, v13  }
0x134: {  	s25 =	sadd.f32 $1.000000000e+00, s22;
	v13 =	vsel vm0, v15, v12;
	v15 =	vsel vm0, v16, v18;
	v12 =	vsel vm0, v14, v11  }
0x135: {  	p1 =	seq.s32 s21, s29  }
0x136: {  	p2 =	sne.s32 @!p1 s21, s30  }
0x137: {  	[tilespmem:$0x4680] =	vst v17;
	p1 =	por p1, !p2  }
.Ltmp25:
0x138: {  	[tilespmem:$0x4690] =	vst v13;
	(pc) =	sbr.rel @p1 .LBB2_34-.Ltmp25, $4  }
0x139: {  	[tilespmem:$0x46A0] =	vst v15;
	s22 =	scvt.s32.f32 s21  }
0x13a: {  	[tilespmem:$0x46B0] =	vst v12;
	v11 =	vmov s25  }
0x13b: {  	[tilespmem:$0x46C0] =	vst v11;
	v11 =	vmov s22  }
0x13c: {  	[tilespmem:$0x46D0] =	vst v11  }
.Ltmp26:
0x13d: {  	(pc) =	sbr.rel .LBB2_36-.Ltmp26, $4  }
0x13e: {  	s21 =	sshll.u32 s21, $0x7  }
0x13f: {  	s22 =	sand.u32 $0xFFFFFC00, s21  }
0x140: {  	s21 =	sand.u32 $0x380, s21;
	s22 =	sadd.s32 s6, s22  }
0x141: {  	s21 =	sor.u32 s21, s22;
	s22 =	smov.u32 s5  }
.LBB2_34:
0x142: {  	p1 =	sne.s32 s21, s29;
	s21 =	smov.u32 s11  }
0x143: {  	s21 =	smov.u32 @p1 s10  }
0x144: {  	s21 =	sshll.u32 s21, $0x7  }
0x145: {  	s22 =	smov.u32 s2;
	s21 =	sor.u32 s9, s21  }
.LBB2_36:
0x146: {  	s21 =	sshrl.u32 s21, $0x3  }
0x147: {  	s21 =	sadd.s32 s22, s21  }
0x148: {  	[hbm4b:s21+s3] =	stream.linear.scatter [tilespmem:s20], [sflag:$0x1], $0x80, $0x38;
	[tilespmem:$0x7880] =	vst v63  }
0x149: {  	_ =	swait.ge [sflag:s19], $0x80  }
0x14a: {  	v13 =	vimm.f32 $0.0e+00;
	[sflag:s19] =	ssyncset.done $0x0  }
0x14b: {  	s25 =	simm.f32 $0.0e+00;
	v15 =	vimm.f32 $-Inf;
	v12 =	vimm.f32 $+Inf;
	v17 =	vimm.f32 $0.0e+00;
	[sflag:s19] =	ssyncadd.s32 $0xFFFFFF80  }
.LBB2_37:
0x14c: {  	(v2sf) =	vpush v6, $0x5;
	_ =	sdelay $0xe  }
0x14d: {  	s21 =	spop (v2sf)  }
0x14e: {  	p1 =	seq.s32 s21, s18  }
.Ltmp27:
0x14f: {  	v11 =	vmul.f32 v10, v10;
	(pc) =	sbr.rel @p1 .LBB2_42-.Ltmp27, $4  }
0x150: {  	v14 =	vadd.f32 v17, v10  }
0x151: {  	v18 =	vadd.f32 v13, v11  }
0x152: {  	v19 =	vmin.f32 v12, v10;
	v16 =	vsel vm0, v14, v17;
	v17 =	vmax.f32 v15, v10  }
0x153: {  	s22 =	sadd.f32 $1.000000000e+00, s25;
	v15 =	vsel vm0, v17, v15;
	v14 =	vsel vm0, v18, v13;
	v13 =	vsel vm0, v19, v12  }
0x154: {  	p1 =	seq.s32 s18, s29  }
0x155: {  	p2 =	sne.s32 @!p1 s18, s30  }
0x156: {  	[tilespmem:$0x4680] =	vst v16;
	p1 =	por p1, !p2  }
.Ltmp28:
0x157: {  	[tilespmem:$0x4690] =	vst v14;
	(pc) =	sbr.rel @p1 .LBB2_39-.Ltmp28, $4  }
0x158: {  	[tilespmem:$0x46A0] =	vst v15;
	s25 =	scvt.s32.f32 s18  }
0x159: {  	[tilespmem:$0x46B0] =	vst v13;
	v12 =	vmov s22  }
0x15a: {  	[tilespmem:$0x46C0] =	vst v12;
	v63 =	vmov s25  }
0x15b: {  	[tilespmem:$0x46D0] =	vst v63  }
.Ltmp29:
0x15c: {  	(pc) =	sbr.rel .LBB2_41-.Ltmp29, $4  }
0x15d: {  	s18 =	sshll.u32 s18, $0x7  }
0x15e: {  	s22 =	sand.u32 $0xFFFFFC00, s18  }
0x15f: {  	s18 =	sand.u32 $0x380, s18;
	s22 =	sadd.s32 s6, s22  }
0x160: {  	s18 =	sor.u32 s18, s22;
	s22 =	smov.u32 s5  }
.LBB2_39:
0x161: {  	p1 =	sne.s32 s18, s29;
	s18 =	smov.u32 s11  }
0x162: {  	s18 =	smov.u32 @p1 s10  }
0x163: {  	s18 =	sshll.u32 s18, $0x7  }
0x164: {  	s22 =	smov.u32 s2;
	s18 =	sor.u32 s9, s18  }
.LBB2_41:
0x165: {  	s18 =	sshrl.u32 s18, $0x3  }
0x166: {  	s18 =	sadd.s32 s22, s18  }
0x167: {  	[hbm4b:s18+s3] =	stream.linear.scatter [tilespmem:s20], [sflag:$0x1], $0x80, $0x38;
	[tilespmem:$0x7880] =	vst v63  }
0x168: {  	_ =	swait.ge [sflag:s19], $0x80  }
0x169: {  	v14 =	vimm.f32 $0.0e+00;
	[sflag:s19] =	ssyncset.done $0x0  }
0x16a: {  	v15 =	vimm.f32 $-Inf;
	v13 =	vimm.f32 $+Inf;
	v16 =	vimm.f32 $0.0e+00;
	s22 =	simm.f32 $0.0e+00;
	[sflag:s19] =	ssyncadd.s32 $0xFFFFFF80  }
.LBB2_42:
0x16b: {  	(v2sf) =	vpush v6, $0x6;
	_ =	sdelay $0xe  }
0x16c: {  	s18 =	spop (v2sf)  }
0x16d: {  	p1 =	seq.s32 s18, s21  }
.Ltmp30:
0x16e: {  	_ = 	snop;
	(pc) =	sbr.rel @p1 .LBB2_47-.Ltmp30, $4  }
0x16f: {  	v12 =	vadd.f32 v16, v10  }
0x170: {  	v11 =	vadd.f32 v14, v11  }
0x171: {  	v17 =	vmax.f32 v15, v10;
	v10 =	vmin.f32 v13, v10;
	v16 =	vsel vm0, v16, v12  }
0x172: {  	s25 =	sadd.f32 $1.000000000e+00, s22;
	v12 =	vsel vm0, v14, v11;
	v14 =	vsel vm0, v15, v17;
	v11 =	vsel vm0, v13, v10  }
0x173: {  	p1 =	seq.s32 s21, s29  }
0x174: {  	p2 =	sne.s32 @!p1 s21, s30  }
0x175: {  	[tilespmem:$0x4680] =	vst v16;
	p1 =	por p1, !p2  }
.Ltmp31:
0x176: {  	[tilespmem:$0x4690] =	vst v12;
	(pc) =	sbr.rel @p1 .LBB2_44-.Ltmp31, $4  }
0x177: {  	[tilespmem:$0x46A0] =	vst v14;
	s22 =	scvt.s32.f32 s21  }
0x178: {  	[tilespmem:$0x46B0] =	vst v11;
	v10 =	vmov s25  }
0x179: {  	[tilespmem:$0x46C0] =	vst v10;
	v10 =	vmov s22  }
0x17a: {  	[tilespmem:$0x46D0] =	vst v10  }
.Ltmp32:
0x17b: {  	(pc) =	sbr.rel .LBB2_46-.Ltmp32, $4  }
0x17c: {  	s21 =	sshll.u32 s21, $0x7  }
0x17d: {  	s22 =	sand.u32 $0xFFFFFC00, s21  }
0x17e: {  	s21 =	sand.u32 $0x380, s21;
	s22 =	sadd.s32 s6, s22  }
0x17f: {  	s21 =	sor.u32 s21, s22;
	s22 =	smov.u32 s5  }
.LBB2_44:
0x180: {  	p1 =	sne.s32 s21, s29;
	s21 =	smov.u32 s11  }
0x181: {  	s21 =	smov.u32 @p1 s10  }
0x182: {  	s21 =	sshll.u32 s21, $0x7  }
0x183: {  	s22 =	smov.u32 s2;
	s21 =	sor.u32 s9, s21  }
.LBB2_46:
0x184: {  	s21 =	sshrl.u32 s21, $0x3  }
0x185: {  	s21 =	sadd.s32 s22, s21  }
0x186: {  	[hbm4b:s21+s3] =	stream.linear.scatter [tilespmem:s20], [sflag:$0x1], $0x80, $0x38;
	[tilespmem:$0x7880] =	vst v63  }
0x187: {  	_ =	swait.ge [sflag:s19], $0x80  }
0x188: {  	v12 =	vimm.f32 $0.0e+00;
	[sflag:s19] =	ssyncset.done $0x0  }
0x189: {  	s25 =	simm.f32 $0.0e+00;
	v14 =	vimm.f32 $-Inf;
	v11 =	vimm.f32 $+Inf;
	v16 =	vimm.f32 $0.0e+00;
	[sflag:s19] =	ssyncadd.s32 $0xFFFFFF80  }
.LBB2_47:
0x18a: {  	(v2sf) =	vpush v6, $0x7;
	_ =	sdelay $0xe  }
0x18b: {  	s21 =	spop (v2sf)  }
0x18c: {  	p1 =	seq.s32 s21, s18  }
.Ltmp33:
0x18d: {  	v10 =	vmul.f32 v9, v9;
	(pc) =	sbr.rel @p1 .LBB2_52-.Ltmp33, $4  }
0x18e: {  	v13 =	vadd.f32 v16, v9  }
0x18f: {  	v17 =	vadd.f32 v12, v10  }
0x190: {  	v18 =	vmin.f32 v11, v9;
	v15 =	vsel vm0, v13, v16;
	v16 =	vmax.f32 v14, v9  }
0x191: {  	s22 =	sadd.f32 $1.000000000e+00, s25;
	v14 =	vsel vm0, v16, v14;
	v13 =	vsel vm0, v17, v12;
	v12 =	vsel vm0, v18, v11  }
0x192: {  	p1 =	seq.s32 s18, s29  }
0x193: {  	p2 =	sne.s32 @!p1 s18, s30  }
0x194: {  	[tilespmem:$0x4680] =	vst v15;
	p1 =	por p1, !p2  }
.Ltmp34:
0x195: {  	[tilespmem:$0x4690] =	vst v13;
	(pc) =	sbr.rel @p1 .LBB2_49-.Ltmp34, $4  }
0x196: {  	[tilespmem:$0x46A0] =	vst v14;
	s25 =	scvt.s32.f32 s18  }
0x197: {  	[tilespmem:$0x46B0] =	vst v12;
	v11 =	vmov s22  }
0x198: {  	[tilespmem:$0x46C0] =	vst v11;
	v11 =	vmov s25  }
0x199: {  	[tilespmem:$0x46D0] =	vst v11  }
.Ltmp35:
0x19a: {  	(pc) =	sbr.rel .LBB2_51-.Ltmp35, $4  }
0x19b: {  	s18 =	sshll.u32 s18, $0x7  }
0x19c: {  	s22 =	sand.u32 $0xFFFFFC00, s18  }
0x19d: {  	s18 =	sand.u32 $0x380, s18;
	s22 =	sadd.s32 s6, s22  }
0x19e: {  	s18 =	sor.u32 s18, s22;
	s22 =	smov.u32 s5  }
.LBB2_49:
0x19f: {  	p1 =	sne.s32 s18, s29;
	s18 =	smov.u32 s11  }
0x1a0: {  	s18 =	smov.u32 @p1 s10  }
0x1a1: {  	s18 =	sshll.u32 s18, $0x7  }
0x1a2: {  	s22 =	smov.u32 s2;
	s18 =	sor.u32 s9, s18  }
.LBB2_51:
0x1a3: {  	s18 =	sshrl.u32 s18, $0x3  }
0x1a4: {  	s18 =	sadd.s32 s22, s18  }
0x1a5: {  	[hbm4b:s18+s3] =	stream.linear.scatter [tilespmem:s20], [sflag:$0x1], $0x80, $0x38;
	[tilespmem:$0x7880] =	vst v63  }
0x1a6: {  	_ =	swait.ge [sflag:s19], $0x80  }
0x1a7: {  	v13 =	vimm.f32 $0.0e+00;
	[sflag:s19] =	ssyncset.done $0x0  }
0x1a8: {  	v14 =	vimm.f32 $-Inf;
	v12 =	vimm.f32 $+Inf;
	v15 =	vimm.f32 $0.0e+00;
	s22 =	simm.f32 $0.0e+00;
	[sflag:s19] =	ssyncadd.s32 $0xFFFFFF80  }
.LBB2_52:
0x1a9: {  	(v2sf) =	vpush v6, $0x8;
	_ =	sdelay $0xe  }
0x1aa: {  	s18 =	spop (v2sf)  }
0x1ab: {  	p1 =	seq.s32 s18, s21  }
.Ltmp36:
0x1ac: {  	_ = 	snop;
	(pc) =	sbr.rel @p1 .LBB2_57-.Ltmp36, $4  }
0x1ad: {  	v11 =	vadd.f32 v15, v9  }
0x1ae: {  	v10 =	vadd.f32 v13, v10  }
0x1af: {  	v16 =	vmax.f32 v14, v9;
	v9 =	vmin.f32 v12, v9;
	v15 =	vsel vm0, v15, v11  }
0x1b0: {  	s25 =	sadd.f32 $1.000000000e+00, s22;
	v11 =	vsel vm0, v13, v10;
	v13 =	vsel vm0, v14, v16;
	v10 =	vsel vm0, v12, v9  }
0x1b1: {  	p1 =	seq.s32 s21, s29  }
0x1b2: {  	p2 =	sne.s32 @!p1 s21, s30  }
0x1b3: {  	[tilespmem:$0x4680] =	vst v15;
	p1 =	por p1, !p2  }
.Ltmp37:
0x1b4: {  	[tilespmem:$0x4690] =	vst v11;
	(pc) =	sbr.rel @p1 .LBB2_54-.Ltmp37, $4  }
0x1b5: {  	[tilespmem:$0x46A0] =	vst v13;
	s22 =	scvt.s32.f32 s21  }
0x1b6: {  	[tilespmem:$0x46B0] =	vst v10;
	v9 =	vmov s25  }
0x1b7: {  	[tilespmem:$0x46C0] =	vst v9;
	v9 =	vmov s22  }
0x1b8: {  	[tilespmem:$0x46D0] =	vst v9  }
.Ltmp38:
0x1b9: {  	(pc) =	sbr.rel .LBB2_56-.Ltmp38, $4  }
0x1ba: {  	s21 =	sshll.u32 s21, $0x7  }
0x1bb: {  	s22 =	sand.u32 $0xFFFFFC00, s21  }
0x1bc: {  	s21 =	sand.u32 $0x380, s21;
	s22 =	sadd.s32 s6, s22  }
0x1bd: {  	s21 =	sor.u32 s21, s22;
	s22 =	smov.u32 s5  }
.LBB2_54:
0x1be: {  	p1 =	sne.s32 s21, s29;
	s21 =	smov.u32 s11  }
0x1bf: {  	s21 =	smov.u32 @p1 s10  }
0x1c0: {  	s21 =	sshll.u32 s21, $0x7  }
0x1c1: {  	s22 =	smov.u32 s2;
	s21 =	sor.u32 s9, s21  }
.LBB2_56:
0x1c2: {  	s21 =	sshrl.u32 s21, $0x3  }
0x1c3: {  	s21 =	sadd.s32 s22, s21  }
0x1c4: {  	[hbm4b:s21+s3] =	stream.linear.scatter [tilespmem:s20], [sflag:$0x1], $0x80, $0x38;
	[tilespmem:$0x7880] =	vst v63  }
0x1c5: {  	_ =	swait.ge [sflag:s19], $0x80  }
0x1c6: {  	v11 =	vimm.f32 $0.0e+00;
	[sflag:s19] =	ssyncset.done $0x0  }
0x1c7: {  	s25 =	simm.f32 $0.0e+00;
	v13 =	vimm.f32 $-Inf;
	v10 =	vimm.f32 $+Inf;
	v15 =	vimm.f32 $0.0e+00;
	[sflag:s19] =	ssyncadd.s32 $0xFFFFFF80  }
.LBB2_57:
0x1c8: {  	(v2sf) =	vpush v6, $0x9;
	_ =	sdelay $0xe  }
0x1c9: {  	s21 =	spop (v2sf)  }
0x1ca: {  	p1 =	seq.s32 s21, s18  }
.Ltmp39:
0x1cb: {  	v9 =	vmul.f32 v8, v8;
	(pc) =	sbr.rel @p1 .LBB2_62-.Ltmp39, $4  }
0x1cc: {  	v12 =	vadd.f32 v15, v8  }
0x1cd: {  	v16 =	vadd.f32 v11, v9  }
0x1ce: {  	v17 =	vmin.f32 v10, v8;
	v14 =	vsel vm0, v12, v15;
	v15 =	vmax.f32 v13, v8  }
0x1cf: {  	s22 =	sadd.f32 $1.000000000e+00, s25;
	v13 =	vsel vm0, v15, v13;
	v12 =	vsel vm0, v16, v11;
	v11 =	vsel vm0, v17, v10  }
0x1d0: {  	p1 =	seq.s32 s18, s29  }
0x1d1: {  	p2 =	sne.s32 @!p1 s18, s30  }
0x1d2: {  	[tilespmem:$0x4680] =	vst v14;
	p1 =	por p1, !p2  }
.Ltmp40:
0x1d3: {  	[tilespmem:$0x4690] =	vst v12;
	(pc) =	sbr.rel @p1 .LBB2_59-.Ltmp40, $4  }
0x1d4: {  	[tilespmem:$0x46A0] =	vst v13;
	s25 =	scvt.s32.f32 s18  }
0x1d5: {  	[tilespmem:$0x46B0] =	vst v11;
	v10 =	vmov s22  }
0x1d6: {  	[tilespmem:$0x46C0] =	vst v10;
	v10 =	vmov s25  }
0x1d7: {  	[tilespmem:$0x46D0] =	vst v10  }
.Ltmp41:
0x1d8: {  	(pc) =	sbr.rel .LBB2_61-.Ltmp41, $4  }
0x1d9: {  	s18 =	sshll.u32 s18, $0x7  }
0x1da: {  	s22 =	sand.u32 $0xFFFFFC00, s18  }
0x1db: {  	s18 =	sand.u32 $0x380, s18;
	s22 =	sadd.s32 s6, s22  }
0x1dc: {  	s18 =	sor.u32 s18, s22;
	s22 =	smov.u32 s5  }
.LBB2_59:
0x1dd: {  	p1 =	sne.s32 s18, s29;
	s18 =	smov.u32 s11  }
0x1de: {  	s18 =	smov.u32 @p1 s10  }
0x1df: {  	s18 =	sshll.u32 s18, $0x7  }
0x1e0: {  	s22 =	smov.u32 s2;
	s18 =	sor.u32 s9, s18  }
.LBB2_61:
0x1e1: {  	s18 =	sshrl.u32 s18, $0x3  }
0x1e2: {  	s18 =	sadd.s32 s22, s18  }
0x1e3: {  	[hbm4b:s18+s3] =	stream.linear.scatter [tilespmem:s20], [sflag:$0x1], $0x80, $0x38;
	[tilespmem:$0x7880] =	vst v63  }
0x1e4: {  	_ =	swait.ge [sflag:s19], $0x80  }
0x1e5: {  	v12 =	vimm.f32 $0.0e+00;
	[sflag:s19] =	ssyncset.done $0x0  }
0x1e6: {  	v13 =	vimm.f32 $-Inf;
	v11 =	vimm.f32 $+Inf;
	v14 =	vimm.f32 $0.0e+00;
	s22 =	simm.f32 $0.0e+00;
	[sflag:s19] =	ssyncadd.s32 $0xFFFFFF80  }
.LBB2_62:
0x1e7: {  	(v2sf) =	vpush v6, $0xA;
	_ =	sdelay $0xe  }
0x1e8: {  	s18 =	spop (v2sf)  }
0x1e9: {  	p1 =	seq.s32 s18, s21  }
.Ltmp42:
0x1ea: {  	_ = 	snop;
	(pc) =	sbr.rel @p1 .LBB2_67-.Ltmp42, $4  }
0x1eb: {  	v10 =	vadd.f32 v14, v8  }
0x1ec: {  	v9 =	vadd.f32 v12, v9  }
0x1ed: {  	v15 =	vmax.f32 v13, v8;
	v8 =	vmin.f32 v11, v8;
	v14 =	vsel vm0, v14, v10  }
0x1ee: {  	s25 =	sadd.f32 $1.000000000e+00, s22;
	v10 =	vsel vm0, v12, v9;
	v12 =	vsel vm0, v13, v15;
	v9 =	vsel vm0, v11, v8  }
0x1ef: {  	p1 =	seq.s32 s21, s29  }
0x1f0: {  	p2 =	sne.s32 @!p1 s21, s30  }
0x1f1: {  	[tilespmem:$0x4680] =	vst v14;
	p1 =	por p1, !p2  }
.Ltmp43:
0x1f2: {  	[tilespmem:$0x4690] =	vst v10;
	(pc) =	sbr.rel @p1 .LBB2_64-.Ltmp43, $4  }
0x1f3: {  	[tilespmem:$0x46A0] =	vst v12;
	s22 =	scvt.s32.f32 s21  }
0x1f4: {  	[tilespmem:$0x46B0] =	vst v9;
	v8 =	vmov s25  }
0x1f5: {  	[tilespmem:$0x46C0] =	vst v8;
	v8 =	vmov s22  }
0x1f6: {  	[tilespmem:$0x46D0] =	vst v8  }
.Ltmp44:
0x1f7: {  	(pc) =	sbr.rel .LBB2_66-.Ltmp44, $4  }
0x1f8: {  	s21 =	sshll.u32 s21, $0x7  }
0x1f9: {  	s22 =	sand.u32 $0xFFFFFC00, s21  }
0x1fa: {  	s21 =	sand.u32 $0x380, s21;
	s22 =	sadd.s32 s6, s22  }
0x1fb: {  	s21 =	sor.u32 s21, s22;
	s22 =	smov.u32 s5  }
.LBB2_64:
0x1fc: {  	p1 =	sne.s32 s21, s29;
	s21 =	smov.u32 s11  }
0x1fd: {  	s21 =	smov.u32 @p1 s10  }
0x1fe: {  	s21 =	sshll.u32 s21, $0x7  }
0x1ff: {  	s22 =	smov.u32 s2;
	s21 =	sor.u32 s9, s21  }
.LBB2_66:
0x200: {  	s21 =	sshrl.u32 s21, $0x3  }
0x201: {  	s21 =	sadd.s32 s22, s21  }
0x202: {  	[hbm4b:s21+s3] =	stream.linear.scatter [tilespmem:s20], [sflag:$0x1], $0x80, $0x38;
	[tilespmem:$0x7880] =	vst v63  }
0x203: {  	_ =	swait.ge [sflag:s19], $0x80  }
0x204: {  	v10 =	vimm.f32 $0.0e+00;
	[sflag:s19] =	ssyncset.done $0x0  }
0x205: {  	s25 =	simm.f32 $0.0e+00;
	v12 =	vimm.f32 $-Inf;
	v9 =	vimm.f32 $+Inf;
	v14 =	vimm.f32 $0.0e+00;
	[sflag:s19] =	ssyncadd.s32 $0xFFFFFF80  }
.LBB2_67:
0x206: {  	(v2sf) =	vpush v6, $0xB;
	_ =	sdelay $0xe  }
0x207: {  	s21 =	spop (v2sf)  }
0x208: {  	p1 =	seq.s32 s21, s18  }
.Ltmp45:
0x209: {  	v8 =	vmul.f32 v7, v7;
	(pc) =	sbr.rel @p1 .LBB2_72-.Ltmp45, $4  }
0x20a: {  	v11 =	vadd.f32 v14, v7  }
0x20b: {  	v15 =	vadd.f32 v10, v8  }
0x20c: {  	v16 =	vmin.f32 v9, v7;
	v13 =	vsel vm0, v11, v14;
	v14 =	vmax.f32 v12, v7  }
0x20d: {  	s22 =	sadd.f32 $1.000000000e+00, s25;
	v12 =	vsel vm0, v14, v12;
	v11 =	vsel vm0, v15, v10;
	v10 =	vsel vm0, v16, v9  }
0x20e: {  	p1 =	seq.s32 s18, s29  }
0x20f: {  	p2 =	sne.s32 @!p1 s18, s30  }
0x210: {  	[tilespmem:$0x4680] =	vst v13;
	p1 =	por p1, !p2  }
.Ltmp46:
0x211: {  	[tilespmem:$0x4690] =	vst v11;
	(pc) =	sbr.rel @p1 .LBB2_69-.Ltmp46, $4  }
0x212: {  	[tilespmem:$0x46A0] =	vst v12;
	s25 =	scvt.s32.f32 s18  }
0x213: {  	[tilespmem:$0x46B0] =	vst v10;
	v9 =	vmov s22  }
0x214: {  	[tilespmem:$0x46C0] =	vst v9;
	v9 =	vmov s25  }
0x215: {  	[tilespmem:$0x46D0] =	vst v9  }
.Ltmp47:
0x216: {  	(pc) =	sbr.rel .LBB2_71-.Ltmp47, $4  }
0x217: {  	s18 =	sshll.u32 s18, $0x7  }
0x218: {  	s22 =	sand.u32 $0xFFFFFC00, s18  }
0x219: {  	s18 =	sand.u32 $0x380, s18;
	s22 =	sadd.s32 s6, s22  }
0x21a: {  	s18 =	sor.u32 s18, s22;
	s22 =	smov.u32 s5  }
.LBB2_69:
0x21b: {  	p1 =	sne.s32 s18, s29;
	s18 =	smov.u32 s11  }
0x21c: {  	s18 =	smov.u32 @p1 s10  }
0x21d: {  	s18 =	sshll.u32 s18, $0x7  }
0x21e: {  	s22 =	smov.u32 s2;
	s18 =	sor.u32 s9, s18  }
.LBB2_71:
0x21f: {  	s18 =	sshrl.u32 s18, $0x3  }
0x220: {  	s18 =	sadd.s32 s22, s18  }
0x221: {  	[hbm4b:s18+s3] =	stream.linear.scatter [tilespmem:s20], [sflag:$0x1], $0x80, $0x38;
	[tilespmem:$0x7880] =	vst v63  }
0x222: {  	_ =	swait.ge [sflag:s19], $0x80  }
0x223: {  	v11 =	vimm.f32 $0.0e+00;
	[sflag:s19] =	ssyncset.done $0x0  }
0x224: {  	v12 =	vimm.f32 $-Inf;
	v10 =	vimm.f32 $+Inf;
	v13 =	vimm.f32 $0.0e+00;
	s22 =	simm.f32 $0.0e+00;
	[sflag:s19] =	ssyncadd.s32 $0xFFFFFF80  }
.LBB2_72:
0x225: {  	(v2sf) =	vpush v6, $0xC;
	_ =	sdelay $0xe  }
0x226: {  	s18 =	spop (v2sf)  }
0x227: {  	p1 =	seq.s32 s18, s21  }
.Ltmp48:
0x228: {  	_ = 	snop;
	(pc) =	sbr.rel @p1 .LBB2_77-.Ltmp48, $4  }
0x229: {  	v9 =	vadd.f32 v13, v7  }
0x22a: {  	v8 =	vadd.f32 v11, v8  }
0x22b: {  	v14 =	vmax.f32 v12, v7;
	v7 =	vmin.f32 v10, v7;
	v13 =	vsel vm0, v13, v9  }
0x22c: {  	s25 =	sadd.f32 $1.000000000e+00, s22;
	v9 =	vsel vm0, v11, v8;
	v11 =	vsel vm0, v12, v14;
	v8 =	vsel vm0, v10, v7  }
0x22d: {  	p1 =	seq.s32 s21, s29  }
0x22e: {  	p2 =	sne.s32 @!p1 s21, s30  }
0x22f: {  	[tilespmem:$0x4680] =	vst v13;
	p1 =	por p1, !p2  }
.Ltmp49:
0x230: {  	[tilespmem:$0x4690] =	vst v9;
	(pc) =	sbr.rel @p1 .LBB2_74-.Ltmp49, $4  }
0x231: {  	[tilespmem:$0x46A0] =	vst v11;
	s22 =	scvt.s32.f32 s21  }
0x232: {  	[tilespmem:$0x46B0] =	vst v8;
	v7 =	vmov s25  }
0x233: {  	[tilespmem:$0x46C0] =	vst v7;
	v7 =	vmov s22  }
0x234: {  	[tilespmem:$0x46D0] =	vst v7  }
.Ltmp50:
0x235: {  	(pc) =	sbr.rel .LBB2_76-.Ltmp50, $4  }
0x236: {  	s21 =	sshll.u32 s21, $0x7  }
0x237: {  	s22 =	sand.u32 $0xFFFFFC00, s21  }
0x238: {  	s21 =	sand.u32 $0x380, s21;
	s22 =	sadd.s32 s6, s22  }
0x239: {  	s21 =	sor.u32 s21, s22;
	s22 =	smov.u32 s5  }
.LBB2_74:
0x23a: {  	p1 =	sne.s32 s21, s29;
	s21 =	smov.u32 s11  }
0x23b: {  	s21 =	smov.u32 @p1 s10  }
0x23c: {  	s21 =	sshll.u32 s21, $0x7  }
0x23d: {  	s22 =	smov.u32 s2;
	s21 =	sor.u32 s9, s21  }
.LBB2_76:
0x23e: {  	s21 =	sshrl.u32 s21, $0x3  }
0x23f: {  	s21 =	sadd.s32 s22, s21  }
0x240: {  	[hbm4b:s21+s3] =	stream.linear.scatter [tilespmem:s20], [sflag:$0x1], $0x80, $0x38;
	[tilespmem:$0x7880] =	vst v63  }
0x241: {  	_ =	swait.ge [sflag:s19], $0x80  }
0x242: {  	v9 =	vimm.f32 $0.0e+00;
	[sflag:s19] =	ssyncset.done $0x0  }
0x243: {  	s25 =	simm.f32 $0.0e+00;
	v11 =	vimm.f32 $-Inf;
	v8 =	vimm.f32 $+Inf;
	v13 =	vimm.f32 $0.0e+00;
	[sflag:s19] =	ssyncadd.s32 $0xFFFFFF80  }
.LBB2_77:
0x244: {  	(v2sf) =	vpush v6, $0xD;
	_ =	sdelay $0xe  }
0x245: {  	s21 =	spop (v2sf)  }
0x246: {  	p1 =	seq.s32 s21, s18  }
.Ltmp51:
0x247: {  	v7 =	vmul.f32 v5, v5;
	(pc) =	sbr.rel @p1 .LBB2_82-.Ltmp51, $4  }
0x248: {  	v10 =	vadd.f32 v13, v5  }
0x249: {  	v14 =	vadd.f32 v9, v7  }
0x24a: {  	v12 =	vsel vm0, v10, v13;
	v10 =	vmax.f32 v11, v5;
	v13 =	vmin.f32 v8, v5  }
0x24b: {  	s22 =	sadd.f32 $1.000000000e+00, s25;
	v10 =	vsel vm0, v10, v11;
	v8 =	vsel vm0, v13, v8;
	v9 =	vsel vm0, v14, v9  }
0x24c: {  	p1 =	seq.s32 s18, s29  }
0x24d: {  	p2 =	sne.s32 @!p1 s18, s30  }
0x24e: {  	[tilespmem:$0x4680] =	vst v12;
	p1 =	por p1, !p2  }
.Ltmp52:
0x24f: {  	[tilespmem:$0x4690] =	vst v9;
	(pc) =	sbr.rel @p1 .LBB2_79-.Ltmp52, $4  }
0x250: {  	[tilespmem:$0x46A0] =	vst v10;
	s25 =	scvt.s32.f32 s18  }
0x251: {  	[tilespmem:$0x46B0] =	vst v8;
	v8 =	vmov s22  }
0x252: {  	[tilespmem:$0x46C0] =	vst v8;
	v8 =	vmov s25  }
0x253: {  	[tilespmem:$0x46D0] =	vst v8  }
.Ltmp53:
0x254: {  	(pc) =	sbr.rel .LBB2_81-.Ltmp53, $4  }
0x255: {  	s18 =	sshll.u32 s18, $0x7  }
0x256: {  	s22 =	sand.u32 $0xFFFFFC00, s18  }
0x257: {  	s18 =	sand.u32 $0x380, s18;
	s22 =	sadd.s32 s6, s22  }
0x258: {  	s18 =	sor.u32 s18, s22;
	s22 =	smov.u32 s5  }
.LBB2_79:
0x259: {  	p1 =	sne.s32 s18, s29;
	s18 =	smov.u32 s11  }
0x25a: {  	s18 =	smov.u32 @p1 s10  }
0x25b: {  	s18 =	sshll.u32 s18, $0x7  }
0x25c: {  	s22 =	smov.u32 s2;
	s18 =	sor.u32 s9, s18  }
.LBB2_81:
0x25d: {  	s18 =	sshrl.u32 s18, $0x3  }
0x25e: {  	s18 =	sadd.s32 s22, s18  }
0x25f: {  	[hbm4b:s18+s3] =	stream.linear.scatter [tilespmem:s20], [sflag:$0x1], $0x80, $0x38;
	[tilespmem:$0x7880] =	vst v63  }
0x260: {  	_ =	swait.ge [sflag:s19], $0x80  }
0x261: {  	v9 =	vimm.f32 $0.0e+00;
	[sflag:s19] =	ssyncset.done $0x0  }
0x262: {  	v10 =	vimm.f32 $-Inf;
	v8 =	vimm.f32 $+Inf;
	v12 =	vimm.f32 $0.0e+00;
	s22 =	simm.f32 $0.0e+00;
	[sflag:s19] =	ssyncadd.s32 $0xFFFFFF80  }
.LBB2_82:
0x263: {  	(v2sf) =	vpush v6, $0xE;
	_ =	sdelay $0xe  }
0x264: {  	s18 =	spop (v2sf)  }
0x265: {  	p1 =	seq.s32 s18, s21  }
.Ltmp54:
0x266: {  	_ = 	snop;
	(pc) =	sbr.rel @p1 .LBB2_87-.Ltmp54, $4  }
0x267: {  	v6 =	vadd.f32 v12, v5  }
0x268: {  	v7 =	vadd.f32 v9, v7  }
0x269: {  	v11 =	vsel vm0, v12, v6;
	v6 =	vmax.f32 v10, v5;
	v5 =	vmin.f32 v8, v5  }
0x26a: {  	s22 =	sadd.f32 $1.000000000e+00, s22;
	v7 =	vsel vm0, v9, v7;
	v9 =	vsel vm0, v10, v6;
	v6 =	vsel vm0, v8, v5  }
0x26b: {  	p1 =	seq.s32 s21, s29  }
0x26c: {  	p2 =	sne.s32 @!p1 s21, s30  }
0x26d: {  	[tilespmem:$0x4680] =	vst v11;
	p1 =	por p1, !p2  }
.Ltmp55:
0x26e: {  	[tilespmem:$0x4690] =	vst v7;
	(pc) =	sbr.rel @p1 .LBB2_84-.Ltmp55, $4  }
0x26f: {  	[tilespmem:$0x46A0] =	vst v9;
	s25 =	scvt.s32.f32 s21  }
0x270: {  	[tilespmem:$0x46B0] =	vst v6;
	v5 =	vmov s22  }
0x271: {  	[tilespmem:$0x46C0] =	vst v5;
	v5 =	vmov s25  }
0x272: {  	[tilespmem:$0x46D0] =	vst v5  }
.Ltmp56:
0x273: {  	(pc) =	sbr.rel .LBB2_86-.Ltmp56, $4  }
0x274: {  	s21 =	sshll.u32 s21, $0x7  }
0x275: {  	s22 =	sand.u32 $0xFFFFFC00, s21  }
0x276: {  	s21 =	sand.u32 $0x380, s21;
	s22 =	sadd.s32 s6, s22  }
0x277: {  	s21 =	sor.u32 s21, s22;
	s22 =	smov.u32 s5  }
.LBB2_84:
0x278: {  	p1 =	sne.s32 s21, s29;
	s21 =	smov.u32 s11  }
0x279: {  	s21 =	smov.u32 @p1 s10  }
0x27a: {  	s21 =	sshll.u32 s21, $0x7  }
0x27b: {  	s22 =	smov.u32 s2;
	s21 =	sor.u32 s9, s21  }
.LBB2_86:
0x27c: {  	s21 =	sshrl.u32 s21, $0x3  }
0x27d: {  	s21 =	sadd.s32 s22, s21  }
0x27e: {  	[hbm4b:s21+s3] =	stream.linear.scatter [tilespmem:s20], [sflag:$0x1], $0x80, $0x38;
	[tilespmem:$0x7880] =	vst v63  }
0x27f: {  	_ =	swait.ge [sflag:s19], $0x80  }
0x280: {  	v7 =	vimm.f32 $0.0e+00;
	[sflag:s19] =	ssyncset.done $0x0  }
0x281: {  	v9 =	vimm.f32 $-Inf;
	v6 =	vimm.f32 $+Inf;
	v11 =	vimm.f32 $0.0e+00;
	s22 =	simm.f32 $0.0e+00;
	[sflag:s19] =	ssyncadd.s32 $0xFFFFFF80  }
.LBB2_87:
0x282: {  	p1 =	seq.s32 s16, s18  }
.Ltmp57:
0x283: {  	v5 =	vmul.f32 v4, v4;
	(pc) =	sbr.rel @p1 .LBB2_92-.Ltmp57, $4  }
0x284: {  	v8 =	vadd.f32 v11, v4  }
0x285: {  	v12 =	vadd.f32 v7, v5  }
0x286: {  	v10 =	vsel vm0, v8, v11;
	v8 =	vmax.f32 v9, v4;
	v11 =	vmin.f32 v6, v4  }
0x287: {  	s21 =	sadd.f32 $1.000000000e+00, s22;
	v8 =	vsel vm0, v8, v9;
	v6 =	vsel vm0, v11, v6;
	v7 =	vsel vm0, v12, v7  }
0x288: {  	p1 =	seq.s32 s18, s29  }
0x289: {  	p2 =	sne.s32 @!p1 s18, s30  }
0x28a: {  	[tilespmem:$0x4680] =	vst v10;
	p1 =	por p1, !p2  }
.Ltmp58:
0x28b: {  	[tilespmem:$0x4690] =	vst v7;
	(pc) =	sbr.rel @!p1 .LBB2_90-.Ltmp58, $4  }
0x28c: {  	[tilespmem:$0x46A0] =	vst v8;
	s22 =	scvt.s32.f32 s18  }
0x28d: {  	[tilespmem:$0x46B0] =	vst v6;
	v6 =	vmov s21  }
0x28e: {  	[tilespmem:$0x46C0] =	vst v6;
	v6 =	vmov s22  }
0x28f: {  	[tilespmem:$0x46D0] =	vst v6  }
.Ltmp59:
0x290: {  	(pc) =	sbr.rel .LBB2_91-.Ltmp59, $4  }
0x291: {  	p1 =	sne.s32 s18, s29;
	s18 =	smov.u32 s11  }
0x292: {  	s18 =	smov.u32 @p1 s10  }
0x293: {  	s18 =	sshll.u32 s18, $0x7  }
0x294: {  	s21 =	smov.u32 s2;
	s18 =	sor.u32 s9, s18  }
.LBB2_95:
0x295: {  	s0 =	sld [smem:$0x0];
	_ =	sdelay $0x2  }
0x296: {  	p1 =	seq.s32 s0, s29  }
0x297: {  	p2 =	sne.s32 @!p1 s0, s30  }
0x298: {  	[tilespmem:$0x4680] =	vst v5;
	p1 =	por p1, !p2  }
.Ltmp60:
0x299: {  	[tilespmem:$0x4690] =	vst v4;
	(pc) =	sbr.rel @p1 .LBB2_96-.Ltmp60, $4  }
0x29a: {  	[tilespmem:$0x46A0] =	vst v7;
	s16 =	scvt.s32.f32 s0  }
0x29b: {  	[tilespmem:$0x46B0] =	vst v6;
	v4 =	vmov s18  }
0x29c: {  	[tilespmem:$0x46C0] =	vst v4;
	v4 =	vmov s16  }
0x29d: {  	[tilespmem:$0x46D0] =	vst v4  }
.Ltmp61:
0x29e: {  	(pc) =	sbr.rel .LBB2_98-.Ltmp61, $4  }
0x29f: {  	s0 =	sshll.u32 s0, $0x7  }
0x2a0: {  	s16 =	sand.u32 $0xFFFFFC00, s0  }
0x2a1: {  	s0 =	sand.u32 $0x380, s0;
	s16 =	sadd.s32 s6, s16  }
0x2a2: {  	s0 =	sor.u32 s0, s16;
	s16 =	smov.u32 s5  }
.LBB2_96:
0x2a3: {  	p1 =	sne.s32 s0, s29;
	s0 =	smov.u32 s11  }
0x2a4: {  	s0 =	smov.u32 @p1 s10  }
0x2a5: {  	s0 =	sshll.u32 s0, $0x7  }
0x2a6: {  	s16 =	smov.u32 s2;
	s0 =	sor.u32 s9, s0  }
.LBB2_98:
0x2a7: {  	s0 =	sshrl.u32 s0, $0x3  }
0x2a8: {  	s0 =	sadd.s32 s16, s0  }
0x2a9: {  	[hbm4b:s0+s3] =	stream.linear.scatter [tilespmem:s20], [sflag:$0x1], $0x80, $0x38;
	[tilespmem:$0x7880] =	vst v63  }
.Ltmp62:
0x2aa: {  	_ =	swait.ge [sflag:s19], $0x80;
	(pc) =	sbr.rel @p0 .LBB2_102-.Ltmp62, $3  }
0x2ab: {  	[sflag:s19] =	ssyncset.done $0x0  }
0x2ac: {  	[sflag:s19] =	ssyncadd.s32 $0xFFFFFF80  }
0x2ad: {  	[bflag:$0x0] =	sbarrier.arrive $0xFFFF;
	_ =	sdelay $0x1  }
0x2ae: {  	s0 =	simm.s32 $0x0;
	s16 =	rddreg [dreg:$0x4];
	s18 =	simm.s32 $0x4700  }
0x2af: {  	[tilespmem:s18], [sflag:$0x1] =	stream.linear.gather [hbm4b:s16+s0], $0x1000, $0x38;
	[tilespmem:$0x7880] =	vst v63  }
0x2b0: {  	_ =	swait.ge [sflag:s19], $0x1000  }
0x2b1: {  	[sflag:s19] =	ssyncset.done $0x0  }
0x2b2: {  	v5 =	vimm.f32 $0.0e+00;
	[sflag:s19] =	ssyncadd.s32 $0xFFFFF000  }
0x2b3: {  	[tilespmem:$0x7800] =	vst v5  }
0x2b4: {  	v4 =	vimm.f32 $-Inf;
	[tilespmem:$0x7810] =	vst v5  }
0x2b5: {  	v6 =	vimm.f32 $+Inf;
	[tilespmem:$0x7820] =	vst v4  }
0x2b6: {  	[tilespmem:$0x7830] =	vst v6  }
0x2b7: {  	s16 =	simm.s32 $0x0;
	[tilespmem:$0x7840] =	vst v5  }
0x2b8: {  	v7 =	vld [tilespmem:s16+$0x4750];
	_ =	sdelay $0x4  }
0x2b9: {  	(v2sf) =	vpush v7, $0x0;
	_ =	sdelay $0xe  }
0x2ba: {  	s0 =	simm.f32 $-1.000000000e+00;
	s18 =	spop (v2sf)  }
0x2bb: {  	p2 =	slt.f32 s18, s0;
	p3 =	sgt.f32 s18, s0  }
0x2bc: {  	p1 =	sge.f32 s18, $0.0e+00  }
0x2bd: {  	p2 =	por p3, p2  }
0x2be: {  	p6 =	sge.f32 s0, $0.0e+00;
	p2 =	por !p1, !p2  }
0x2bf: {  	p2 =	por !p2, !p2  }
0x2c0: {  	p3 =	por !p2, !p6  }
0x2c1: {  	s21 =	scvt.f32.s32 @!p3 s0;
	_ =	sdelay $0x1  }
0x2c2: {  	v7 =	vmov @!p3 s0;
	[tilespmem:$0x46C0] =	vst @!p3 v5;
	s0 =	sshll.u32 @!p3 s21, $0x7  }
0x2c3: {  	[tilespmem:$0x46B0] =	vst @!p3 v6;
	s21 =	sand.u32 @!p3 $0xFFFFFC00, s0  }
0x2c4: {  	[tilespmem:$0x46A0] =	vst @!p3 v4;
	s0 =	sand.u32 @!p3 $0x380, s0;
	s21 =	sadd.s32 @!p3 s6, s21  }
0x2c5: {  	s31 =	simm.s32 $0xBF800000;
	[tilespmem:$0x4690] =	vst @!p3 v5;
	s0 =	sor.u32 @!p3 s0, s21  }
0x2c6: {  	[smem:$0x80] =	sst s31;
	[tilespmem:$0x4680] =	vst @!p3 v5;
	s22 =	simm.s32 @!p3 $0x0;
	s0 =	sshrl.u32 @!p3 s0, $0x3  }
0x2c7: {  	s24 =	simm.s32 @!p3 $0x4680;
	[tilespmem:$0x46D0] =	vst @!p3 v7;
	s21 =	simm.s32 @!p3 $0x1;
	s0 =	sadd.s32 @!p3 s5, s0  }
0x2c8: {  	[hbm4b:s0+s22] =	stream.linear.scatter @!p3 [tilespmem:s24], [sflag:$0x1], $0x80, $0x38;
	[tilespmem:$0x7880] =	vst v63  }
0x2c9: {  	_ =	swait.ge @!p3 [sflag:s21], $0x80  }
0x2ca: {  	[sflag:s21] =	ssyncset.done @!p3 $0x0  }
0x2cb: {  	[sflag:s21] =	ssyncadd.s32 @!p3 $0xFFFFFF80  }
0x2cc: {  	v12 =	vld [tilespmem:s16+$0x4710]  }
0x2cd: {  	s0 =	simm.f32 $-1.000000000e+00;
	v13 =	vld [tilespmem:s16+$0x4740]  }
0x2ce: {  	s0 =	smov.u32 @p2 s18;
	v11 =	vld [tilespmem:s16+$0x4730]  }
0x2cf: {  	v8 =	vimm.f32 $0.0e+00;
	v9 =	vpsel p2, $0x0, v5;
	v7 =	vimm.f32 $0.0e+00;
	s18 =	simm.s32 $0x200;
	[smem:$0x80] =	sst s0;
	v10 =	vld [tilespmem:s16+$0x4720]  }
.LBB2_100:
0x2d0: {  	v14 =	vld [tilespmem:s16+$0x4700];
	s16 =	smov.u32 s18;
	s18 =	sadd.s32 $0x200, s18;
	s21 =	smov.u32 s0  }
0x2d1: {  	v15 =	vpsel p2, $0x0, v5;
	v9 =	vadd.f32 v12, v9;
	p3 =	sne.s32 s18, $0x4000  }
0x2d2: {  	v12 =	vadd.f32 v13, v15  }
0x2d3: {  	v13 =	vpsel p2, $0x0, v7;
	v8 =	vpsel p1, v9, v8;
	v9 =	vmin.f32 v6, v11  }
0x2d4: {  	s16 =	sshra.s32 s16, $0x2;
	v15 =	vmax.f32 v4, v10;
	v9 =	vpsel p2, v11, v9;
	v5 =	vpsel p1, v12, v5;
	[tilespmem:$0x7810] =	vst v8  }
0x2d5: {  	v10 =	vpsel p2, v10, v15;
	v6 =	vpsel p1, v9, v6;
	v11 =	vadd.f32 v14, v13;
	[tilespmem:$0x7840] =	vst v5  }
0x2d6: {  	v4 =	vpsel p1, v10, v4;
	[tilespmem:$0x7830] =	vst v6  }
0x2d7: {  	v7 =	vpsel p1, v11, v7;
	[tilespmem:$0x7820] =	vst v4  }
0x2d8: {  	[tilespmem:$0x7800] =	vst v7  }
0x2d9: {  	v9 =	vld [tilespmem:s16+$0x4750];
	_ =	sdelay $0x4  }
0x2da: {  	(v2sf) =	vpush v9, $0x0;
	_ =	sdelay $0xe  }
0x2db: {  	s22 =	spop (v2sf)  }
0x2dc: {  	p2 =	slt.f32 s22, s0;
	p4 =	sgt.f32 s22, s0  }
0x2dd: {  	p1 =	sge.f32 s22, $0.0e+00  }
0x2de: {  	p2 =	por p4, p2  }
0x2df: {  	p4 =	sge.f32 s0, $0.0e+00;
	p2 =	por !p1, !p2  }
0x2e0: {  	p2 =	por !p2, !p2  }
0x2e1: {  	p4 =	por !p2, !p4;
	v9 =	vpsel p2, $0x0, v8;
	s0 =	smov.u32 @p2 s22  }
0x2e2: {  	v10 =	vmov @!p4 s21;
	s21 =	scvt.f32.s32 @!p4 s21  }
0x2e3: {  	[tilespmem:$0x46D0] =	vst @!p4 v10  }
0x2e4: {  	s21 =	sshll.u32 @!p4 s21, $0x7  }
0x2e5: {  	[tilespmem:$0x46C0] =	vst @!p4 v5;
	s22 =	sand.u32 @!p4 $0xFFFFFC00, s21;
	s21 =	sand.u32 @!p4 $0x380, s21  }
0x2e6: {  	[tilespmem:$0x46B0] =	vst @!p4 v6;
	s22 =	sadd.s32 @!p4 s6, s22  }
0x2e7: {  	[tilespmem:$0x46A0] =	vst @!p4 v4;
	s21 =	sor.u32 @!p4 s21, s22  }
0x2e8: {  	s22 =	simm.s32 @!p4 $0x1;
	[tilespmem:$0x4690] =	vst @!p4 v8;
	s21 =	sshrl.u32 @!p4 s21, $0x3  }
0x2e9: {  	s24 =	simm.s32 @!p4 $0x0;
	s25 =	simm.s32 @!p4 $0x4680;
	[tilespmem:$0x4680] =	vst @!p4 v7;
	s21 =	sadd.s32 @!p4 s5, s21  }
0x2ea: {  	[hbm4b:s21+s24] =	stream.linear.scatter @!p4 [tilespmem:s25], [sflag:$0x1], $0x80, $0x38;
	[tilespmem:$0x7880] =	vst v63  }
0x2eb: {  	_ =	swait.ge @!p4 [sflag:s22], $0x80  }
0x2ec: {  	[sflag:s22] =	ssyncset.done @!p4 $0x0  }
.Ltmp63:
0x2ed: {  	[sflag:s22] =	ssyncadd.s32 @!p4 $0xFFFFFF80;
	(pc) =	sbr.rel @p3 .LBB2_100-.Ltmp63, $4  }
0x2ee: {  	v12 =	vld [tilespmem:s16+$0x4710];
	[smem:$0x80] =	sst s0  }
0x2ef: {  	v13 =	vld [tilespmem:s16+$0x4740]  }
0x2f0: {  	v11 =	vld [tilespmem:s16+$0x4730]  }
0x2f1: {  	v10 =	vld [tilespmem:s16+$0x4720]  }
.Ltmp64:
0x2f2: {  	_ = 	snop;
	(pc) =	sbr.rel .LBB2_101-.Ltmp64, $1  }
0x2f3: {  	_ =	sdelay $0x3  }
.LBB2_103:
0x2f4: {  	_ =	sfence.sel $0x180000  }
0x2f5: {  	[bflag:$0x0] =	sbarrier.arrive $0xFFFF  }
0x2f6: {  	_ =	strace $0x90000047  }
0x2f7: {  	[bflag:$0x2] =	sbarrier.arrive $0xFFFF  }
0x2f8: {  	s0 =	rddreg [dreg:$0x3]  }
0x2f9: {  	s0 =	sadd.s32 @!p0 $0x100000, s0  }
0x2fa: {  	[sflag:s0] =	ssyncadd.tile.s32 @!p0 $0x1;
	_ =	shalt  }
.Lfunc_end2:
_tile_overlayer_lowered:
.L_overlay_start_2:
0x2fb: {  	(tag) =	ssettag $0x2  }
0x2fc: {  	s0 =	rddreg [dreg:$0x0];
	s2 =	stileid.u32  }
0x2fd: {  	s1 =	rddreg [dreg:$0x1];
	p0 =	sne.s32 s2, $0x0  }
0x2fe: {  	s3 =	rddreg [dreg:$0x2];
	[bflag:$0x3] =	sbarrier.arrive $0xFFFF;
	s2 =	simm.s32 @!p0 $0x1C01  }
0x2ff: {  	[timem:s3], [sflag:s2] =	dma.local @!p0 [hbm:s0], s1  }
0x300: {  	s0 =	simm.s32 @!p0 $0x1  }
0x301: {  	_ =	swait.ge @!p0 [sflag:s0], s1  }
0x302: {  	s1 =	ssub.s32 @!p0 $0x0, s1;
	[sflag:s0] =	ssyncset.done @!p0 $0x0  }
0x303: {  	[sflag:s0] =	ssyncadd.s32 @!p0 s1  }
0x304: {  	[bflag:$0x3] =	sbarrier.arrive $0xFFFF  }
0x305: {  	_ =	shalt  }

</sc_bundles>
